<compile_context>
chip_gen: v7x
topology: tpu7x:2x2x1
jax: 0.10.2.dev20260603
libtpu: 0.0.44.dev20260713+nightly
codegen_flags: <defaults>
</compile_context>

<pallas_src>
import functools

import numpy as np
import jax
import jax.numpy as jnp
from jax import lax
from jax.experimental import pallas as pl
from jax.experimental.pallas import tpu as pltpu
from jax.experimental.pallas import tpu_sc as plsc

N_NODES = 10000
HID = 128
H = 8
NC = 2
NS = 16
NW = NC * NS
CHUNK = 128
N_PAD = 10112
ROWS_PER_SUB = N_PAD // NS
ROW_SPLITS = (128, 128, 128, 128, 120)

_c = np.arange(HID)
SRC_COLS = ((_c % 8) * 16 + 2 * (_c // 16) + ((_c % 16) // 8)).astype(np.int32)
_PINV = np.zeros((HID, HID), np.float32)
_PINV[np.arange(HID), SRC_COLS] = 1.0
HSEL = (np.arange(8)[None, :] == (_c % 8)[:, None]).astype(np.float32)

_ROW_BLK = 1000
_GRID = N_NODES // _ROW_BLK


def _tc_pre_body(x_ref, w_ref, m_ref, f_ref, alr_ref):
    f = jnp.dot(x_ref[...], w_ref[...], preferred_element_type=jnp.float32,
                precision=lax.Precision.HIGHEST)
    f_ref[...] = f
    alr_ref[...] = jnp.dot(f, m_ref[...], preferred_element_type=jnp.float32,
                           precision=lax.Precision.HIGHEST)


def _tc_pre(x, wp, m):
    return pl.pallas_call(
        _tc_pre_body,
        grid=(_GRID,),
        in_specs=[
            pl.BlockSpec((_ROW_BLK, HID), lambda i: (i, 0)),
            pl.BlockSpec((HID, HID), lambda i: (0, 0)),
            pl.BlockSpec((HID, 16), lambda i: (0, 0)),
        ],
        out_specs=[
            pl.BlockSpec((_ROW_BLK, HID), lambda i: (i, 0)),
            pl.BlockSpec((_ROW_BLK, 16), lambda i: (i, 0)),
        ],
        out_shape=[
            jax.ShapeDtypeStruct((N_NODES, HID), jnp.float32),
            jax.ShapeDtypeStruct((N_NODES, 16), jnp.float32),
        ],
    )(x, wp, m)


def _combine(op_ref, dp_ref, b_ref):
    o = op_ref[0] + op_ref[1]
    d = dp_ref[0] + dp_ref[1]
    dt = jnp.concatenate([d] * 8, axis=1) + 1e-9
    return jnp.maximum(o / dt + b_ref[...], 0.0)


def _tc_mid_body(op_ref, dp_ref, b_ref, w_ref, m_ref, f_ref, alr_ref):
    h = _combine(op_ref, dp_ref, b_ref)
    f = jnp.dot(h, w_ref[...], preferred_element_type=jnp.float32,
                precision=lax.Precision.HIGHEST)
    f_ref[...] = f
    alr_ref[...] = jnp.dot(f, m_ref[...], preferred_element_type=jnp.float32,
                           precision=lax.Precision.HIGHEST)


def _tc_mid(out_p, den_p, bp, wp, m):
    return pl.pallas_call(
        _tc_mid_body,
        grid=(_GRID,),
        in_specs=[
            pl.BlockSpec((2, _ROW_BLK, HID), lambda i: (0, i, 0)),
            pl.BlockSpec((2, _ROW_BLK, 16), lambda i: (0, i, 0)),
            pl.BlockSpec((1, HID), lambda i: (0, 0)),
            pl.BlockSpec((HID, HID), lambda i: (0, 0)),
            pl.BlockSpec((HID, 16), lambda i: (0, 0)),
        ],
        out_specs=[
            pl.BlockSpec((_ROW_BLK, HID), lambda i: (i, 0)),
            pl.BlockSpec((_ROW_BLK, 16), lambda i: (i, 0)),
        ],
        out_shape=[
            jax.ShapeDtypeStruct((N_NODES, HID), jnp.float32),
            jax.ShapeDtypeStruct((N_NODES, 16), jnp.float32),
        ],
    )(out_p, den_p, bp, wp, m)


def _tc_epi_body(op_ref, dp_ref, b_ref, pinv_ref, o_ref):
    h = _combine(op_ref, dp_ref, b_ref)
    o_ref[...] = jnp.dot(h, pinv_ref[...], preferred_element_type=jnp.float32,
                         precision=lax.Precision.HIGHEST)


def _tc_epi(out_p, den_p, bp, pinv):
    return pl.pallas_call(
        _tc_epi_body,
        grid=(_GRID,),
        in_specs=[
            pl.BlockSpec((2, _ROW_BLK, HID), lambda i: (0, i, 0)),
            pl.BlockSpec((2, _ROW_BLK, 16), lambda i: (0, i, 0)),
            pl.BlockSpec((1, HID), lambda i: (0, 0)),
            pl.BlockSpec((HID, HID), lambda i: (0, 0)),
        ],
        out_specs=pl.BlockSpec((_ROW_BLK, HID), lambda i: (i, 0)),
        out_shape=jax.ShapeDtypeStruct((N_NODES, HID), jnp.float32),
    )(out_p, den_p, bp, pinv)


def _stage_alr(sid, alr_hbm, alr_tab, zrows_v):
    @pl.when(sid < NS - 1)
    def _():
        pltpu.sync_copy(alr_hbm.at[pl.ds(sid * 624, 624)],
                        alr_tab.at[pl.ds(sid * 624, 624)])

    @pl.when(sid == NS - 1)
    def _():
        pltpu.sync_copy(alr_hbm.at[pl.ds(9360, 640)],
                        alr_tab.at[pl.ds(9360, 640)])

    @pl.when(sid == 0)
    def _():
        pltpu.sync_copy(zrows_v.at[pl.ds(0, N_PAD - N_NODES)],
                        alr_tab.at[pl.ds(N_NODES, N_PAD - N_NODES)])


def _edge_logit_helpers():
    lanes = lax.iota(jnp.int32, 16)
    lo_half = lanes < 8
    swap = (lanes ^ 8)[:, None]
    gdn = lax.GatherDimensionNumbers(
        offset_dims=(), collapsed_slice_dims=(0,), start_index_map=(0,))

    def eexp_of(a_s, a_d):
        t = jnp.where(lo_half, a_s, a_d)
        e = t + lax.gather(t, swap, gdn, slice_sizes=(1,),
                           mode=lax.GatherScatterMode.PROMISE_IN_BOUNDS)
        return jnp.exp(jnp.maximum(e, e * 0.2))

    return eexp_of


def _make_sc_den(e_pad):
    epw = e_pad // NW
    ch_per_w = epw // CHUNK
    mesh = plsc.VectorSubcoreMesh(core_axis_name="c", subcore_axis_name="s")

    @functools.partial(
        pl.kernel,
        out_type=[
            jax.ShapeDtypeStruct((NC, N_PAD, 16), jnp.float32),
            jax.ShapeDtypeStruct((e_pad // 8, HID), jnp.float32),
        ],
        mesh=mesh,
        scratch_types=[
            pltpu.VMEM_SHARED((N_PAD, 16), jnp.float32),
            pltpu.VMEM_SHARED((N_PAD, 16), jnp.float32),
            pltpu.VMEM((1, CHUNK), jnp.int32),
            pltpu.VMEM((1, CHUNK), jnp.int32),
            pltpu.VMEM((CHUNK, 16), jnp.float32),
            pltpu.VMEM((CHUNK, 16), jnp.float32),
            pltpu.VMEM((CHUNK, 16), jnp.float32),
            pltpu.VMEM((CHUNK // 8, HID), jnp.float32),
            pltpu.SemaphoreType.DMA,
            pltpu.SemaphoreType.DMA,
        ],
    )
    def sc_den(src_hbm, dst_hbm, alr_hbm, den_hbm, eexp_hbm,
               den_acc, alr_tab, src_v, dst_v, a_s, a_d, eexp_v, epk_v,
               sem1, sem2):
        cid = lax.axis_index("c")
        sid = lax.axis_index("s")
        wid = cid * NS + sid
        zero16 = jnp.zeros((16,), jnp.float32)

        @pl.loop(0, CHUNK)
        def _(r):
            eexp_v[r] = zero16

        _stage_alr(sid, alr_hbm, alr_tab, eexp_v)

        base_row = sid * ROWS_PER_SUB
        off = 0
        for nrows in ROW_SPLITS:
            pltpu.sync_copy(eexp_v.at[pl.ds(0, nrows)],
                            den_acc.at[pl.ds(base_row + off, nrows)])
            off += nrows
        plsc.subcore_barrier()

        eexp_of = _edge_logit_helpers()
        ebase = wid * epw

        @pl.loop(0, ch_per_w)
        def _(j):
            eoff = ebase + j * CHUNK
            pltpu.sync_copy(src_hbm.at[pl.ds(eoff, CHUNK)], src_v.at[0])
            pltpu.sync_copy(dst_hbm.at[pl.ds(eoff, CHUNK)], dst_v.at[0])
            cp1 = pltpu.async_copy(alr_tab.at[src_v.at[0]], a_s, sem1)
            cp2 = pltpu.async_copy(alr_tab.at[dst_v.at[0]], a_d, sem2)
            cp1.wait()
            cp2.wait()

            @pl.loop(0, CHUNK)
            def _(i):
                ee = eexp_of(a_s[i], a_d[i])
                eexp_v[i] = ee
                epk_v[i // 8, pl.ds((i % 8) * 16, 16)] = ee

            pltpu.sync_copy(eexp_v, den_acc.at[dst_v.at[0]], add=True)
            erow = pl.multiple_of(eoff // 8, 8)
            pltpu.sync_copy(epk_v, eexp_hbm.at[pl.ds(erow, CHUNK // 8)])

        plsc.subcore_barrier()
        off = 0
        for nrows in ROW_SPLITS:
            pltpu.sync_copy(den_acc.at[pl.ds(base_row + off, nrows)],
                            den_hbm.at[cid, pl.ds(base_row + off, nrows)])
            off += nrows

    return sc_den


def _make_sc_out(e_pad):
    epw = e_pad // NW
    ch_per_w = epw // CHUNK
    mesh = plsc.VectorSubcoreMesh(core_axis_name="c", subcore_axis_name="s")

    @functools.partial(
        pl.kernel,
        out_type=jax.ShapeDtypeStruct((NC, N_PAD, HID), jnp.float32),
        mesh=mesh,
        scratch_types=[
            pltpu.VMEM_SHARED((N_PAD, HID), jnp.float32),
            pltpu.VMEM((1, CHUNK), jnp.int32),
            pltpu.VMEM((1, CHUNK), jnp.int32),
            pltpu.VMEM((CHUNK, HID), jnp.float32),
            pltpu.VMEM((CHUNK // 8, HID), jnp.float32),
            pltpu.VMEM((CHUNK, HID), jnp.float32),
            pltpu.SemaphoreType.DMA,
            pltpu.SemaphoreType.DMA,
        ],
    )
    def sc_out(src_hbm, dst_hbm, feat_hbm, eexp_hbm, out_hbm,
               out_acc, src_v, dst_v, feat_g, epk_v, msg_v, sem1, sem2):
        cid = lax.axis_index("c")
        sid = lax.axis_index("s")
        wid = cid * NS + sid
        zero16 = jnp.zeros((16,), jnp.float32)

        @pl.loop(0, CHUNK)
        def _(r):
            for g in range(8):
                msg_v[r, pl.ds(g * 16, 16)] = zero16

        base_row = sid * ROWS_PER_SUB
        off = 0
        for nrows in ROW_SPLITS:
            pltpu.sync_copy(msg_v.at[pl.ds(0, nrows)],
                            out_acc.at[pl.ds(base_row + off, nrows)])
            off += nrows
        plsc.subcore_barrier()

        ebase = wid * epw

        @pl.loop(0, ch_per_w)
        def _(j):
            eoff = ebase + j * CHUNK
            pltpu.sync_copy(src_hbm.at[pl.ds(eoff, CHUNK)], src_v.at[0])
            pltpu.sync_copy(dst_hbm.at[pl.ds(eoff, CHUNK)], dst_v.at[0])
            erow = pl.multiple_of(eoff // 8, 8)
            cp1 = pltpu.async_copy(
                eexp_hbm.at[pl.ds(erow, CHUNK // 8)], epk_v, sem1)
            cp2 = pltpu.async_copy(feat_hbm.at[src_v.at[0]], feat_g, sem2)
            cp1.wait()
            cp2.wait()

            @pl.loop(0, CHUNK)
            def _(i):
                ee = epk_v[i // 8, pl.ds((i % 8) * 16, 16)]
                for g in range(8):
                    msg_v[i, pl.ds(g * 16, 16)] = (
                        feat_g[i, pl.ds(g * 16, 16)] * ee)

            pltpu.sync_copy(msg_v, out_acc.at[dst_v.at[0]], add=True)

        plsc.subcore_barrier()
        off = 0
        for nrows in ROW_SPLITS:
            pltpu.sync_copy(out_acc.at[pl.ds(base_row + off, nrows)],
                            out_hbm.at[cid, pl.ds(base_row + off, nrows)])
            off += nrows

    return sc_out


def _attn_matmul_weights(attn_l, attn_r):
    alp = attn_l.reshape(HID)[SRC_COLS]
    arp = attn_r.reshape(HID)[SRC_COLS]
    hsel = jnp.asarray(HSEL)
    return jnp.concatenate([alp[:, None] * hsel, arp[:, None] * hsel], axis=1)


def kernel(x, edge_index, W1, attn_l1, attn_r1, b1, W2, attn_l2, attn_r2, b2):
    e = edge_index.shape[1]
    e_pad = ((e + NW * CHUNK - 1) // (NW * CHUNK)) * (NW * CHUNK)
    pad = e_pad - e
    src = jnp.concatenate([edge_index[0], jnp.zeros((pad,), jnp.int32)])
    dst = jnp.concatenate([edge_index[1],
                           jnp.full((pad,), N_NODES, jnp.int32)])

    cols = jnp.asarray(SRC_COLS)
    w1p = W1[:, cols]
    w2p = W2[cols][:, cols]
    m1 = _attn_matmul_weights(attn_l1, attn_r1)
    m2 = _attn_matmul_weights(attn_l2, attn_r2)
    b1p = b1[cols][None, :]
    b2p = b2[cols][None, :]
    pinv = jnp.asarray(_PINV)

    sc_den = _make_sc_den(e_pad)
    sc_out = _make_sc_out(e_pad)

    feat1, alr1 = _tc_pre(x, w1p, m1)
    den1_p, eexp1 = sc_den(src, dst, alr1)
    out1_p = sc_out(src, dst, feat1, eexp1)
    feat2, alr2 = _tc_mid(out1_p, den1_p, b1p, w2p, m2)
    den2_p, eexp2 = sc_den(src, dst, alr2)
    out2_p = sc_out(src, dst, feat2, eexp2)
    return _tc_epi(out2_p, den2_p, b2p, pinv)

# --- scband reference (transcript-rebuilt; emitter-appended) ---
"""Pipeline reference for scband-btgnns-88098369176166 (READ-ONLY COPY).

The authoritative reference and input builder live on the scoring server;
editing this copy changes nothing except your own understanding.
"""

import jax, jax.numpy as jnp
import numpy as np

H = 8   # num_heads
D = 16  # out_feats per head (hid_dim // num_heads = 128 // 8)
IN_DIM = 128
HID_DIM = 128
N_NODES = 10000
N_EDGES = 320000


def gat_layer(x, edge_index, W, attn_l, attn_r, bias):
    # Faithful translation of DGL GATConv (bias=True, negative_slope=0.2,
    # allow_zero_in_degree=True, activation=ReLU)
    N = x.shape[0]
    src = edge_index[0]
    dst = edge_index[1]
    feat = (x @ W).reshape(N, H, D)                      # fc projection
    el = jnp.sum(feat * attn_l, axis=-1)                  # [N, H]
    er = jnp.sum(feat * attn_r, axis=-1)                  # [N, H]
    e = el[src] + er[dst]                                 # [E, H]
    e = jax.nn.leaky_relu(e, negative_slope=0.2)
    # edge softmax over incoming edges of each dst node
    emax = jax.ops.segment_max(e, dst, num_segments=N)    # [N, H]
    e_exp = jnp.exp(e - emax[dst])                        # [E, H]
    denom = jax.ops.segment_sum(e_exp, dst, num_segments=N)  # [N, H]
    alpha = e_exp / (denom[dst] + 1e-9)                   # [E, H]
    msg = feat[src] * alpha[..., None]                    # [E, H, D]
    rst = jax.ops.segment_sum(msg, dst, num_segments=N)   # [N, H, D]
    rst = rst + bias.reshape(1, H, D)
    rst = jax.nn.relu(rst)
    return rst.reshape(N, H * D)


def setup_inputs(seed: int = 0) -> dict:
    key = jax.random.key(seed)
    ks = jax.random.split(key, 10)
    x = jax.random.normal(ks[0], (N_NODES, IN_DIM), dtype=jnp.float32)
    edge_index = jax.random.randint(ks[1], (2, N_EDGES), 0, N_NODES, dtype=jnp.int32)
    s1 = 1.0 / np.sqrt(IN_DIM)
    s2 = 1.0 / np.sqrt(HID_DIM)
    W1 = jax.random.normal(ks[2], (IN_DIM, H * D), dtype=jnp.float32) * s1
    attn_l1 = jax.random.normal(ks[3], (1, H, D), dtype=jnp.float32) * 0.1
    attn_r1 = jax.random.normal(ks[4], (1, H, D), dtype=jnp.float32) * 0.1
    b1 = jnp.zeros((H * D,), dtype=jnp.float32)
    W2 = jax.random.normal(ks[5], (HID_DIM, H * D), dtype=jnp.float32) * s2
    attn_l2 = jax.random.normal(ks[6], (1, H, D), dtype=jnp.float32) * 0.1
    attn_r2 = jax.random.normal(ks[7], (1, H, D), dtype=jnp.float32) * 0.1
    b2 = jnp.zeros((H * D,), dtype=jnp.float32)
    return {"x": x, "edge_index": edge_index,
            "W1": W1, "attn_l1": attn_l1, "attn_r1": attn_r1, "b1": b1,
            "W2": W2, "attn_l2": attn_l2, "attn_r2": attn_r2, "b2": b2}


def reference(x, edge_index, W1, attn_l1, attn_r1, b1, W2, attn_l2, attn_r2, b2):
    h = gat_layer(x, edge_index, W1, attn_l1, attn_r1, b1)   # [N, hid_dim]
    h = gat_layer(h, edge_index, W2, attn_l2, attn_r2, b2)   # [N, hid_dim]
    return h

if __name__ == "__main__":
    import jax
    _d = setup_inputs()
    print(jax.jit(kernel)(*tuple(_d.values())))

</pallas_src>

<mosaic_0001>
#map = affine_map<(d0, d1) -> (0)>
#map1 = affine_map<(d0, d1) -> (0, 0)>
#map2 = affine_map<(d0, d1) -> (0, 0, 0)>
module attributes {stable_mosaic.version = 14 : i64} {
  func.func @sc_out(%arg0: i32, %arg1: i32, %arg2: memref<323584xi32, #tpu.memory_space<hbm>>, %arg3: memref<323584xi32, #tpu.memory_space<hbm>>, %arg4: memref<10000x128xf32, #tpu.memory_space<hbm>>, %arg5: memref<40448x128xf32, #tpu.memory_space<hbm>>, %arg6: memref<2x10112x128xf32, #tpu.memory_space<hbm>>, %arg7: memref<10112x128xf32, #tpu.memory_space<vmem_shared>>, %arg8: memref<1x128xi32, #tpu.memory_space<vmem>>, %arg9: memref<1x128xi32, #tpu.memory_space<vmem>>, %arg10: memref<128x128xf32, #tpu.memory_space<vmem>>, %arg11: memref<16x128xf32, #tpu.memory_space<vmem>>, %arg12: memref<128x128xf32, #tpu.memory_space<vmem>>, %arg13: memref<!tpu.dma_semaphore, #tpu.memory_space<semaphore_mem>>, %arg14: memref<!tpu.dma_semaphore, #tpu.memory_space<semaphore_mem>>) attributes {dimension_semantics = [#tpu.dimension_semantics<core_parallel>, #tpu.dimension_semantics<subcore_parallel>], iteration_bounds = array<i64: 2, 16>, scalar_prefetch = 0 : i64, scratch_operands = 8 : i64, tpu.core_type = #tpu.core_type<sc_vector_subcore>, window_params = [{transform_indices = #map}, {transform_indices = #map}, {transform_indices = #map1}, {transform_indices = #map1}, {transform_indices = #map2}]} {
    %mul3A = arith.constant 16 : i32
    %mul3A_0 = arith.muli %arg0, %mul3A : i32
    %add3A = arith.addi %mul3A_0, %arg1 : i32
    %broadcast_in_dim3A = arith.constant 0.000000e+00 : f32
    %broadcast_in_dim3A_1 = vector.broadcast %broadcast_in_dim3A : f32 to vector<16xf32>
    %scan3A = arith.constant 0 : i32
    %scan3A_2 = arith.constant 128 : i32
    %scan3A_3 = arith.addi %scan3A, %scan3A_2 : i32
    %scan3A_4 = arith.constant 1 : i32
    scf.for %scan3A_46 = %scan3A to %scan3A_3 step %scan3A_4  : i32 {
      %mul3A_47 = arith.constant 1 : i32
      %mul3A_48 = arith.muli %scan3A_46, %mul3A_47 : i32
      %add3A_49 = arith.constant 0 : i32
      %add3A_50 = arith.addi %add3A_49, %mul3A_48 : i32
      %swap3A = arith.index_cast %add3A_50 : i32 to index
      %swap3A_51 = arith.constant 0 : index
      %swap3A_52 = tpu.vector_load %arg12[%swap3A, %swap3A_51] {strides = array<i32>} : memref<128x128xf32, #tpu.memory_space<vmem>>, vector<1x16xf32>,
      %swap3A_53 = vector.shape_cast %swap3A_52 : vector<1x16xf32> to vector<16xf32>
      %swap3A_54 = vector.shape_cast %broadcast_in_dim3A_1 : vector<16xf32> to vector<1x16xf32>
      tpu.vector_store %arg12[%swap3A, %swap3A_51], %swap3A_54 {strides = array<i32>} : memref<128x128xf32, #tpu.memory_space<vmem>>, vector<1x16xf32>,
      %swap3A_55 = arith.index_cast %add3A_50 : i32 to index
      %swap3A_56 = arith.constant 16 : index
      %swap3A_57 = tpu.vector_load %arg12[%swap3A_55, %swap3A_56] {strides = array<i32>} : memref<128x128xf32, #tpu.memory_space<vmem>>, vector<1x16xf32>,
      %swap3A_58 = vector.shape_cast %swap3A_57 : vector<1x16xf32> to vector<16xf32>
      %swap3A_59 = vector.shape_cast %broadcast_in_dim3A_1 : vector<16xf32> to vector<1x16xf32>
      tpu.vector_store %arg12[%swap3A_55, %swap3A_56], %swap3A_59 {strides = array<i32>} : memref<128x128xf32, #tpu.memory_space<vmem>>, vector<1x16xf32>,
      %swap3A_60 = arith.index_cast %add3A_50 : i32 to index
      %swap3A_61 = arith.constant 32 : index
      %swap3A_62 = tpu.vector_load %arg12[%swap3A_60, %swap3A_61] {strides = array<i32>} : memref<128x128xf32, #tpu.memory_space<vmem>>, vector<1x16xf32>,
      %swap3A_63 = vector.shape_cast %swap3A_62 : vector<1x16xf32> to vector<16xf32>
      %swap3A_64 = vector.shape_cast %broadcast_in_dim3A_1 : vector<16xf32> to vector<1x16xf32>
      tpu.vector_store %arg12[%swap3A_60, %swap3A_61], %swap3A_64 {strides = array<i32>} : memref<128x128xf32, #tpu.memory_space<vmem>>, vector<1x16xf32>,
      %swap3A_65 = arith.index_cast %add3A_50 : i32 to index
      %swap3A_66 = arith.constant 48 : index
      %swap3A_67 = tpu.vector_load %arg12[%swap3A_65, %swap3A_66] {strides = array<i32>} : memref<128x128xf32, #tpu.memory_space<vmem>>, vector<1x16xf32>,
      %swap3A_68 = vector.shape_cast %swap3A_67 : vector<1x16xf32> to vector<16xf32>
      %swap3A_69 = vector.shape_cast %broadcast_in_dim3A_1 : vector<16xf32> to vector<1x16xf32>
      tpu.vector_store %arg12[%swap3A_65, %swap3A_66], %swap3A_69 {strides = array<i32>} : memref<128x128xf32, #tpu.memory_space<vmem>>, vector<1x16xf32>,
      %swap3A_70 = arith.index_cast %add3A_50 : i32 to index
      %swap3A_71 = arith.constant 64 : index
      %swap3A_72 = tpu.vector_load %arg12[%swap3A_70, %swap3A_71] {strides = array<i32>} : memref<128x128xf32, #tpu.memory_space<vmem>>, vector<1x16xf32>,
      %swap3A_73 = vector.shape_cast %swap3A_72 : vector<1x16xf32> to vector<16xf32>
      %swap3A_74 = vector.shape_cast %broadcast_in_dim3A_1 : vector<16xf32> to vector<1x16xf32>
      tpu.vector_store %arg12[%swap3A_70, %swap3A_71], %swap3A_74 {strides = array<i32>} : memref<128x128xf32, #tpu.memory_space<vmem>>, vector<1x16xf32>,
      %swap3A_75 = arith.index_cast %add3A_50 : i32 to index
      %swap3A_76 = arith.constant 80 : index
      %swap3A_77 = tpu.vector_load %arg12[%swap3A_75, %swap3A_76] {strides = array<i32>} : memref<128x128xf32, #tpu.memory_space<vmem>>, vector<1x16xf32>,
      %swap3A_78 = vector.shape_cast %swap3A_77 : vector<1x16xf32> to vector<16xf32>
      %swap3A_79 = vector.shape_cast %broadcast_in_dim3A_1 : vector<16xf32> to vector<1x16xf32>
      tpu.vector_store %arg12[%swap3A_75, %swap3A_76], %swap3A_79 {strides = array<i32>} : memref<128x128xf32, #tpu.memory_space<vmem>>, vector<1x16xf32>,
      %swap3A_80 = arith.index_cast %add3A_50 : i32 to index
      %swap3A_81 = arith.constant 96 : index
      %swap3A_82 = tpu.vector_load %arg12[%swap3A_80, %swap3A_81] {strides = array<i32>} : memref<128x128xf32, #tpu.memory_space<vmem>>, vector<1x16xf32>,
      %swap3A_83 = vector.shape_cast %swap3A_82 : vector<1x16xf32> to vector<16xf32>
      %swap3A_84 = vector.shape_cast %broadcast_in_dim3A_1 : vector<16xf32> to vector<1x16xf32>
      tpu.vector_store %arg12[%swap3A_80, %swap3A_81], %swap3A_84 {strides = array<i32>} : memref<128x128xf32, #tpu.memory_space<vmem>>, vector<1x16xf32>,
      %swap3A_85 = arith.index_cast %add3A_50 : i32 to index
      %swap3A_86 = arith.constant 112 : index
      %swap3A_87 = tpu.vector_load %arg12[%swap3A_85, %swap3A_86] {strides = array<i32>} : memref<128x128xf32, #tpu.memory_space<vmem>>, vector<1x16xf32>,
      %swap3A_88 = vector.shape_cast %swap3A_87 : vector<1x16xf32> to vector<16xf32>
      %swap3A_89 = vector.shape_cast %broadcast_in_dim3A_1 : vector<16xf32> to vector<1x16xf32>
      tpu.vector_store %arg12[%swap3A_85, %swap3A_86], %swap3A_89 {strides = array<i32>} : memref<128x128xf32, #tpu.memory_space<vmem>>, vector<1x16xf32>,
    }
    %scan3A_5 = arith.constant 128 : i32
    %mul3A_6 = arith.constant 632 : i32
    %mul3A_7 = arith.muli %arg1, %mul3A_6 : i32
    %add3A_8 = arith.constant 0 : i32
    %add3A_9 = arith.addi %mul3A_7, %add3A_8 : i32
    "tpu.region"() ({
      %run_scoped3A = tpu.sem_alloc : memref<!tpu.dma_semaphore, #tpu.memory_space<semaphore_mem>>
      %dma_start3A = arith.constant 0 : i32
      %dma_start3A_46 = arith.constant 0 : i32
      %dma_start3A_47 = tpu.memref_slice %arg12[%dma_start3A, %dma_start3A_46] : memref<128x128xf32, #tpu.memory_space<vmem>> -> memref<128x128xf32, #tpu.memory_space<vmem>>
      %dma_start3A_48 = arith.constant 0 : i32
      %dma_start3A_49 = tpu.memref_slice %arg7[%add3A_9, %dma_start3A_48] : memref<10112x128xf32, #tpu.memory_space<vmem_shared>> -> memref<128x128xf32, #tpu.memory_space<vmem_shared>>
      %dma_start3A_50 = arith.constant 0 : i32
      %dma_start3A_51 = tpu.memref_slice %arg7[%add3A_9, %dma_start3A_50] : memref<10112x128xf32, #tpu.memory_space<vmem_shared>> -> memref<128x128xf32, #tpu.memory_space<vmem_shared>>
      %dma_start3A_52 = arith.constant 0 : i32
      %dma_start3A_53 = arith.constant 0 : i32
      %dma_start3A_54 = tpu.memref_slice %arg12[%dma_start3A_52, %dma_start3A_53] : memref<128x128xf32, #tpu.memory_space<vmem>> -> memref<128x128xf32, #tpu.memory_space<vmem>>
      tpu.enqueue_dma source(%dma_start3A_54 : memref<128x128xf32, #tpu.memory_space<vmem>>) target(%dma_start3A_51 : memref<128x128xf32, #tpu.memory_space<vmem_shared>>) target_semaphore(%run_scoped3A : memref<!tpu.dma_semaphore, #tpu.memory_space<semaphore_mem>>)
      %dma_wait3A = arith.constant 0 : i32
      %dma_wait3A_55 = arith.constant 0 : i32
      %dma_wait3A_56 = tpu.memref_slice %arg12[%dma_wait3A, %dma_wait3A_55] : memref<128x128xf32, #tpu.memory_space<vmem>> -> memref<128x128xf32, #tpu.memory_space<vmem>>
      %dma_wait3A_57 = arith.constant 0 : i32
      %dma_wait3A_58 = tpu.memref_slice %arg7[%add3A_9, %dma_wait3A_57] : memref<10112x128xf32, #tpu.memory_space<vmem_shared>> -> memref<128x128xf32, #tpu.memory_space<vmem_shared>>
      %dma_wait3A_59 = arith.constant 0 : i32
      %dma_wait3A_60 = tpu.memref_slice %arg7[%add3A_9, %dma_wait3A_59] : memref<10112x128xf32, #tpu.memory_space<vmem_shared>> -> memref<128x128xf32, #tpu.memory_space<vmem_shared>>
      %dma_wait3A_61 = arith.constant 0 : i32
      %dma_wait3A_62 = arith.constant 0 : i32
      %dma_wait3A_63 = tpu.memref_slice %arg12[%dma_wait3A_61, %dma_wait3A_62] : memref<128x128xf32, #tpu.memory_space<vmem>> -> memref<128x128xf32, #tpu.memory_space<vmem>>
      tpu.wait_dma2 semaphore(%run_scoped3A : memref<!tpu.dma_semaphore, #tpu.memory_space<semaphore_mem>>) src(%dma_wait3A_63 : memref<128x128xf32, #tpu.memory_space<vmem>>) dst(%dma_wait3A_60 : memref<128x128xf32, #tpu.memory_space<vmem_shared>>)
      tpu.yield
    }) : () -> ()
    %add3A_10 = arith.constant 128 : i32
    %add3A_11 = arith.addi %mul3A_7, %add3A_10 : i32
    "tpu.region"() ({
      %run_scoped3A = tpu.sem_alloc : memref<!tpu.dma_semaphore, #tpu.memory_space<semaphore_mem>>
      %dma_start3A = arith.constant 0 : i32
      %dma_start3A_46 = arith.constant 0 : i32
      %dma_start3A_47 = tpu.memref_slice %arg12[%dma_start3A, %dma_start3A_46] : memref<128x128xf32, #tpu.memory_space<vmem>> -> memref<128x128xf32, #tpu.memory_space<vmem>>
      %dma_start3A_48 = arith.constant 0 : i32
      %dma_start3A_49 = tpu.memref_slice %arg7[%add3A_11, %dma_start3A_48] : memref<10112x128xf32, #tpu.memory_space<vmem_shared>> -> memref<128x128xf32, #tpu.memory_space<vmem_shared>>
      %dma_start3A_50 = arith.constant 0 : i32
      %dma_start3A_51 = tpu.memref_slice %arg7[%add3A_11, %dma_start3A_50] : memref<10112x128xf32, #tpu.memory_space<vmem_shared>> -> memref<128x128xf32, #tpu.memory_space<vmem_shared>>
      %dma_start3A_52 = arith.constant 0 : i32
      %dma_start3A_53 = arith.constant 0 : i32
      %dma_start3A_54 = tpu.memref_slice %arg12[%dma_start3A_52, %dma_start3A_53] : memref<128x128xf32, #tpu.memory_space<vmem>> -> memref<128x128xf32, #tpu.memory_space<vmem>>
      tpu.enqueue_dma source(%dma_start3A_54 : memref<128x128xf32, #tpu.memory_space<vmem>>) target(%dma_start3A_51 : memref<128x128xf32, #tpu.memory_space<vmem_shared>>) target_semaphore(%run_scoped3A : memref<!tpu.dma_semaphore, #tpu.memory_space<semaphore_mem>>)
      %dma_wait3A = arith.constant 0 : i32
      %dma_wait3A_55 = arith.constant 0 : i32
      %dma_wait3A_56 = tpu.memref_slice %arg12[%dma_wait3A, %dma_wait3A_55] : memref<128x128xf32, #tpu.memory_space<vmem>> -> memref<128x128xf32, #tpu.memory_space<vmem>>
      %dma_wait3A_57 = arith.constant 0 : i32
      %dma_wait3A_58 = tpu.memref_slice %arg7[%add3A_11, %dma_wait3A_57] : memref<10112x128xf32, #tpu.memory_space<vmem_shared>> -> memref<128x128xf32, #tpu.memory_space<vmem_shared>>
      %dma_wait3A_59 = arith.constant 0 : i32
      %dma_wait3A_60 = tpu.memref_slice %arg7[%add3A_11, %dma_wait3A_59] : memref<10112x128xf32, #tpu.memory_space<vmem_shared>> -> memref<128x128xf32, #tpu.memory_space<vmem_shared>>
      %dma_wait3A_61 = arith.constant 0 : i32
      %dma_wait3A_62 = arith.constant 0 : i32
      %dma_wait3A_63 = tpu.memref_slice %arg12[%dma_wait3A_61, %dma_wait3A_62] : memref<128x128xf32, #tpu.memory_space<vmem>> -> memref<128x128xf32, #tpu.memory_space<vmem>>
      tpu.wait_dma2 semaphore(%run_scoped3A : memref<!tpu.dma_semaphore, #tpu.memory_space<semaphore_mem>>) src(%dma_wait3A_63 : memref<128x128xf32, #tpu.memory_space<vmem>>) dst(%dma_wait3A_60 : memref<128x128xf32, #tpu.memory_space<vmem_shared>>)
      tpu.yield
    }) : () -> ()
    %add3A_12 = arith.constant 256 : i32
    %add3A_13 = arith.addi %mul3A_7, %add3A_12 : i32
    "tpu.region"() ({
      %run_scoped3A = tpu.sem_alloc : memref<!tpu.dma_semaphore, #tpu.memory_space<semaphore_mem>>
      %dma_start3A = arith.constant 0 : i32
      %dma_start3A_46 = arith.constant 0 : i32
      %dma_start3A_47 = tpu.memref_slice %arg12[%dma_start3A, %dma_start3A_46] : memref<128x128xf32, #tpu.memory_space<vmem>> -> memref<128x128xf32, #tpu.memory_space<vmem>>
      %dma_start3A_48 = arith.constant 0 : i32
      %dma_start3A_49 = tpu.memref_slice %arg7[%add3A_13, %dma_start3A_48] : memref<10112x128xf32, #tpu.memory_space<vmem_shared>> -> memref<128x128xf32, #tpu.memory_space<vmem_shared>>
      %dma_start3A_50 = arith.constant 0 : i32
      %dma_start3A_51 = tpu.memref_slice %arg7[%add3A_13, %dma_start3A_50] : memref<10112x128xf32, #tpu.memory_space<vmem_shared>> -> memref<128x128xf32, #tpu.memory_space<vmem_shared>>
      %dma_start3A_52 = arith.constant 0 : i32
      %dma_start3A_53 = arith.constant 0 : i32
      %dma_start3A_54 = tpu.memref_slice %arg12[%dma_start3A_52, %dma_start3A_53] : memref<128x128xf32, #tpu.memory_space<vmem>> -> memref<128x128xf32, #tpu.memory_space<vmem>>
      tpu.enqueue_dma source(%dma_start3A_54 : memref<128x128xf32, #tpu.memory_space<vmem>>) target(%dma_start3A_51 : memref<128x128xf32, #tpu.memory_space<vmem_shared>>) target_semaphore(%run_scoped3A : memref<!tpu.dma_semaphore, #tpu.memory_space<semaphore_mem>>)
      %dma_wait3A = arith.constant 0 : i32
      %dma_wait3A_55 = arith.constant 0 : i32
      %dma_wait3A_56 = tpu.memref_slice %arg12[%dma_wait3A, %dma_wait3A_55] : memref<128x128xf32, #tpu.memory_space<vmem>> -> memref<128x128xf32, #tpu.memory_space<vmem>>
      %dma_wait3A_57 = arith.constant 0 : i32
      %dma_wait3A_58 = tpu.memref_slice %arg7[%add3A_13, %dma_wait3A_57] : memref<10112x128xf32, #tpu.memory_space<vmem_shared>> -> memref<128x128xf32, #tpu.memory_space<vmem_shared>>
      %dma_wait3A_59 = arith.constant 0 : i32
      %dma_wait3A_60 = tpu.memref_slice %arg7[%add3A_13, %dma_wait3A_59] : memref<10112x128xf32, #tpu.memory_space<vmem_shared>> -> memref<128x128xf32, #tpu.memory_space<vmem_shared>>
      %dma_wait3A_61 = arith.constant 0 : i32
      %dma_wait3A_62 = arith.constant 0 : i32
      %dma_wait3A_63 = tpu.memref_slice %arg12[%dma_wait3A_61, %dma_wait3A_62] : memref<128x128xf32, #tpu.memory_space<vmem>> -> memref<128x128xf32, #tpu.memory_space<vmem>>
      tpu.wait_dma2 semaphore(%run_scoped3A : memref<!tpu.dma_semaphore, #tpu.memory_space<semaphore_mem>>) src(%dma_wait3A_63 : memref<128x128xf32, #tpu.memory_space<vmem>>) dst(%dma_wait3A_60 : memref<128x128xf32, #tpu.memory_space<vmem_shared>>)
      tpu.yield
    }) : () -> ()
    %add3A_14 = arith.constant 384 : i32
    %add3A_15 = arith.addi %mul3A_7, %add3A_14 : i32
    "tpu.region"() ({
      %run_scoped3A = tpu.sem_alloc : memref<!tpu.dma_semaphore, #tpu.memory_space<semaphore_mem>>
      %dma_start3A = arith.constant 0 : i32
      %dma_start3A_46 = arith.constant 0 : i32
      %dma_start3A_47 = tpu.memref_slice %arg12[%dma_start3A, %dma_start3A_46] : memref<128x128xf32, #tpu.memory_space<vmem>> -> memref<128x128xf32, #tpu.memory_space<vmem>>
      %dma_start3A_48 = arith.constant 0 : i32
      %dma_start3A_49 = tpu.memref_slice %arg7[%add3A_15, %dma_start3A_48] : memref<10112x128xf32, #tpu.memory_space<vmem_shared>> -> memref<128x128xf32, #tpu.memory_space<vmem_shared>>
      %dma_start3A_50 = arith.constant 0 : i32
      %dma_start3A_51 = tpu.memref_slice %arg7[%add3A_15, %dma_start3A_50] : memref<10112x128xf32, #tpu.memory_space<vmem_shared>> -> memref<128x128xf32, #tpu.memory_space<vmem_shared>>
      %dma_start3A_52 = arith.constant 0 : i32
      %dma_start3A_53 = arith.constant 0 : i32
      %dma_start3A_54 = tpu.memref_slice %arg12[%dma_start3A_52, %dma_start3A_53] : memref<128x128xf32, #tpu.memory_space<vmem>> -> memref<128x128xf32, #tpu.memory_space<vmem>>
      tpu.enqueue_dma source(%dma_start3A_54 : memref<128x128xf32, #tpu.memory_space<vmem>>) target(%dma_start3A_51 : memref<128x128xf32, #tpu.memory_space<vmem_shared>>) target_semaphore(%run_scoped3A : memref<!tpu.dma_semaphore, #tpu.memory_space<semaphore_mem>>)
      %dma_wait3A = arith.constant 0 : i32
      %dma_wait3A_55 = arith.constant 0 : i32
      %dma_wait3A_56 = tpu.memref_slice %arg12[%dma_wait3A, %dma_wait3A_55] : memref<128x128xf32, #tpu.memory_space<vmem>> -> memref<128x128xf32, #tpu.memory_space<vmem>>
      %dma_wait3A_57 = arith.constant 0 : i32
      %dma_wait3A_58 = tpu.memref_slice %arg7[%add3A_15, %dma_wait3A_57] : memref<10112x128xf32, #tpu.memory_space<vmem_shared>> -> memref<128x128xf32, #tpu.memory_space<vmem_shared>>
      %dma_wait3A_59 = arith.constant 0 : i32
      %dma_wait3A_60 = tpu.memref_slice %arg7[%add3A_15, %dma_wait3A_59] : memref<10112x128xf32, #tpu.memory_space<vmem_shared>> -> memref<128x128xf32, #tpu.memory_space<vmem_shared>>
      %dma_wait3A_61 = arith.constant 0 : i32
      %dma_wait3A_62 = arith.constant 0 : i32
      %dma_wait3A_63 = tpu.memref_slice %arg12[%dma_wait3A_61, %dma_wait3A_62] : memref<128x128xf32, #tpu.memory_space<vmem>> -> memref<128x128xf32, #tpu.memory_space<vmem>>
      tpu.wait_dma2 semaphore(%run_scoped3A : memref<!tpu.dma_semaphore, #tpu.memory_space<semaphore_mem>>) src(%dma_wait3A_63 : memref<128x128xf32, #tpu.memory_space<vmem>>) dst(%dma_wait3A_60 : memref<128x128xf32, #tpu.memory_space<vmem_shared>>)
      tpu.yield
    }) : () -> ()
    %add3A_16 = arith.constant 512 : i32
    %add3A_17 = arith.addi %mul3A_7, %add3A_16 : i32
    "tpu.region"() ({
      %run_scoped3A = tpu.sem_alloc : memref<!tpu.dma_semaphore, #tpu.memory_space<semaphore_mem>>
      %dma_start3A = arith.constant 0 : i32
      %dma_start3A_46 = arith.constant 0 : i32
      %dma_start3A_47 = tpu.memref_slice %arg12[%dma_start3A, %dma_start3A_46] : memref<128x128xf32, #tpu.memory_space<vmem>> -> memref<120x128xf32, #tpu.memory_space<vmem>>
      %dma_start3A_48 = arith.constant 0 : i32
      %dma_start3A_49 = tpu.memref_slice %arg7[%add3A_17, %dma_start3A_48] : memref<10112x128xf32, #tpu.memory_space<vmem_shared>> -> memref<120x128xf32, #tpu.memory_space<vmem_shared>>
      %dma_start3A_50 = arith.constant 0 : i32
      %dma_start3A_51 = tpu.memref_slice %arg7[%add3A_17, %dma_start3A_50] : memref<10112x128xf32, #tpu.memory_space<vmem_shared>> -> memref<120x128xf32, #tpu.memory_space<vmem_shared>>
      %dma_start3A_52 = arith.constant 0 : i32
      %dma_start3A_53 = arith.constant 0 : i32
      %dma_start3A_54 = tpu.memref_slice %arg12[%dma_start3A_52, %dma_start3A_53] : memref<128x128xf32, #tpu.memory_space<vmem>> -> memref<120x128xf32, #tpu.memory_space<vmem>>
      tpu.enqueue_dma source(%dma_start3A_54 : memref<120x128xf32, #tpu.memory_space<vmem>>) target(%dma_start3A_51 : memref<120x128xf32, #tpu.memory_space<vmem_shared>>) target_semaphore(%run_scoped3A : memref<!tpu.dma_semaphore, #tpu.memory_space<semaphore_mem>>)
      %dma_wait3A = arith.constant 0 : i32
      %dma_wait3A_55 = arith.constant 0 : i32
      %dma_wait3A_56 = tpu.memref_slice %arg12[%dma_wait3A, %dma_wait3A_55] : memref<128x128xf32, #tpu.memory_space<vmem>> -> memref<120x128xf32, #tpu.memory_space<vmem>>
      %dma_wait3A_57 = arith.constant 0 : i32
      %dma_wait3A_58 = tpu.memref_slice %arg7[%add3A_17, %dma_wait3A_57] : memref<10112x128xf32, #tpu.memory_space<vmem_shared>> -> memref<120x128xf32, #tpu.memory_space<vmem_shared>>
      %dma_wait3A_59 = arith.constant 0 : i32
      %dma_wait3A_60 = tpu.memref_slice %arg7[%add3A_17, %dma_wait3A_59] : memref<10112x128xf32, #tpu.memory_space<vmem_shared>> -> memref<120x128xf32, #tpu.memory_space<vmem_shared>>
      %dma_wait3A_61 = arith.constant 0 : i32
      %dma_wait3A_62 = arith.constant 0 : i32
      %dma_wait3A_63 = tpu.memref_slice %arg12[%dma_wait3A_61, %dma_wait3A_62] : memref<128x128xf32, #tpu.memory_space<vmem>> -> memref<120x128xf32, #tpu.memory_space<vmem>>
      tpu.wait_dma2 semaphore(%run_scoped3A : memref<!tpu.dma_semaphore, #tpu.memory_space<semaphore_mem>>) src(%dma_wait3A_63 : memref<120x128xf32, #tpu.memory_space<vmem>>) dst(%dma_wait3A_60 : memref<120x128xf32, #tpu.memory_space<vmem_shared>>)
      tpu.yield
    }) : () -> ()
    %barrier3A = arith.constant 0 : index
    tpu.barrier barrier_id(%barrier3A)
    %mul3A_18 = arith.constant 10112 : i32
    %mul3A_19 = arith.muli %add3A, %mul3A_18 : i32
    %scan3A_20 = arith.constant 0 : i32
    %scan3A_21 = arith.constant 79 : i32
    %scan3A_22 = arith.addi %scan3A_20, %scan3A_21 : i32
    %scan3A_23 = arith.constant 1 : i32
    scf.for %scan3A_46 = %scan3A_20 to %scan3A_22 step %scan3A_23  : i32 {
      %mul3A_47 = arith.constant 1 : i32
      %mul3A_48 = arith.muli %scan3A_46, %mul3A_47 : i32
      %add3A_49 = arith.constant 0 : i32
      %add3A_50 = arith.addi %add3A_49, %mul3A_48 : i32
      %mul3A_51 = arith.constant 128 : i32
      %mul3A_52 = arith.muli %add3A_50, %mul3A_51 : i32
      %add3A_53 = arith.addi %mul3A_19, %mul3A_52 : i32
      %run_scoped3A = arith.constant 0 : i32
      "tpu.region"() ({
        %run_scoped3A_97 = tpu.sem_alloc : memref<!tpu.dma_semaphore, #tpu.memory_space<semaphore_mem>>
        %dma_start3A_98 = arith.constant 0 : i32
        %dma_start3A_99 = tpu.memref_slice %arg8[%run_scoped3A, %dma_start3A_98] : memref<1x128xi32, #tpu.memory_space<vmem>> -> memref<1x128xi32, #tpu.memory_space<vmem>>
        %dma_start3A_100 = tpu.memref_squeeze %dma_start3A_99 : memref<1x128xi32, #tpu.memory_space<vmem>> -> memref<128xi32, #tpu.memory_space<vmem>>
        %dma_start3A_101 = tpu.memref_slice %arg2[%add3A_53] : memref<323584xi32, #tpu.memory_space<hbm>> -> memref<128xi32, #tpu.memory_space<hbm>>
        %dma_start3A_102 = arith.constant 0 : i32
        %dma_start3A_103 = tpu.memref_slice %arg8[%run_scoped3A, %dma_start3A_102] : memref<1x128xi32, #tpu.memory_space<vmem>> -> memref<1x128xi32, #tpu.memory_space<vmem>>
        %dma_start3A_104 = tpu.memref_squeeze %dma_start3A_103 : memref<1x128xi32, #tpu.memory_space<vmem>> -> memref<128xi32, #tpu.memory_space<vmem>>
        %dma_start3A_105 = tpu.memref_slice %arg2[%add3A_53] : memref<323584xi32, #tpu.memory_space<hbm>> -> memref<128xi32, #tpu.memory_space<hbm>>
        tpu.enqueue_dma source(%dma_start3A_105 : memref<128xi32, #tpu.memory_space<hbm>>) target(%dma_start3A_104 : memref<128xi32, #tpu.memory_space<vmem>>) target_semaphore(%run_scoped3A_97 : memref<!tpu.dma_semaphore, #tpu.memory_space<semaphore_mem>>)
        %dma_wait3A_106 = arith.constant 0 : i32
        %dma_wait3A_107 = tpu.memref_slice %arg8[%run_scoped3A, %dma_wait3A_106] : memref<1x128xi32, #tpu.memory_space<vmem>> -> memref<1x128xi32, #tpu.memory_space<vmem>>
        %dma_wait3A_108 = tpu.memref_squeeze %dma_wait3A_107 : memref<1x128xi32, #tpu.memory_space<vmem>> -> memref<128xi32, #tpu.memory_space<vmem>>
        %dma_wait3A_109 = tpu.memref_slice %arg2[%add3A_53] : memref<323584xi32, #tpu.memory_space<hbm>> -> memref<128xi32, #tpu.memory_space<hbm>>
        %dma_wait3A_110 = arith.constant 0 : i32
        %dma_wait3A_111 = tpu.memref_slice %arg8[%run_scoped3A, %dma_wait3A_110] : memref<1x128xi32, #tpu.memory_space<vmem>> -> memref<1x128xi32, #tpu.memory_space<vmem>>
        %dma_wait3A_112 = tpu.memref_squeeze %dma_wait3A_111 : memref<1x128xi32, #tpu.memory_space<vmem>> -> memref<128xi32, #tpu.memory_space<vmem>>
        %dma_wait3A_113 = tpu.memref_slice %arg2[%add3A_53] : memref<323584xi32, #tpu.memory_space<hbm>> -> memref<128xi32, #tpu.memory_space<hbm>>
        tpu.wait_dma2 semaphore(%run_scoped3A_97 : memref<!tpu.dma_semaphore, #tpu.memory_space<semaphore_mem>>) src(%dma_wait3A_113 : memref<128xi32, #tpu.memory_space<hbm>>) dst(%dma_wait3A_112 : memref<128xi32, #tpu.memory_space<vmem>>)
        tpu.yield
      }) : () -> ()
      %run_scoped3A_54 = arith.constant 0 : i32
      "tpu.region"() ({
        %run_scoped3A_97 = tpu.sem_alloc : memref<!tpu.dma_semaphore, #tpu.memory_space<semaphore_mem>>
        %dma_start3A_98 = arith.constant 0 : i32
        %dma_start3A_99 = tpu.memref_slice %arg9[%run_scoped3A_54, %dma_start3A_98] : memref<1x128xi32, #tpu.memory_space<vmem>> -> memref<1x128xi32, #tpu.memory_space<vmem>>
        %dma_start3A_100 = tpu.memref_squeeze %dma_start3A_99 : memref<1x128xi32, #tpu.memory_space<vmem>> -> memref<128xi32, #tpu.memory_space<vmem>>
        %dma_start3A_101 = tpu.memref_slice %arg3[%add3A_53] : memref<323584xi32, #tpu.memory_space<hbm>> -> memref<128xi32, #tpu.memory_space<hbm>>
        %dma_start3A_102 = arith.constant 0 : i32
        %dma_start3A_103 = tpu.memref_slice %arg9[%run_scoped3A_54, %dma_start3A_102] : memref<1x128xi32, #tpu.memory_space<vmem>> -> memref<1x128xi32, #tpu.memory_space<vmem>>
        %dma_start3A_104 = tpu.memref_squeeze %dma_start3A_103 : memref<1x128xi32, #tpu.memory_space<vmem>> -> memref<128xi32, #tpu.memory_space<vmem>>
        %dma_start3A_105 = tpu.memref_slice %arg3[%add3A_53] : memref<323584xi32, #tpu.memory_space<hbm>> -> memref<128xi32, #tpu.memory_space<hbm>>
        tpu.enqueue_dma source(%dma_start3A_105 : memref<128xi32, #tpu.memory_space<hbm>>) target(%dma_start3A_104 : memref<128xi32, #tpu.memory_space<vmem>>) target_semaphore(%run_scoped3A_97 : memref<!tpu.dma_semaphore, #tpu.memory_space<semaphore_mem>>)
        %dma_wait3A_106 = arith.constant 0 : i32
        %dma_wait3A_107 = tpu.memref_slice %arg9[%run_scoped3A_54, %dma_wait3A_106] : memref<1x128xi32, #tpu.memory_space<vmem>> -> memref<1x128xi32, #tpu.memory_space<vmem>>
        %dma_wait3A_108 = tpu.memref_squeeze %dma_wait3A_107 : memref<1x128xi32, #tpu.memory_space<vmem>> -> memref<128xi32, #tpu.memory_space<vmem>>
        %dma_wait3A_109 = tpu.memref_slice %arg3[%add3A_53] : memref<323584xi32, #tpu.memory_space<hbm>> -> memref<128xi32, #tpu.memory_space<hbm>>
        %dma_wait3A_110 = arith.constant 0 : i32
        %dma_wait3A_111 = tpu.memref_slice %arg9[%run_scoped3A_54, %dma_wait3A_110] : memref<1x128xi32, #tpu.memory_space<vmem>> -> memref<1x128xi32, #tpu.memory_space<vmem>>
        %dma_wait3A_112 = tpu.memref_squeeze %dma_wait3A_111 : memref<1x128xi32, #tpu.memory_space<vmem>> -> memref<128xi32, #tpu.memory_space<vmem>>
        %dma_wait3A_113 = tpu.memref_slice %arg3[%add3A_53] : memref<323584xi32, #tpu.memory_space<hbm>> -> memref<128xi32, #tpu.memory_space<hbm>>
        tpu.wait_dma2 semaphore(%run_scoped3A_97 : memref<!tpu.dma_semaphore, #tpu.memory_space<semaphore_mem>>) src(%dma_wait3A_113 : memref<128xi32, #tpu.memory_space<hbm>>) dst(%dma_wait3A_112 : memref<128xi32, #tpu.memory_space<vmem>>)
        tpu.yield
      }) : () -> ()
      %jit3A = arith.constant 8 : i32
      %div3A = arith.divsi %add3A_53, %jit3A : i32
      %sign3A = arith.constant 0 : i32
      %sign3A_55 = arith.cmpi sgt, %add3A_53, %sign3A : i32
      %sign3A_56 = arith.extui %sign3A_55 : i1 to i32
      %sign3A_57 = arith.constant 0 : i32
      %sign3A_58 = arith.cmpi slt, %add3A_53, %sign3A_57 : i32
      %sign3A_59 = arith.extui %sign3A_58 : i1 to i32
      %sign3A_60 = arith.subi %sign3A_56, %sign3A_59 : i32
      %sign3A_61 = arith.constant 0 : i32
      %sign3A_62 = arith.cmpi sgt, %jit3A, %sign3A_61 : i32
      %sign3A_63 = arith.extui %sign3A_62 : i1 to i32
      %sign3A_64 = arith.constant 0 : i32
      %sign3A_65 = arith.cmpi slt, %jit3A, %sign3A_64 : i32
      %sign3A_66 = arith.extui %sign3A_65 : i1 to i32
      %sign3A_67 = arith.subi %sign3A_63, %sign3A_66 : i32
      %ne3A = arith.cmpi ne, %sign3A_60, %sign3A_67 : i32
      %rem3A = arith.remsi %add3A_53, %jit3A : i32
      %ne3A_68 = arith.constant 0 : i32
      %ne3A_69 = arith.cmpi ne, %rem3A, %ne3A_68 : i32
      %and3A = arith.andi %ne3A, %ne3A_69 : i1
      %sub3A = arith.constant 1 : i32
      %sub3A_70 = arith.subi %div3A, %sub3A : i32
      %select_n3A = arith.select %and3A, %sub3A_70, %div3A : i32
      %multiple_of3A = tpu.assume_multiple %select_n3A, 8 : i32
      %dma_start3A = arith.constant 0 : i32
      %dma_start3A_71 = tpu.memref_slice %arg5[%multiple_of3A, %dma_start3A] : memref<40448x128xf32, #tpu.memory_space<hbm>> -> memref<16x128xf32, #tpu.memory_space<hbm>>
      %dma_start3A_72 = arith.constant 0 : i32
      %dma_start3A_73 = tpu.memref_slice %arg5[%multiple_of3A, %dma_start3A_72] : memref<40448x128xf32, #tpu.memory_space<hbm>> -> memref<16x128xf32, #tpu.memory_space<hbm>>
      tpu.enqueue_dma source(%dma_start3A_73 : memref<16x128xf32, #tpu.memory_space<hbm>>) target(%arg11 : memref<16x128xf32, #tpu.memory_space<vmem>>) target_semaphore(%arg13 : memref<!tpu.dma_semaphore, #tpu.memory_space<semaphore_mem>>)
      %dma_start3A_74 = arith.constant 0 : i32
      %dma_start3A_75 = arith.constant 0 : i32
      %dma_start3A_76 = tpu.memref_slice %arg8[%dma_start3A_74, %dma_start3A_75] : memref<1x128xi32, #tpu.memory_space<vmem>> -> memref<1x128xi32, #tpu.memory_space<vmem>>
      %dma_start3A_77 = tpu.memref_squeeze %dma_start3A_76 : memref<1x128xi32, #tpu.memory_space<vmem>> -> memref<128xi32, #tpu.memory_space<vmem>>
      %dma_start3A_78 = arith.constant 0 : i32
      %dma_start3A_79 = arith.constant 0 : i32
      %dma_start3A_80 = tpu.memref_slice %arg4[%dma_start3A_78, %dma_start3A_79] : memref<10000x128xf32, #tpu.memory_space<hbm>> -> memref<10000x128xf32, #tpu.memory_space<hbm>>
      tpu.enqueue_indirect_dma source(%dma_start3A_80 : memref<10000x128xf32, #tpu.memory_space<hbm>>) target(%arg10 : memref<128x128xf32, #tpu.memory_space<vmem>>) offsets(%dma_start3A_77 : memref<128xi32, #tpu.memory_space<vmem>>) semaphore(%arg14 : memref<!tpu.dma_semaphore, #tpu.memory_space<semaphore_mem>>)
      %dma_wait3A = arith.constant 0 : i32
      %dma_wait3A_81 = tpu.memref_slice %arg5[%multiple_of3A, %dma_wait3A] : memref<40448x128xf32, #tpu.memory_space<hbm>> -> memref<16x128xf32, #tpu.memory_space<hbm>>
      %dma_wait3A_82 = arith.constant 0 : i32
      %dma_wait3A_83 = tpu.memref_slice %arg5[%multiple_of3A, %dma_wait3A_82] : memref<40448x128xf32, #tpu.memory_space<hbm>> -> memref<16x128xf32, #tpu.memory_space<hbm>>
      tpu.wait_dma2 semaphore(%arg13 : memref<!tpu.dma_semaphore, #tpu.memory_space<semaphore_mem>>) src(%dma_wait3A_83 : memref<16x128xf32, #tpu.memory_space<hbm>>) dst(%arg11 : memref<16x128xf32, #tpu.memory_space<vmem>>)
      %dma_wait3A_84 = arith.constant 0 : i32
      %dma_wait3A_85 = arith.constant 0 : i32
      %dma_wait3A_86 = tpu.memref_slice %arg8[%dma_wait3A_84, %dma_wait3A_85] : memref<1x128xi32, #tpu.memory_space<vmem>> -> memref<1x128xi32, #tpu.memory_space<vmem>>
      %dma_wait3A_87 = tpu.memref_squeeze %dma_wait3A_86 : memref<1x128xi32, #tpu.memory_space<vmem>> -> memref<128xi32, #tpu.memory_space<vmem>>
      %dma_wait3A_88 = arith.constant 0 : i32
      %dma_wait3A_89 = arith.constant 0 : i32
      %dma_wait3A_90 = tpu.memref_slice %arg4[%dma_wait3A_88, %dma_wait3A_89] : memref<10000x128xf32, #tpu.memory_space<hbm>> -> memref<10000x128xf32, #tpu.memory_space<hbm>>
      tpu.wait_indirect_dma semaphore(%arg14 : memref<!tpu.dma_semaphore, #tpu.memory_space<semaphore_mem>>) src(%dma_wait3A_90 : memref<10000x128xf32, #tpu.memory_space<hbm>>) dst(%arg10 : memref<128x128xf32, #tpu.memory_space<vmem>>)
      %scan3A_91 = arith.constant 0 : i32
      %scan3A_92 = arith.constant 128 : i32
      %scan3A_93 = arith.addi %scan3A_91, %scan3A_92 : i32
      %scan3A_94 = arith.constant 1 : i32
      scf.for %scan3A_97 = %scan3A_91 to %scan3A_93 step %scan3A_94  : i32 {
        %mul3A_98 = arith.constant 1 : i32
        %mul3A_99 = arith.muli %scan3A_97, %mul3A_98 : i32
        %add3A_100 = arith.constant 0 : i32
        %add3A_101 = arith.addi %add3A_100, %mul3A_99 : i32
        %jit3A_102 = arith.constant 8 : i32
        %div3A_103 = arith.divsi %add3A_101, %jit3A_102 : i32
        %sign3A_104 = arith.constant 0 : i32
        %sign3A_105 = arith.cmpi sgt, %add3A_101, %sign3A_104 : i32
        %sign3A_106 = arith.extui %sign3A_105 : i1 to i32
        %sign3A_107 = arith.constant 0 : i32
        %sign3A_108 = arith.cmpi slt, %add3A_101, %sign3A_107 : i32
        %sign3A_109 = arith.extui %sign3A_108 : i1 to i32
        %sign3A_110 = arith.subi %sign3A_106, %sign3A_109 : i32
        %sign3A_111 = arith.constant 0 : i32
        %sign3A_112 = arith.cmpi sgt, %jit3A_102, %sign3A_111 : i32
        %sign3A_113 = arith.extui %sign3A_112 : i1 to i32
        %sign3A_114 = arith.constant 0 : i32
        %sign3A_115 = arith.cmpi slt, %jit3A_102, %sign3A_114 : i32
        %sign3A_116 = arith.extui %sign3A_115 : i1 to i32
        %sign3A_117 = arith.subi %sign3A_113, %sign3A_116 : i32
        %ne3A_118 = arith.cmpi ne, %sign3A_110, %sign3A_117 : i32
        %rem3A_119 = arith.remsi %add3A_101, %jit3A_102 : i32
        %ne3A_120 = arith.constant 0 : i32
        %ne3A_121 = arith.cmpi ne, %rem3A_119, %ne3A_120 : i32
        %and3A_122 = arith.andi %ne3A_118, %ne3A_121 : i1
        %sub3A_123 = arith.constant 1 : i32
        %sub3A_124 = arith.subi %div3A_103, %sub3A_123 : i32
        %select_n3A_125 = arith.select %and3A_122, %sub3A_124, %div3A_103 : i32
        %jit3A_126 = arith.constant 8 : i32
        %eq3A = arith.constant 0 : i32
        %eq3A_127 = arith.cmpi eq, %jit3A_126, %eq3A : i32
        %jit3A_128 = arith.constant 1 : i32
        %select_n3A_129 = arith.select %eq3A_127, %jit3A_128, %jit3A_126 : i32
        %rem3A_130 = arith.remsi %add3A_101, %select_n3A_129 : i32
        %ne3A_131 = arith.constant 0 : i32
        %ne3A_132 = arith.cmpi ne, %rem3A_130, %ne3A_131 : i32
        %lt3A = arith.constant 0 : i32
        %lt3A_133 = arith.cmpi slt, %rem3A_130, %lt3A : i32
        %lt3A_134 = arith.constant 0 : i32
        %lt3A_135 = arith.cmpi slt, %select_n3A_129, %lt3A_134 : i32
        %ne3A_136 = arith.xori %lt3A_133, %lt3A_135 : i1
        %and3A_137 = arith.andi %ne3A_136, %ne3A_132 : i1
        %add3A_138 = arith.addi %rem3A_130, %select_n3A_129 : i32
        %select_n3A_139 = arith.select %and3A_137, %add3A_138, %rem3A_130 : i32
        %mul3A_140 = arith.constant 16 : i32
        %mul3A_141 = arith.muli %select_n3A_139, %mul3A_140 : i32
        %get3A = arith.index_cast %select_n3A_125 : i32 to index
        %get3A_142 = arith.index_cast %mul3A_141 : i32 to index
        %get3A_143 = tpu.vector_load %arg11[%get3A, %get3A_142] {strides = array<i32>} : memref<16x128xf32, #tpu.memory_space<vmem>>, vector<1x16xf32>,
        %get3A_144 = vector.shape_cast %get3A_143 : vector<1x16xf32> to vector<16xf32>
        %get3A_145 = arith.index_cast %add3A_101 : i32 to index
        %get3A_146 = arith.constant 0 : index
        %get3A_147 = tpu.vector_load %arg10[%get3A_145, %get3A_146] {strides = array<i32>} : memref<128x128xf32, #tpu.memory_space<vmem>>, vector<1x16xf32>,
        %get3A_148 = vector.shape_cast %get3A_147 : vector<1x16xf32> to vector<16xf32>
        %mul3A_149 = arith.mulf %get3A_148, %get3A_144 : vector<16xf32>
        %swap3A = arith.index_cast %add3A_101 : i32 to index
        %swap3A_150 = arith.constant 0 : index
        %swap3A_151 = tpu.vector_load %arg12[%swap3A, %swap3A_150] {strides = array<i32>} : memref<128x128xf32, #tpu.memory_space<vmem>>, vector<1x16xf32>,
        %swap3A_152 = vector.shape_cast %swap3A_151 : vector<1x16xf32> to vector<16xf32>
        %swap3A_153 = vector.shape_cast %mul3A_149 : vector<16xf32> to vector<1x16xf32>
        tpu.vector_store %arg12[%swap3A, %swap3A_150], %swap3A_153 {strides = array<i32>} : memref<128x128xf32, #tpu.memory_space<vmem>>, vector<1x16xf32>,
        %get3A_154 = arith.index_cast %add3A_101 : i32 to index
        %get3A_155 = arith.constant 16 : index
        %get3A_156 = tpu.vector_load %arg10[%get3A_154, %get3A_155] {strides = array<i32>} : memref<128x128xf32, #tpu.memory_space<vmem>>, vector<1x16xf32>,
        %get3A_157 = vector.shape_cast %get3A_156 : vector<1x16xf32> to vector<16xf32>
        %mul3A_158 = arith.mulf %get3A_157, %get3A_144 : vector<16xf32>
        %swap3A_159 = arith.index_cast %add3A_101 : i32 to index
        %swap3A_160 = arith.constant 16 : index
        %swap3A_161 = tpu.vector_load %arg12[%swap3A_159, %swap3A_160] {strides = array<i32>} : memref<128x128xf32, #tpu.memory_space<vmem>>, vector<1x16xf32>,
        %swap3A_162 = vector.shape_cast %swap3A_161 : vector<1x16xf32> to vector<16xf32>
        %swap3A_163 = vector.shape_cast %mul3A_158 : vector<16xf32> to vector<1x16xf32>
        tpu.vector_store %arg12[%swap3A_159, %swap3A_160], %swap3A_163 {strides = array<i32>} : memref<128x128xf32, #tpu.memory_space<vmem>>, vector<1x16xf32>,
        %get3A_164 = arith.index_cast %add3A_101 : i32 to index
        %get3A_165 = arith.constant 32 : index
        %get3A_166 = tpu.vector_load %arg10[%get3A_164, %get3A_165] {strides = array<i32>} : memref<128x128xf32, #tpu.memory_space<vmem>>, vector<1x16xf32>,
        %get3A_167 = vector.shape_cast %get3A_166 : vector<1x16xf32> to vector<16xf32>
        %mul3A_168 = arith.mulf %get3A_167, %get3A_144 : vector<16xf32>
        %swap3A_169 = arith.index_cast %add3A_101 : i32 to index
        %swap3A_170 = arith.constant 32 : index
        %swap3A_171 = tpu.vector_load %arg12[%swap3A_169, %swap3A_170] {strides = array<i32>} : memref<128x128xf32, #tpu.memory_space<vmem>>, vector<1x16xf32>,
        %swap3A_172 = vector.shape_cast %swap3A_171 : vector<1x16xf32> to vector<16xf32>
        %swap3A_173 = vector.shape_cast %mul3A_168 : vector<16xf32> to vector<1x16xf32>
        tpu.vector_store %arg12[%swap3A_169, %swap3A_170], %swap3A_173 {strides = array<i32>} : memref<128x128xf32, #tpu.memory_space<vmem>>, vector<1x16xf32>,
        %get3A_174 = arith.index_cast %add3A_101 : i32 to index
        %get3A_175 = arith.constant 48 : index
        %get3A_176 = tpu.vector_load %arg10[%get3A_174, %get3A_175] {strides = array<i32>} : memref<128x128xf32, #tpu.memory_space<vmem>>, vector<1x16xf32>,
        %get3A_177 = vector.shape_cast %get3A_176 : vector<1x16xf32> to vector<16xf32>
        %mul3A_178 = arith.mulf %get3A_177, %get3A_144 : vector<16xf32>
        %swap3A_179 = arith.index_cast %add3A_101 : i32 to index
        %swap3A_180 = arith.constant 48 : index
        %swap3A_181 = tpu.vector_load %arg12[%swap3A_179, %swap3A_180] {strides = array<i32>} : memref<128x128xf32, #tpu.memory_space<vmem>>, vector<1x16xf32>,
        %swap3A_182 = vector.shape_cast %swap3A_181 : vector<1x16xf32> to vector<16xf32>
        %swap3A_183 = vector.shape_cast %mul3A_178 : vector<16xf32> to vector<1x16xf32>
        tpu.vector_store %arg12[%swap3A_179, %swap3A_180], %swap3A_183 {strides = array<i32>} : memref<128x128xf32, #tpu.memory_space<vmem>>, vector<1x16xf32>,
        %get3A_184 = arith.index_cast %add3A_101 : i32 to index
        %get3A_185 = arith.constant 64 : index
        %get3A_186 = tpu.vector_load %arg10[%get3A_184, %get3A_185] {strides = array<i32>} : memref<128x128xf32, #tpu.memory_space<vmem>>, vector<1x16xf32>,
        %get3A_187 = vector.shape_cast %get3A_186 : vector<1x16xf32> to vector<16xf32>
        %mul3A_188 = arith.mulf %get3A_187, %get3A_144 : vector<16xf32>
        %swap3A_189 = arith.index_cast %add3A_101 : i32 to index
        %swap3A_190 = arith.constant 64 : index
        %swap3A_191 = tpu.vector_load %arg12[%swap3A_189, %swap3A_190] {strides = array<i32>} : memref<128x128xf32, #tpu.memory_space<vmem>>, vector<1x16xf32>,
        %swap3A_192 = vector.shape_cast %swap3A_191 : vector<1x16xf32> to vector<16xf32>
        %swap3A_193 = vector.shape_cast %mul3A_188 : vector<16xf32> to vector<1x16xf32>
        tpu.vector_store %arg12[%swap3A_189, %swap3A_190], %swap3A_193 {strides = array<i32>} : memref<128x128xf32, #tpu.memory_space<vmem>>, vector<1x16xf32>,
        %get3A_194 = arith.index_cast %add3A_101 : i32 to index
        %get3A_195 = arith.constant 80 : index
        %get3A_196 = tpu.vector_load %arg10[%get3A_194, %get3A_195] {strides = array<i32>} : memref<128x128xf32, #tpu.memory_space<vmem>>, vector<1x16xf32>,
        %get3A_197 = vector.shape_cast %get3A_196 : vector<1x16xf32> to vector<16xf32>
        %mul3A_198 = arith.mulf %get3A_197, %get3A_144 : vector<16xf32>
        %swap3A_199 = arith.index_cast %add3A_101 : i32 to index
        %swap3A_200 = arith.constant 80 : index
        %swap3A_201 = tpu.vector_load %arg12[%swap3A_199, %swap3A_200] {strides = array<i32>} : memref<128x128xf32, #tpu.memory_space<vmem>>, vector<1x16xf32>,
        %swap3A_202 = vector.shape_cast %swap3A_201 : vector<1x16xf32> to vector<16xf32>
        %swap3A_203 = vector.shape_cast %mul3A_198 : vector<16xf32> to vector<1x16xf32>
        tpu.vector_store %arg12[%swap3A_199, %swap3A_200], %swap3A_203 {strides = array<i32>} : memref<128x128xf32, #tpu.memory_space<vmem>>, vector<1x16xf32>,
        %get3A_204 = arith.index_cast %add3A_101 : i32 to index
        %get3A_205 = arith.constant 96 : index
        %get3A_206 = tpu.vector_load %arg10[%get3A_204, %get3A_205] {strides = array<i32>} : memref<128x128xf32, #tpu.memory_space<vmem>>, vector<1x16xf32>,
        %get3A_207 = vector.shape_cast %get3A_206 : vector<1x16xf32> to vector<16xf32>
        %mul3A_208 = arith.mulf %get3A_207, %get3A_144 : vector<16xf32>
        %swap3A_209 = arith.index_cast %add3A_101 : i32 to index
        %swap3A_210 = arith.constant 96 : index
        %swap3A_211 = tpu.vector_load %arg12[%swap3A_209, %swap3A_210] {strides = array<i32>} : memref<128x128xf32, #tpu.memory_space<vmem>>, vector<1x16xf32>,
        %swap3A_212 = vector.shape_cast %swap3A_211 : vector<1x16xf32> to vector<16xf32>
        %swap3A_213 = vector.shape_cast %mul3A_208 : vector<16xf32> to vector<1x16xf32>
        tpu.vector_store %arg12[%swap3A_209, %swap3A_210], %swap3A_213 {strides = array<i32>} : memref<128x128xf32, #tpu.memory_space<vmem>>, vector<1x16xf32>,
        %get3A_214 = arith.index_cast %add3A_101 : i32 to index
        %get3A_215 = arith.constant 112 : index
        %get3A_216 = tpu.vector_load %arg10[%get3A_214, %get3A_215] {strides = array<i32>} : memref<128x128xf32, #tpu.memory_space<vmem>>, vector<1x16xf32>,
        %get3A_217 = vector.shape_cast %get3A_216 : vector<1x16xf32> to vector<16xf32>
        %mul3A_218 = arith.mulf %get3A_217, %get3A_144 : vector<16xf32>
        %swap3A_219 = arith.index_cast %add3A_101 : i32 to index
        %swap3A_220 = arith.constant 112 : index
        %swap3A_221 = tpu.vector_load %arg12[%swap3A_219, %swap3A_220] {strides = array<i32>} : memref<128x128xf32, #tpu.memory_space<vmem>>, vector<1x16xf32>,
        %swap3A_222 = vector.shape_cast %swap3A_221 : vector<1x16xf32> to vector<16xf32>
        %swap3A_223 = vector.shape_cast %mul3A_218 : vector<16xf32> to vector<1x16xf32>
        tpu.vector_store %arg12[%swap3A_219, %swap3A_220], %swap3A_223 {strides = array<i32>} : memref<128x128xf32, #tpu.memory_space<vmem>>, vector<1x16xf32>,
      }
      %scan3A_95 = arith.constant 128 : i32
      %run_scoped3A_96 = arith.constant 0 : i32
      "tpu.region"() ({
        %run_scoped3A_97 = tpu.sem_alloc : memref<!tpu.dma_semaphore, #tpu.memory_space<semaphore_mem>>
        %dma_start3A_98 = arith.constant 0 : i32
        %dma_start3A_99 = tpu.memref_slice %arg9[%run_scoped3A_96, %dma_start3A_98] : memref<1x128xi32, #tpu.memory_space<vmem>> -> memref<1x128xi32, #tpu.memory_space<vmem>>
        %dma_start3A_100 = tpu.memref_squeeze %dma_start3A_99 : memref<1x128xi32, #tpu.memory_space<vmem>> -> memref<128xi32, #tpu.memory_space<vmem>>
        %dma_start3A_101 = arith.constant 0 : i32
        %dma_start3A_102 = arith.constant 0 : i32
        %dma_start3A_103 = tpu.memref_slice %arg7[%dma_start3A_101, %dma_start3A_102] : memref<10112x128xf32, #tpu.memory_space<vmem_shared>> -> memref<10112x128xf32, #tpu.memory_space<vmem_shared>>
        tpu.enqueue_indirect_dma source(%arg12 : memref<128x128xf32, #tpu.memory_space<vmem>>) target(%dma_start3A_103 : memref<10112x128xf32, #tpu.memory_space<vmem_shared>>) offsets(%dma_start3A_100 : memref<128xi32, #tpu.memory_space<vmem>>) semaphore(%run_scoped3A_97 : memref<!tpu.dma_semaphore, #tpu.memory_space<semaphore_mem>>) {add = true}
        %dma_wait3A_104 = arith.constant 0 : i32
        %dma_wait3A_105 = tpu.memref_slice %arg9[%run_scoped3A_96, %dma_wait3A_104] : memref<1x128xi32, #tpu.memory_space<vmem>> -> memref<1x128xi32, #tpu.memory_space<vmem>>
        %dma_wait3A_106 = tpu.memref_squeeze %dma_wait3A_105 : memref<1x128xi32, #tpu.memory_space<vmem>> -> memref<128xi32, #tpu.memory_space<vmem>>
        %dma_wait3A_107 = arith.constant 0 : i32
        %dma_wait3A_108 = arith.constant 0 : i32
        %dma_wait3A_109 = tpu.memref_slice %arg7[%dma_wait3A_107, %dma_wait3A_108] : memref<10112x128xf32, #tpu.memory_space<vmem_shared>> -> memref<10112x128xf32, #tpu.memory_space<vmem_shared>>
        tpu.wait_indirect_dma semaphore(%run_scoped3A_97 : memref<!tpu.dma_semaphore, #tpu.memory_space<semaphore_mem>>) src(%arg12 : memref<128x128xf32, #tpu.memory_space<vmem>>) dst(%dma_wait3A_109 : memref<10112x128xf32, #tpu.memory_space<vmem_shared>>)
        tpu.yield
      }) : () -> ()
    }
    %scan3A_24 = arith.constant 79 : i32
    %barrier3A_25 = arith.constant 0 : index
    tpu.barrier barrier_id(%barrier3A_25)
    %add3A_26 = arith.constant 0 : i32
    %add3A_27 = arith.addi %mul3A_7, %add3A_26 : i32
    %add3A_28 = arith.constant 0 : i32
    %add3A_29 = arith.addi %mul3A_7, %add3A_28 : i32
    "tpu.region"() ({
      %run_scoped3A = tpu.sem_alloc : memref<!tpu.dma_semaphore, #tpu.memory_space<semaphore_mem>>
      %dma_start3A = arith.constant 0 : i32
      %dma_start3A_46 = tpu.memref_slice %arg6[%arg0, %add3A_29, %dma_start3A] : memref<2x10112x128xf32, #tpu.memory_space<hbm>> -> memref<1x128x128xf32, #tpu.memory_space<hbm>>
      %dma_start3A_47 = tpu.memref_squeeze %dma_start3A_46 : memref<1x128x128xf32, #tpu.memory_space<hbm>> -> memref<128x128xf32, #tpu.memory_space<hbm>>
      %dma_start3A_48 = arith.constant 0 : i32
      %dma_start3A_49 = tpu.memref_slice %arg7[%add3A_27, %dma_start3A_48] : memref<10112x128xf32, #tpu.memory_space<vmem_shared>> -> memref<128x128xf32, #tpu.memory_space<vmem_shared>>
      tpu.enqueue_dma source(%dma_start3A_49 : memref<128x128xf32, #tpu.memory_space<vmem_shared>>) target(%dma_start3A_47 : memref<128x128xf32, #tpu.memory_space<hbm>>) target_semaphore(%run_scoped3A : memref<!tpu.dma_semaphore, #tpu.memory_space<semaphore_mem>>)
      %dma_wait3A = arith.constant 0 : i32
      %dma_wait3A_50 = tpu.memref_slice %arg6[%arg0, %add3A_29, %dma_wait3A] : memref<2x10112x128xf32, #tpu.memory_space<hbm>> -> memref<1x128x128xf32, #tpu.memory_space<hbm>>
      %dma_wait3A_51 = tpu.memref_squeeze %dma_wait3A_50 : memref<1x128x128xf32, #tpu.memory_space<hbm>> -> memref<128x128xf32, #tpu.memory_space<hbm>>
      %dma_wait3A_52 = arith.constant 0 : i32
      %dma_wait3A_53 = tpu.memref_slice %arg7[%add3A_27, %dma_wait3A_52] : memref<10112x128xf32, #tpu.memory_space<vmem_shared>> -> memref<128x128xf32, #tpu.memory_space<vmem_shared>>
      tpu.wait_dma2 semaphore(%run_scoped3A : memref<!tpu.dma_semaphore, #tpu.memory_space<semaphore_mem>>) src(%dma_wait3A_53 : memref<128x128xf32, #tpu.memory_space<vmem_shared>>) dst(%dma_wait3A_51 : memref<128x128xf32, #tpu.memory_space<hbm>>)
      tpu.yield
    }) : () -> ()
    %add3A_30 = arith.constant 128 : i32
    %add3A_31 = arith.addi %mul3A_7, %add3A_30 : i32
    %add3A_32 = arith.constant 128 : i32
    %add3A_33 = arith.addi %mul3A_7, %add3A_32 : i32
    "tpu.region"() ({
      %run_scoped3A = tpu.sem_alloc : memref<!tpu.dma_semaphore, #tpu.memory_space<semaphore_mem>>
      %dma_start3A = arith.constant 0 : i32
      %dma_start3A_46 = tpu.memref_slice %arg6[%arg0, %add3A_33, %dma_start3A] : memref<2x10112x128xf32, #tpu.memory_space<hbm>> -> memref<1x128x128xf32, #tpu.memory_space<hbm>>
      %dma_start3A_47 = tpu.memref_squeeze %dma_start3A_46 : memref<1x128x128xf32, #tpu.memory_space<hbm>> -> memref<128x128xf32, #tpu.memory_space<hbm>>
      %dma_start3A_48 = arith.constant 0 : i32
      %dma_start3A_49 = tpu.memref_slice %arg7[%add3A_31, %dma_start3A_48] : memref<10112x128xf32, #tpu.memory_space<vmem_shared>> -> memref<128x128xf32, #tpu.memory_space<vmem_shared>>
      tpu.enqueue_dma source(%dma_start3A_49 : memref<128x128xf32, #tpu.memory_space<vmem_shared>>) target(%dma_start3A_47 : memref<128x128xf32, #tpu.memory_space<hbm>>) target_semaphore(%run_scoped3A : memref<!tpu.dma_semaphore, #tpu.memory_space<semaphore_mem>>)
      %dma_wait3A = arith.constant 0 : i32
      %dma_wait3A_50 = tpu.memref_slice %arg6[%arg0, %add3A_33, %dma_wait3A] : memref<2x10112x128xf32, #tpu.memory_space<hbm>> -> memref<1x128x128xf32, #tpu.memory_space<hbm>>
      %dma_wait3A_51 = tpu.memref_squeeze %dma_wait3A_50 : memref<1x128x128xf32, #tpu.memory_space<hbm>> -> memref<128x128xf32, #tpu.memory_space<hbm>>
      %dma_wait3A_52 = arith.constant 0 : i32
      %dma_wait3A_53 = tpu.memref_slice %arg7[%add3A_31, %dma_wait3A_52] : memref<10112x128xf32, #tpu.memory_space<vmem_shared>> -> memref<128x128xf32, #tpu.memory_space<vmem_shared>>
      tpu.wait_dma2 semaphore(%run_scoped3A : memref<!tpu.dma_semaphore, #tpu.memory_space<semaphore_mem>>) src(%dma_wait3A_53 : memref<128x128xf32, #tpu.memory_space<vmem_shared>>) dst(%dma_wait3A_51 : memref<128x128xf32, #tpu.memory_space<hbm>>)
      tpu.yield
    }) : () -> ()
    %add3A_34 = arith.constant 256 : i32
    %add3A_35 = arith.addi %mul3A_7, %add3A_34 : i32
    %add3A_36 = arith.constant 256 : i32
    %add3A_37 = arith.addi %mul3A_7, %add3A_36 : i32
    "tpu.region"() ({
      %run_scoped3A = tpu.sem_alloc : memref<!tpu.dma_semaphore, #tpu.memory_space<semaphore_mem>>
      %dma_start3A = arith.constant 0 : i32
      %dma_start3A_46 = tpu.memref_slice %arg6[%arg0, %add3A_37, %dma_start3A] : memref<2x10112x128xf32, #tpu.memory_space<hbm>> -> memref<1x128x128xf32, #tpu.memory_space<hbm>>
      %dma_start3A_47 = tpu.memref_squeeze %dma_start3A_46 : memref<1x128x128xf32, #tpu.memory_space<hbm>> -> memref<128x128xf32, #tpu.memory_space<hbm>>
      %dma_start3A_48 = arith.constant 0 : i32
      %dma_start3A_49 = tpu.memref_slice %arg7[%add3A_35, %dma_start3A_48] : memref<10112x128xf32, #tpu.memory_space<vmem_shared>> -> memref<128x128xf32, #tpu.memory_space<vmem_shared>>
      tpu.enqueue_dma source(%dma_start3A_49 : memref<128x128xf32, #tpu.memory_space<vmem_shared>>) target(%dma_start3A_47 : memref<128x128xf32, #tpu.memory_space<hbm>>) target_semaphore(%run_scoped3A : memref<!tpu.dma_semaphore, #tpu.memory_space<semaphore_mem>>)
      %dma_wait3A = arith.constant 0 : i32
      %dma_wait3A_50 = tpu.memref_slice %arg6[%arg0, %add3A_37, %dma_wait3A] : memref<2x10112x128xf32, #tpu.memory_space<hbm>> -> memref<1x128x128xf32, #tpu.memory_space<hbm>>
      %dma_wait3A_51 = tpu.memref_squeeze %dma_wait3A_50 : memref<1x128x128xf32, #tpu.memory_space<hbm>> -> memref<128x128xf32, #tpu.memory_space<hbm>>
      %dma_wait3A_52 = arith.constant 0 : i32
      %dma_wait3A_53 = tpu.memref_slice %arg7[%add3A_35, %dma_wait3A_52] : memref<10112x128xf32, #tpu.memory_space<vmem_shared>> -> memref<128x128xf32, #tpu.memory_space<vmem_shared>>
      tpu.wait_dma2 semaphore(%run_scoped3A : memref<!tpu.dma_semaphore, #tpu.memory_space<semaphore_mem>>) src(%dma_wait3A_53 : memref<128x128xf32, #tpu.memory_space<vmem_shared>>) dst(%dma_wait3A_51 : memref<128x128xf32, #tpu.memory_space<hbm>>)
      tpu.yield
    }) : () -> ()
    %add3A_38 = arith.constant 384 : i32
    %add3A_39 = arith.addi %mul3A_7, %add3A_38 : i32
    %add3A_40 = arith.constant 384 : i32
    %add3A_41 = arith.addi %mul3A_7, %add3A_40 : i32
    "tpu.region"() ({
      %run_scoped3A = tpu.sem_alloc : memref<!tpu.dma_semaphore, #tpu.memory_space<semaphore_mem>>
      %dma_start3A = arith.constant 0 : i32
      %dma_start3A_46 = tpu.memref_slice %arg6[%arg0, %add3A_41, %dma_start3A] : memref<2x10112x128xf32, #tpu.memory_space<hbm>> -> memref<1x128x128xf32, #tpu.memory_space<hbm>>
      %dma_start3A_47 = tpu.memref_squeeze %dma_start3A_46 : memref<1x128x128xf32, #tpu.memory_space<hbm>> -> memref<128x128xf32, #tpu.memory_space<hbm>>
      %dma_start3A_48 = arith.constant 0 : i32
      %dma_start3A_49 = tpu.memref_slice %arg7[%add3A_39, %dma_start3A_48] : memref<10112x128xf32, #tpu.memory_space<vmem_shared>> -> memref<128x128xf32, #tpu.memory_space<vmem_shared>>
      tpu.enqueue_dma source(%dma_start3A_49 : memref<128x128xf32, #tpu.memory_space<vmem_shared>>) target(%dma_start3A_47 : memref<128x128xf32, #tpu.memory_space<hbm>>) target_semaphore(%run_scoped3A : memref<!tpu.dma_semaphore, #tpu.memory_space<semaphore_mem>>)
      %dma_wait3A = arith.constant 0 : i32
      %dma_wait3A_50 = tpu.memref_slice %arg6[%arg0, %add3A_41, %dma_wait3A] : memref<2x10112x128xf32, #tpu.memory_space<hbm>> -> memref<1x128x128xf32, #tpu.memory_space<hbm>>
      %dma_wait3A_51 = tpu.memref_squeeze %dma_wait3A_50 : memref<1x128x128xf32, #tpu.memory_space<hbm>> -> memref<128x128xf32, #tpu.memory_space<hbm>>
      %dma_wait3A_52 = arith.constant 0 : i32
      %dma_wait3A_53 = tpu.memref_slice %arg7[%add3A_39, %dma_wait3A_52] : memref<10112x128xf32, #tpu.memory_space<vmem_shared>> -> memref<128x128xf32, #tpu.memory_space<vmem_shared>>
      tpu.wait_dma2 semaphore(%run_scoped3A : memref<!tpu.dma_semaphore, #tpu.memory_space<semaphore_mem>>) src(%dma_wait3A_53 : memref<128x128xf32, #tpu.memory_space<vmem_shared>>) dst(%dma_wait3A_51 : memref<128x128xf32, #tpu.memory_space<hbm>>)
      tpu.yield
    }) : () -> ()
    %add3A_42 = arith.constant 512 : i32
    %add3A_43 = arith.addi %mul3A_7, %add3A_42 : i32
    %add3A_44 = arith.constant 512 : i32
    %add3A_45 = arith.addi %mul3A_7, %add3A_44 : i32
    "tpu.region"() ({
      %run_scoped3A = tpu.sem_alloc : memref<!tpu.dma_semaphore, #tpu.memory_space<semaphore_mem>>
      %dma_start3A = arith.constant 0 : i32
      %dma_start3A_46 = tpu.memref_slice %arg6[%arg0, %add3A_45, %dma_start3A] : memref<2x10112x128xf32, #tpu.memory_space<hbm>> -> memref<1x120x128xf32, #tpu.memory_space<hbm>>
      %dma_start3A_47 = tpu.memref_squeeze %dma_start3A_46 : memref<1x120x128xf32, #tpu.memory_space<hbm>> -> memref<120x128xf32, #tpu.memory_space<hbm>>
      %dma_start3A_48 = arith.constant 0 : i32
      %dma_start3A_49 = tpu.memref_slice %arg7[%add3A_43, %dma_start3A_48] : memref<10112x128xf32, #tpu.memory_space<vmem_shared>> -> memref<120x128xf32, #tpu.memory_space<vmem_shared>>
      tpu.enqueue_dma source(%dma_start3A_49 : memref<120x128xf32, #tpu.memory_space<vmem_shared>>) target(%dma_start3A_47 : memref<120x128xf32, #tpu.memory_space<hbm>>) target_semaphore(%run_scoped3A : memref<!tpu.dma_semaphore, #tpu.memory_space<semaphore_mem>>)
      %dma_wait3A = arith.constant 0 : i32
      %dma_wait3A_50 = tpu.memref_slice %arg6[%arg0, %add3A_45, %dma_wait3A] : memref<2x10112x128xf32, #tpu.memory_space<hbm>> -> memref<1x120x128xf32, #tpu.memory_space<hbm>>
      %dma_wait3A_51 = tpu.memref_squeeze %dma_wait3A_50 : memref<1x120x128xf32, #tpu.memory_space<hbm>> -> memref<120x128xf32, #tpu.memory_space<hbm>>
      %dma_wait3A_52 = arith.constant 0 : i32
      %dma_wait3A_53 = tpu.memref_slice %arg7[%add3A_43, %dma_wait3A_52] : memref<10112x128xf32, #tpu.memory_space<vmem_shared>> -> memref<120x128xf32, #tpu.memory_space<vmem_shared>>
      tpu.wait_dma2 semaphore(%run_scoped3A : memref<!tpu.dma_semaphore, #tpu.memory_space<semaphore_mem>>) src(%dma_wait3A_53 : memref<120x128xf32, #tpu.memory_space<vmem_shared>>) dst(%dma_wait3A_51 : memref<120x128xf32, #tpu.memory_space<hbm>>)
      tpu.yield
    }) : () -> ()
    return
  }
}

#map = affine_map<(d0, d1) -> (0)>
#map1 = affine_map<(d0, d1) -> (0, 0)>
#map2 = affine_map<(d0, d1) -> (0, 0, 0)>
module attributes {stable_mosaic.version = 14 : i64} {
  func.func @sc_den(%arg0: i32, %arg1: i32, %arg2: memref<323584xi32, #tpu.memory_space<hbm>>, %arg3: memref<323584xi32, #tpu.memory_space<hbm>>, %arg4: memref<10000x16xf32, #tpu.memory_space<hbm>>, %arg5: memref<2x10112x16xf32, #tpu.memory_space<hbm>>, %arg6: memref<40448x128xf32, #tpu.memory_space<hbm>>, %arg7: memref<10112x16xf32, #tpu.memory_space<vmem_shared>>, %arg8: memref<10112x16xf32, #tpu.memory_space<vmem_shared>>, %arg9: memref<1x128xi32, #tpu.memory_space<vmem>>, %arg10: memref<1x128xi32, #tpu.memory_space<vmem>>, %arg11: memref<128x16xf32, #tpu.memory_space<vmem>>, %arg12: memref<128x16xf32, #tpu.memory_space<vmem>>, %arg13: memref<128x16xf32, #tpu.memory_space<vmem>>, %arg14: memref<16x128xf32, #tpu.memory_space<vmem>>, %arg15: memref<!tpu.dma_semaphore, #tpu.memory_space<semaphore_mem>>, %arg16: memref<!tpu.dma_semaphore, #tpu.memory_space<semaphore_mem>>) attributes {dimension_semantics = [#tpu.dimension_semantics<core_parallel>, #tpu.dimension_semantics<subcore_parallel>], iteration_bounds = array<i64: 2, 16>, scalar_prefetch = 0 : i64, scratch_operands = 10 : i64, tpu.core_type = #tpu.core_type<sc_vector_subcore>, window_params = [{transform_indices = #map}, {transform_indices = #map}, {transform_indices = #map1}, {transform_indices = #map2}, {transform_indices = #map1}]} {
    %mul3A = arith.constant 16 : i32
    %mul3A_0 = arith.muli %arg0, %mul3A : i32
    %add3A = arith.addi %mul3A_0, %arg1 : i32
    %broadcast_in_dim3A = arith.constant 0.000000e+00 : f32
    %broadcast_in_dim3A_1 = vector.broadcast %broadcast_in_dim3A : f32 to vector<16xf32>
    %scan3A = arith.constant 0 : i32
    %scan3A_2 = arith.constant 128 : i32
    %scan3A_3 = arith.addi %scan3A, %scan3A_2 : i32
    %scan3A_4 = arith.constant 1 : i32
    scf.for %scan3A_63 = %scan3A to %scan3A_3 step %scan3A_4  : i32 {
      %mul3A_64 = arith.constant 1 : i32
      %mul3A_65 = arith.muli %scan3A_63, %mul3A_64 : i32
      %add3A_66 = arith.constant 0 : i32
      %add3A_67 = arith.addi %add3A_66, %mul3A_65 : i32
      %swap3A = arith.index_cast %add3A_67 : i32 to index
      %swap3A_68 = arith.constant 0 : index
      %swap3A_69 = tpu.vector_load %arg13[%swap3A, %swap3A_68] {strides = array<i32>} : memref<128x16xf32, #tpu.memory_space<vmem>>, vector<1x16xf32>,
      %swap3A_70 = vector.shape_cast %swap3A_69 : vector<1x16xf32> to vector<16xf32>
      %swap3A_71 = vector.shape_cast %broadcast_in_dim3A_1 : vector<16xf32> to vector<1x16xf32>
      tpu.vector_store %arg13[%swap3A, %swap3A_68], %swap3A_71 {strides = array<i32>} : memref<128x16xf32, #tpu.memory_space<vmem>>, vector<1x16xf32>,
    }
    %scan3A_5 = arith.constant 128 : i32
    %lt3A = arith.constant 15 : i32
    %lt3A_6 = arith.cmpi slt, %arg1, %lt3A : i32
    %convert_element_type3A = arith.extui %lt3A_6 : i1 to i32
    %cond3A = arith.constant 0 : i32
    %cond3A_7 = arith.cmpi ne, %convert_element_type3A, %cond3A : i32
    scf.if %cond3A_7 {
      %mul3A_63 = arith.constant 624 : i32
      %mul3A_64 = arith.muli %arg1, %mul3A_63 : i32
      %mul3A_65 = arith.constant 624 : i32
      %mul3A_66 = arith.muli %arg1, %mul3A_65 : i32
      "tpu.region"() ({
        %run_scoped3A = tpu.sem_alloc : memref<!tpu.dma_semaphore, #tpu.memory_space<semaphore_mem>>
        %dma_start3A = arith.constant 0 : i32
        %dma_start3A_67 = tpu.memref_slice %arg8[%mul3A_66, %dma_start3A] : memref<10112x16xf32, #tpu.memory_space<vmem_shared>> -> memref<624x16xf32, #tpu.memory_space<vmem_shared>>
        %dma_start3A_68 = arith.constant 0 : i32
        %dma_start3A_69 = tpu.memref_slice %arg4[%mul3A_64, %dma_start3A_68] : memref<10000x16xf32, #tpu.memory_space<hbm>> -> memref<624x16xf32, #tpu.memory_space<hbm>>
        tpu.enqueue_dma source(%dma_start3A_69 : memref<624x16xf32, #tpu.memory_space<hbm>>) target(%dma_start3A_67 : memref<624x16xf32, #tpu.memory_space<vmem_shared>>) target_semaphore(%run_scoped3A : memref<!tpu.dma_semaphore, #tpu.memory_space<semaphore_mem>>)
        %dma_wait3A = arith.constant 0 : i32
        %dma_wait3A_70 = tpu.memref_slice %arg8[%mul3A_66, %dma_wait3A] : memref<10112x16xf32, #tpu.memory_space<vmem_shared>> -> memref<624x16xf32, #tpu.memory_space<vmem_shared>>
        %dma_wait3A_71 = arith.constant 0 : i32
        %dma_wait3A_72 = tpu.memref_slice %arg4[%mul3A_64, %dma_wait3A_71] : memref<10000x16xf32, #tpu.memory_space<hbm>> -> memref<624x16xf32, #tpu.memory_space<hbm>>
        tpu.wait_dma2 semaphore(%run_scoped3A : memref<!tpu.dma_semaphore, #tpu.memory_space<semaphore_mem>>) src(%dma_wait3A_72 : memref<624x16xf32, #tpu.memory_space<hbm>>) dst(%dma_wait3A_70 : memref<624x16xf32, #tpu.memory_space<vmem_shared>>)
        tpu.yield
      }) : () -> ()
    } else {
    }
    %eq3A = arith.constant 15 : i32
    %eq3A_8 = arith.cmpi eq, %arg1, %eq3A : i32
    %convert_element_type3A_9 = arith.extui %eq3A_8 : i1 to i32
    %cond3A_10 = arith.constant 0 : i32
    %cond3A_11 = arith.cmpi ne, %convert_element_type3A_9, %cond3A_10 : i32
    scf.if %cond3A_11 {
      "tpu.region"() ({
        %run_scoped3A = tpu.sem_alloc : memref<!tpu.dma_semaphore, #tpu.memory_space<semaphore_mem>>
        %dma_start3A = arith.constant 9360 : i32
        %dma_start3A_63 = arith.constant 0 : i32
        %dma_start3A_64 = tpu.memref_slice %arg8[%dma_start3A, %dma_start3A_63] : memref<10112x16xf32, #tpu.memory_space<vmem_shared>> -> memref<640x16xf32, #tpu.memory_space<vmem_shared>>
        %dma_start3A_65 = arith.constant 9360 : i32
        %dma_start3A_66 = arith.constant 0 : i32
        %dma_start3A_67 = tpu.memref_slice %arg4[%dma_start3A_65, %dma_start3A_66] : memref<10000x16xf32, #tpu.memory_space<hbm>> -> memref<640x16xf32, #tpu.memory_space<hbm>>
        tpu.enqueue_dma source(%dma_start3A_67 : memref<640x16xf32, #tpu.memory_space<hbm>>) target(%dma_start3A_64 : memref<640x16xf32, #tpu.memory_space<vmem_shared>>) target_semaphore(%run_scoped3A : memref<!tpu.dma_semaphore, #tpu.memory_space<semaphore_mem>>)
        %dma_wait3A = arith.constant 9360 : i32
        %dma_wait3A_68 = arith.constant 0 : i32
        %dma_wait3A_69 = tpu.memref_slice %arg8[%dma_wait3A, %dma_wait3A_68] : memref<10112x16xf32, #tpu.memory_space<vmem_shared>> -> memref<640x16xf32, #tpu.memory_space<vmem_shared>>
        %dma_wait3A_70 = arith.constant 9360 : i32
        %dma_wait3A_71 = arith.constant 0 : i32
        %dma_wait3A_72 = tpu.memref_slice %arg4[%dma_wait3A_70, %dma_wait3A_71] : memref<10000x16xf32, #tpu.memory_space<hbm>> -> memref<640x16xf32, #tpu.memory_space<hbm>>
        tpu.wait_dma2 semaphore(%run_scoped3A : memref<!tpu.dma_semaphore, #tpu.memory_space<semaphore_mem>>) src(%dma_wait3A_72 : memref<640x16xf32, #tpu.memory_space<hbm>>) dst(%dma_wait3A_69 : memref<640x16xf32, #tpu.memory_space<vmem_shared>>)
        tpu.yield
      }) : () -> ()
    } else {
    }
    %eq3A_12 = arith.constant 0 : i32
    %eq3A_13 = arith.cmpi eq, %arg1, %eq3A_12 : i32
    %convert_element_type3A_14 = arith.extui %eq3A_13 : i1 to i32
    %cond3A_15 = arith.constant 0 : i32
    %cond3A_16 = arith.cmpi ne, %convert_element_type3A_14, %cond3A_15 : i32
    scf.if %cond3A_16 {
      "tpu.region"() ({
        %run_scoped3A = tpu.sem_alloc : memref<!tpu.dma_semaphore, #tpu.memory_space<semaphore_mem>>
        %dma_start3A = arith.constant 0 : i32
        %dma_start3A_63 = arith.constant 0 : i32
        %dma_start3A_64 = tpu.memref_slice %arg13[%dma_start3A, %dma_start3A_63] : memref<128x16xf32, #tpu.memory_space<vmem>> -> memref<112x16xf32, #tpu.memory_space<vmem>>
        %dma_start3A_65 = arith.constant 10000 : i32
        %dma_start3A_66 = arith.constant 0 : i32
        %dma_start3A_67 = tpu.memref_slice %arg8[%dma_start3A_65, %dma_start3A_66] : memref<10112x16xf32, #tpu.memory_space<vmem_shared>> -> memref<112x16xf32, #tpu.memory_space<vmem_shared>>
        %dma_start3A_68 = arith.constant 10000 : i32
        %dma_start3A_69 = arith.constant 0 : i32
        %dma_start3A_70 = tpu.memref_slice %arg8[%dma_start3A_68, %dma_start3A_69] : memref<10112x16xf32, #tpu.memory_space<vmem_shared>> -> memref<112x16xf32, #tpu.memory_space<vmem_shared>>
        %dma_start3A_71 = arith.constant 0 : i32
        %dma_start3A_72 = arith.constant 0 : i32
        %dma_start3A_73 = tpu.memref_slice %arg13[%dma_start3A_71, %dma_start3A_72] : memref<128x16xf32, #tpu.memory_space<vmem>> -> memref<112x16xf32, #tpu.memory_space<vmem>>
        tpu.enqueue_dma source(%dma_start3A_73 : memref<112x16xf32, #tpu.memory_space<vmem>>) target(%dma_start3A_70 : memref<112x16xf32, #tpu.memory_space<vmem_shared>>) target_semaphore(%run_scoped3A : memref<!tpu.dma_semaphore, #tpu.memory_space<semaphore_mem>>)
        %dma_wait3A = arith.constant 0 : i32
        %dma_wait3A_74 = arith.constant 0 : i32
        %dma_wait3A_75 = tpu.memref_slice %arg13[%dma_wait3A, %dma_wait3A_74] : memref<128x16xf32, #tpu.memory_space<vmem>> -> memref<112x16xf32, #tpu.memory_space<vmem>>
        %dma_wait3A_76 = arith.constant 10000 : i32
        %dma_wait3A_77 = arith.constant 0 : i32
        %dma_wait3A_78 = tpu.memref_slice %arg8[%dma_wait3A_76, %dma_wait3A_77] : memref<10112x16xf32, #tpu.memory_space<vmem_shared>> -> memref<112x16xf32, #tpu.memory_space<vmem_shared>>
        %dma_wait3A_79 = arith.constant 10000 : i32
        %dma_wait3A_80 = arith.constant 0 : i32
        %dma_wait3A_81 = tpu.memref_slice %arg8[%dma_wait3A_79, %dma_wait3A_80] : memref<10112x16xf32, #tpu.memory_space<vmem_shared>> -> memref<112x16xf32, #tpu.memory_space<vmem_shared>>
        %dma_wait3A_82 = arith.constant 0 : i32
        %dma_wait3A_83 = arith.constant 0 : i32
        %dma_wait3A_84 = tpu.memref_slice %arg13[%dma_wait3A_82, %dma_wait3A_83] : memref<128x16xf32, #tpu.memory_space<vmem>> -> memref<112x16xf32, #tpu.memory_space<vmem>>
        tpu.wait_dma2 semaphore(%run_scoped3A : memref<!tpu.dma_semaphore, #tpu.memory_space<semaphore_mem>>) src(%dma_wait3A_84 : memref<112x16xf32, #tpu.memory_space<vmem>>) dst(%dma_wait3A_81 : memref<112x16xf32, #tpu.memory_space<vmem_shared>>)
        tpu.yield
      }) : () -> ()
    } else {
    }
    %mul3A_17 = arith.constant 632 : i32
    %mul3A_18 = arith.muli %arg1, %mul3A_17 : i32
    %add3A_19 = arith.constant 0 : i32
    %add3A_20 = arith.addi %mul3A_18, %add3A_19 : i32
    "tpu.region"() ({
      %run_scoped3A = tpu.sem_alloc : memref<!tpu.dma_semaphore, #tpu.memory_space<semaphore_mem>>
      %dma_start3A = arith.constant 0 : i32
      %dma_start3A_63 = arith.constant 0 : i32
      %dma_start3A_64 = tpu.memref_slice %arg13[%dma_start3A, %dma_start3A_63] : memref<128x16xf32, #tpu.memory_space<vmem>> -> memref<128x16xf32, #tpu.memory_space<vmem>>
      %dma_start3A_65 = arith.constant 0 : i32
      %dma_start3A_66 = tpu.memref_slice %arg7[%add3A_20, %dma_start3A_65] : memref<10112x16xf32, #tpu.memory_space<vmem_shared>> -> memref<128x16xf32, #tpu.memory_space<vmem_shared>>
      %dma_start3A_67 = arith.constant 0 : i32
      %dma_start3A_68 = tpu.memref_slice %arg7[%add3A_20, %dma_start3A_67] : memref<10112x16xf32, #tpu.memory_space<vmem_shared>> -> memref<128x16xf32, #tpu.memory_space<vmem_shared>>
      %dma_start3A_69 = arith.constant 0 : i32
      %dma_start3A_70 = arith.constant 0 : i32
      %dma_start3A_71 = tpu.memref_slice %arg13[%dma_start3A_69, %dma_start3A_70] : memref<128x16xf32, #tpu.memory_space<vmem>> -> memref<128x16xf32, #tpu.memory_space<vmem>>
      tpu.enqueue_dma source(%dma_start3A_71 : memref<128x16xf32, #tpu.memory_space<vmem>>) target(%dma_start3A_68 : memref<128x16xf32, #tpu.memory_space<vmem_shared>>) target_semaphore(%run_scoped3A : memref<!tpu.dma_semaphore, #tpu.memory_space<semaphore_mem>>)
      %dma_wait3A = arith.constant 0 : i32
      %dma_wait3A_72 = arith.constant 0 : i32
      %dma_wait3A_73 = tpu.memref_slice %arg13[%dma_wait3A, %dma_wait3A_72] : memref<128x16xf32, #tpu.memory_space<vmem>> -> memref<128x16xf32, #tpu.memory_space<vmem>>
      %dma_wait3A_74 = arith.constant 0 : i32
      %dma_wait3A_75 = tpu.memref_slice %arg7[%add3A_20, %dma_wait3A_74] : memref<10112x16xf32, #tpu.memory_space<vmem_shared>> -> memref<128x16xf32, #tpu.memory_space<vmem_shared>>
      %dma_wait3A_76 = arith.constant 0 : i32
      %dma_wait3A_77 = tpu.memref_slice %arg7[%add3A_20, %dma_wait3A_76] : memref<10112x16xf32, #tpu.memory_space<vmem_shared>> -> memref<128x16xf32, #tpu.memory_space<vmem_shared>>
      %dma_wait3A_78 = arith.constant 0 : i32
      %dma_wait3A_79 = arith.constant 0 : i32
      %dma_wait3A_80 = tpu.memref_slice %arg13[%dma_wait3A_78, %dma_wait3A_79] : memref<128x16xf32, #tpu.memory_space<vmem>> -> memref<128x16xf32, #tpu.memory_space<vmem>>
      tpu.wait_dma2 semaphore(%run_scoped3A : memref<!tpu.dma_semaphore, #tpu.memory_space<semaphore_mem>>) src(%dma_wait3A_80 : memref<128x16xf32, #tpu.memory_space<vmem>>) dst(%dma_wait3A_77 : memref<128x16xf32, #tpu.memory_space<vmem_shared>>)
      tpu.yield
    }) : () -> ()
    %add3A_21 = arith.constant 128 : i32
    %add3A_22 = arith.addi %mul3A_18, %add3A_21 : i32
    "tpu.region"() ({
      %run_scoped3A = tpu.sem_alloc : memref<!tpu.dma_semaphore, #tpu.memory_space<semaphore_mem>>
      %dma_start3A = arith.constant 0 : i32
      %dma_start3A_63 = arith.constant 0 : i32
      %dma_start3A_64 = tpu.memref_slice %arg13[%dma_start3A, %dma_start3A_63] : memref<128x16xf32, #tpu.memory_space<vmem>> -> memref<128x16xf32, #tpu.memory_space<vmem>>
      %dma_start3A_65 = arith.constant 0 : i32
      %dma_start3A_66 = tpu.memref_slice %arg7[%add3A_22, %dma_start3A_65] : memref<10112x16xf32, #tpu.memory_space<vmem_shared>> -> memref<128x16xf32, #tpu.memory_space<vmem_shared>>
      %dma_start3A_67 = arith.constant 0 : i32
      %dma_start3A_68 = tpu.memref_slice %arg7[%add3A_22, %dma_start3A_67] : memref<10112x16xf32, #tpu.memory_space<vmem_shared>> -> memref<128x16xf32, #tpu.memory_space<vmem_shared>>
      %dma_start3A_69 = arith.constant 0 : i32
      %dma_start3A_70 = arith.constant 0 : i32
      %dma_start3A_71 = tpu.memref_slice %arg13[%dma_start3A_69, %dma_start3A_70] : memref<128x16xf32, #tpu.memory_space<vmem>> -> memref<128x16xf32, #tpu.memory_space<vmem>>
      tpu.enqueue_dma source(%dma_start3A_71 : memref<128x16xf32, #tpu.memory_space<vmem>>) target(%dma_start3A_68 : memref<128x16xf32, #tpu.memory_space<vmem_shared>>) target_semaphore(%run_scoped3A : memref<!tpu.dma_semaphore, #tpu.memory_space<semaphore_mem>>)
      %dma_wait3A = arith.constant 0 : i32
      %dma_wait3A_72 = arith.constant 0 : i32
      %dma_wait3A_73 = tpu.memref_slice %arg13[%dma_wait3A, %dma_wait3A_72] : memref<128x16xf32, #tpu.memory_space<vmem>> -> memref<128x16xf32, #tpu.memory_space<vmem>>
      %dma_wait3A_74 = arith.constant 0 : i32
      %dma_wait3A_75 = tpu.memref_slice %arg7[%add3A_22, %dma_wait3A_74] : memref<10112x16xf32, #tpu.memory_space<vmem_shared>> -> memref<128x16xf32, #tpu.memory_space<vmem_shared>>
      %dma_wait3A_76 = arith.constant 0 : i32
      %dma_wait3A_77 = tpu.memref_slice %arg7[%add3A_22, %dma_wait3A_76] : memref<10112x16xf32, #tpu.memory_space<vmem_shared>> -> memref<128x16xf32, #tpu.memory_space<vmem_shared>>
      %dma_wait3A_78 = arith.constant 0 : i32
      %dma_wait3A_79 = arith.constant 0 : i32
      %dma_wait3A_80 = tpu.memref_slice %arg13[%dma_wait3A_78, %dma_wait3A_79] : memref<128x16xf32, #tpu.memory_space<vmem>> -> memref<128x16xf32, #tpu.memory_space<vmem>>
      tpu.wait_dma2 semaphore(%run_scoped3A : memref<!tpu.dma_semaphore, #tpu.memory_space<semaphore_mem>>) src(%dma_wait3A_80 : memref<128x16xf32, #tpu.memory_space<vmem>>) dst(%dma_wait3A_77 : memref<128x16xf32, #tpu.memory_space<vmem_shared>>)
      tpu.yield
    }) : () -> ()
    %add3A_23 = arith.constant 256 : i32
    %add3A_24 = arith.addi %mul3A_18, %add3A_23 : i32
    "tpu.region"() ({
      %run_scoped3A = tpu.sem_alloc : memref<!tpu.dma_semaphore, #tpu.memory_space<semaphore_mem>>
      %dma_start3A = arith.constant 0 : i32
      %dma_start3A_63 = arith.constant 0 : i32
      %dma_start3A_64 = tpu.memref_slice %arg13[%dma_start3A, %dma_start3A_63] : memref<128x16xf32, #tpu.memory_space<vmem>> -> memref<128x16xf32, #tpu.memory_space<vmem>>
      %dma_start3A_65 = arith.constant 0 : i32
      %dma_start3A_66 = tpu.memref_slice %arg7[%add3A_24, %dma_start3A_65] : memref<10112x16xf32, #tpu.memory_space<vmem_shared>> -> memref<128x16xf32, #tpu.memory_space<vmem_shared>>
      %dma_start3A_67 = arith.constant 0 : i32
      %dma_start3A_68 = tpu.memref_slice %arg7[%add3A_24, %dma_start3A_67] : memref<10112x16xf32, #tpu.memory_space<vmem_shared>> -> memref<128x16xf32, #tpu.memory_space<vmem_shared>>
      %dma_start3A_69 = arith.constant 0 : i32
      %dma_start3A_70 = arith.constant 0 : i32
      %dma_start3A_71 = tpu.memref_slice %arg13[%dma_start3A_69, %dma_start3A_70] : memref<128x16xf32, #tpu.memory_space<vmem>> -> memref<128x16xf32, #tpu.memory_space<vmem>>
      tpu.enqueue_dma source(%dma_start3A_71 : memref<128x16xf32, #tpu.memory_space<vmem>>) target(%dma_start3A_68 : memref<128x16xf32, #tpu.memory_space<vmem_shared>>) target_semaphore(%run_scoped3A : memref<!tpu.dma_semaphore, #tpu.memory_space<semaphore_mem>>)
      %dma_wait3A = arith.constant 0 : i32
      %dma_wait3A_72 = arith.constant 0 : i32
      %dma_wait3A_73 = tpu.memref_slice %arg13[%dma_wait3A, %dma_wait3A_72] : memref<128x16xf32, #tpu.memory_space<vmem>> -> memref<128x16xf32, #tpu.memory_space<vmem>>
      %dma_wait3A_74 = arith.constant 0 : i32
      %dma_wait3A_75 = tpu.memref_slice %arg7[%add3A_24, %dma_wait3A_74] : memref<10112x16xf32, #tpu.memory_space<vmem_shared>> -> memref<128x16xf32, #tpu.memory_space<vmem_shared>>
      %dma_wait3A_76 = arith.constant 0 : i32
      %dma_wait3A_77 = tpu.memref_slice %arg7[%add3A_24, %dma_wait3A_76] : memref<10112x16xf32, #tpu.memory_space<vmem_shared>> -> memref<128x16xf32, #tpu.memory_space<vmem_shared>>
      %dma_wait3A_78 = arith.constant 0 : i32
      %dma_wait3A_79 = arith.constant 0 : i32
      %dma_wait3A_80 = tpu.memref_slice %arg13[%dma_wait3A_78, %dma_wait3A_79] : memref<128x16xf32, #tpu.memory_space<vmem>> -> memref<128x16xf32, #tpu.memory_space<vmem>>
      tpu.wait_dma2 semaphore(%run_scoped3A : memref<!tpu.dma_semaphore, #tpu.memory_space<semaphore_mem>>) src(%dma_wait3A_80 : memref<128x16xf32, #tpu.memory_space<vmem>>) dst(%dma_wait3A_77 : memref<128x16xf32, #tpu.memory_space<vmem_shared>>)
      tpu.yield
    }) : () -> ()
    %add3A_25 = arith.constant 384 : i32
    %add3A_26 = arith.addi %mul3A_18, %add3A_25 : i32
    "tpu.region"() ({
      %run_scoped3A = tpu.sem_alloc : memref<!tpu.dma_semaphore, #tpu.memory_space<semaphore_mem>>
      %dma_start3A = arith.constant 0 : i32
      %dma_start3A_63 = arith.constant 0 : i32
      %dma_start3A_64 = tpu.memref_slice %arg13[%dma_start3A, %dma_start3A_63] : memref<128x16xf32, #tpu.memory_space<vmem>> -> memref<128x16xf32, #tpu.memory_space<vmem>>
      %dma_start3A_65 = arith.constant 0 : i32
      %dma_start3A_66 = tpu.memref_slice %arg7[%add3A_26, %dma_start3A_65] : memref<10112x16xf32, #tpu.memory_space<vmem_shared>> -> memref<128x16xf32, #tpu.memory_space<vmem_shared>>
      %dma_start3A_67 = arith.constant 0 : i32
      %dma_start3A_68 = tpu.memref_slice %arg7[%add3A_26, %dma_start3A_67] : memref<10112x16xf32, #tpu.memory_space<vmem_shared>> -> memref<128x16xf32, #tpu.memory_space<vmem_shared>>
      %dma_start3A_69 = arith.constant 0 : i32
      %dma_start3A_70 = arith.constant 0 : i32
      %dma_start3A_71 = tpu.memref_slice %arg13[%dma_start3A_69, %dma_start3A_70] : memref<128x16xf32, #tpu.memory_space<vmem>> -> memref<128x16xf32, #tpu.memory_space<vmem>>
      tpu.enqueue_dma source(%dma_start3A_71 : memref<128x16xf32, #tpu.memory_space<vmem>>) target(%dma_start3A_68 : memref<128x16xf32, #tpu.memory_space<vmem_shared>>) target_semaphore(%run_scoped3A : memref<!tpu.dma_semaphore, #tpu.memory_space<semaphore_mem>>)
      %dma_wait3A = arith.constant 0 : i32
      %dma_wait3A_72 = arith.constant 0 : i32
      %dma_wait3A_73 = tpu.memref_slice %arg13[%dma_wait3A, %dma_wait3A_72] : memref<128x16xf32, #tpu.memory_space<vmem>> -> memref<128x16xf32, #tpu.memory_space<vmem>>
      %dma_wait3A_74 = arith.constant 0 : i32
      %dma_wait3A_75 = tpu.memref_slice %arg7[%add3A_26, %dma_wait3A_74] : memref<10112x16xf32, #tpu.memory_space<vmem_shared>> -> memref<128x16xf32, #tpu.memory_space<vmem_shared>>
      %dma_wait3A_76 = arith.constant 0 : i32
      %dma_wait3A_77 = tpu.memref_slice %arg7[%add3A_26, %dma_wait3A_76] : memref<10112x16xf32, #tpu.memory_space<vmem_shared>> -> memref<128x16xf32, #tpu.memory_space<vmem_shared>>
      %dma_wait3A_78 = arith.constant 0 : i32
      %dma_wait3A_79 = arith.constant 0 : i32
      %dma_wait3A_80 = tpu.memref_slice %arg13[%dma_wait3A_78, %dma_wait3A_79] : memref<128x16xf32, #tpu.memory_space<vmem>> -> memref<128x16xf32, #tpu.memory_space<vmem>>
      tpu.wait_dma2 semaphore(%run_scoped3A : memref<!tpu.dma_semaphore, #tpu.memory_space<semaphore_mem>>) src(%dma_wait3A_80 : memref<128x16xf32, #tpu.memory_space<vmem>>) dst(%dma_wait3A_77 : memref<128x16xf32, #tpu.memory_space<vmem_shared>>)
      tpu.yield
    }) : () -> ()
    %add3A_27 = arith.constant 512 : i32
    %add3A_28 = arith.addi %mul3A_18, %add3A_27 : i32
    "tpu.region"() ({
      %run_scoped3A = tpu.sem_alloc : memref<!tpu.dma_semaphore, #tpu.memory_space<semaphore_mem>>
      %dma_start3A = arith.constant 0 : i32
      %dma_start3A_63 = arith.constant 0 : i32
      %dma_start3A_64 = tpu.memref_slice %arg13[%dma_start3A, %dma_start3A_63] : memref<128x16xf32, #tpu.memory_space<vmem>> -> memref<120x16xf32, #tpu.memory_space<vmem>>
      %dma_start3A_65 = arith.constant 0 : i32
      %dma_start3A_66 = tpu.memref_slice %arg7[%add3A_28, %dma_start3A_65] : memref<10112x16xf32, #tpu.memory_space<vmem_shared>> -> memref<120x16xf32, #tpu.memory_space<vmem_shared>>
      %dma_start3A_67 = arith.constant 0 : i32
      %dma_start3A_68 = tpu.memref_slice %arg7[%add3A_28, %dma_start3A_67] : memref<10112x16xf32, #tpu.memory_space<vmem_shared>> -> memref<120x16xf32, #tpu.memory_space<vmem_shared>>
      %dma_start3A_69 = arith.constant 0 : i32
      %dma_start3A_70 = arith.constant 0 : i32
      %dma_start3A_71 = tpu.memref_slice %arg13[%dma_start3A_69, %dma_start3A_70] : memref<128x16xf32, #tpu.memory_space<vmem>> -> memref<120x16xf32, #tpu.memory_space<vmem>>
      tpu.enqueue_dma source(%dma_start3A_71 : memref<120x16xf32, #tpu.memory_space<vmem>>) target(%dma_start3A_68 : memref<120x16xf32, #tpu.memory_space<vmem_shared>>) target_semaphore(%run_scoped3A : memref<!tpu.dma_semaphore, #tpu.memory_space<semaphore_mem>>)
      %dma_wait3A = arith.constant 0 : i32
      %dma_wait3A_72 = arith.constant 0 : i32
      %dma_wait3A_73 = tpu.memref_slice %arg13[%dma_wait3A, %dma_wait3A_72] : memref<128x16xf32, #tpu.memory_space<vmem>> -> memref<120x16xf32, #tpu.memory_space<vmem>>
      %dma_wait3A_74 = arith.constant 0 : i32
      %dma_wait3A_75 = tpu.memref_slice %arg7[%add3A_28, %dma_wait3A_74] : memref<10112x16xf32, #tpu.memory_space<vmem_shared>> -> memref<120x16xf32, #tpu.memory_space<vmem_shared>>
      %dma_wait3A_76 = arith.constant 0 : i32
      %dma_wait3A_77 = tpu.memref_slice %arg7[%add3A_28, %dma_wait3A_76] : memref<10112x16xf32, #tpu.memory_space<vmem_shared>> -> memref<120x16xf32, #tpu.memory_space<vmem_shared>>
      %dma_wait3A_78 = arith.constant 0 : i32
      %dma_wait3A_79 = arith.constant 0 : i32
      %dma_wait3A_80 = tpu.memref_slice %arg13[%dma_wait3A_78, %dma_wait3A_79] : memref<128x16xf32, #tpu.memory_space<vmem>> -> memref<120x16xf32, #tpu.memory_space<vmem>>
      tpu.wait_dma2 semaphore(%run_scoped3A : memref<!tpu.dma_semaphore, #tpu.memory_space<semaphore_mem>>) src(%dma_wait3A_80 : memref<120x16xf32, #tpu.memory_space<vmem>>) dst(%dma_wait3A_77 : memref<120x16xf32, #tpu.memory_space<vmem_shared>>)
      tpu.yield
    }) : () -> ()
    %barrier3A = arith.constant 0 : index
    tpu.barrier barrier_id(%barrier3A)
    %iota3A = tpu.iota {dimensions = array<i32: 0>} : vector<16xi32>
    %lt3A_29 = arith.constant 8 : i32
    %lt3A_30 = vector.broadcast %lt3A_29 : i32 to vector<16xi32>
    %lt3A_31 = arith.cmpi slt, %iota3A, %lt3A_30 : vector<16xi32>
    %xor3A = arith.constant 8 : i32
    %xor3A_32 = vector.broadcast %xor3A : i32 to vector<16xi32>
    %xor3A_33 = arith.xori %iota3A, %xor3A_32 : vector<16xi32>
    %broadcast_in_dim3A_34 = vector.shape_cast %xor3A_33 : vector<16xi32> to vector<16x1xi32>
    %mul3A_35 = arith.constant 10112 : i32
    %mul3A_36 = arith.muli %add3A, %mul3A_35 : i32
    %scan3A_37 = arith.constant 0 : i32
    %scan3A_38 = arith.constant 79 : i32
    %scan3A_39 = arith.addi %scan3A_37, %scan3A_38 : i32
    %scan3A_40 = arith.constant 1 : i32
    scf.for %scan3A_63 = %scan3A_37 to %scan3A_39 step %scan3A_40  : i32 {
      %mul3A_64 = arith.constant 1 : i32
      %mul3A_65 = arith.muli %scan3A_63, %mul3A_64 : i32
      %add3A_66 = arith.constant 0 : i32
      %add3A_67 = arith.addi %add3A_66, %mul3A_65 : i32
      %mul3A_68 = arith.constant 128 : i32
      %mul3A_69 = arith.muli %add3A_67, %mul3A_68 : i32
      %add3A_70 = arith.addi %mul3A_36, %mul3A_69 : i32
      %run_scoped3A = arith.constant 0 : i32
      "tpu.region"() ({
        %run_scoped3A_120 = tpu.sem_alloc : memref<!tpu.dma_semaphore, #tpu.memory_space<semaphore_mem>>
        %dma_start3A_121 = arith.constant 0 : i32
        %dma_start3A_122 = tpu.memref_slice %arg9[%run_scoped3A, %dma_start3A_121] : memref<1x128xi32, #tpu.memory_space<vmem>> -> memref<1x128xi32, #tpu.memory_space<vmem>>
        %dma_start3A_123 = tpu.memref_squeeze %dma_start3A_122 : memref<1x128xi32, #tpu.memory_space<vmem>> -> memref<128xi32, #tpu.memory_space<vmem>>
        %dma_start3A_124 = tpu.memref_slice %arg2[%add3A_70] : memref<323584xi32, #tpu.memory_space<hbm>> -> memref<128xi32, #tpu.memory_space<hbm>>
        %dma_start3A_125 = arith.constant 0 : i32
        %dma_start3A_126 = tpu.memref_slice %arg9[%run_scoped3A, %dma_start3A_125] : memref<1x128xi32, #tpu.memory_space<vmem>> -> memref<1x128xi32, #tpu.memory_space<vmem>>
        %dma_start3A_127 = tpu.memref_squeeze %dma_start3A_126 : memref<1x128xi32, #tpu.memory_space<vmem>> -> memref<128xi32, #tpu.memory_space<vmem>>
        %dma_start3A_128 = tpu.memref_slice %arg2[%add3A_70] : memref<323584xi32, #tpu.memory_space<hbm>> -> memref<128xi32, #tpu.memory_space<hbm>>
        tpu.enqueue_dma source(%dma_start3A_128 : memref<128xi32, #tpu.memory_space<hbm>>) target(%dma_start3A_127 : memref<128xi32, #tpu.memory_space<vmem>>) target_semaphore(%run_scoped3A_120 : memref<!tpu.dma_semaphore, #tpu.memory_space<semaphore_mem>>)
        %dma_wait3A_129 = arith.constant 0 : i32
        %dma_wait3A_130 = tpu.memref_slice %arg9[%run_scoped3A, %dma_wait3A_129] : memref<1x128xi32, #tpu.memory_space<vmem>> -> memref<1x128xi32, #tpu.memory_space<vmem>>
        %dma_wait3A_131 = tpu.memref_squeeze %dma_wait3A_130 : memref<1x128xi32, #tpu.memory_space<vmem>> -> memref<128xi32, #tpu.memory_space<vmem>>
        %dma_wait3A_132 = tpu.memref_slice %arg2[%add3A_70] : memref<323584xi32, #tpu.memory_space<hbm>> -> memref<128xi32, #tpu.memory_space<hbm>>
        %dma_wait3A_133 = arith.constant 0 : i32
        %dma_wait3A_134 = tpu.memref_slice %arg9[%run_scoped3A, %dma_wait3A_133] : memref<1x128xi32, #tpu.memory_space<vmem>> -> memref<1x128xi32, #tpu.memory_space<vmem>>
        %dma_wait3A_135 = tpu.memref_squeeze %dma_wait3A_134 : memref<1x128xi32, #tpu.memory_space<vmem>> -> memref<128xi32, #tpu.memory_space<vmem>>
        %dma_wait3A_136 = tpu.memref_slice %arg2[%add3A_70] : memref<323584xi32, #tpu.memory_space<hbm>> -> memref<128xi32, #tpu.memory_space<hbm>>
        tpu.wait_dma2 semaphore(%run_scoped3A_120 : memref<!tpu.dma_semaphore, #tpu.memory_space<semaphore_mem>>) src(%dma_wait3A_136 : memref<128xi32, #tpu.memory_space<hbm>>) dst(%dma_wait3A_135 : memref<128xi32, #tpu.memory_space<vmem>>)
        tpu.yield
      }) : () -> ()
      %run_scoped3A_71 = arith.constant 0 : i32
      "tpu.region"() ({
        %run_scoped3A_120 = tpu.sem_alloc : memref<!tpu.dma_semaphore, #tpu.memory_space<semaphore_mem>>
        %dma_start3A_121 = arith.constant 0 : i32
        %dma_start3A_122 = tpu.memref_slice %arg10[%run_scoped3A_71, %dma_start3A_121] : memref<1x128xi32, #tpu.memory_space<vmem>> -> memref<1x128xi32, #tpu.memory_space<vmem>>
        %dma_start3A_123 = tpu.memref_squeeze %dma_start3A_122 : memref<1x128xi32, #tpu.memory_space<vmem>> -> memref<128xi32, #tpu.memory_space<vmem>>
        %dma_start3A_124 = tpu.memref_slice %arg3[%add3A_70] : memref<323584xi32, #tpu.memory_space<hbm>> -> memref<128xi32, #tpu.memory_space<hbm>>
        %dma_start3A_125 = arith.constant 0 : i32
        %dma_start3A_126 = tpu.memref_slice %arg10[%run_scoped3A_71, %dma_start3A_125] : memref<1x128xi32, #tpu.memory_space<vmem>> -> memref<1x128xi32, #tpu.memory_space<vmem>>
        %dma_start3A_127 = tpu.memref_squeeze %dma_start3A_126 : memref<1x128xi32, #tpu.memory_space<vmem>> -> memref<128xi32, #tpu.memory_space<vmem>>
        %dma_start3A_128 = tpu.memref_slice %arg3[%add3A_70] : memref<323584xi32, #tpu.memory_space<hbm>> -> memref<128xi32, #tpu.memory_space<hbm>>
        tpu.enqueue_dma source(%dma_start3A_128 : memref<128xi32, #tpu.memory_space<hbm>>) target(%dma_start3A_127 : memref<128xi32, #tpu.memory_space<vmem>>) target_semaphore(%run_scoped3A_120 : memref<!tpu.dma_semaphore, #tpu.memory_space<semaphore_mem>>)
        %dma_wait3A_129 = arith.constant 0 : i32
        %dma_wait3A_130 = tpu.memref_slice %arg10[%run_scoped3A_71, %dma_wait3A_129] : memref<1x128xi32, #tpu.memory_space<vmem>> -> memref<1x128xi32, #tpu.memory_space<vmem>>
        %dma_wait3A_131 = tpu.memref_squeeze %dma_wait3A_130 : memref<1x128xi32, #tpu.memory_space<vmem>> -> memref<128xi32, #tpu.memory_space<vmem>>
        %dma_wait3A_132 = tpu.memref_slice %arg3[%add3A_70] : memref<323584xi32, #tpu.memory_space<hbm>> -> memref<128xi32, #tpu.memory_space<hbm>>
        %dma_wait3A_133 = arith.constant 0 : i32
        %dma_wait3A_134 = tpu.memref_slice %arg10[%run_scoped3A_71, %dma_wait3A_133] : memref<1x128xi32, #tpu.memory_space<vmem>> -> memref<1x128xi32, #tpu.memory_space<vmem>>
        %dma_wait3A_135 = tpu.memref_squeeze %dma_wait3A_134 : memref<1x128xi32, #tpu.memory_space<vmem>> -> memref<128xi32, #tpu.memory_space<vmem>>
        %dma_wait3A_136 = tpu.memref_slice %arg3[%add3A_70] : memref<323584xi32, #tpu.memory_space<hbm>> -> memref<128xi32, #tpu.memory_space<hbm>>
        tpu.wait_dma2 semaphore(%run_scoped3A_120 : memref<!tpu.dma_semaphore, #tpu.memory_space<semaphore_mem>>) src(%dma_wait3A_136 : memref<128xi32, #tpu.memory_space<hbm>>) dst(%dma_wait3A_135 : memref<128xi32, #tpu.memory_space<vmem>>)
        tpu.yield
      }) : () -> ()
      %dma_start3A = arith.constant 0 : i32
      %dma_start3A_72 = arith.constant 0 : i32
      %dma_start3A_73 = tpu.memref_slice %arg9[%dma_start3A, %dma_start3A_72] : memref<1x128xi32, #tpu.memory_space<vmem>> -> memref<1x128xi32, #tpu.memory_space<vmem>>
      %dma_start3A_74 = tpu.memref_squeeze %dma_start3A_73 : memref<1x128xi32, #tpu.memory_space<vmem>> -> memref<128xi32, #tpu.memory_space<vmem>>
      %dma_start3A_75 = arith.constant 0 : i32
      %dma_start3A_76 = arith.constant 0 : i32
      %dma_start3A_77 = tpu.memref_slice %arg8[%dma_start3A_75, %dma_start3A_76] : memref<10112x16xf32, #tpu.memory_space<vmem_shared>> -> memref<10112x16xf32, #tpu.memory_space<vmem_shared>>
      tpu.enqueue_indirect_dma source(%dma_start3A_77 : memref<10112x16xf32, #tpu.memory_space<vmem_shared>>) target(%arg11 : memref<128x16xf32, #tpu.memory_space<vmem>>) offsets(%dma_start3A_74 : memref<128xi32, #tpu.memory_space<vmem>>) semaphore(%arg15 : memref<!tpu.dma_semaphore, #tpu.memory_space<semaphore_mem>>)
      %dma_start3A_78 = arith.constant 0 : i32
      %dma_start3A_79 = arith.constant 0 : i32
      %dma_start3A_80 = tpu.memref_slice %arg10[%dma_start3A_78, %dma_start3A_79] : memref<1x128xi32, #tpu.memory_space<vmem>> -> memref<1x128xi32, #tpu.memory_space<vmem>>
      %dma_start3A_81 = tpu.memref_squeeze %dma_start3A_80 : memref<1x128xi32, #tpu.memory_space<vmem>> -> memref<128xi32, #tpu.memory_space<vmem>>
      %dma_start3A_82 = arith.constant 0 : i32
      %dma_start3A_83 = arith.constant 0 : i32
      %dma_start3A_84 = tpu.memref_slice %arg8[%dma_start3A_82, %dma_start3A_83] : memref<10112x16xf32, #tpu.memory_space<vmem_shared>> -> memref<10112x16xf32, #tpu.memory_space<vmem_shared>>
      tpu.enqueue_indirect_dma source(%dma_start3A_84 : memref<10112x16xf32, #tpu.memory_space<vmem_shared>>) target(%arg12 : memref<128x16xf32, #tpu.memory_space<vmem>>) offsets(%dma_start3A_81 : memref<128xi32, #tpu.memory_space<vmem>>) semaphore(%arg16 : memref<!tpu.dma_semaphore, #tpu.memory_space<semaphore_mem>>)
      %dma_wait3A = arith.constant 0 : i32
      %dma_wait3A_85 = arith.constant 0 : i32
      %dma_wait3A_86 = tpu.memref_slice %arg9[%dma_wait3A, %dma_wait3A_85] : memref<1x128xi32, #tpu.memory_space<vmem>> -> memref<1x128xi32, #tpu.memory_space<vmem>>
      %dma_wait3A_87 = tpu.memref_squeeze %dma_wait3A_86 : memref<1x128xi32, #tpu.memory_space<vmem>> -> memref<128xi32, #tpu.memory_space<vmem>>
      %dma_wait3A_88 = arith.constant 0 : i32
      %dma_wait3A_89 = arith.constant 0 : i32
      %dma_wait3A_90 = tpu.memref_slice %arg8[%dma_wait3A_88, %dma_wait3A_89] : memref<10112x16xf32, #tpu.memory_space<vmem_shared>> -> memref<10112x16xf32, #tpu.memory_space<vmem_shared>>
      tpu.wait_indirect_dma semaphore(%arg15 : memref<!tpu.dma_semaphore, #tpu.memory_space<semaphore_mem>>) src(%dma_wait3A_90 : memref<10112x16xf32, #tpu.memory_space<vmem_shared>>) dst(%arg11 : memref<128x16xf32, #tpu.memory_space<vmem>>)
      %dma_wait3A_91 = arith.constant 0 : i32
      %dma_wait3A_92 = arith.constant 0 : i32
      %dma_wait3A_93 = tpu.memref_slice %arg10[%dma_wait3A_91, %dma_wait3A_92] : memref<1x128xi32, #tpu.memory_space<vmem>> -> memref<1x128xi32, #tpu.memory_space<vmem>>
      %dma_wait3A_94 = tpu.memref_squeeze %dma_wait3A_93 : memref<1x128xi32, #tpu.memory_space<vmem>> -> memref<128xi32, #tpu.memory_space<vmem>>
      %dma_wait3A_95 = arith.constant 0 : i32
      %dma_wait3A_96 = arith.constant 0 : i32
      %dma_wait3A_97 = tpu.memref_slice %arg8[%dma_wait3A_95, %dma_wait3A_96] : memref<10112x16xf32, #tpu.memory_space<vmem_shared>> -> memref<10112x16xf32, #tpu.memory_space<vmem_shared>>
      tpu.wait_indirect_dma semaphore(%arg16 : memref<!tpu.dma_semaphore, #tpu.memory_space<semaphore_mem>>) src(%dma_wait3A_97 : memref<10112x16xf32, #tpu.memory_space<vmem_shared>>) dst(%arg12 : memref<128x16xf32, #tpu.memory_space<vmem>>)
      %scan3A_98 = arith.constant 0 : i32
      %scan3A_99 = arith.constant 128 : i32
      %scan3A_100 = arith.addi %scan3A_98, %scan3A_99 : i32
      %scan3A_101 = arith.constant 1 : i32
      scf.for %scan3A_120 = %scan3A_98 to %scan3A_100 step %scan3A_101  : i32 {
        %mul3A_121 = arith.constant 1 : i32
        %mul3A_122 = arith.muli %scan3A_120, %mul3A_121 : i32
        %add3A_123 = arith.constant 0 : i32
        %add3A_124 = arith.addi %add3A_123, %mul3A_122 : i32
        %get3A = arith.index_cast %add3A_124 : i32 to index
        %get3A_125 = arith.constant 0 : index
        %get3A_126 = tpu.vector_load %arg11[%get3A, %get3A_125] {strides = array<i32>} : memref<128x16xf32, #tpu.memory_space<vmem>>, vector<1x16xf32>,
        %get3A_127 = vector.shape_cast %get3A_126 : vector<1x16xf32> to vector<16xf32>
        %get3A_128 = arith.index_cast %add3A_124 : i32 to index
        %get3A_129 = arith.constant 0 : index
        %get3A_130 = tpu.vector_load %arg12[%get3A_128, %get3A_129] {strides = array<i32>} : memref<128x16xf32, #tpu.memory_space<vmem>>, vector<1x16xf32>,
        %get3A_131 = vector.shape_cast %get3A_130 : vector<1x16xf32> to vector<16xf32>
        %select_n3A_132 = arith.select %lt3A_31, %get3A_127, %get3A_131 : vector<16xi1>, vector<16xf32>
        %gather3A = vector.shape_cast %broadcast_in_dim3A_34 : vector<16x1xi32> to vector<16xi32>
        %gather3A_133 = tpu.dynamic_gather %select_n3A_132[%gather3A] in [0] : vector<16xf32>, vector<16xi32> -> vector<16xf32>
        %add3A_134 = arith.addf %select_n3A_132, %gather3A_133 : vector<16xf32>
        %mul3A_135 = arith.constant 2.000000e-01 : f32
        %mul3A_136 = vector.broadcast %mul3A_135 : f32 to vector<16xf32>
        %mul3A_137 = arith.mulf %add3A_134, %mul3A_136 : vector<16xf32>
        %max3A = arith.maximumf %add3A_134, %mul3A_137 : vector<16xf32>
        %exp3A = math.exp %max3A : vector<16xf32>
        %swap3A = arith.index_cast %add3A_124 : i32 to index
        %swap3A_138 = arith.constant 0 : index
        %swap3A_139 = tpu.vector_load %arg13[%swap3A, %swap3A_138] {strides = array<i32>} : memref<128x16xf32, #tpu.memory_space<vmem>>, vector<1x16xf32>,
        %swap3A_140 = vector.shape_cast %swap3A_139 : vector<1x16xf32> to vector<16xf32>
        %swap3A_141 = vector.shape_cast %exp3A : vector<16xf32> to vector<1x16xf32>
        tpu.vector_store %arg13[%swap3A, %swap3A_138], %swap3A_141 {strides = array<i32>} : memref<128x16xf32, #tpu.memory_space<vmem>>, vector<1x16xf32>,
        %jit3A_142 = arith.constant 8 : i32
        %div3A_143 = arith.divsi %add3A_124, %jit3A_142 : i32
        %sign3A_144 = arith.constant 0 : i32
        %sign3A_145 = arith.cmpi sgt, %add3A_124, %sign3A_144 : i32
        %sign3A_146 = arith.extui %sign3A_145 : i1 to i32
        %sign3A_147 = arith.constant 0 : i32
        %sign3A_148 = arith.cmpi slt, %add3A_124, %sign3A_147 : i32
        %sign3A_149 = arith.extui %sign3A_148 : i1 to i32
        %sign3A_150 = arith.subi %sign3A_146, %sign3A_149 : i32
        %sign3A_151 = arith.constant 0 : i32
        %sign3A_152 = arith.cmpi sgt, %jit3A_142, %sign3A_151 : i32
        %sign3A_153 = arith.extui %sign3A_152 : i1 to i32
        %sign3A_154 = arith.constant 0 : i32
        %sign3A_155 = arith.cmpi slt, %jit3A_142, %sign3A_154 : i32
        %sign3A_156 = arith.extui %sign3A_155 : i1 to i32
        %sign3A_157 = arith.subi %sign3A_153, %sign3A_156 : i32
        %ne3A_158 = arith.cmpi ne, %sign3A_150, %sign3A_157 : i32
        %rem3A_159 = arith.remsi %add3A_124, %jit3A_142 : i32
        %ne3A_160 = arith.constant 0 : i32
        %ne3A_161 = arith.cmpi ne, %rem3A_159, %ne3A_160 : i32
        %and3A_162 = arith.andi %ne3A_158, %ne3A_161 : i1
        %sub3A_163 = arith.constant 1 : i32
        %sub3A_164 = arith.subi %div3A_143, %sub3A_163 : i32
        %select_n3A_165 = arith.select %and3A_162, %sub3A_164, %div3A_143 : i32
        %jit3A_166 = arith.constant 8 : i32
        %eq3A_167 = arith.constant 0 : i32
        %eq3A_168 = arith.cmpi eq, %jit3A_166, %eq3A_167 : i32
        %jit3A_169 = arith.constant 1 : i32
        %select_n3A_170 = arith.select %eq3A_168, %jit3A_169, %jit3A_166 : i32
        %rem3A_171 = arith.remsi %add3A_124, %select_n3A_170 : i32
        %ne3A_172 = arith.constant 0 : i32
        %ne3A_173 = arith.cmpi ne, %rem3A_171, %ne3A_172 : i32
        %lt3A_174 = arith.constant 0 : i32
        %lt3A_175 = arith.cmpi slt, %rem3A_171, %lt3A_174 : i32
        %lt3A_176 = arith.constant 0 : i32
        %lt3A_177 = arith.cmpi slt, %select_n3A_170, %lt3A_176 : i32
        %ne3A_178 = arith.xori %lt3A_175, %lt3A_177 : i1
        %and3A_179 = arith.andi %ne3A_178, %ne3A_173 : i1
        %add3A_180 = arith.addi %rem3A_171, %select_n3A_170 : i32
        %select_n3A_181 = arith.select %and3A_179, %add3A_180, %rem3A_171 : i32
        %mul3A_182 = arith.constant 16 : i32
        %mul3A_183 = arith.muli %select_n3A_181, %mul3A_182 : i32
        %swap3A_184 = arith.index_cast %select_n3A_165 : i32 to index
        %swap3A_185 = arith.index_cast %mul3A_183 : i32 to index
        %swap3A_186 = tpu.vector_load %arg14[%swap3A_184, %swap3A_185] {strides = array<i32>} : memref<16x128xf32, #tpu.memory_space<vmem>>, vector<1x16xf32>,
        %swap3A_187 = vector.shape_cast %swap3A_186 : vector<1x16xf32> to vector<16xf32>
        %swap3A_188 = vector.shape_cast %exp3A : vector<16xf32> to vector<1x16xf32>
        tpu.vector_store %arg14[%swap3A_184, %swap3A_185], %swap3A_188 {strides = array<i32>} : memref<16x128xf32, #tpu.memory_space<vmem>>, vector<1x16xf32>,
      }
      %scan3A_102 = arith.constant 128 : i32
      %run_scoped3A_103 = arith.constant 0 : i32
      "tpu.region"() ({
        %run_scoped3A_120 = tpu.sem_alloc : memref<!tpu.dma_semaphore, #tpu.memory_space<semaphore_mem>>
        %dma_start3A_121 = arith.constant 0 : i32
        %dma_start3A_122 = tpu.memref_slice %arg10[%run_scoped3A_103, %dma_start3A_121] : memref<1x128xi32, #tpu.memory_space<vmem>> -> memref<1x128xi32, #tpu.memory_space<vmem>>
        %dma_start3A_123 = tpu.memref_squeeze %dma_start3A_122 : memref<1x128xi32, #tpu.memory_space<vmem>> -> memref<128xi32, #tpu.memory_space<vmem>>
        %dma_start3A_124 = arith.constant 0 : i32
        %dma_start3A_125 = arith.constant 0 : i32
        %dma_start3A_126 = tpu.memref_slice %arg7[%dma_start3A_124, %dma_start3A_125] : memref<10112x16xf32, #tpu.memory_space<vmem_shared>> -> memref<10112x16xf32, #tpu.memory_space<vmem_shared>>
        tpu.enqueue_indirect_dma source(%arg13 : memref<128x16xf32, #tpu.memory_space<vmem>>) target(%dma_start3A_126 : memref<10112x16xf32, #tpu.memory_space<vmem_shared>>) offsets(%dma_start3A_123 : memref<128xi32, #tpu.memory_space<vmem>>) semaphore(%run_scoped3A_120 : memref<!tpu.dma_semaphore, #tpu.memory_space<semaphore_mem>>) {add = true}
        %dma_wait3A_127 = arith.constant 0 : i32
        %dma_wait3A_128 = tpu.memref_slice %arg10[%run_scoped3A_103, %dma_wait3A_127] : memref<1x128xi32, #tpu.memory_space<vmem>> -> memref<1x128xi32, #tpu.memory_space<vmem>>
        %dma_wait3A_129 = tpu.memref_squeeze %dma_wait3A_128 : memref<1x128xi32, #tpu.memory_space<vmem>> -> memref<128xi32, #tpu.memory_space<vmem>>
        %dma_wait3A_130 = arith.constant 0 : i32
        %dma_wait3A_131 = arith.constant 0 : i32
        %dma_wait3A_132 = tpu.memref_slice %arg7[%dma_wait3A_130, %dma_wait3A_131] : memref<10112x16xf32, #tpu.memory_space<vmem_shared>> -> memref<10112x16xf32, #tpu.memory_space<vmem_shared>>
        tpu.wait_indirect_dma semaphore(%run_scoped3A_120 : memref<!tpu.dma_semaphore, #tpu.memory_space<semaphore_mem>>) src(%arg13 : memref<128x16xf32, #tpu.memory_space<vmem>>) dst(%dma_wait3A_132 : memref<10112x16xf32, #tpu.memory_space<vmem_shared>>)
        tpu.yield
      }) : () -> ()
      %jit3A = arith.constant 8 : i32
      %div3A = arith.divsi %add3A_70, %jit3A : i32
      %sign3A = arith.constant 0 : i32
      %sign3A_104 = arith.cmpi sgt, %add3A_70, %sign3A : i32
      %sign3A_105 = arith.extui %sign3A_104 : i1 to i32
      %sign3A_106 = arith.constant 0 : i32
      %sign3A_107 = arith.cmpi slt, %add3A_70, %sign3A_106 : i32
      %sign3A_108 = arith.extui %sign3A_107 : i1 to i32
      %sign3A_109 = arith.subi %sign3A_105, %sign3A_108 : i32
      %sign3A_110 = arith.constant 0 : i32
      %sign3A_111 = arith.cmpi sgt, %jit3A, %sign3A_110 : i32
      %sign3A_112 = arith.extui %sign3A_111 : i1 to i32
      %sign3A_113 = arith.constant 0 : i32
      %sign3A_114 = arith.cmpi slt, %jit3A, %sign3A_113 : i32
      %sign3A_115 = arith.extui %sign3A_114 : i1 to i32
      %sign3A_116 = arith.subi %sign3A_112, %sign3A_115 : i32
      %ne3A = arith.cmpi ne, %sign3A_109, %sign3A_116 : i32
      %rem3A = arith.remsi %add3A_70, %jit3A : i32
      %ne3A_117 = arith.constant 0 : i32
      %ne3A_118 = arith.cmpi ne, %rem3A, %ne3A_117 : i32
      %and3A = arith.andi %ne3A, %ne3A_118 : i1
      %sub3A = arith.constant 1 : i32
      %sub3A_119 = arith.subi %div3A, %sub3A : i32
      %select_n3A = arith.select %and3A, %sub3A_119, %div3A : i32
      %multiple_of3A = tpu.assume_multiple %select_n3A, 8 : i32
      "tpu.region"() ({
        %run_scoped3A_120 = tpu.sem_alloc : memref<!tpu.dma_semaphore, #tpu.memory_space<semaphore_mem>>
        %dma_start3A_121 = arith.constant 0 : i32
        %dma_start3A_122 = tpu.memref_slice %arg6[%multiple_of3A, %dma_start3A_121] : memref<40448x128xf32, #tpu.memory_space<hbm>> -> memref<16x128xf32, #tpu.memory_space<hbm>>
        %dma_start3A_123 = arith.constant 0 : i32
        %dma_start3A_124 = tpu.memref_slice %arg6[%multiple_of3A, %dma_start3A_123] : memref<40448x128xf32, #tpu.memory_space<hbm>> -> memref<16x128xf32, #tpu.memory_space<hbm>>
        tpu.enqueue_dma source(%arg14 : memref<16x128xf32, #tpu.memory_space<vmem>>) target(%dma_start3A_124 : memref<16x128xf32, #tpu.memory_space<hbm>>) target_semaphore(%run_scoped3A_120 : memref<!tpu.dma_semaphore, #tpu.memory_space<semaphore_mem>>)
        %dma_wait3A_125 = arith.constant 0 : i32
        %dma_wait3A_126 = tpu.memref_slice %arg6[%multiple_of3A, %dma_wait3A_125] : memref<40448x128xf32, #tpu.memory_space<hbm>> -> memref<16x128xf32, #tpu.memory_space<hbm>>
        %dma_wait3A_127 = arith.constant 0 : i32
        %dma_wait3A_128 = tpu.memref_slice %arg6[%multiple_of3A, %dma_wait3A_127] : memref<40448x128xf32, #tpu.memory_space<hbm>> -> memref<16x128xf32, #tpu.memory_space<hbm>>
        tpu.wait_dma2 semaphore(%run_scoped3A_120 : memref<!tpu.dma_semaphore, #tpu.memory_space<semaphore_mem>>) src(%arg14 : memref<16x128xf32, #tpu.memory_space<vmem>>) dst(%dma_wait3A_128 : memref<16x128xf32, #tpu.memory_space<hbm>>)
        tpu.yield
      }) : () -> ()
    }
    %scan3A_41 = arith.constant 79 : i32
    %barrier3A_42 = arith.constant 0 : index
    tpu.barrier barrier_id(%barrier3A_42)
    %add3A_43 = arith.constant 0 : i32
    %add3A_44 = arith.addi %mul3A_18, %add3A_43 : i32
    %add3A_45 = arith.constant 0 : i32
    %add3A_46 = arith.addi %mul3A_18, %add3A_45 : i32
    "tpu.region"() ({
      %run_scoped3A = tpu.sem_alloc : memref<!tpu.dma_semaphore, #tpu.memory_space<semaphore_mem>>
      %dma_start3A = arith.constant 0 : i32
      %dma_start3A_63 = tpu.memref_slice %arg5[%arg0, %add3A_46, %dma_start3A] : memref<2x10112x16xf32, #tpu.memory_space<hbm>> -> memref<1x128x16xf32, #tpu.memory_space<hbm>>
      %dma_start3A_64 = tpu.memref_squeeze %dma_start3A_63 : memref<1x128x16xf32, #tpu.memory_space<hbm>> -> memref<128x16xf32, #tpu.memory_space<hbm>>
      %dma_start3A_65 = arith.constant 0 : i32
      %dma_start3A_66 = tpu.memref_slice %arg7[%add3A_44, %dma_start3A_65] : memref<10112x16xf32, #tpu.memory_space<vmem_shared>> -> memref<128x16xf32, #tpu.memory_space<vmem_shared>>
      tpu.enqueue_dma source(%dma_start3A_66 : memref<128x16xf32, #tpu.memory_space<vmem_shared>>) target(%dma_start3A_64 : memref<128x16xf32, #tpu.memory_space<hbm>>) target_semaphore(%run_scoped3A : memref<!tpu.dma_semaphore, #tpu.memory_space<semaphore_mem>>)
      %dma_wait3A = arith.constant 0 : i32
      %dma_wait3A_67 = tpu.memref_slice %arg5[%arg0, %add3A_46, %dma_wait3A] : memref<2x10112x16xf32, #tpu.memory_space<hbm>> -> memref<1x128x16xf32, #tpu.memory_space<hbm>>
      %dma_wait3A_68 = tpu.memref_squeeze %dma_wait3A_67 : memref<1x128x16xf32, #tpu.memory_space<hbm>> -> memref<128x16xf32, #tpu.memory_space<hbm>>
      %dma_wait3A_69 = arith.constant 0 : i32
      %dma_wait3A_70 = tpu.memref_slice %arg7[%add3A_44, %dma_wait3A_69] : memref<10112x16xf32, #tpu.memory_space<vmem_shared>> -> memref<128x16xf32, #tpu.memory_space<vmem_shared>>
      tpu.wait_dma2 semaphore(%run_scoped3A : memref<!tpu.dma_semaphore, #tpu.memory_space<semaphore_mem>>) src(%dma_wait3A_70 : memref<128x16xf32, #tpu.memory_space<vmem_shared>>) dst(%dma_wait3A_68 : memref<128x16xf32, #tpu.memory_space<hbm>>)
      tpu.yield
    }) : () -> ()
    %add3A_47 = arith.constant 128 : i32
    %add3A_48 = arith.addi %mul3A_18, %add3A_47 : i32
    %add3A_49 = arith.constant 128 : i32
    %add3A_50 = arith.addi %mul3A_18, %add3A_49 : i32
    "tpu.region"() ({
      %run_scoped3A = tpu.sem_alloc : memref<!tpu.dma_semaphore, #tpu.memory_space<semaphore_mem>>
      %dma_start3A = arith.constant 0 : i32
      %dma_start3A_63 = tpu.memref_slice %arg5[%arg0, %add3A_50, %dma_start3A] : memref<2x10112x16xf32, #tpu.memory_space<hbm>> -> memref<1x128x16xf32, #tpu.memory_space<hbm>>
      %dma_start3A_64 = tpu.memref_squeeze %dma_start3A_63 : memref<1x128x16xf32, #tpu.memory_space<hbm>> -> memref<128x16xf32, #tpu.memory_space<hbm>>
      %dma_start3A_65 = arith.constant 0 : i32
      %dma_start3A_66 = tpu.memref_slice %arg7[%add3A_48, %dma_start3A_65] : memref<10112x16xf32, #tpu.memory_space<vmem_shared>> -> memref<128x16xf32, #tpu.memory_space<vmem_shared>>
      tpu.enqueue_dma source(%dma_start3A_66 : memref<128x16xf32, #tpu.memory_space<vmem_shared>>) target(%dma_start3A_64 : memref<128x16xf32, #tpu.memory_space<hbm>>) target_semaphore(%run_scoped3A : memref<!tpu.dma_semaphore, #tpu.memory_space<semaphore_mem>>)
      %dma_wait3A = arith.constant 0 : i32
      %dma_wait3A_67 = tpu.memref_slice %arg5[%arg0, %add3A_50, %dma_wait3A] : memref<2x10112x16xf32, #tpu.memory_space<hbm>> -> memref<1x128x16xf32, #tpu.memory_space<hbm>>
      %dma_wait3A_68 = tpu.memref_squeeze %dma_wait3A_67 : memref<1x128x16xf32, #tpu.memory_space<hbm>> -> memref<128x16xf32, #tpu.memory_space<hbm>>
      %dma_wait3A_69 = arith.constant 0 : i32
      %dma_wait3A_70 = tpu.memref_slice %arg7[%add3A_48, %dma_wait3A_69] : memref<10112x16xf32, #tpu.memory_space<vmem_shared>> -> memref<128x16xf32, #tpu.memory_space<vmem_shared>>
      tpu.wait_dma2 semaphore(%run_scoped3A : memref<!tpu.dma_semaphore, #tpu.memory_space<semaphore_mem>>) src(%dma_wait3A_70 : memref<128x16xf32, #tpu.memory_space<vmem_shared>>) dst(%dma_wait3A_68 : memref<128x16xf32, #tpu.memory_space<hbm>>)
      tpu.yield
    }) : () -> ()
    %add3A_51 = arith.constant 256 : i32
    %add3A_52 = arith.addi %mul3A_18, %add3A_51 : i32
    %add3A_53 = arith.constant 256 : i32
    %add3A_54 = arith.addi %mul3A_18, %add3A_53 : i32
    "tpu.region"() ({
      %run_scoped3A = tpu.sem_alloc : memref<!tpu.dma_semaphore, #tpu.memory_space<semaphore_mem>>
      %dma_start3A = arith.constant 0 : i32
      %dma_start3A_63 = tpu.memref_slice %arg5[%arg0, %add3A_54, %dma_start3A] : memref<2x10112x16xf32, #tpu.memory_space<hbm>> -> memref<1x128x16xf32, #tpu.memory_space<hbm>>
      %dma_start3A_64 = tpu.memref_squeeze %dma_start3A_63 : memref<1x128x16xf32, #tpu.memory_space<hbm>> -> memref<128x16xf32, #tpu.memory_space<hbm>>
      %dma_start3A_65 = arith.constant 0 : i32
      %dma_start3A_66 = tpu.memref_slice %arg7[%add3A_52, %dma_start3A_65] : memref<10112x16xf32, #tpu.memory_space<vmem_shared>> -> memref<128x16xf32, #tpu.memory_space<vmem_shared>>
      tpu.enqueue_dma source(%dma_start3A_66 : memref<128x16xf32, #tpu.memory_space<vmem_shared>>) target(%dma_start3A_64 : memref<128x16xf32, #tpu.memory_space<hbm>>) target_semaphore(%run_scoped3A : memref<!tpu.dma_semaphore, #tpu.memory_space<semaphore_mem>>)
      %dma_wait3A = arith.constant 0 : i32
      %dma_wait3A_67 = tpu.memref_slice %arg5[%arg0, %add3A_54, %dma_wait3A] : memref<2x10112x16xf32, #tpu.memory_space<hbm>> -> memref<1x128x16xf32, #tpu.memory_space<hbm>>
      %dma_wait3A_68 = tpu.memref_squeeze %dma_wait3A_67 : memref<1x128x16xf32, #tpu.memory_space<hbm>> -> memref<128x16xf32, #tpu.memory_space<hbm>>
      %dma_wait3A_69 = arith.constant 0 : i32
      %dma_wait3A_70 = tpu.memref_slice %arg7[%add3A_52, %dma_wait3A_69] : memref<10112x16xf32, #tpu.memory_space<vmem_shared>> -> memref<128x16xf32, #tpu.memory_space<vmem_shared>>
      tpu.wait_dma2 semaphore(%run_scoped3A : memref<!tpu.dma_semaphore, #tpu.memory_space<semaphore_mem>>) src(%dma_wait3A_70 : memref<128x16xf32, #tpu.memory_space<vmem_shared>>) dst(%dma_wait3A_68 : memref<128x16xf32, #tpu.memory_space<hbm>>)
      tpu.yield
    }) : () -> ()
    %add3A_55 = arith.constant 384 : i32
    %add3A_56 = arith.addi %mul3A_18, %add3A_55 : i32
    %add3A_57 = arith.constant 384 : i32
    %add3A_58 = arith.addi %mul3A_18, %add3A_57 : i32
    "tpu.region"() ({
      %run_scoped3A = tpu.sem_alloc : memref<!tpu.dma_semaphore, #tpu.memory_space<semaphore_mem>>
      %dma_start3A = arith.constant 0 : i32
      %dma_start3A_63 = tpu.memref_slice %arg5[%arg0, %add3A_58, %dma_start3A] : memref<2x10112x16xf32, #tpu.memory_space<hbm>> -> memref<1x128x16xf32, #tpu.memory_space<hbm>>
      %dma_start3A_64 = tpu.memref_squeeze %dma_start3A_63 : memref<1x128x16xf32, #tpu.memory_space<hbm>> -> memref<128x16xf32, #tpu.memory_space<hbm>>
      %dma_start3A_65 = arith.constant 0 : i32
      %dma_start3A_66 = tpu.memref_slice %arg7[%add3A_56, %dma_start3A_65] : memref<10112x16xf32, #tpu.memory_space<vmem_shared>> -> memref<128x16xf32, #tpu.memory_space<vmem_shared>>
      tpu.enqueue_dma source(%dma_start3A_66 : memref<128x16xf32, #tpu.memory_space<vmem_shared>>) target(%dma_start3A_64 : memref<128x16xf32, #tpu.memory_space<hbm>>) target_semaphore(%run_scoped3A : memref<!tpu.dma_semaphore, #tpu.memory_space<semaphore_mem>>)
      %dma_wait3A = arith.constant 0 : i32
      %dma_wait3A_67 = tpu.memref_slice %arg5[%arg0, %add3A_58, %dma_wait3A] : memref<2x10112x16xf32, #tpu.memory_space<hbm>> -> memref<1x128x16xf32, #tpu.memory_space<hbm>>
      %dma_wait3A_68 = tpu.memref_squeeze %dma_wait3A_67 : memref<1x128x16xf32, #tpu.memory_space<hbm>> -> memref<128x16xf32, #tpu.memory_space<hbm>>
      %dma_wait3A_69 = arith.constant 0 : i32
      %dma_wait3A_70 = tpu.memref_slice %arg7[%add3A_56, %dma_wait3A_69] : memref<10112x16xf32, #tpu.memory_space<vmem_shared>> -> memref<128x16xf32, #tpu.memory_space<vmem_shared>>
      tpu.wait_dma2 semaphore(%run_scoped3A : memref<!tpu.dma_semaphore, #tpu.memory_space<semaphore_mem>>) src(%dma_wait3A_70 : memref<128x16xf32, #tpu.memory_space<vmem_shared>>) dst(%dma_wait3A_68 : memref<128x16xf32, #tpu.memory_space<hbm>>)
      tpu.yield
    }) : () -> ()
    %add3A_59 = arith.constant 512 : i32
    %add3A_60 = arith.addi %mul3A_18, %add3A_59 : i32
    %add3A_61 = arith.constant 512 : i32
    %add3A_62 = arith.addi %mul3A_18, %add3A_61 : i32
    "tpu.region"() ({
      %run_scoped3A = tpu.sem_alloc : memref<!tpu.dma_semaphore, #tpu.memory_space<semaphore_mem>>
      %dma_start3A = arith.constant 0 : i32
      %dma_start3A_63 = tpu.memref_slice %arg5[%arg0, %add3A_62, %dma_start3A] : memref<2x10112x16xf32, #tpu.memory_space<hbm>> -> memref<1x120x16xf32, #tpu.memory_space<hbm>>
      %dma_start3A_64 = tpu.memref_squeeze %dma_start3A_63 : memref<1x120x16xf32, #tpu.memory_space<hbm>> -> memref<120x16xf32, #tpu.memory_space<hbm>>
      %dma_start3A_65 = arith.constant 0 : i32
      %dma_start3A_66 = tpu.memref_slice %arg7[%add3A_60, %dma_start3A_65] : memref<10112x16xf32, #tpu.memory_space<vmem_shared>> -> memref<120x16xf32, #tpu.memory_space<vmem_shared>>
      tpu.enqueue_dma source(%dma_start3A_66 : memref<120x16xf32, #tpu.memory_space<vmem_shared>>) target(%dma_start3A_64 : memref<120x16xf32, #tpu.memory_space<hbm>>) target_semaphore(%run_scoped3A : memref<!tpu.dma_semaphore, #tpu.memory_space<semaphore_mem>>)
      %dma_wait3A = arith.constant 0 : i32
      %dma_wait3A_67 = tpu.memref_slice %arg5[%arg0, %add3A_62, %dma_wait3A] : memref<2x10112x16xf32, #tpu.memory_space<hbm>> -> memref<1x120x16xf32, #tpu.memory_space<hbm>>
      %dma_wait3A_68 = tpu.memref_squeeze %dma_wait3A_67 : memref<1x120x16xf32, #tpu.memory_space<hbm>> -> memref<120x16xf32, #tpu.memory_space<hbm>>
      %dma_wait3A_69 = arith.constant 0 : i32
      %dma_wait3A_70 = tpu.memref_slice %arg7[%add3A_60, %dma_wait3A_69] : memref<10112x16xf32, #tpu.memory_space<vmem_shared>> -> memref<120x16xf32, #tpu.memory_space<vmem_shared>>
      tpu.wait_dma2 semaphore(%run_scoped3A : memref<!tpu.dma_semaphore, #tpu.memory_space<semaphore_mem>>) src(%dma_wait3A_70 : memref<120x16xf32, #tpu.memory_space<vmem_shared>>) dst(%dma_wait3A_68 : memref<120x16xf32, #tpu.memory_space<hbm>>)
      tpu.yield
    }) : () -> ()
    return
  }
}

#map = affine_map<(d0, d1) -> (0)>
#map1 = affine_map<(d0, d1) -> (0, 0)>
#map2 = affine_map<(d0, d1) -> (0, 0, 0)>
module attributes {stable_mosaic.version = 14 : i64} {
  func.func @sc_out(%arg0: i32, %arg1: i32, %arg2: memref<323584xi32, #tpu.memory_space<hbm>>, %arg3: memref<323584xi32, #tpu.memory_space<hbm>>, %arg4: memref<10000x128xf32, #tpu.memory_space<hbm>>, %arg5: memref<40448x128xf32, #tpu.memory_space<hbm>>, %arg6: memref<2x10112x128xf32, #tpu.memory_space<hbm>>, %arg7: memref<10112x128xf32, #tpu.memory_space<vmem_shared>>, %arg8: memref<1x128xi32, #tpu.memory_space<vmem>>, %arg9: memref<1x128xi32, #tpu.memory_space<vmem>>, %arg10: memref<128x128xf32, #tpu.memory_space<vmem>>, %arg11: memref<16x128xf32, #tpu.memory_space<vmem>>, %arg12: memref<128x128xf32, #tpu.memory_space<vmem>>, %arg13: memref<!tpu.dma_semaphore, #tpu.memory_space<semaphore_mem>>, %arg14: memref<!tpu.dma_semaphore, #tpu.memory_space<semaphore_mem>>) attributes {dimension_semantics = [#tpu.dimension_semantics<core_parallel>, #tpu.dimension_semantics<subcore_parallel>], iteration_bounds = array<i64: 2, 16>, scalar_prefetch = 0 : i64, scratch_operands = 8 : i64, tpu.core_type = #tpu.core_type<sc_vector_subcore>, window_params = [{transform_indices = #map}, {transform_indices = #map}, {transform_indices = #map1}, {transform_indices = #map1}, {transform_indices = #map2}]} {
    %mul3A = arith.constant 16 : i32
    %mul3A_0 = arith.muli %arg0, %mul3A : i32
    %add3A = arith.addi %mul3A_0, %arg1 : i32
    %broadcast_in_dim3A = arith.constant 0.000000e+00 : f32
    %broadcast_in_dim3A_1 = vector.broadcast %broadcast_in_dim3A : f32 to vector<16xf32>
    %scan3A = arith.constant 0 : i32
    %scan3A_2 = arith.constant 128 : i32
    %scan3A_3 = arith.addi %scan3A, %scan3A_2 : i32
    %scan3A_4 = arith.constant 1 : i32
    scf.for %scan3A_46 = %scan3A to %scan3A_3 step %scan3A_4  : i32 {
      %mul3A_47 = arith.constant 1 : i32
      %mul3A_48 = arith.muli %scan3A_46, %mul3A_47 : i32
      %add3A_49 = arith.constant 0 : i32
      %add3A_50 = arith.addi %add3A_49, %mul3A_48 : i32
      %swap3A = arith.index_cast %add3A_50 : i32 to index
      %swap3A_51 = arith.constant 0 : index
      %swap3A_52 = tpu.vector_load %arg12[%swap3A, %swap3A_51] {strides = array<i32>} : memref<128x128xf32, #tpu.memory_space<vmem>>, vector<1x16xf32>,
      %swap3A_53 = vector.shape_cast %swap3A_52 : vector<1x16xf32> to vector<16xf32>
      %swap3A_54 = vector.shape_cast %broadcast_in_dim3A_1 : vector<16xf32> to vector<1x16xf32>
      tpu.vector_store %arg12[%swap3A, %swap3A_51], %swap3A_54 {strides = array<i32>} : memref<128x128xf32, #tpu.memory_space<vmem>>, vector<1x16xf32>,
      %swap3A_55 = arith.index_cast %add3A_50 : i32 to index
      %swap3A_56 = arith.constant 16 : index
      %swap3A_57 = tpu.vector_load %arg12[%swap3A_55, %swap3A_56] {strides = array<i32>} : memref<128x128xf32, #tpu.memory_space<vmem>>, vector<1x16xf32>,
      %swap3A_58 = vector.shape_cast %swap3A_57 : vector<1x16xf32> to vector<16xf32>
      %swap3A_59 = vector.shape_cast %broadcast_in_dim3A_1 : vector<16xf32> to vector<1x16xf32>
      tpu.vector_store %arg12[%swap3A_55, %swap3A_56], %swap3A_59 {strides = array<i32>} : memref<128x128xf32, #tpu.memory_space<vmem>>, vector<1x16xf32>,
      %swap3A_60 = arith.index_cast %add3A_50 : i32 to index
      %swap3A_61 = arith.constant 32 : index
      %swap3A_62 = tpu.vector_load %arg12[%swap3A_60, %swap3A_61] {strides = array<i32>} : memref<128x128xf32, #tpu.memory_space<vmem>>, vector<1x16xf32>,
      %swap3A_63 = vector.shape_cast %swap3A_62 : vector<1x16xf32> to vector<16xf32>
      %swap3A_64 = vector.shape_cast %broadcast_in_dim3A_1 : vector<16xf32> to vector<1x16xf32>
      tpu.vector_store %arg12[%swap3A_60, %swap3A_61], %swap3A_64 {strides = array<i32>} : memref<128x128xf32, #tpu.memory_space<vmem>>, vector<1x16xf32>,
      %swap3A_65 = arith.index_cast %add3A_50 : i32 to index
      %swap3A_66 = arith.constant 48 : index
      %swap3A_67 = tpu.vector_load %arg12[%swap3A_65, %swap3A_66] {strides = array<i32>} : memref<128x128xf32, #tpu.memory_space<vmem>>, vector<1x16xf32>,
      %swap3A_68 = vector.shape_cast %swap3A_67 : vector<1x16xf32> to vector<16xf32>
      %swap3A_69 = vector.shape_cast %broadcast_in_dim3A_1 : vector<16xf32> to vector<1x16xf32>
      tpu.vector_store %arg12[%swap3A_65, %swap3A_66], %swap3A_69 {strides = array<i32>} : memref<128x128xf32, #tpu.memory_space<vmem>>, vector<1x16xf32>,
      %swap3A_70 = arith.index_cast %add3A_50 : i32 to index
      %swap3A_71 = arith.constant 64 : index
      %swap3A_72 = tpu.vector_load %arg12[%swap3A_70, %swap3A_71] {strides = array<i32>} : memref<128x128xf32, #tpu.memory_space<vmem>>, vector<1x16xf32>,
      %swap3A_73 = vector.shape_cast %swap3A_72 : vector<1x16xf32> to vector<16xf32>
      %swap3A_74 = vector.shape_cast %broadcast_in_dim3A_1 : vector<16xf32> to vector<1x16xf32>
      tpu.vector_store %arg12[%swap3A_70, %swap3A_71], %swap3A_74 {strides = array<i32>} : memref<128x128xf32, #tpu.memory_space<vmem>>, vector<1x16xf32>,
      %swap3A_75 = arith.index_cast %add3A_50 : i32 to index
      %swap3A_76 = arith.constant 80 : index
      %swap3A_77 = tpu.vector_load %arg12[%swap3A_75, %swap3A_76] {strides = array<i32>} : memref<128x128xf32, #tpu.memory_space<vmem>>, vector<1x16xf32>,
      %swap3A_78 = vector.shape_cast %swap3A_77 : vector<1x16xf32> to vector<16xf32>
      %swap3A_79 = vector.shape_cast %broadcast_in_dim3A_1 : vector<16xf32> to vector<1x16xf32>
      tpu.vector_store %arg12[%swap3A_75, %swap3A_76], %swap3A_79 {strides = array<i32>} : memref<128x128xf32, #tpu.memory_space<vmem>>, vector<1x16xf32>,
      %swap3A_80 = arith.index_cast %add3A_50 : i32 to index
      %swap3A_81 = arith.constant 96 : index
      %swap3A_82 = tpu.vector_load %arg12[%swap3A_80, %swap3A_81] {strides = array<i32>} : memref<128x128xf32, #tpu.memory_space<vmem>>, vector<1x16xf32>,
      %swap3A_83 = vector.shape_cast %swap3A_82 : vector<1x16xf32> to vector<16xf32>
      %swap3A_84 = vector.shape_cast %broadcast_in_dim3A_1 : vector<16xf32> to vector<1x16xf32>
      tpu.vector_store %arg12[%swap3A_80, %swap3A_81], %swap3A_84 {strides = array<i32>} : memref<128x128xf32, #tpu.memory_space<vmem>>, vector<1x16xf32>,
      %swap3A_85 = arith.index_cast %add3A_50 : i32 to index
      %swap3A_86 = arith.constant 112 : index
      %swap3A_87 = tpu.vector_load %arg12[%swap3A_85, %swap3A_86] {strides = array<i32>} : memref<128x128xf32, #tpu.memory_space<vmem>>, vector<1x16xf32>,
      %swap3A_88 = vector.shape_cast %swap3A_87 : vector<1x16xf32> to vector<16xf32>
      %swap3A_89 = vector.shape_cast %broadcast_in_dim3A_1 : vector<16xf32> to vector<1x16xf32>
      tpu.vector_store %arg12[%swap3A_85, %swap3A_86], %swap3A_89 {strides = array<i32>} : memref<128x128xf32, #tpu.memory_space<vmem>>, vector<1x16xf32>,
    }
    %scan3A_5 = arith.constant 128 : i32
    %mul3A_6 = arith.constant 632 : i32
    %mul3A_7 = arith.muli %arg1, %mul3A_6 : i32
    %add3A_8 = arith.constant 0 : i32
    %add3A_9 = arith.addi %mul3A_7, %add3A_8 : i32
    "tpu.region"() ({
      %run_scoped3A = tpu.sem_alloc : memref<!tpu.dma_semaphore, #tpu.memory_space<semaphore_mem>>
      %dma_start3A = arith.constant 0 : i32
      %dma_start3A_46 = arith.constant 0 : i32
      %dma_start3A_47 = tpu.memref_slice %arg12[%dma_start3A, %dma_start3A_46] : memref<128x128xf32, #tpu.memory_space<vmem>> -> memref<128x128xf32, #tpu.memory_space<vmem>>
      %dma_start3A_48 = arith.constant 0 : i32
      %dma_start3A_49 = tpu.memref_slice %arg7[%add3A_9, %dma_start3A_48] : memref<10112x128xf32, #tpu.memory_space<vmem_shared>> -> memref<128x128xf32, #tpu.memory_space<vmem_shared>>
      %dma_start3A_50 = arith.constant 0 : i32
      %dma_start3A_51 = tpu.memref_slice %arg7[%add3A_9, %dma_start3A_50] : memref<10112x128xf32, #tpu.memory_space<vmem_shared>> -> memref<128x128xf32, #tpu.memory_space<vmem_shared>>
      %dma_start3A_52 = arith.constant 0 : i32
      %dma_start3A_53 = arith.constant 0 : i32
      %dma_start3A_54 = tpu.memref_slice %arg12[%dma_start3A_52, %dma_start3A_53] : memref<128x128xf32, #tpu.memory_space<vmem>> -> memref<128x128xf32, #tpu.memory_space<vmem>>
      tpu.enqueue_dma source(%dma_start3A_54 : memref<128x128xf32, #tpu.memory_space<vmem>>) target(%dma_start3A_51 : memref<128x128xf32, #tpu.memory_space<vmem_shared>>) target_semaphore(%run_scoped3A : memref<!tpu.dma_semaphore, #tpu.memory_space<semaphore_mem>>)
      %dma_wait3A = arith.constant 0 : i32
      %dma_wait3A_55 = arith.constant 0 : i32
      %dma_wait3A_56 = tpu.memref_slice %arg12[%dma_wait3A, %dma_wait3A_55] : memref<128x128xf32, #tpu.memory_space<vmem>> -> memref<128x128xf32, #tpu.memory_space<vmem>>
      %dma_wait3A_57 = arith.constant 0 : i32
      %dma_wait3A_58 = tpu.memref_slice %arg7[%add3A_9, %dma_wait3A_57] : memref<10112x128xf32, #tpu.memory_space<vmem_shared>> -> memref<128x128xf32, #tpu.memory_space<vmem_shared>>
      %dma_wait3A_59 = arith.constant 0 : i32
      %dma_wait3A_60 = tpu.memref_slice %arg7[%add3A_9, %dma_wait3A_59] : memref<10112x128xf32, #tpu.memory_space<vmem_shared>> -> memref<128x128xf32, #tpu.memory_space<vmem_shared>>
      %dma_wait3A_61 = arith.constant 0 : i32
      %dma_wait3A_62 = arith.constant 0 : i32
      %dma_wait3A_63 = tpu.memref_slice %arg12[%dma_wait3A_61, %dma_wait3A_62] : memref<128x128xf32, #tpu.memory_space<vmem>> -> memref<128x128xf32, #tpu.memory_space<vmem>>
      tpu.wait_dma2 semaphore(%run_scoped3A : memref<!tpu.dma_semaphore, #tpu.memory_space<semaphore_mem>>) src(%dma_wait3A_63 : memref<128x128xf32, #tpu.memory_space<vmem>>) dst(%dma_wait3A_60 : memref<128x128xf32, #tpu.memory_space<vmem_shared>>)
      tpu.yield
    }) : () -> ()
    %add3A_10 = arith.constant 128 : i32
    %add3A_11 = arith.addi %mul3A_7, %add3A_10 : i32
    "tpu.region"() ({
      %run_scoped3A = tpu.sem_alloc : memref<!tpu.dma_semaphore, #tpu.memory_space<semaphore_mem>>
      %dma_start3A = arith.constant 0 : i32
      %dma_start3A_46 = arith.constant 0 : i32
      %dma_start3A_47 = tpu.memref_slice %arg12[%dma_start3A, %dma_start3A_46] : memref<128x128xf32, #tpu.memory_space<vmem>> -> memref<128x128xf32, #tpu.memory_space<vmem>>
      %dma_start3A_48 = arith.constant 0 : i32
      %dma_start3A_49 = tpu.memref_slice %arg7[%add3A_11, %dma_start3A_48] : memref<10112x128xf32, #tpu.memory_space<vmem_shared>> -> memref<128x128xf32, #tpu.memory_space<vmem_shared>>
      %dma_start3A_50 = arith.constant 0 : i32
      %dma_start3A_51 = tpu.memref_slice %arg7[%add3A_11, %dma_start3A_50] : memref<10112x128xf32, #tpu.memory_space<vmem_shared>> -> memref<128x128xf32, #tpu.memory_space<vmem_shared>>
      %dma_start3A_52 = arith.constant 0 : i32
      %dma_start3A_53 = arith.constant 0 : i32
      %dma_start3A_54 = tpu.memref_slice %arg12[%dma_start3A_52, %dma_start3A_53] : memref<128x128xf32, #tpu.memory_space<vmem>> -> memref<128x128xf32, #tpu.memory_space<vmem>>
      tpu.enqueue_dma source(%dma_start3A_54 : memref<128x128xf32, #tpu.memory_space<vmem>>) target(%dma_start3A_51 : memref<128x128xf32, #tpu.memory_space<vmem_shared>>) target_semaphore(%run_scoped3A : memref<!tpu.dma_semaphore, #tpu.memory_space<semaphore_mem>>)
      %dma_wait3A = arith.constant 0 : i32
      %dma_wait3A_55 = arith.constant 0 : i32
      %dma_wait3A_56 = tpu.memref_slice %arg12[%dma_wait3A, %dma_wait3A_55] : memref<128x128xf32, #tpu.memory_space<vmem>> -> memref<128x128xf32, #tpu.memory_space<vmem>>
      %dma_wait3A_57 = arith.constant 0 : i32
      %dma_wait3A_58 = tpu.memref_slice %arg7[%add3A_11, %dma_wait3A_57] : memref<10112x128xf32, #tpu.memory_space<vmem_shared>> -> memref<128x128xf32, #tpu.memory_space<vmem_shared>>
      %dma_wait3A_59 = arith.constant 0 : i32
      %dma_wait3A_60 = tpu.memref_slice %arg7[%add3A_11, %dma_wait3A_59] : memref<10112x128xf32, #tpu.memory_space<vmem_shared>> -> memref<128x128xf32, #tpu.memory_space<vmem_shared>>
      %dma_wait3A_61 = arith.constant 0 : i32
      %dma_wait3A_62 = arith.constant 0 : i32
      %dma_wait3A_63 = tpu.memref_slice %arg12[%dma_wait3A_61, %dma_wait3A_62] : memref<128x128xf32, #tpu.memory_space<vmem>> -> memref<128x128xf32, #tpu.memory_space<vmem>>
      tpu.wait_dma2 semaphore(%run_scoped3A : memref<!tpu.dma_semaphore, #tpu.memory_space<semaphore_mem>>) src(%dma_wait3A_63 : memref<128x128xf32, #tpu.memory_space<vmem>>) dst(%dma_wait3A_60 : memref<128x128xf32, #tpu.memory_space<vmem_shared>>)
      tpu.yield
    }) : () -> ()
    %add3A_12 = arith.constant 256 : i32
    %add3A_13 = arith.addi %mul3A_7, %add3A_12 : i32
    "tpu.region"() ({
      %run_scoped3A = tpu.sem_alloc : memref<!tpu.dma_semaphore, #tpu.memory_space<semaphore_mem>>
      %dma_start3A = arith.constant 0 : i32
      %dma_start3A_46 = arith.constant 0 : i32
      %dma_start3A_47 = tpu.memref_slice %arg12[%dma_start3A, %dma_start3A_46] : memref<128x128xf32, #tpu.memory_space<vmem>> -> memref<128x128xf32, #tpu.memory_space<vmem>>
      %dma_start3A_48 = arith.constant 0 : i32
      %dma_start3A_49 = tpu.memref_slice %arg7[%add3A_13, %dma_start3A_48] : memref<10112x128xf32, #tpu.memory_space<vmem_shared>> -> memref<128x128xf32, #tpu.memory_space<vmem_shared>>
      %dma_start3A_50 = arith.constant 0 : i32
      %dma_start3A_51 = tpu.memref_slice %arg7[%add3A_13, %dma_start3A_50] : memref<10112x128xf32, #tpu.memory_space<vmem_shared>> -> memref<128x128xf32, #tpu.memory_space<vmem_shared>>
      %dma_start3A_52 = arith.constant 0 : i32
      %dma_start3A_53 = arith.constant 0 : i32
      %dma_start3A_54 = tpu.memref_slice %arg12[%dma_start3A_52, %dma_start3A_53] : memref<128x128xf32, #tpu.memory_space<vmem>> -> memref<128x128xf32, #tpu.memory_space<vmem>>
      tpu.enqueue_dma source(%dma_start3A_54 : memref<128x128xf32, #tpu.memory_space<vmem>>) target(%dma_start3A_51 : memref<128x128xf32, #tpu.memory_space<vmem_shared>>) target_semaphore(%run_scoped3A : memref<!tpu.dma_semaphore, #tpu.memory_space<semaphore_mem>>)
      %dma_wait3A = arith.constant 0 : i32
      %dma_wait3A_55 = arith.constant 0 : i32
      %dma_wait3A_56 = tpu.memref_slice %arg12[%dma_wait3A, %dma_wait3A_55] : memref<128x128xf32, #tpu.memory_space<vmem>> -> memref<128x128xf32, #tpu.memory_space<vmem>>
      %dma_wait3A_57 = arith.constant 0 : i32
      %dma_wait3A_58 = tpu.memref_slice %arg7[%add3A_13, %dma_wait3A_57] : memref<10112x128xf32, #tpu.memory_space<vmem_shared>> -> memref<128x128xf32, #tpu.memory_space<vmem_shared>>
      %dma_wait3A_59 = arith.constant 0 : i32
      %dma_wait3A_60 = tpu.memref_slice %arg7[%add3A_13, %dma_wait3A_59] : memref<10112x128xf32, #tpu.memory_space<vmem_shared>> -> memref<128x128xf32, #tpu.memory_space<vmem_shared>>
      %dma_wait3A_61 = arith.constant 0 : i32
      %dma_wait3A_62 = arith.constant 0 : i32
      %dma_wait3A_63 = tpu.memref_slice %arg12[%dma_wait3A_61, %dma_wait3A_62] : memref<128x128xf32, #tpu.memory_space<vmem>> -> memref<128x128xf32, #tpu.memory_space<vmem>>
      tpu.wait_dma2 semaphore(%run_scoped3A : memref<!tpu.dma_semaphore, #tpu.memory_space<semaphore_mem>>) src(%dma_wait3A_63 : memref<128x128xf32, #tpu.memory_space<vmem>>) dst(%dma_wait3A_60 : memref<128x128xf32, #tpu.memory_space<vmem_shared>>)
      tpu.yield
    }) : () -> ()
    %add3A_14 = arith.constant 384 : i32
    %add3A_15 = arith.addi %mul3A_7, %add3A_14 : i32
    "tpu.region"() ({
      %run_scoped3A = tpu.sem_alloc : memref<!tpu.dma_semaphore, #tpu.memory_space<semaphore_mem>>
      %dma_start3A = arith.constant 0 : i32
      %dma_start3A_46 = arith.constant 0 : i32
      %dma_start3A_47 = tpu.memref_slice %arg12[%dma_start3A, %dma_start3A_46] : memref<128x128xf32, #tpu.memory_space<vmem>> -> memref<128x128xf32, #tpu.memory_space<vmem>>
      %dma_start3A_48 = arith.constant 0 : i32
      %dma_start3A_49 = tpu.memref_slice %arg7[%add3A_15, %dma_start3A_48] : memref<10112x128xf32, #tpu.memory_space<vmem_shared>> -> memref<128x128xf32, #tpu.memory_space<vmem_shared>>
      %dma_start3A_50 = arith.constant 0 : i32
      %dma_start3A_51 = tpu.memref_slice %arg7[%add3A_15, %dma_start3A_50] : memref<10112x128xf32, #tpu.memory_space<vmem_shared>> -> memref<128x128xf32, #tpu.memory_space<vmem_shared>>
      %dma_start3A_52 = arith.constant 0 : i32
      %dma_start3A_53 = arith.constant 0 : i32
      %dma_start3A_54 = tpu.memref_slice %arg12[%dma_start3A_52, %dma_start3A_53] : memref<128x128xf32, #tpu.memory_space<vmem>> -> memref<128x128xf32, #tpu.memory_space<vmem>>
      tpu.enqueue_dma source(%dma_start3A_54 : memref<128x128xf32, #tpu.memory_space<vmem>>) target(%dma_start3A_51 : memref<128x128xf32, #tpu.memory_space<vmem_shared>>) target_semaphore(%run_scoped3A : memref<!tpu.dma_semaphore, #tpu.memory_space<semaphore_mem>>)
      %dma_wait3A = arith.constant 0 : i32
      %dma_wait3A_55 = arith.constant 0 : i32
      %dma_wait3A_56 = tpu.memref_slice %arg12[%dma_wait3A, %dma_wait3A_55] : memref<128x128xf32, #tpu.memory_space<vmem>> -> memref<128x128xf32, #tpu.memory_space<vmem>>
      %dma_wait3A_57 = arith.constant 0 : i32
      %dma_wait3A_58 = tpu.memref_slice %arg7[%add3A_15, %dma_wait3A_57] : memref<10112x128xf32, #tpu.memory_space<vmem_shared>> -> memref<128x128xf32, #tpu.memory_space<vmem_shared>>
      %dma_wait3A_59 = arith.constant 0 : i32
      %dma_wait3A_60 = tpu.memref_slice %arg7[%add3A_15, %dma_wait3A_59] : memref<10112x128xf32, #tpu.memory_space<vmem_shared>> -> memref<128x128xf32, #tpu.memory_space<vmem_shared>>
      %dma_wait3A_61 = arith.constant 0 : i32
      %dma_wait3A_62 = arith.constant 0 : i32
      %dma_wait3A_63 = tpu.memref_slice %arg12[%dma_wait3A_61, %dma_wait3A_62] : memref<128x128xf32, #tpu.memory_space<vmem>> -> memref<128x128xf32, #tpu.memory_space<vmem>>
      tpu.wait_dma2 semaphore(%run_scoped3A : memref<!tpu.dma_semaphore, #tpu.memory_space<semaphore_mem>>) src(%dma_wait3A_63 : memref<128x128xf32, #tpu.memory_space<vmem>>) dst(%dma_wait3A_60 : memref<128x128xf32, #tpu.memory_space<vmem_shared>>)
      tpu.yield
    }) : () -> ()
    %add3A_16 = arith.constant 512 : i32
    %add3A_17 = arith.addi %mul3A_7, %add3A_16 : i32
    "tpu.region"() ({
      %run_scoped3A = tpu.sem_alloc : memref<!tpu.dma_semaphore, #tpu.memory_space<semaphore_mem>>
      %dma_start3A = arith.constant 0 : i32
      %dma_start3A_46 = arith.constant 0 : i32
      %dma_start3A_47 = tpu.memref_slice %arg12[%dma_start3A, %dma_start3A_46] : memref<128x128xf32, #tpu.memory_space<vmem>> -> memref<120x128xf32, #tpu.memory_space<vmem>>
      %dma_start3A_48 = arith.constant 0 : i32
      %dma_start3A_49 = tpu.memref_slice %arg7[%add3A_17, %dma_start3A_48] : memref<10112x128xf32, #tpu.memory_space<vmem_shared>> -> memref<120x128xf32, #tpu.memory_space<vmem_shared>>
      %dma_start3A_50 = arith.constant 0 : i32
      %dma_start3A_51 = tpu.memref_slice %arg7[%add3A_17, %dma_start3A_50] : memref<10112x128xf32, #tpu.memory_space<vmem_shared>> -> memref<120x128xf32, #tpu.memory_space<vmem_shared>>
      %dma_start3A_52 = arith.constant 0 : i32
      %dma_start3A_53 = arith.constant 0 : i32
      %dma_start3A_54 = tpu.memref_slice %arg12[%dma_start3A_52, %dma_start3A_53] : memref<128x128xf32, #tpu.memory_space<vmem>> -> memref<120x128xf32, #tpu.memory_space<vmem>>
      tpu.enqueue_dma source(%dma_start3A_54 : memref<120x128xf32, #tpu.memory_space<vmem>>) target(%dma_start3A_51 : memref<120x128xf32, #tpu.memory_space<vmem_shared>>) target_semaphore(%run_scoped3A : memref<!tpu.dma_semaphore, #tpu.memory_space<semaphore_mem>>)
      %dma_wait3A = arith.constant 0 : i32
      %dma_wait3A_55 = arith.constant 0 : i32
      %dma_wait3A_56 = tpu.memref_slice %arg12[%dma_wait3A, %dma_wait3A_55] : memref<128x128xf32, #tpu.memory_space<vmem>> -> memref<120x128xf32, #tpu.memory_space<vmem>>
      %dma_wait3A_57 = arith.constant 0 : i32
      %dma_wait3A_58 = tpu.memref_slice %arg7[%add3A_17, %dma_wait3A_57] : memref<10112x128xf32, #tpu.memory_space<vmem_shared>> -> memref<120x128xf32, #tpu.memory_space<vmem_shared>>
      %dma_wait3A_59 = arith.constant 0 : i32
      %dma_wait3A_60 = tpu.memref_slice %arg7[%add3A_17, %dma_wait3A_59] : memref<10112x128xf32, #tpu.memory_space<vmem_shared>> -> memref<120x128xf32, #tpu.memory_space<vmem_shared>>
      %dma_wait3A_61 = arith.constant 0 : i32
      %dma_wait3A_62 = arith.constant 0 : i32
      %dma_wait3A_63 = tpu.memref_slice %arg12[%dma_wait3A_61, %dma_wait3A_62] : memref<128x128xf32, #tpu.memory_space<vmem>> -> memref<120x128xf32, #tpu.memory_space<vmem>>
      tpu.wait_dma2 semaphore(%run_scoped3A : memref<!tpu.dma_semaphore, #tpu.memory_space<semaphore_mem>>) src(%dma_wait3A_63 : memref<120x128xf32, #tpu.memory_space<vmem>>) dst(%dma_wait3A_60 : memref<120x128xf32, #tpu.memory_space<vmem_shared>>)
      tpu.yield
    }) : () -> ()
    %barrier3A = arith.constant 0 : index
    tpu.barrier barrier_id(%barrier3A)
    %mul3A_18 = arith.constant 10112 : i32
    %mul3A_19 = arith.muli %add3A, %mul3A_18 : i32
    %scan3A_20 = arith.constant 0 : i32
    %scan3A_21 = arith.constant 79 : i32
    %scan3A_22 = arith.addi %scan3A_20, %scan3A_21 : i32
    %scan3A_23 = arith.constant 1 : i32
    scf.for %scan3A_46 = %scan3A_20 to %scan3A_22 step %scan3A_23  : i32 {
      %mul3A_47 = arith.constant 1 : i32
      %mul3A_48 = arith.muli %scan3A_46, %mul3A_47 : i32
      %add3A_49 = arith.constant 0 : i32
      %add3A_50 = arith.addi %add3A_49, %mul3A_48 : i32
      %mul3A_51 = arith.constant 128 : i32
      %mul3A_52 = arith.muli %add3A_50, %mul3A_51 : i32
      %add3A_53 = arith.addi %mul3A_19, %mul3A_52 : i32
      %run_scoped3A = arith.constant 0 : i32
      "tpu.region"() ({
        %run_scoped3A_97 = tpu.sem_alloc : memref<!tpu.dma_semaphore, #tpu.memory_space<semaphore_mem>>
        %dma_start3A_98 = arith.constant 0 : i32
        %dma_start3A_99 = tpu.memref_slice %arg8[%run_scoped3A, %dma_start3A_98] : memref<1x128xi32, #tpu.memory_space<vmem>> -> memref<1x128xi32, #tpu.memory_space<vmem>>
        %dma_start3A_100 = tpu.memref_squeeze %dma_start3A_99 : memref<1x128xi32, #tpu.memory_space<vmem>> -> memref<128xi32, #tpu.memory_space<vmem>>
        %dma_start3A_101 = tpu.memref_slice %arg2[%add3A_53] : memref<323584xi32, #tpu.memory_space<hbm>> -> memref<128xi32, #tpu.memory_space<hbm>>
        %dma_start3A_102 = arith.constant 0 : i32
        %dma_start3A_103 = tpu.memref_slice %arg8[%run_scoped3A, %dma_start3A_102] : memref<1x128xi32, #tpu.memory_space<vmem>> -> memref<1x128xi32, #tpu.memory_space<vmem>>
        %dma_start3A_104 = tpu.memref_squeeze %dma_start3A_103 : memref<1x128xi32, #tpu.memory_space<vmem>> -> memref<128xi32, #tpu.memory_space<vmem>>
        %dma_start3A_105 = tpu.memref_slice %arg2[%add3A_53] : memref<323584xi32, #tpu.memory_space<hbm>> -> memref<128xi32, #tpu.memory_space<hbm>>
        tpu.enqueue_dma source(%dma_start3A_105 : memref<128xi32, #tpu.memory_space<hbm>>) target(%dma_start3A_104 : memref<128xi32, #tpu.memory_space<vmem>>) target_semaphore(%run_scoped3A_97 : memref<!tpu.dma_semaphore, #tpu.memory_space<semaphore_mem>>)
        %dma_wait3A_106 = arith.constant 0 : i32
        %dma_wait3A_107 = tpu.memref_slice %arg8[%run_scoped3A, %dma_wait3A_106] : memref<1x128xi32, #tpu.memory_space<vmem>> -> memref<1x128xi32, #tpu.memory_space<vmem>>
        %dma_wait3A_108 = tpu.memref_squeeze %dma_wait3A_107 : memref<1x128xi32, #tpu.memory_space<vmem>> -> memref<128xi32, #tpu.memory_space<vmem>>
        %dma_wait3A_109 = tpu.memref_slice %arg2[%add3A_53] : memref<323584xi32, #tpu.memory_space<hbm>> -> memref<128xi32, #tpu.memory_space<hbm>>
        %dma_wait3A_110 = arith.constant 0 : i32
        %dma_wait3A_111 = tpu.memref_slice %arg8[%run_scoped3A, %dma_wait3A_110] : memref<1x128xi32, #tpu.memory_space<vmem>> -> memref<1x128xi32, #tpu.memory_space<vmem>>
        %dma_wait3A_112 = tpu.memref_squeeze %dma_wait3A_111 : memref<1x128xi32, #tpu.memory_space<vmem>> -> memref<128xi32, #tpu.memory_space<vmem>>
        %dma_wait3A_113 = tpu.memref_slice %arg2[%add3A_53] : memref<323584xi32, #tpu.memory_space<hbm>> -> memref<128xi32, #tpu.memory_space<hbm>>
        tpu.wait_dma2 semaphore(%run_scoped3A_97 : memref<!tpu.dma_semaphore, #tpu.memory_space<semaphore_mem>>) src(%dma_wait3A_113 : memref<128xi32, #tpu.memory_space<hbm>>) dst(%dma_wait3A_112 : memref<128xi32, #tpu.memory_space<vmem>>)
        tpu.yield
      }) : () -> ()
      %run_scoped3A_54 = arith.constant 0 : i32
      "tpu.region"() ({
        %run_scoped3A_97 = tpu.sem_alloc : memref<!tpu.dma_semaphore, #tpu.memory_space<semaphore_mem>>
        %dma_start3A_98 = arith.constant 0 : i32
        %dma_start3A_99 = tpu.memref_slice %arg9[%run_scoped3A_54, %dma_start3A_98] : memref<1x128xi32, #tpu.memory_space<vmem>> -> memref<1x128xi32, #tpu.memory_space<vmem>>
        %dma_start3A_100 = tpu.memref_squeeze %dma_start3A_99 : memref<1x128xi32, #tpu.memory_space<vmem>> -> memref<128xi32, #tpu.memory_space<vmem>>
        %dma_start3A_101 = tpu.memref_slice %arg3[%add3A_53] : memref<323584xi32, #tpu.memory_space<hbm>> -> memref<128xi32, #tpu.memory_space<hbm>>
        %dma_start3A_102 = arith.constant 0 : i32
        %dma_start3A_103 = tpu.memref_slice %arg9[%run_scoped3A_54, %dma_start3A_102] : memref<1x128xi32, #tpu.memory_space<vmem>> -> memref<1x128xi32, #tpu.memory_space<vmem>>
        %dma_start3A_104 = tpu.memref_squeeze %dma_start3A_103 : memref<1x128xi32, #tpu.memory_space<vmem>> -> memref<128xi32, #tpu.memory_space<vmem>>
        %dma_start3A_105 = tpu.memref_slice %arg3[%add3A_53] : memref<323584xi32, #tpu.memory_space<hbm>> -> memref<128xi32, #tpu.memory_space<hbm>>
        tpu.enqueue_dma source(%dma_start3A_105 : memref<128xi32, #tpu.memory_space<hbm>>) target(%dma_start3A_104 : memref<128xi32, #tpu.memory_space<vmem>>) target_semaphore(%run_scoped3A_97 : memref<!tpu.dma_semaphore, #tpu.memory_space<semaphore_mem>>)
        %dma_wait3A_106 = arith.constant 0 : i32
        %dma_wait3A_107 = tpu.memref_slice %arg9[%run_scoped3A_54, %dma_wait3A_106] : memref<1x128xi32, #tpu.memory_space<vmem>> -> memref<1x128xi32, #tpu.memory_space<vmem>>
        %dma_wait3A_108 = tpu.memref_squeeze %dma_wait3A_107 : memref<1x128xi32, #tpu.memory_space<vmem>> -> memref<128xi32, #tpu.memory_space<vmem>>
        %dma_wait3A_109 = tpu.memref_slice %arg3[%add3A_53] : memref<323584xi32, #tpu.memory_space<hbm>> -> memref<128xi32, #tpu.memory_space<hbm>>
        %dma_wait3A_110 = arith.constant 0 : i32
        %dma_wait3A_111 = tpu.memref_slice %arg9[%run_scoped3A_54, %dma_wait3A_110] : memref<1x128xi32, #tpu.memory_space<vmem>> -> memref<1x128xi32, #tpu.memory_space<vmem>>
        %dma_wait3A_112 = tpu.memref_squeeze %dma_wait3A_111 : memref<1x128xi32, #tpu.memory_space<vmem>> -> memref<128xi32, #tpu.memory_space<vmem>>
        %dma_wait3A_113 = tpu.memref_slice %arg3[%add3A_53] : memref<323584xi32, #tpu.memory_space<hbm>> -> memref<128xi32, #tpu.memory_space<hbm>>
        tpu.wait_dma2 semaphore(%run_scoped3A_97 : memref<!tpu.dma_semaphore, #tpu.memory_space<semaphore_mem>>) src(%dma_wait3A_113 : memref<128xi32, #tpu.memory_space<hbm>>) dst(%dma_wait3A_112 : memref<128xi32, #tpu.memory_space<vmem>>)
        tpu.yield
      }) : () -> ()
      %jit3A = arith.constant 8 : i32
      %div3A = arith.divsi %add3A_53, %jit3A : i32
      %sign3A = arith.constant 0 : i32
      %sign3A_55 = arith.cmpi sgt, %add3A_53, %sign3A : i32
      %sign3A_56 = arith.extui %sign3A_55 : i1 to i32
      %sign3A_57 = arith.constant 0 : i32
      %sign3A_58 = arith.cmpi slt, %add3A_53, %sign3A_57 : i32
      %sign3A_59 = arith.extui %sign3A_58 : i1 to i32
      %sign3A_60 = arith.subi %sign3A_56, %sign3A_59 : i32
      %sign3A_61 = arith.constant 0 : i32
      %sign3A_62 = arith.cmpi sgt, %jit3A, %sign3A_61 : i32
      %sign3A_63 = arith.extui %sign3A_62 : i1 to i32
      %sign3A_64 = arith.constant 0 : i32
      %sign3A_65 = arith.cmpi slt, %jit3A, %sign3A_64 : i32
      %sign3A_66 = arith.extui %sign3A_65 : i1 to i32
      %sign3A_67 = arith.subi %sign3A_63, %sign3A_66 : i32
      %ne3A = arith.cmpi ne, %sign3A_60, %sign3A_67 : i32
      %rem3A = arith.remsi %add3A_53, %jit3A : i32
      %ne3A_68 = arith.constant 0 : i32
      %ne3A_69 = arith.cmpi ne, %rem3A, %ne3A_68 : i32
      %and3A = arith.andi %ne3A, %ne3A_69 : i1
      %sub3A = arith.constant 1 : i32
      %sub3A_70 = arith.subi %div3A, %sub3A : i32
      %select_n3A = arith.select %and3A, %sub3A_70, %div3A : i32
      %multiple_of3A = tpu.assume_multiple %select_n3A, 8 : i32
      %dma_start3A = arith.constant 0 : i32
      %dma_start3A_71 = tpu.memref_slice %arg5[%multiple_of3A, %dma_start3A] : memref<40448x128xf32, #tpu.memory_space<hbm>> -> memref<16x128xf32, #tpu.memory_space<hbm>>
      %dma_start3A_72 = arith.constant 0 : i32
      %dma_start3A_73 = tpu.memref_slice %arg5[%multiple_of3A, %dma_start3A_72] : memref<40448x128xf32, #tpu.memory_space<hbm>> -> memref<16x128xf32, #tpu.memory_space<hbm>>
      tpu.enqueue_dma source(%dma_start3A_73 : memref<16x128xf32, #tpu.memory_space<hbm>>) target(%arg11 : memref<16x128xf32, #tpu.memory_space<vmem>>) target_semaphore(%arg13 : memref<!tpu.dma_semaphore, #tpu.memory_space<semaphore_mem>>)
      %dma_start3A_74 = arith.constant 0 : i32
      %dma_start3A_75 = arith.constant 0 : i32
      %dma_start3A_76 = tpu.memref_slice %arg8[%dma_start3A_74, %dma_start3A_75] : memref<1x128xi32, #tpu.memory_space<vmem>> -> memref<1x128xi32, #tpu.memory_space<vmem>>
      %dma_start3A_77 = tpu.memref_squeeze %dma_start3A_76 : memref<1x128xi32, #tpu.memory_space<vmem>> -> memref<128xi32, #tpu.memory_space<vmem>>
      %dma_start3A_78 = arith.constant 0 : i32
      %dma_start3A_79 = arith.constant 0 : i32
      %dma_start3A_80 = tpu.memref_slice %arg4[%dma_start3A_78, %dma_start3A_79] : memref<10000x128xf32, #tpu.memory_space<hbm>> -> memref<10000x128xf32, #tpu.memory_space<hbm>>
      tpu.enqueue_indirect_dma source(%dma_start3A_80 : memref<10000x128xf32, #tpu.memory_space<hbm>>) target(%arg10 : memref<128x128xf32, #tpu.memory_space<vmem>>) offsets(%dma_start3A_77 : memref<128xi32, #tpu.memory_space<vmem>>) semaphore(%arg14 : memref<!tpu.dma_semaphore, #tpu.memory_space<semaphore_mem>>)
      %dma_wait3A = arith.constant 0 : i32
      %dma_wait3A_81 = tpu.memref_slice %arg5[%multiple_of3A, %dma_wait3A] : memref<40448x128xf32, #tpu.memory_space<hbm>> -> memref<16x128xf32, #tpu.memory_space<hbm>>
      %dma_wait3A_82 = arith.constant 0 : i32
      %dma_wait3A_83 = tpu.memref_slice %arg5[%multiple_of3A, %dma_wait3A_82] : memref<40448x128xf32, #tpu.memory_space<hbm>> -> memref<16x128xf32, #tpu.memory_space<hbm>>
      tpu.wait_dma2 semaphore(%arg13 : memref<!tpu.dma_semaphore, #tpu.memory_space<semaphore_mem>>) src(%dma_wait3A_83 : memref<16x128xf32, #tpu.memory_space<hbm>>) dst(%arg11 : memref<16x128xf32, #tpu.memory_space<vmem>>)
      %dma_wait3A_84 = arith.constant 0 : i32
      %dma_wait3A_85 = arith.constant 0 : i32
      %dma_wait3A_86 = tpu.memref_slice %arg8[%dma_wait3A_84, %dma_wait3A_85] : memref<1x128xi32, #tpu.memory_space<vmem>> -> memref<1x128xi32, #tpu.memory_space<vmem>>
      %dma_wait3A_87 = tpu.memref_squeeze %dma_wait3A_86 : memref<1x128xi32, #tpu.memory_space<vmem>> -> memref<128xi32, #tpu.memory_space<vmem>>
      %dma_wait3A_88 = arith.constant 0 : i32
      %dma_wait3A_89 = arith.constant 0 : i32
      %dma_wait3A_90 = tpu.memref_slice %arg4[%dma_wait3A_88, %dma_wait3A_89] : memref<10000x128xf32, #tpu.memory_space<hbm>> -> memref<10000x128xf32, #tpu.memory_space<hbm>>
      tpu.wait_indirect_dma semaphore(%arg14 : memref<!tpu.dma_semaphore, #tpu.memory_space<semaphore_mem>>) src(%dma_wait3A_90 : memref<10000x128xf32, #tpu.memory_space<hbm>>) dst(%arg10 : memref<128x128xf32, #tpu.memory_space<vmem>>)
      %scan3A_91 = arith.constant 0 : i32
      %scan3A_92 = arith.constant 128 : i32
      %scan3A_93 = arith.addi %scan3A_91, %scan3A_92 : i32
      %scan3A_94 = arith.constant 1 : i32
      scf.for %scan3A_97 = %scan3A_91 to %scan3A_93 step %scan3A_94  : i32 {
        %mul3A_98 = arith.constant 1 : i32
        %mul3A_99 = arith.muli %scan3A_97, %mul3A_98 : i32
        %add3A_100 = arith.constant 0 : i32
        %add3A_101 = arith.addi %add3A_100, %mul3A_99 : i32
        %jit3A_102 = arith.constant 8 : i32
        %div3A_103 = arith.divsi %add3A_101, %jit3A_102 : i32
        %sign3A_104 = arith.constant 0 : i32
        %sign3A_105 = arith.cmpi sgt, %add3A_101, %sign3A_104 : i32
        %sign3A_106 = arith.extui %sign3A_105 : i1 to i32
        %sign3A_107 = arith.constant 0 : i32
        %sign3A_108 = arith.cmpi slt, %add3A_101, %sign3A_107 : i32
        %sign3A_109 = arith.extui %sign3A_108 : i1 to i32
        %sign3A_110 = arith.subi %sign3A_106, %sign3A_109 : i32
        %sign3A_111 = arith.constant 0 : i32
        %sign3A_112 = arith.cmpi sgt, %jit3A_102, %sign3A_111 : i32
        %sign3A_113 = arith.extui %sign3A_112 : i1 to i32
        %sign3A_114 = arith.constant 0 : i32
        %sign3A_115 = arith.cmpi slt, %jit3A_102, %sign3A_114 : i32
        %sign3A_116 = arith.extui %sign3A_115 : i1 to i32
        %sign3A_117 = arith.subi %sign3A_113, %sign3A_116 : i32
        %ne3A_118 = arith.cmpi ne, %sign3A_110, %sign3A_117 : i32
        %rem3A_119 = arith.remsi %add3A_101, %jit3A_102 : i32
        %ne3A_120 = arith.constant 0 : i32
        %ne3A_121 = arith.cmpi ne, %rem3A_119, %ne3A_120 : i32
        %and3A_122 = arith.andi %ne3A_118, %ne3A_121 : i1
        %sub3A_123 = arith.constant 1 : i32
        %sub3A_124 = arith.subi %div3A_103, %sub3A_123 : i32
        %select_n3A_125 = arith.select %and3A_122, %sub3A_124, %div3A_103 : i32
        %jit3A_126 = arith.constant 8 : i32
        %eq3A = arith.constant 0 : i32
        %eq3A_127 = arith.cmpi eq, %jit3A_126, %eq3A : i32
        %jit3A_128 = arith.constant 1 : i32
        %select_n3A_129 = arith.select %eq3A_127, %jit3A_128, %jit3A_126 : i32
        %rem3A_130 = arith.remsi %add3A_101, %select_n3A_129 : i32
        %ne3A_131 = arith.constant 0 : i32
        %ne3A_132 = arith.cmpi ne, %rem3A_130, %ne3A_131 : i32
        %lt3A = arith.constant 0 : i32
        %lt3A_133 = arith.cmpi slt, %rem3A_130, %lt3A : i32
        %lt3A_134 = arith.constant 0 : i32
        %lt3A_135 = arith.cmpi slt, %select_n3A_129, %lt3A_134 : i32
        %ne3A_136 = arith.xori %lt3A_133, %lt3A_135 : i1
        %and3A_137 = arith.andi %ne3A_136, %ne3A_132 : i1
        %add3A_138 = arith.addi %rem3A_130, %select_n3A_129 : i32
        %select_n3A_139 = arith.select %and3A_137, %add3A_138, %rem3A_130 : i32
        %mul3A_140 = arith.constant 16 : i32
        %mul3A_141 = arith.muli %select_n3A_139, %mul3A_140 : i32
        %get3A = arith.index_cast %select_n3A_125 : i32 to index
        %get3A_142 = arith.index_cast %mul3A_141 : i32 to index
        %get3A_143 = tpu.vector_load %arg11[%get3A, %get3A_142] {strides = array<i32>} : memref<16x128xf32, #tpu.memory_space<vmem>>, vector<1x16xf32>,
        %get3A_144 = vector.shape_cast %get3A_143 : vector<1x16xf32> to vector<16xf32>
        %get3A_145 = arith.index_cast %add3A_101 : i32 to index
        %get3A_146 = arith.constant 0 : index
        %get3A_147 = tpu.vector_load %arg10[%get3A_145, %get3A_146] {strides = array<i32>} : memref<128x128xf32, #tpu.memory_space<vmem>>, vector<1x16xf32>,
        %get3A_148 = vector.shape_cast %get3A_147 : vector<1x16xf32> to vector<16xf32>
        %mul3A_149 = arith.mulf %get3A_148, %get3A_144 : vector<16xf32>
        %swap3A = arith.index_cast %add3A_101 : i32 to index
        %swap3A_150 = arith.constant 0 : index
        %swap3A_151 = tpu.vector_load %arg12[%swap3A, %swap3A_150] {strides = array<i32>} : memref<128x128xf32, #tpu.memory_space<vmem>>, vector<1x16xf32>,
        %swap3A_152 = vector.shape_cast %swap3A_151 : vector<1x16xf32> to vector<16xf32>
        %swap3A_153 = vector.shape_cast %mul3A_149 : vector<16xf32> to vector<1x16xf32>
        tpu.vector_store %arg12[%swap3A, %swap3A_150], %swap3A_153 {strides = array<i32>} : memref<128x128xf32, #tpu.memory_space<vmem>>, vector<1x16xf32>,
        %get3A_154 = arith.index_cast %add3A_101 : i32 to index
        %get3A_155 = arith.constant 16 : index
        %get3A_156 = tpu.vector_load %arg10[%get3A_154, %get3A_155] {strides = array<i32>} : memref<128x128xf32, #tpu.memory_space<vmem>>, vector<1x16xf32>,
        %get3A_157 = vector.shape_cast %get3A_156 : vector<1x16xf32> to vector<16xf32>
        %mul3A_158 = arith.mulf %get3A_157, %get3A_144 : vector<16xf32>
        %swap3A_159 = arith.index_cast %add3A_101 : i32 to index
        %swap3A_160 = arith.constant 16 : index
        %swap3A_161 = tpu.vector_load %arg12[%swap3A_159, %swap3A_160] {strides = array<i32>} : memref<128x128xf32, #tpu.memory_space<vmem>>, vector<1x16xf32>,
        %swap3A_162 = vector.shape_cast %swap3A_161 : vector<1x16xf32> to vector<16xf32>
        %swap3A_163 = vector.shape_cast %mul3A_158 : vector<16xf32> to vector<1x16xf32>
        tpu.vector_store %arg12[%swap3A_159, %swap3A_160], %swap3A_163 {strides = array<i32>} : memref<128x128xf32, #tpu.memory_space<vmem>>, vector<1x16xf32>,
        %get3A_164 = arith.index_cast %add3A_101 : i32 to index
        %get3A_165 = arith.constant 32 : index
        %get3A_166 = tpu.vector_load %arg10[%get3A_164, %get3A_165] {strides = array<i32>} : memref<128x128xf32, #tpu.memory_space<vmem>>, vector<1x16xf32>,
        %get3A_167 = vector.shape_cast %get3A_166 : vector<1x16xf32> to vector<16xf32>
        %mul3A_168 = arith.mulf %get3A_167, %get3A_144 : vector<16xf32>
        %swap3A_169 = arith.index_cast %add3A_101 : i32 to index
        %swap3A_170 = arith.constant 32 : index
        %swap3A_171 = tpu.vector_load %arg12[%swap3A_169, %swap3A_170] {strides = array<i32>} : memref<128x128xf32, #tpu.memory_space<vmem>>, vector<1x16xf32>,
        %swap3A_172 = vector.shape_cast %swap3A_171 : vector<1x16xf32> to vector<16xf32>
        %swap3A_173 = vector.shape_cast %mul3A_168 : vector<16xf32> to vector<1x16xf32>
        tpu.vector_store %arg12[%swap3A_169, %swap3A_170], %swap3A_173 {strides = array<i32>} : memref<128x128xf32, #tpu.memory_space<vmem>>, vector<1x16xf32>,
        %get3A_174 = arith.index_cast %add3A_101 : i32 to index
        %get3A_175 = arith.constant 48 : index
        %get3A_176 = tpu.vector_load %arg10[%get3A_174, %get3A_175] {strides = array<i32>} : memref<128x128xf32, #tpu.memory_space<vmem>>, vector<1x16xf32>,
        %get3A_177 = vector.shape_cast %get3A_176 : vector<1x16xf32> to vector<16xf32>
        %mul3A_178 = arith.mulf %get3A_177, %get3A_144 : vector<16xf32>
        %swap3A_179 = arith.index_cast %add3A_101 : i32 to index
        %swap3A_180 = arith.constant 48 : index
        %swap3A_181 = tpu.vector_load %arg12[%swap3A_179, %swap3A_180] {strides = array<i32>} : memref<128x128xf32, #tpu.memory_space<vmem>>, vector<1x16xf32>,
        %swap3A_182 = vector.shape_cast %swap3A_181 : vector<1x16xf32> to vector<16xf32>
        %swap3A_183 = vector.shape_cast %mul3A_178 : vector<16xf32> to vector<1x16xf32>
        tpu.vector_store %arg12[%swap3A_179, %swap3A_180], %swap3A_183 {strides = array<i32>} : memref<128x128xf32, #tpu.memory_space<vmem>>, vector<1x16xf32>,
        %get3A_184 = arith.index_cast %add3A_101 : i32 to index
        %get3A_185 = arith.constant 64 : index
        %get3A_186 = tpu.vector_load %arg10[%get3A_184, %get3A_185] {strides = array<i32>} : memref<128x128xf32, #tpu.memory_space<vmem>>, vector<1x16xf32>,
        %get3A_187 = vector.shape_cast %get3A_186 : vector<1x16xf32> to vector<16xf32>
        %mul3A_188 = arith.mulf %get3A_187, %get3A_144 : vector<16xf32>
        %swap3A_189 = arith.index_cast %add3A_101 : i32 to index
        %swap3A_190 = arith.constant 64 : index
        %swap3A_191 = tpu.vector_load %arg12[%swap3A_189, %swap3A_190] {strides = array<i32>} : memref<128x128xf32, #tpu.memory_space<vmem>>, vector<1x16xf32>,
        %swap3A_192 = vector.shape_cast %swap3A_191 : vector<1x16xf32> to vector<16xf32>
        %swap3A_193 = vector.shape_cast %mul3A_188 : vector<16xf32> to vector<1x16xf32>
        tpu.vector_store %arg12[%swap3A_189, %swap3A_190], %swap3A_193 {strides = array<i32>} : memref<128x128xf32, #tpu.memory_space<vmem>>, vector<1x16xf32>,
        %get3A_194 = arith.index_cast %add3A_101 : i32 to index
        %get3A_195 = arith.constant 80 : index
        %get3A_196 = tpu.vector_load %arg10[%get3A_194, %get3A_195] {strides = array<i32>} : memref<128x128xf32, #tpu.memory_space<vmem>>, vector<1x16xf32>,
        %get3A_197 = vector.shape_cast %get3A_196 : vector<1x16xf32> to vector<16xf32>
        %mul3A_198 = arith.mulf %get3A_197, %get3A_144 : vector<16xf32>
        %swap3A_199 = arith.index_cast %add3A_101 : i32 to index
        %swap3A_200 = arith.constant 80 : index
        %swap3A_201 = tpu.vector_load %arg12[%swap3A_199, %swap3A_200] {strides = array<i32>} : memref<128x128xf32, #tpu.memory_space<vmem>>, vector<1x16xf32>,
        %swap3A_202 = vector.shape_cast %swap3A_201 : vector<1x16xf32> to vector<16xf32>
        %swap3A_203 = vector.shape_cast %mul3A_198 : vector<16xf32> to vector<1x16xf32>
        tpu.vector_store %arg12[%swap3A_199, %swap3A_200], %swap3A_203 {strides = array<i32>} : memref<128x128xf32, #tpu.memory_space<vmem>>, vector<1x16xf32>,
        %get3A_204 = arith.index_cast %add3A_101 : i32 to index
        %get3A_205 = arith.constant 96 : index
        %get3A_206 = tpu.vector_load %arg10[%get3A_204, %get3A_205] {strides = array<i32>} : memref<128x128xf32, #tpu.memory_space<vmem>>, vector<1x16xf32>,
        %get3A_207 = vector.shape_cast %get3A_206 : vector<1x16xf32> to vector<16xf32>
        %mul3A_208 = arith.mulf %get3A_207, %get3A_144 : vector<16xf32>
        %swap3A_209 = arith.index_cast %add3A_101 : i32 to index
        %swap3A_210 = arith.constant 96 : index
        %swap3A_211 = tpu.vector_load %arg12[%swap3A_209, %swap3A_210] {strides = array<i32>} : memref<128x128xf32, #tpu.memory_space<vmem>>, vector<1x16xf32>,
        %swap3A_212 = vector.shape_cast %swap3A_211 : vector<1x16xf32> to vector<16xf32>
        %swap3A_213 = vector.shape_cast %mul3A_208 : vector<16xf32> to vector<1x16xf32>
        tpu.vector_store %arg12[%swap3A_209, %swap3A_210], %swap3A_213 {strides = array<i32>} : memref<128x128xf32, #tpu.memory_space<vmem>>, vector<1x16xf32>,
        %get3A_214 = arith.index_cast %add3A_101 : i32 to index
        %get3A_215 = arith.constant 112 : index
        %get3A_216 = tpu.vector_load %arg10[%get3A_214, %get3A_215] {strides = array<i32>} : memref<128x128xf32, #tpu.memory_space<vmem>>, vector<1x16xf32>,
        %get3A_217 = vector.shape_cast %get3A_216 : vector<1x16xf32> to vector<16xf32>
        %mul3A_218 = arith.mulf %get3A_217, %get3A_144 : vector<16xf32>
        %swap3A_219 = arith.index_cast %add3A_101 : i32 to index
        %swap3A_220 = arith.constant 112 : index
        %swap3A_221 = tpu.vector_load %arg12[%swap3A_219, %swap3A_220] {strides = array<i32>} : memref<128x128xf32, #tpu.memory_space<vmem>>, vector<1x16xf32>,
        %swap3A_222 = vector.shape_cast %swap3A_221 : vector<1x16xf32> to vector<16xf32>
        %swap3A_223 = vector.shape_cast %mul3A_218 : vector<16xf32> to vector<1x16xf32>
        tpu.vector_store %arg12[%swap3A_219, %swap3A_220], %swap3A_223 {strides = array<i32>} : memref<128x128xf32, #tpu.memory_space<vmem>>, vector<1x16xf32>,
      }
      %scan3A_95 = arith.constant 128 : i32
      %run_scoped3A_96 = arith.constant 0 : i32
      "tpu.region"() ({
        %run_scoped3A_97 = tpu.sem_alloc : memref<!tpu.dma_semaphore, #tpu.memory_space<semaphore_mem>>
        %dma_start3A_98 = arith.constant 0 : i32
        %dma_start3A_99 = tpu.memref_slice %arg9[%run_scoped3A_96, %dma_start3A_98] : memref<1x128xi32, #tpu.memory_space<vmem>> -> memref<1x128xi32, #tpu.memory_space<vmem>>
        %dma_start3A_100 = tpu.memref_squeeze %dma_start3A_99 : memref<1x128xi32, #tpu.memory_space<vmem>> -> memref<128xi32, #tpu.memory_space<vmem>>
        %dma_start3A_101 = arith.constant 0 : i32
        %dma_start3A_102 = arith.constant 0 : i32
        %dma_start3A_103 = tpu.memref_slice %arg7[%dma_start3A_101, %dma_start3A_102] : memref<10112x128xf32, #tpu.memory_space<vmem_shared>> -> memref<10112x128xf32, #tpu.memory_space<vmem_shared>>
        tpu.enqueue_indirect_dma source(%arg12 : memref<128x128xf32, #tpu.memory_space<vmem>>) target(%dma_start3A_103 : memref<10112x128xf32, #tpu.memory_space<vmem_shared>>) offsets(%dma_start3A_100 : memref<128xi32, #tpu.memory_space<vmem>>) semaphore(%run_scoped3A_97 : memref<!tpu.dma_semaphore, #tpu.memory_space<semaphore_mem>>) {add = true}
        %dma_wait3A_104 = arith.constant 0 : i32
        %dma_wait3A_105 = tpu.memref_slice %arg9[%run_scoped3A_96, %dma_wait3A_104] : memref<1x128xi32, #tpu.memory_space<vmem>> -> memref<1x128xi32, #tpu.memory_space<vmem>>
        %dma_wait3A_106 = tpu.memref_squeeze %dma_wait3A_105 : memref<1x128xi32, #tpu.memory_space<vmem>> -> memref<128xi32, #tpu.memory_space<vmem>>
        %dma_wait3A_107 = arith.constant 0 : i32
        %dma_wait3A_108 = arith.constant 0 : i32
        %dma_wait3A_109 = tpu.memref_slice %arg7[%dma_wait3A_107, %dma_wait3A_108] : memref<10112x128xf32, #tpu.memory_space<vmem_shared>> -> memref<10112x128xf32, #tpu.memory_space<vmem_shared>>
        tpu.wait_indirect_dma semaphore(%run_scoped3A_97 : memref<!tpu.dma_semaphore, #tpu.memory_space<semaphore_mem>>) src(%arg12 : memref<128x128xf32, #tpu.memory_space<vmem>>) dst(%dma_wait3A_109 : memref<10112x128xf32, #tpu.memory_space<vmem_shared>>)
        tpu.yield
      }) : () -> ()
    }
    %scan3A_24 = arith.constant 79 : i32
    %barrier3A_25 = arith.constant 0 : index
    tpu.barrier barrier_id(%barrier3A_25)
    %add3A_26 = arith.constant 0 : i32
    %add3A_27 = arith.addi %mul3A_7, %add3A_26 : i32
    %add3A_28 = arith.constant 0 : i32
    %add3A_29 = arith.addi %mul3A_7, %add3A_28 : i32
    "tpu.region"() ({
      %run_scoped3A = tpu.sem_alloc : memref<!tpu.dma_semaphore, #tpu.memory_space<semaphore_mem>>
      %dma_start3A = arith.constant 0 : i32
      %dma_start3A_46 = tpu.memref_slice %arg6[%arg0, %add3A_29, %dma_start3A] : memref<2x10112x128xf32, #tpu.memory_space<hbm>> -> memref<1x128x128xf32, #tpu.memory_space<hbm>>
      %dma_start3A_47 = tpu.memref_squeeze %dma_start3A_46 : memref<1x128x128xf32, #tpu.memory_space<hbm>> -> memref<128x128xf32, #tpu.memory_space<hbm>>
      %dma_start3A_48 = arith.constant 0 : i32
      %dma_start3A_49 = tpu.memref_slice %arg7[%add3A_27, %dma_start3A_48] : memref<10112x128xf32, #tpu.memory_space<vmem_shared>> -> memref<128x128xf32, #tpu.memory_space<vmem_shared>>
      tpu.enqueue_dma source(%dma_start3A_49 : memref<128x128xf32, #tpu.memory_space<vmem_shared>>) target(%dma_start3A_47 : memref<128x128xf32, #tpu.memory_space<hbm>>) target_semaphore(%run_scoped3A : memref<!tpu.dma_semaphore, #tpu.memory_space<semaphore_mem>>)
      %dma_wait3A = arith.constant 0 : i32
      %dma_wait3A_50 = tpu.memref_slice %arg6[%arg0, %add3A_29, %dma_wait3A] : memref<2x10112x128xf32, #tpu.memory_space<hbm>> -> memref<1x128x128xf32, #tpu.memory_space<hbm>>
      %dma_wait3A_51 = tpu.memref_squeeze %dma_wait3A_50 : memref<1x128x128xf32, #tpu.memory_space<hbm>> -> memref<128x128xf32, #tpu.memory_space<hbm>>
      %dma_wait3A_52 = arith.constant 0 : i32
      %dma_wait3A_53 = tpu.memref_slice %arg7[%add3A_27, %dma_wait3A_52] : memref<10112x128xf32, #tpu.memory_space<vmem_shared>> -> memref<128x128xf32, #tpu.memory_space<vmem_shared>>
      tpu.wait_dma2 semaphore(%run_scoped3A : memref<!tpu.dma_semaphore, #tpu.memory_space<semaphore_mem>>) src(%dma_wait3A_53 : memref<128x128xf32, #tpu.memory_space<vmem_shared>>) dst(%dma_wait3A_51 : memref<128x128xf32, #tpu.memory_space<hbm>>)
      tpu.yield
    }) : () -> ()
    %add3A_30 = arith.constant 128 : i32
    %add3A_31 = arith.addi %mul3A_7, %add3A_30 : i32
    %add3A_32 = arith.constant 128 : i32
    %add3A_33 = arith.addi %mul3A_7, %add3A_32 : i32
    "tpu.region"() ({
      %run_scoped3A = tpu.sem_alloc : memref<!tpu.dma_semaphore, #tpu.memory_space<semaphore_mem>>
      %dma_start3A = arith.constant 0 : i32
      %dma_start3A_46 = tpu.memref_slice %arg6[%arg0, %add3A_33, %dma_start3A] : memref<2x10112x128xf32, #tpu.memory_space<hbm>> -> memref<1x128x128xf32, #tpu.memory_space<hbm>>
      %dma_start3A_47 = tpu.memref_squeeze %dma_start3A_46 : memref<1x128x128xf32, #tpu.memory_space<hbm>> -> memref<128x128xf32, #tpu.memory_space<hbm>>
      %dma_start3A_48 = arith.constant 0 : i32
      %dma_start3A_49 = tpu.memref_slice %arg7[%add3A_31, %dma_start3A_48] : memref<10112x128xf32, #tpu.memory_space<vmem_shared>> -> memref<128x128xf32, #tpu.memory_space<vmem_shared>>
      tpu.enqueue_dma source(%dma_start3A_49 : memref<128x128xf32, #tpu.memory_space<vmem_shared>>) target(%dma_start3A_47 : memref<128x128xf32, #tpu.memory_space<hbm>>) target_semaphore(%run_scoped3A : memref<!tpu.dma_semaphore, #tpu.memory_space<semaphore_mem>>)
      %dma_wait3A = arith.constant 0 : i32
      %dma_wait3A_50 = tpu.memref_slice %arg6[%arg0, %add3A_33, %dma_wait3A] : memref<2x10112x128xf32, #tpu.memory_space<hbm>> -> memref<1x128x128xf32, #tpu.memory_space<hbm>>
      %dma_wait3A_51 = tpu.memref_squeeze %dma_wait3A_50 : memref<1x128x128xf32, #tpu.memory_space<hbm>> -> memref<128x128xf32, #tpu.memory_space<hbm>>
      %dma_wait3A_52 = arith.constant 0 : i32
      %dma_wait3A_53 = tpu.memref_slice %arg7[%add3A_31, %dma_wait3A_52] : memref<10112x128xf32, #tpu.memory_space<vmem_shared>> -> memref<128x128xf32, #tpu.memory_space<vmem_shared>>
      tpu.wait_dma2 semaphore(%run_scoped3A : memref<!tpu.dma_semaphore, #tpu.memory_space<semaphore_mem>>) src(%dma_wait3A_53 : memref<128x128xf32, #tpu.memory_space<vmem_shared>>) dst(%dma_wait3A_51 : memref<128x128xf32, #tpu.memory_space<hbm>>)
      tpu.yield
    }) : () -> ()
    %add3A_34 = arith.constant 256 : i32
    %add3A_35 = arith.addi %mul3A_7, %add3A_34 : i32
    %add3A_36 = arith.constant 256 : i32
    %add3A_37 = arith.addi %mul3A_7, %add3A_36 : i32
    "tpu.region"() ({
      %run_scoped3A = tpu.sem_alloc : memref<!tpu.dma_semaphore, #tpu.memory_space<semaphore_mem>>
      %dma_start3A = arith.constant 0 : i32
      %dma_start3A_46 = tpu.memref_slice %arg6[%arg0, %add3A_37, %dma_start3A] : memref<2x10112x128xf32, #tpu.memory_space<hbm>> -> memref<1x128x128xf32, #tpu.memory_space<hbm>>
      %dma_start3A_47 = tpu.memref_squeeze %dma_start3A_46 : memref<1x128x128xf32, #tpu.memory_space<hbm>> -> memref<128x128xf32, #tpu.memory_space<hbm>>
      %dma_start3A_48 = arith.constant 0 : i32
      %dma_start3A_49 = tpu.memref_slice %arg7[%add3A_35, %dma_start3A_48] : memref<10112x128xf32, #tpu.memory_space<vmem_shared>> -> memref<128x128xf32, #tpu.memory_space<vmem_shared>>
      tpu.enqueue_dma source(%dma_start3A_49 : memref<128x128xf32, #tpu.memory_space<vmem_shared>>) target(%dma_start3A_47 : memref<128x128xf32, #tpu.memory_space<hbm>>) target_semaphore(%run_scoped3A : memref<!tpu.dma_semaphore, #tpu.memory_space<semaphore_mem>>)
      %dma_wait3A = arith.constant 0 : i32
      %dma_wait3A_50 = tpu.memref_slice %arg6[%arg0, %add3A_37, %dma_wait3A] : memref<2x10112x128xf32, #tpu.memory_space<hbm>> -> memref<1x128x128xf32, #tpu.memory_space<hbm>>
      %dma_wait3A_51 = tpu.memref_squeeze %dma_wait3A_50 : memref<1x128x128xf32, #tpu.memory_space<hbm>> -> memref<128x128xf32, #tpu.memory_space<hbm>>
      %dma_wait3A_52 = arith.constant 0 : i32
      %dma_wait3A_53 = tpu.memref_slice %arg7[%add3A_35, %dma_wait3A_52] : memref<10112x128xf32, #tpu.memory_space<vmem_shared>> -> memref<128x128xf32, #tpu.memory_space<vmem_shared>>
      tpu.wait_dma2 semaphore(%run_scoped3A : memref<!tpu.dma_semaphore, #tpu.memory_space<semaphore_mem>>) src(%dma_wait3A_53 : memref<128x128xf32, #tpu.memory_space<vmem_shared>>) dst(%dma_wait3A_51 : memref<128x128xf32, #tpu.memory_space<hbm>>)
      tpu.yield
    }) : () -> ()
    %add3A_38 = arith.constant 384 : i32
    %add3A_39 = arith.addi %mul3A_7, %add3A_38 : i32
    %add3A_40 = arith.constant 384 : i32
    %add3A_41 = arith.addi %mul3A_7, %add3A_40 : i32
    "tpu.region"() ({
      %run_scoped3A = tpu.sem_alloc : memref<!tpu.dma_semaphore, #tpu.memory_space<semaphore_mem>>
      %dma_start3A = arith.constant 0 : i32
      %dma_start3A_46 = tpu.memref_slice %arg6[%arg0, %add3A_41, %dma_start3A] : memref<2x10112x128xf32, #tpu.memory_space<hbm>> -> memref<1x128x128xf32, #tpu.memory_space<hbm>>
      %dma_start3A_47 = tpu.memref_squeeze %dma_start3A_46 : memref<1x128x128xf32, #tpu.memory_space<hbm>> -> memref<128x128xf32, #tpu.memory_space<hbm>>
      %dma_start3A_48 = arith.constant 0 : i32
      %dma_start3A_49 = tpu.memref_slice %arg7[%add3A_39, %dma_start3A_48] : memref<10112x128xf32, #tpu.memory_space<vmem_shared>> -> memref<128x128xf32, #tpu.memory_space<vmem_shared>>
      tpu.enqueue_dma source(%dma_start3A_49 : memref<128x128xf32, #tpu.memory_space<vmem_shared>>) target(%dma_start3A_47 : memref<128x128xf32, #tpu.memory_space<hbm>>) target_semaphore(%run_scoped3A : memref<!tpu.dma_semaphore, #tpu.memory_space<semaphore_mem>>)
      %dma_wait3A = arith.constant 0 : i32
      %dma_wait3A_50 = tpu.memref_slice %arg6[%arg0, %add3A_41, %dma_wait3A] : memref<2x10112x128xf32, #tpu.memory_space<hbm>> -> memref<1x128x128xf32, #tpu.memory_space<hbm>>
      %dma_wait3A_51 = tpu.memref_squeeze %dma_wait3A_50 : memref<1x128x128xf32, #tpu.memory_space<hbm>> -> memref<128x128xf32, #tpu.memory_space<hbm>>
      %dma_wait3A_52 = arith.constant 0 : i32
      %dma_wait3A_53 = tpu.memref_slice %arg7[%add3A_39, %dma_wait3A_52] : memref<10112x128xf32, #tpu.memory_space<vmem_shared>> -> memref<128x128xf32, #tpu.memory_space<vmem_shared>>
      tpu.wait_dma2 semaphore(%run_scoped3A : memref<!tpu.dma_semaphore, #tpu.memory_space<semaphore_mem>>) src(%dma_wait3A_53 : memref<128x128xf32, #tpu.memory_space<vmem_shared>>) dst(%dma_wait3A_51 : memref<128x128xf32, #tpu.memory_space<hbm>>)
      tpu.yield
    }) : () -> ()
    %add3A_42 = arith.constant 512 : i32
    %add3A_43 = arith.addi %mul3A_7, %add3A_42 : i32
    %add3A_44 = arith.constant 512 : i32
    %add3A_45 = arith.addi %mul3A_7, %add3A_44 : i32
    "tpu.region"() ({
      %run_scoped3A = tpu.sem_alloc : memref<!tpu.dma_semaphore, #tpu.memory_space<semaphore_mem>>
      %dma_start3A = arith.constant 0 : i32
      %dma_start3A_46 = tpu.memref_slice %arg6[%arg0, %add3A_45, %dma_start3A] : memref<2x10112x128xf32, #tpu.memory_space<hbm>> -> memref<1x120x128xf32, #tpu.memory_space<hbm>>
      %dma_start3A_47 = tpu.memref_squeeze %dma_start3A_46 : memref<1x120x128xf32, #tpu.memory_space<hbm>> -> memref<120x128xf32, #tpu.memory_space<hbm>>
      %dma_start3A_48 = arith.constant 0 : i32
      %dma_start3A_49 = tpu.memref_slice %arg7[%add3A_43, %dma_start3A_48] : memref<10112x128xf32, #tpu.memory_space<vmem_shared>> -> memref<120x128xf32, #tpu.memory_space<vmem_shared>>
      tpu.enqueue_dma source(%dma_start3A_49 : memref<120x128xf32, #tpu.memory_space<vmem_shared>>) target(%dma_start3A_47 : memref<120x128xf32, #tpu.memory_space<hbm>>) target_semaphore(%run_scoped3A : memref<!tpu.dma_semaphore, #tpu.memory_space<semaphore_mem>>)
      %dma_wait3A = arith.constant 0 : i32
      %dma_wait3A_50 = tpu.memref_slice %arg6[%arg0, %add3A_45, %dma_wait3A] : memref<2x10112x128xf32, #tpu.memory_space<hbm>> -> memref<1x120x128xf32, #tpu.memory_space<hbm>>
      %dma_wait3A_51 = tpu.memref_squeeze %dma_wait3A_50 : memref<1x120x128xf32, #tpu.memory_space<hbm>> -> memref<120x128xf32, #tpu.memory_space<hbm>>
      %dma_wait3A_52 = arith.constant 0 : i32
      %dma_wait3A_53 = tpu.memref_slice %arg7[%add3A_43, %dma_wait3A_52] : memref<10112x128xf32, #tpu.memory_space<vmem_shared>> -> memref<120x128xf32, #tpu.memory_space<vmem_shared>>
      tpu.wait_dma2 semaphore(%run_scoped3A : memref<!tpu.dma_semaphore, #tpu.memory_space<semaphore_mem>>) src(%dma_wait3A_53 : memref<120x128xf32, #tpu.memory_space<vmem_shared>>) dst(%dma_wait3A_51 : memref<120x128xf32, #tpu.memory_space<hbm>>)
      tpu.yield
    }) : () -> ()
    return
  }
}

#map = affine_map<(d0, d1) -> (0)>
#map1 = affine_map<(d0, d1) -> (0, 0)>
#map2 = affine_map<(d0, d1) -> (0, 0, 0)>
module attributes {stable_mosaic.version = 14 : i64} {
  func.func @sc_den(%arg0: i32, %arg1: i32, %arg2: memref<323584xi32, #tpu.memory_space<hbm>>, %arg3: memref<323584xi32, #tpu.memory_space<hbm>>, %arg4: memref<10000x16xf32, #tpu.memory_space<hbm>>, %arg5: memref<2x10112x16xf32, #tpu.memory_space<hbm>>, %arg6: memref<40448x128xf32, #tpu.memory_space<hbm>>, %arg7: memref<10112x16xf32, #tpu.memory_space<vmem_shared>>, %arg8: memref<10112x16xf32, #tpu.memory_space<vmem_shared>>, %arg9: memref<1x128xi32, #tpu.memory_space<vmem>>, %arg10: memref<1x128xi32, #tpu.memory_space<vmem>>, %arg11: memref<128x16xf32, #tpu.memory_space<vmem>>, %arg12: memref<128x16xf32, #tpu.memory_space<vmem>>, %arg13: memref<128x16xf32, #tpu.memory_space<vmem>>, %arg14: memref<16x128xf32, #tpu.memory_space<vmem>>, %arg15: memref<!tpu.dma_semaphore, #tpu.memory_space<semaphore_mem>>, %arg16: memref<!tpu.dma_semaphore, #tpu.memory_space<semaphore_mem>>) attributes {dimension_semantics = [#tpu.dimension_semantics<core_parallel>, #tpu.dimension_semantics<subcore_parallel>], iteration_bounds = array<i64: 2, 16>, scalar_prefetch = 0 : i64, scratch_operands = 10 : i64, tpu.core_type = #tpu.core_type<sc_vector_subcore>, window_params = [{transform_indices = #map}, {transform_indices = #map}, {transform_indices = #map1}, {transform_indices = #map2}, {transform_indices = #map1}]} {
    %mul3A = arith.constant 16 : i32
    %mul3A_0 = arith.muli %arg0, %mul3A : i32
    %add3A = arith.addi %mul3A_0, %arg1 : i32
    %broadcast_in_dim3A = arith.constant 0.000000e+00 : f32
    %broadcast_in_dim3A_1 = vector.broadcast %broadcast_in_dim3A : f32 to vector<16xf32>
    %scan3A = arith.constant 0 : i32
    %scan3A_2 = arith.constant 128 : i32
    %scan3A_3 = arith.addi %scan3A, %scan3A_2 : i32
    %scan3A_4 = arith.constant 1 : i32
    scf.for %scan3A_63 = %scan3A to %scan3A_3 step %scan3A_4  : i32 {
      %mul3A_64 = arith.constant 1 : i32
      %mul3A_65 = arith.muli %scan3A_63, %mul3A_64 : i32
      %add3A_66 = arith.constant 0 : i32
      %add3A_67 = arith.addi %add3A_66, %mul3A_65 : i32
      %swap3A = arith.index_cast %add3A_67 : i32 to index
      %swap3A_68 = arith.constant 0 : index
      %swap3A_69 = tpu.vector_load %arg13[%swap3A, %swap3A_68] {strides = array<i32>} : memref<128x16xf32, #tpu.memory_space<vmem>>, vector<1x16xf32>,
      %swap3A_70 = vector.shape_cast %swap3A_69 : vector<1x16xf32> to vector<16xf32>
      %swap3A_71 = vector.shape_cast %broadcast_in_dim3A_1 : vector<16xf32> to vector<1x16xf32>
      tpu.vector_store %arg13[%swap3A, %swap3A_68], %swap3A_71 {strides = array<i32>} : memref<128x16xf32, #tpu.memory_space<vmem>>, vector<1x16xf32>,
    }
    %scan3A_5 = arith.constant 128 : i32
    %lt3A = arith.constant 15 : i32
    %lt3A_6 = arith.cmpi slt, %arg1, %lt3A : i32
    %convert_element_type3A = arith.extui %lt3A_6 : i1 to i32
    %cond3A = arith.constant 0 : i32
    %cond3A_7 = arith.cmpi ne, %convert_element_type3A, %cond3A : i32
    scf.if %cond3A_7 {
      %mul3A_63 = arith.constant 624 : i32
      %mul3A_64 = arith.muli %arg1, %mul3A_63 : i32
      %mul3A_65 = arith.constant 624 : i32
      %mul3A_66 = arith.muli %arg1, %mul3A_65 : i32
      "tpu.region"() ({
        %run_scoped3A = tpu.sem_alloc : memref<!tpu.dma_semaphore, #tpu.memory_space<semaphore_mem>>
        %dma_start3A = arith.constant 0 : i32
        %dma_start3A_67 = tpu.memref_slice %arg8[%mul3A_66, %dma_start3A] : memref<10112x16xf32, #tpu.memory_space<vmem_shared>> -> memref<624x16xf32, #tpu.memory_space<vmem_shared>>
        %dma_start3A_68 = arith.constant 0 : i32
        %dma_start3A_69 = tpu.memref_slice %arg4[%mul3A_64, %dma_start3A_68] : memref<10000x16xf32, #tpu.memory_space<hbm>> -> memref<624x16xf32, #tpu.memory_space<hbm>>
        tpu.enqueue_dma source(%dma_start3A_69 : memref<624x16xf32, #tpu.memory_space<hbm>>) target(%dma_start3A_67 : memref<624x16xf32, #tpu.memory_space<vmem_shared>>) target_semaphore(%run_scoped3A : memref<!tpu.dma_semaphore, #tpu.memory_space<semaphore_mem>>)
        %dma_wait3A = arith.constant 0 : i32
        %dma_wait3A_70 = tpu.memref_slice %arg8[%mul3A_66, %dma_wait3A] : memref<10112x16xf32, #tpu.memory_space<vmem_shared>> -> memref<624x16xf32, #tpu.memory_space<vmem_shared>>
        %dma_wait3A_71 = arith.constant 0 : i32
        %dma_wait3A_72 = tpu.memref_slice %arg4[%mul3A_64, %dma_wait3A_71] : memref<10000x16xf32, #tpu.memory_space<hbm>> -> memref<624x16xf32, #tpu.memory_space<hbm>>
        tpu.wait_dma2 semaphore(%run_scoped3A : memref<!tpu.dma_semaphore, #tpu.memory_space<semaphore_mem>>) src(%dma_wait3A_72 : memref<624x16xf32, #tpu.memory_space<hbm>>) dst(%dma_wait3A_70 : memref<624x16xf32, #tpu.memory_space<vmem_shared>>)
        tpu.yield
      }) : () -> ()
    } else {
    }
    %eq3A = arith.constant 15 : i32
    %eq3A_8 = arith.cmpi eq, %arg1, %eq3A : i32
    %convert_element_type3A_9 = arith.extui %eq3A_8 : i1 to i32
    %cond3A_10 = arith.constant 0 : i32
    %cond3A_11 = arith.cmpi ne, %convert_element_type3A_9, %cond3A_10 : i32
    scf.if %cond3A_11 {
      "tpu.region"() ({
        %run_scoped3A = tpu.sem_alloc : memref<!tpu.dma_semaphore, #tpu.memory_space<semaphore_mem>>
        %dma_start3A = arith.constant 9360 : i32
        %dma_start3A_63 = arith.constant 0 : i32
        %dma_start3A_64 = tpu.memref_slice %arg8[%dma_start3A, %dma_start3A_63] : memref<10112x16xf32, #tpu.memory_space<vmem_shared>> -> memref<640x16xf32, #tpu.memory_space<vmem_shared>>
        %dma_start3A_65 = arith.constant 9360 : i32
        %dma_start3A_66 = arith.constant 0 : i32
        %dma_start3A_67 = tpu.memref_slice %arg4[%dma_start3A_65, %dma_start3A_66] : memref<10000x16xf32, #tpu.memory_space<hbm>> -> memref<640x16xf32, #tpu.memory_space<hbm>>
        tpu.enqueue_dma source(%dma_start3A_67 : memref<640x16xf32, #tpu.memory_space<hbm>>) target(%dma_start3A_64 : memref<640x16xf32, #tpu.memory_space<vmem_shared>>) target_semaphore(%run_scoped3A : memref<!tpu.dma_semaphore, #tpu.memory_space<semaphore_mem>>)
        %dma_wait3A = arith.constant 9360 : i32
        %dma_wait3A_68 = arith.constant 0 : i32
        %dma_wait3A_69 = tpu.memref_slice %arg8[%dma_wait3A, %dma_wait3A_68] : memref<10112x16xf32, #tpu.memory_space<vmem_shared>> -> memref<640x16xf32, #tpu.memory_space<vmem_shared>>
        %dma_wait3A_70 = arith.constant 9360 : i32
        %dma_wait3A_71 = arith.constant 0 : i32
        %dma_wait3A_72 = tpu.memref_slice %arg4[%dma_wait3A_70, %dma_wait3A_71] : memref<10000x16xf32, #tpu.memory_space<hbm>> -> memref<640x16xf32, #tpu.memory_space<hbm>>
        tpu.wait_dma2 semaphore(%run_scoped3A : memref<!tpu.dma_semaphore, #tpu.memory_space<semaphore_mem>>) src(%dma_wait3A_72 : memref<640x16xf32, #tpu.memory_space<hbm>>) dst(%dma_wait3A_69 : memref<640x16xf32, #tpu.memory_space<vmem_shared>>)
        tpu.yield
      }) : () -> ()
    } else {
    }
    %eq3A_12 = arith.constant 0 : i32
    %eq3A_13 = arith.cmpi eq, %arg1, %eq3A_12 : i32
    %convert_element_type3A_14 = arith.extui %eq3A_13 : i1 to i32
    %cond3A_15 = arith.constant 0 : i32
    %cond3A_16 = arith.cmpi ne, %convert_element_type3A_14, %cond3A_15 : i32
    scf.if %cond3A_16 {
      "tpu.region"() ({
        %run_scoped3A = tpu.sem_alloc : memref<!tpu.dma_semaphore, #tpu.memory_space<semaphore_mem>>
        %dma_start3A = arith.constant 0 : i32
        %dma_start3A_63 = arith.constant 0 : i32
        %dma_start3A_64 = tpu.memref_slice %arg13[%dma_start3A, %dma_start3A_63] : memref<128x16xf32, #tpu.memory_space<vmem>> -> memref<112x16xf32, #tpu.memory_space<vmem>>
        %dma_start3A_65 = arith.constant 10000 : i32
        %dma_start3A_66 = arith.constant 0 : i32
        %dma_start3A_67 = tpu.memref_slice %arg8[%dma_start3A_65, %dma_start3A_66] : memref<10112x16xf32, #tpu.memory_space<vmem_shared>> -> memref<112x16xf32, #tpu.memory_space<vmem_shared>>
        %dma_start3A_68 = arith.constant 10000 : i32
        %dma_start3A_69 = arith.constant 0 : i32
        %dma_start3A_70 = tpu.memref_slice %arg8[%dma_start3A_68, %dma_start3A_69] : memref<10112x16xf32, #tpu.memory_space<vmem_shared>> -> memref<112x16xf32, #tpu.memory_space<vmem_shared>>
        %dma_start3A_71 = arith.constant 0 : i32
        %dma_start3A_72 = arith.constant 0 : i32
        %dma_start3A_73 = tpu.memref_slice %arg13[%dma_start3A_71, %dma_start3A_72] : memref<128x16xf32, #tpu.memory_space<vmem>> -> memref<112x16xf32, #tpu.memory_space<vmem>>
        tpu.enqueue_dma source(%dma_start3A_73 : memref<112x16xf32, #tpu.memory_space<vmem>>) target(%dma_start3A_70 : memref<112x16xf32, #tpu.memory_space<vmem_shared>>) target_semaphore(%run_scoped3A : memref<!tpu.dma_semaphore, #tpu.memory_space<semaphore_mem>>)
        %dma_wait3A = arith.constant 0 : i32
        %dma_wait3A_74 = arith.constant 0 : i32
        %dma_wait3A_75 = tpu.memref_slice %arg13[%dma_wait3A, %dma_wait3A_74] : memref<128x16xf32, #tpu.memory_space<vmem>> -> memref<112x16xf32, #tpu.memory_space<vmem>>
        %dma_wait3A_76 = arith.constant 10000 : i32
        %dma_wait3A_77 = arith.constant 0 : i32
        %dma_wait3A_78 = tpu.memref_slice %arg8[%dma_wait3A_76, %dma_wait3A_77] : memref<10112x16xf32, #tpu.memory_space<vmem_shared>> -> memref<112x16xf32, #tpu.memory_space<vmem_shared>>
        %dma_wait3A_79 = arith.constant 10000 : i32
        %dma_wait3A_80 = arith.constant 0 : i32
        %dma_wait3A_81 = tpu.memref_slice %arg8[%dma_wait3A_79, %dma_wait3A_80] : memref<10112x16xf32, #tpu.memory_space<vmem_shared>> -> memref<112x16xf32, #tpu.memory_space<vmem_shared>>
        %dma_wait3A_82 = arith.constant 0 : i32
        %dma_wait3A_83 = arith.constant 0 : i32
        %dma_wait3A_84 = tpu.memref_slice %arg13[%dma_wait3A_82, %dma_wait3A_83] : memref<128x16xf32, #tpu.memory_space<vmem>> -> memref<112x16xf32, #tpu.memory_space<vmem>>
        tpu.wait_dma2 semaphore(%run_scoped3A : memref<!tpu.dma_semaphore, #tpu.memory_space<semaphore_mem>>) src(%dma_wait3A_84 : memref<112x16xf32, #tpu.memory_space<vmem>>) dst(%dma_wait3A_81 : memref<112x16xf32, #tpu.memory_space<vmem_shared>>)
        tpu.yield
      }) : () -> ()
    } else {
    }
    %mul3A_17 = arith.constant 632 : i32
    %mul3A_18 = arith.muli %arg1, %mul3A_17 : i32
    %add3A_19 = arith.constant 0 : i32
    %add3A_20 = arith.addi %mul3A_18, %add3A_19 : i32
    "tpu.region"() ({
      %run_scoped3A = tpu.sem_alloc : memref<!tpu.dma_semaphore, #tpu.memory_space<semaphore_mem>>
      %dma_start3A = arith.constant 0 : i32
      %dma_start3A_63 = arith.constant 0 : i32
      %dma_start3A_64 = tpu.memref_slice %arg13[%dma_start3A, %dma_start3A_63] : memref<128x16xf32, #tpu.memory_space<vmem>> -> memref<128x16xf32, #tpu.memory_space<vmem>>
      %dma_start3A_65 = arith.constant 0 : i32
      %dma_start3A_66 = tpu.memref_slice %arg7[%add3A_20, %dma_start3A_65] : memref<10112x16xf32, #tpu.memory_space<vmem_shared>> -> memref<128x16xf32, #tpu.memory_space<vmem_shared>>
      %dma_start3A_67 = arith.constant 0 : i32
      %dma_start3A_68 = tpu.memref_slice %arg7[%add3A_20, %dma_start3A_67] : memref<10112x16xf32, #tpu.memory_space<vmem_shared>> -> memref<128x16xf32, #tpu.memory_space<vmem_shared>>
      %dma_start3A_69 = arith.constant 0 : i32
      %dma_start3A_70 = arith.constant 0 : i32
      %dma_start3A_71 = tpu.memref_slice %arg13[%dma_start3A_69, %dma_start3A_70] : memref<128x16xf32, #tpu.memory_space<vmem>> -> memref<128x16xf32, #tpu.memory_space<vmem>>
      tpu.enqueue_dma source(%dma_start3A_71 : memref<128x16xf32, #tpu.memory_space<vmem>>) target(%dma_start3A_68 : memref<128x16xf32, #tpu.memory_space<vmem_shared>>) target_semaphore(%run_scoped3A : memref<!tpu.dma_semaphore, #tpu.memory_space<semaphore_mem>>)
      %dma_wait3A = arith.constant 0 : i32
      %dma_wait3A_72 = arith.constant 0 : i32
      %dma_wait3A_73 = tpu.memref_slice %arg13[%dma_wait3A, %dma_wait3A_72] : memref<128x16xf32, #tpu.memory_space<vmem>> -> memref<128x16xf32, #tpu.memory_space<vmem>>
      %dma_wait3A_74 = arith.constant 0 : i32
      %dma_wait3A_75 = tpu.memref_slice %arg7[%add3A_20, %dma_wait3A_74] : memref<10112x16xf32, #tpu.memory_space<vmem_shared>> -> memref<128x16xf32, #tpu.memory_space<vmem_shared>>
      %dma_wait3A_76 = arith.constant 0 : i32
      %dma_wait3A_77 = tpu.memref_slice %arg7[%add3A_20, %dma_wait3A_76] : memref<10112x16xf32, #tpu.memory_space<vmem_shared>> -> memref<128x16xf32, #tpu.memory_space<vmem_shared>>
      %dma_wait3A_78 = arith.constant 0 : i32
      %dma_wait3A_79 = arith.constant 0 : i32
      %dma_wait3A_80 = tpu.memref_slice %arg13[%dma_wait3A_78, %dma_wait3A_79] : memref<128x16xf32, #tpu.memory_space<vmem>> -> memref<128x16xf32, #tpu.memory_space<vmem>>
      tpu.wait_dma2 semaphore(%run_scoped3A : memref<!tpu.dma_semaphore, #tpu.memory_space<semaphore_mem>>) src(%dma_wait3A_80 : memref<128x16xf32, #tpu.memory_space<vmem>>) dst(%dma_wait3A_77 : memref<128x16xf32, #tpu.memory_space<vmem_shared>>)
      tpu.yield
    }) : () -> ()
    %add3A_21 = arith.constant 128 : i32
    %add3A_22 = arith.addi %mul3A_18, %add3A_21 : i32
    "tpu.region"() ({
      %run_scoped3A = tpu.sem_alloc : memref<!tpu.dma_semaphore, #tpu.memory_space<semaphore_mem>>
      %dma_start3A = arith.constant 0 : i32
      %dma_start3A_63 = arith.constant 0 : i32
      %dma_start3A_64 = tpu.memref_slice %arg13[%dma_start3A, %dma_start3A_63] : memref<128x16xf32, #tpu.memory_space<vmem>> -> memref<128x16xf32, #tpu.memory_space<vmem>>
      %dma_start3A_65 = arith.constant 0 : i32
      %dma_start3A_66 = tpu.memref_slice %arg7[%add3A_22, %dma_start3A_65] : memref<10112x16xf32, #tpu.memory_space<vmem_shared>> -> memref<128x16xf32, #tpu.memory_space<vmem_shared>>
      %dma_start3A_67 = arith.constant 0 : i32
      %dma_start3A_68 = tpu.memref_slice %arg7[%add3A_22, %dma_start3A_67] : memref<10112x16xf32, #tpu.memory_space<vmem_shared>> -> memref<128x16xf32, #tpu.memory_space<vmem_shared>>
      %dma_start3A_69 = arith.constant 0 : i32
      %dma_start3A_70 = arith.constant 0 : i32
      %dma_start3A_71 = tpu.memref_slice %arg13[%dma_start3A_69, %dma_start3A_70] : memref<128x16xf32, #tpu.memory_space<vmem>> -> memref<128x16xf32, #tpu.memory_space<vmem>>
      tpu.enqueue_dma source(%dma_start3A_71 : memref<128x16xf32, #tpu.memory_space<vmem>>) target(%dma_start3A_68 : memref<128x16xf32, #tpu.memory_space<vmem_shared>>) target_semaphore(%run_scoped3A : memref<!tpu.dma_semaphore, #tpu.memory_space<semaphore_mem>>)
      %dma_wait3A = arith.constant 0 : i32
      %dma_wait3A_72 = arith.constant 0 : i32
      %dma_wait3A_73 = tpu.memref_slice %arg13[%dma_wait3A, %dma_wait3A_72] : memref<128x16xf32, #tpu.memory_space<vmem>> -> memref<128x16xf32, #tpu.memory_space<vmem>>
      %dma_wait3A_74 = arith.constant 0 : i32
      %dma_wait3A_75 = tpu.memref_slice %arg7[%add3A_22, %dma_wait3A_74] : memref<10112x16xf32, #tpu.memory_space<vmem_shared>> -> memref<128x16xf32, #tpu.memory_space<vmem_shared>>
      %dma_wait3A_76 = arith.constant 0 : i32
      %dma_wait3A_77 = tpu.memref_slice %arg7[%add3A_22, %dma_wait3A_76] : memref<10112x16xf32, #tpu.memory_space<vmem_shared>> -> memref<128x16xf32, #tpu.memory_space<vmem_shared>>
      %dma_wait3A_78 = arith.constant 0 : i32
      %dma_wait3A_79 = arith.constant 0 : i32
      %dma_wait3A_80 = tpu.memref_slice %arg13[%dma_wait3A_78, %dma_wait3A_79] : memref<128x16xf32, #tpu.memory_space<vmem>> -> memref<128x16xf32, #tpu.memory_space<vmem>>
      tpu.wait_dma2 semaphore(%run_scoped3A : memref<!tpu.dma_semaphore, #tpu.memory_space<semaphore_mem>>) src(%dma_wait3A_80 : memref<128x16xf32, #tpu.memory_space<vmem>>) dst(%dma_wait3A_77 : memref<128x16xf32, #tpu.memory_space<vmem_shared>>)
      tpu.yield
    }) : () -> ()
    %add3A_23 = arith.constant 256 : i32
    %add3A_24 = arith.addi %mul3A_18, %add3A_23 : i32
    "tpu.region"() ({
      %run_scoped3A = tpu.sem_alloc : memref<!tpu.dma_semaphore, #tpu.memory_space<semaphore_mem>>
      %dma_start3A = arith.constant 0 : i32
      %dma_start3A_63 = arith.constant 0 : i32
      %dma_start3A_64 = tpu.memref_slice %arg13[%dma_start3A, %dma_start3A_63] : memref<128x16xf32, #tpu.memory_space<vmem>> -> memref<128x16xf32, #tpu.memory_space<vmem>>
      %dma_start3A_65 = arith.constant 0 : i32
      %dma_start3A_66 = tpu.memref_slice %arg7[%add3A_24, %dma_start3A_65] : memref<10112x16xf32, #tpu.memory_space<vmem_shared>> -> memref<128x16xf32, #tpu.memory_space<vmem_shared>>
      %dma_start3A_67 = arith.constant 0 : i32
      %dma_start3A_68 = tpu.memref_slice %arg7[%add3A_24, %dma_start3A_67] : memref<10112x16xf32, #tpu.memory_space<vmem_shared>> -> memref<128x16xf32, #tpu.memory_space<vmem_shared>>
      %dma_start3A_69 = arith.constant 0 : i32
      %dma_start3A_70 = arith.constant 0 : i32
      %dma_start3A_71 = tpu.memref_slice %arg13[%dma_start3A_69, %dma_start3A_70] : memref<128x16xf32, #tpu.memory_space<vmem>> -> memref<128x16xf32, #tpu.memory_space<vmem>>
      tpu.enqueue_dma source(%dma_start3A_71 : memref<128x16xf32, #tpu.memory_space<vmem>>) target(%dma_start3A_68 : memref<128x16xf32, #tpu.memory_space<vmem_shared>>) target_semaphore(%run_scoped3A : memref<!tpu.dma_semaphore, #tpu.memory_space<semaphore_mem>>)
      %dma_wait3A = arith.constant 0 : i32
      %dma_wait3A_72 = arith.constant 0 : i32
      %dma_wait3A_73 = tpu.memref_slice %arg13[%dma_wait3A, %dma_wait3A_72] : memref<128x16xf32, #tpu.memory_space<vmem>> -> memref<128x16xf32, #tpu.memory_space<vmem>>
      %dma_wait3A_74 = arith.constant 0 : i32
      %dma_wait3A_75 = tpu.memref_slice %arg7[%add3A_24, %dma_wait3A_74] : memref<10112x16xf32, #tpu.memory_space<vmem_shared>> -> memref<128x16xf32, #tpu.memory_space<vmem_shared>>
      %dma_wait3A_76 = arith.constant 0 : i32
      %dma_wait3A_77 = tpu.memref_slice %arg7[%add3A_24, %dma_wait3A_76] : memref<10112x16xf32, #tpu.memory_space<vmem_shared>> -> memref<128x16xf32, #tpu.memory_space<vmem_shared>>
      %dma_wait3A_78 = arith.constant 0 : i32
      %dma_wait3A_79 = arith.constant 0 : i32
      %dma_wait3A_80 = tpu.memref_slice %arg13[%dma_wait3A_78, %dma_wait3A_79] : memref<128x16xf32, #tpu.memory_space<vmem>> -> memref<128x16xf32, #tpu.memory_space<vmem>>
      tpu.wait_dma2 semaphore(%run_scoped3A : memref<!tpu.dma_semaphore, #tpu.memory_space<semaphore_mem>>) src(%dma_wait3A_80 : memref<128x16xf32, #tpu.memory_space<vmem>>) dst(%dma_wait3A_77 : memref<128x16xf32, #tpu.memory_space<vmem_shared>>)
      tpu.yield
    }) : () -> ()
    %add3A_25 = arith.constant 384 : i32
    %add3A_26 = arith.addi %mul3A_18, %add3A_25 : i32
    "tpu.region"() ({
      %run_scoped3A = tpu.sem_alloc : memref<!tpu.dma_semaphore, #tpu.memory_space<semaphore_mem>>
      %dma_start3A = arith.constant 0 : i32
      %dma_start3A_63 = arith.constant 0 : i32
      %dma_start3A_64 = tpu.memref_slice %arg13[%dma_start3A, %dma_start3A_63] : memref<128x16xf32, #tpu.memory_space<vmem>> -> memref<128x16xf32, #tpu.memory_space<vmem>>
      %dma_start3A_65 = arith.constant 0 : i32
      %dma_start3A_66 = tpu.memref_slice %arg7[%add3A_26, %dma_start3A_65] : memref<10112x16xf32, #tpu.memory_space<vmem_shared>> -> memref<128x16xf32, #tpu.memory_space<vmem_shared>>
      %dma_start3A_67 = arith.constant 0 : i32
      %dma_start3A_68 = tpu.memref_slice %arg7[%add3A_26, %dma_start3A_67] : memref<10112x16xf32, #tpu.memory_space<vmem_shared>> -> memref<128x16xf32, #tpu.memory_space<vmem_shared>>
      %dma_start3A_69 = arith.constant 0 : i32
      %dma_start3A_70 = arith.constant 0 : i32
      %dma_start3A_71 = tpu.memref_slice %arg13[%dma_start3A_69, %dma_start3A_70] : memref<128x16xf32, #tpu.memory_space<vmem>> -> memref<128x16xf32, #tpu.memory_space<vmem>>
      tpu.enqueue_dma source(%dma_start3A_71 : memref<128x16xf32, #tpu.memory_space<vmem>>) target(%dma_start3A_68 : memref<128x16xf32, #tpu.memory_space<vmem_shared>>) target_semaphore(%run_scoped3A : memref<!tpu.dma_semaphore, #tpu.memory_space<semaphore_mem>>)
      %dma_wait3A = arith.constant 0 : i32
      %dma_wait3A_72 = arith.constant 0 : i32
      %dma_wait3A_73 = tpu.memref_slice %arg13[%dma_wait3A, %dma_wait3A_72] : memref<128x16xf32, #tpu.memory_space<vmem>> -> memref<128x16xf32, #tpu.memory_space<vmem>>
      %dma_wait3A_74 = arith.constant 0 : i32
      %dma_wait3A_75 = tpu.memref_slice %arg7[%add3A_26, %dma_wait3A_74] : memref<10112x16xf32, #tpu.memory_space<vmem_shared>> -> memref<128x16xf32, #tpu.memory_space<vmem_shared>>
      %dma_wait3A_76 = arith.constant 0 : i32
      %dma_wait3A_77 = tpu.memref_slice %arg7[%add3A_26, %dma_wait3A_76] : memref<10112x16xf32, #tpu.memory_space<vmem_shared>> -> memref<128x16xf32, #tpu.memory_space<vmem_shared>>
      %dma_wait3A_78 = arith.constant 0 : i32
      %dma_wait3A_79 = arith.constant 0 : i32
      %dma_wait3A_80 = tpu.memref_slice %arg13[%dma_wait3A_78, %dma_wait3A_79] : memref<128x16xf32, #tpu.memory_space<vmem>> -> memref<128x16xf32, #tpu.memory_space<vmem>>
      tpu.wait_dma2 semaphore(%run_scoped3A : memref<!tpu.dma_semaphore, #tpu.memory_space<semaphore_mem>>) src(%dma_wait3A_80 : memref<128x16xf32, #tpu.memory_space<vmem>>) dst(%dma_wait3A_77 : memref<128x16xf32, #tpu.memory_space<vmem_shared>>)
      tpu.yield
    }) : () -> ()
    %add3A_27 = arith.constant 512 : i32
    %add3A_28 = arith.addi %mul3A_18, %add3A_27 : i32
    "tpu.region"() ({
      %run_scoped3A = tpu.sem_alloc : memref<!tpu.dma_semaphore, #tpu.memory_space<semaphore_mem>>
      %dma_start3A = arith.constant 0 : i32
      %dma_start3A_63 = arith.constant 0 : i32
      %dma_start3A_64 = tpu.memref_slice %arg13[%dma_start3A, %dma_start3A_63] : memref<128x16xf32, #tpu.memory_space<vmem>> -> memref<120x16xf32, #tpu.memory_space<vmem>>
      %dma_start3A_65 = arith.constant 0 : i32
      %dma_start3A_66 = tpu.memref_slice %arg7[%add3A_28, %dma_start3A_65] : memref<10112x16xf32, #tpu.memory_space<vmem_shared>> -> memref<120x16xf32, #tpu.memory_space<vmem_shared>>
      %dma_start3A_67 = arith.constant 0 : i32
      %dma_start3A_68 = tpu.memref_slice %arg7[%add3A_28, %dma_start3A_67] : memref<10112x16xf32, #tpu.memory_space<vmem_shared>> -> memref<120x16xf32, #tpu.memory_space<vmem_shared>>
      %dma_start3A_69 = arith.constant 0 : i32
      %dma_start3A_70 = arith.constant 0 : i32
      %dma_start3A_71 = tpu.memref_slice %arg13[%dma_start3A_69, %dma_start3A_70] : memref<128x16xf32, #tpu.memory_space<vmem>> -> memref<120x16xf32, #tpu.memory_space<vmem>>
      tpu.enqueue_dma source(%dma_start3A_71 : memref<120x16xf32, #tpu.memory_space<vmem>>) target(%dma_start3A_68 : memref<120x16xf32, #tpu.memory_space<vmem_shared>>) target_semaphore(%run_scoped3A : memref<!tpu.dma_semaphore, #tpu.memory_space<semaphore_mem>>)
      %dma_wait3A = arith.constant 0 : i32
      %dma_wait3A_72 = arith.constant 0 : i32
      %dma_wait3A_73 = tpu.memref_slice %arg13[%dma_wait3A, %dma_wait3A_72] : memref<128x16xf32, #tpu.memory_space<vmem>> -> memref<120x16xf32, #tpu.memory_space<vmem>>
      %dma_wait3A_74 = arith.constant 0 : i32
      %dma_wait3A_75 = tpu.memref_slice %arg7[%add3A_28, %dma_wait3A_74] : memref<10112x16xf32, #tpu.memory_space<vmem_shared>> -> memref<120x16xf32, #tpu.memory_space<vmem_shared>>
      %dma_wait3A_76 = arith.constant 0 : i32
      %dma_wait3A_77 = tpu.memref_slice %arg7[%add3A_28, %dma_wait3A_76] : memref<10112x16xf32, #tpu.memory_space<vmem_shared>> -> memref<120x16xf32, #tpu.memory_space<vmem_shared>>
      %dma_wait3A_78 = arith.constant 0 : i32
      %dma_wait3A_79 = arith.constant 0 : i32
      %dma_wait3A_80 = tpu.memref_slice %arg13[%dma_wait3A_78, %dma_wait3A_79] : memref<128x16xf32, #tpu.memory_space<vmem>> -> memref<120x16xf32, #tpu.memory_space<vmem>>
      tpu.wait_dma2 semaphore(%run_scoped3A : memref<!tpu.dma_semaphore, #tpu.memory_space<semaphore_mem>>) src(%dma_wait3A_80 : memref<120x16xf32, #tpu.memory_space<vmem>>) dst(%dma_wait3A_77 : memref<120x16xf32, #tpu.memory_space<vmem_shared>>)
      tpu.yield
    }) : () -> ()
    %barrier3A = arith.constant 0 : index
    tpu.barrier barrier_id(%barrier3A)
    %iota3A = tpu.iota {dimensions = array<i32: 0>} : vector<16xi32>
    %lt3A_29 = arith.constant 8 : i32
    %lt3A_30 = vector.broadcast %lt3A_29 : i32 to vector<16xi32>
    %lt3A_31 = arith.cmpi slt, %iota3A, %lt3A_30 : vector<16xi32>
    %xor3A = arith.constant 8 : i32
    %xor3A_32 = vector.broadcast %xor3A : i32 to vector<16xi32>
    %xor3A_33 = arith.xori %iota3A, %xor3A_32 : vector<16xi32>
    %broadcast_in_dim3A_34 = vector.shape_cast %xor3A_33 : vector<16xi32> to vector<16x1xi32>
    %mul3A_35 = arith.constant 10112 : i32
    %mul3A_36 = arith.muli %add3A, %mul3A_35 : i32
    %scan3A_37 = arith.constant 0 : i32
    %scan3A_38 = arith.constant 79 : i32
    %scan3A_39 = arith.addi %scan3A_37, %scan3A_38 : i32
    %scan3A_40 = arith.constant 1 : i32
    scf.for %scan3A_63 = %scan3A_37 to %scan3A_39 step %scan3A_40  : i32 {
      %mul3A_64 = arith.constant 1 : i32
      %mul3A_65 = arith.muli %scan3A_63, %mul3A_64 : i32
      %add3A_66 = arith.constant 0 : i32
      %add3A_67 = arith.addi %add3A_66, %mul3A_65 : i32
      %mul3A_68 = arith.constant 128 : i32
      %mul3A_69 = arith.muli %add3A_67, %mul3A_68 : i32
      %add3A_70 = arith.addi %mul3A_36, %mul3A_69 : i32
      %run_scoped3A = arith.constant 0 : i32
      "tpu.region"() ({
        %run_scoped3A_120 = tpu.sem_alloc : memref<!tpu.dma_semaphore, #tpu.memory_space<semaphore_mem>>
        %dma_start3A_121 = arith.constant 0 : i32
        %dma_start3A_122 = tpu.memref_slice %arg9[%run_scoped3A, %dma_start3A_121] : memref<1x128xi32, #tpu.memory_space<vmem>> -> memref<1x128xi32, #tpu.memory_space<vmem>>
        %dma_start3A_123 = tpu.memref_squeeze %dma_start3A_122 : memref<1x128xi32, #tpu.memory_space<vmem>> -> memref<128xi32, #tpu.memory_space<vmem>>
        %dma_start3A_124 = tpu.memref_slice %arg2[%add3A_70] : memref<323584xi32, #tpu.memory_space<hbm>> -> memref<128xi32, #tpu.memory_space<hbm>>
        %dma_start3A_125 = arith.constant 0 : i32
        %dma_start3A_126 = tpu.memref_slice %arg9[%run_scoped3A, %dma_start3A_125] : memref<1x128xi32, #tpu.memory_space<vmem>> -> memref<1x128xi32, #tpu.memory_space<vmem>>
        %dma_start3A_127 = tpu.memref_squeeze %dma_start3A_126 : memref<1x128xi32, #tpu.memory_space<vmem>> -> memref<128xi32, #tpu.memory_space<vmem>>
        %dma_start3A_128 = tpu.memref_slice %arg2[%add3A_70] : memref<323584xi32, #tpu.memory_space<hbm>> -> memref<128xi32, #tpu.memory_space<hbm>>
        tpu.enqueue_dma source(%dma_start3A_128 : memref<128xi32, #tpu.memory_space<hbm>>) target(%dma_start3A_127 : memref<128xi32, #tpu.memory_space<vmem>>) target_semaphore(%run_scoped3A_120 : memref<!tpu.dma_semaphore, #tpu.memory_space<semaphore_mem>>)
        %dma_wait3A_129 = arith.constant 0 : i32
        %dma_wait3A_130 = tpu.memref_slice %arg9[%run_scoped3A, %dma_wait3A_129] : memref<1x128xi32, #tpu.memory_space<vmem>> -> memref<1x128xi32, #tpu.memory_space<vmem>>
        %dma_wait3A_131 = tpu.memref_squeeze %dma_wait3A_130 : memref<1x128xi32, #tpu.memory_space<vmem>> -> memref<128xi32, #tpu.memory_space<vmem>>
        %dma_wait3A_132 = tpu.memref_slice %arg2[%add3A_70] : memref<323584xi32, #tpu.memory_space<hbm>> -> memref<128xi32, #tpu.memory_space<hbm>>
        %dma_wait3A_133 = arith.constant 0 : i32
        %dma_wait3A_134 = tpu.memref_slice %arg9[%run_scoped3A, %dma_wait3A_133] : memref<1x128xi32, #tpu.memory_space<vmem>> -> memref<1x128xi32, #tpu.memory_space<vmem>>
        %dma_wait3A_135 = tpu.memref_squeeze %dma_wait3A_134 : memref<1x128xi32, #tpu.memory_space<vmem>> -> memref<128xi32, #tpu.memory_space<vmem>>
        %dma_wait3A_136 = tpu.memref_slice %arg2[%add3A_70] : memref<323584xi32, #tpu.memory_space<hbm>> -> memref<128xi32, #tpu.memory_space<hbm>>
        tpu.wait_dma2 semaphore(%run_scoped3A_120 : memref<!tpu.dma_semaphore, #tpu.memory_space<semaphore_mem>>) src(%dma_wait3A_136 : memref<128xi32, #tpu.memory_space<hbm>>) dst(%dma_wait3A_135 : memref<128xi32, #tpu.memory_space<vmem>>)
        tpu.yield
      }) : () -> ()
      %run_scoped3A_71 = arith.constant 0 : i32
      "tpu.region"() ({
        %run_scoped3A_120 = tpu.sem_alloc : memref<!tpu.dma_semaphore, #tpu.memory_space<semaphore_mem>>
        %dma_start3A_121 = arith.constant 0 : i32
        %dma_start3A_122 = tpu.memref_slice %arg10[%run_scoped3A_71, %dma_start3A_121] : memref<1x128xi32, #tpu.memory_space<vmem>> -> memref<1x128xi32, #tpu.memory_space<vmem>>
        %dma_start3A_123 = tpu.memref_squeeze %dma_start3A_122 : memref<1x128xi32, #tpu.memory_space<vmem>> -> memref<128xi32, #tpu.memory_space<vmem>>
        %dma_start3A_124 = tpu.memref_slice %arg3[%add3A_70] : memref<323584xi32, #tpu.memory_space<hbm>> -> memref<128xi32, #tpu.memory_space<hbm>>
        %dma_start3A_125 = arith.constant 0 : i32
        %dma_start3A_126 = tpu.memref_slice %arg10[%run_scoped3A_71, %dma_start3A_125] : memref<1x128xi32, #tpu.memory_space<vmem>> -> memref<1x128xi32, #tpu.memory_space<vmem>>
        %dma_start3A_127 = tpu.memref_squeeze %dma_start3A_126 : memref<1x128xi32, #tpu.memory_space<vmem>> -> memref<128xi32, #tpu.memory_space<vmem>>
        %dma_start3A_128 = tpu.memref_slice %arg3[%add3A_70] : memref<323584xi32, #tpu.memory_space<hbm>> -> memref<128xi32, #tpu.memory_space<hbm>>
        tpu.enqueue_dma source(%dma_start3A_128 : memref<128xi32, #tpu.memory_space<hbm>>) target(%dma_start3A_127 : memref<128xi32, #tpu.memory_space<vmem>>) target_semaphore(%run_scoped3A_120 : memref<!tpu.dma_semaphore, #tpu.memory_space<semaphore_mem>>)
        %dma_wait3A_129 = arith.constant 0 : i32
        %dma_wait3A_130 = tpu.memref_slice %arg10[%run_scoped3A_71, %dma_wait3A_129] : memref<1x128xi32, #tpu.memory_space<vmem>> -> memref<1x128xi32, #tpu.memory_space<vmem>>
        %dma_wait3A_131 = tpu.memref_squeeze %dma_wait3A_130 : memref<1x128xi32, #tpu.memory_space<vmem>> -> memref<128xi32, #tpu.memory_space<vmem>>
        %dma_wait3A_132 = tpu.memref_slice %arg3[%add3A_70] : memref<323584xi32, #tpu.memory_space<hbm>> -> memref<128xi32, #tpu.memory_space<hbm>>
        %dma_wait3A_133 = arith.constant 0 : i32
        %dma_wait3A_134 = tpu.memref_slice %arg10[%run_scoped3A_71, %dma_wait3A_133] : memref<1x128xi32, #tpu.memory_space<vmem>> -> memref<1x128xi32, #tpu.memory_space<vmem>>
        %dma_wait3A_135 = tpu.memref_squeeze %dma_wait3A_134 : memref<1x128xi32, #tpu.memory_space<vmem>> -> memref<128xi32, #tpu.memory_space<vmem>>
        %dma_wait3A_136 = tpu.memref_slice %arg3[%add3A_70] : memref<323584xi32, #tpu.memory_space<hbm>> -> memref<128xi32, #tpu.memory_space<hbm>>
        tpu.wait_dma2 semaphore(%run_scoped3A_120 : memref<!tpu.dma_semaphore, #tpu.memory_space<semaphore_mem>>) src(%dma_wait3A_136 : memref<128xi32, #tpu.memory_space<hbm>>) dst(%dma_wait3A_135 : memref<128xi32, #tpu.memory_space<vmem>>)
        tpu.yield
      }) : () -> ()
      %dma_start3A = arith.constant 0 : i32
      %dma_start3A_72 = arith.constant 0 : i32
      %dma_start3A_73 = tpu.memref_slice %arg9[%dma_start3A, %dma_start3A_72] : memref<1x128xi32, #tpu.memory_space<vmem>> -> memref<1x128xi32, #tpu.memory_space<vmem>>
      %dma_start3A_74 = tpu.memref_squeeze %dma_start3A_73 : memref<1x128xi32, #tpu.memory_space<vmem>> -> memref<128xi32, #tpu.memory_space<vmem>>
      %dma_start3A_75 = arith.constant 0 : i32
      %dma_start3A_76 = arith.constant 0 : i32
      %dma_start3A_77 = tpu.memref_slice %arg8[%dma_start3A_75, %dma_start3A_76] : memref<10112x16xf32, #tpu.memory_space<vmem_shared>> -> memref<10112x16xf32, #tpu.memory_space<vmem_shared>>
      tpu.enqueue_indirect_dma source(%dma_start3A_77 : memref<10112x16xf32, #tpu.memory_space<vmem_shared>>) target(%arg11 : memref<128x16xf32, #tpu.memory_space<vmem>>) offsets(%dma_start3A_74 : memref<128xi32, #tpu.memory_space<vmem>>) semaphore(%arg15 : memref<!tpu.dma_semaphore, #tpu.memory_space<semaphore_mem>>)
      %dma_start3A_78 = arith.constant 0 : i32
      %dma_start3A_79 = arith.constant 0 : i32
      %dma_start3A_80 = tpu.memref_slice %arg10[%dma_start3A_78, %dma_start3A_79] : memref<1x128xi32, #tpu.memory_space<vmem>> -> memref<1x128xi32, #tpu.memory_space<vmem>>
      %dma_start3A_81 = tpu.memref_squeeze %dma_start3A_80 : memref<1x128xi32, #tpu.memory_space<vmem>> -> memref<128xi32, #tpu.memory_space<vmem>>
      %dma_start3A_82 = arith.constant 0 : i32
      %dma_start3A_83 = arith.constant 0 : i32
      %dma_start3A_84 = tpu.memref_slice %arg8[%dma_start3A_82, %dma_start3A_83] : memref<10112x16xf32, #tpu.memory_space<vmem_shared>> -> memref<10112x16xf32, #tpu.memory_space<vmem_shared>>
      tpu.enqueue_indirect_dma source(%dma_start3A_84 : memref<10112x16xf32, #tpu.memory_space<vmem_shared>>) target(%arg12 : memref<128x16xf32, #tpu.memory_space<vmem>>) offsets(%dma_start3A_81 : memref<128xi32, #tpu.memory_space<vmem>>) semaphore(%arg16 : memref<!tpu.dma_semaphore, #tpu.memory_space<semaphore_mem>>)
      %dma_wait3A = arith.constant 0 : i32
      %dma_wait3A_85 = arith.constant 0 : i32
      %dma_wait3A_86 = tpu.memref_slice %arg9[%dma_wait3A, %dma_wait3A_85] : memref<1x128xi32, #tpu.memory_space<vmem>> -> memref<1x128xi32, #tpu.memory_space<vmem>>
      %dma_wait3A_87 = tpu.memref_squeeze %dma_wait3A_86 : memref<1x128xi32, #tpu.memory_space<vmem>> -> memref<128xi32, #tpu.memory_space<vmem>>
      %dma_wait3A_88 = arith.constant 0 : i32
      %dma_wait3A_89 = arith.constant 0 : i32
      %dma_wait3A_90 = tpu.memref_slice %arg8[%dma_wait3A_88, %dma_wait3A_89] : memref<10112x16xf32, #tpu.memory_space<vmem_shared>> -> memref<10112x16xf32, #tpu.memory_space<vmem_shared>>
      tpu.wait_indirect_dma semaphore(%arg15 : memref<!tpu.dma_semaphore, #tpu.memory_space<semaphore_mem>>) src(%dma_wait3A_90 : memref<10112x16xf32, #tpu.memory_space<vmem_shared>>) dst(%arg11 : memref<128x16xf32, #tpu.memory_space<vmem>>)
      %dma_wait3A_91 = arith.constant 0 : i32
      %dma_wait3A_92 = arith.constant 0 : i32
      %dma_wait3A_93 = tpu.memref_slice %arg10[%dma_wait3A_91, %dma_wait3A_92] : memref<1x128xi32, #tpu.memory_space<vmem>> -> memref<1x128xi32, #tpu.memory_space<vmem>>
      %dma_wait3A_94 = tpu.memref_squeeze %dma_wait3A_93 : memref<1x128xi32, #tpu.memory_space<vmem>> -> memref<128xi32, #tpu.memory_space<vmem>>
      %dma_wait3A_95 = arith.constant 0 : i32
      %dma_wait3A_96 = arith.constant 0 : i32
      %dma_wait3A_97 = tpu.memref_slice %arg8[%dma_wait3A_95, %dma_wait3A_96] : memref<10112x16xf32, #tpu.memory_space<vmem_shared>> -> memref<10112x16xf32, #tpu.memory_space<vmem_shared>>
      tpu.wait_indirect_dma semaphore(%arg16 : memref<!tpu.dma_semaphore, #tpu.memory_space<semaphore_mem>>) src(%dma_wait3A_97 : memref<10112x16xf32, #tpu.memory_space<vmem_shared>>) dst(%arg12 : memref<128x16xf32, #tpu.memory_space<vmem>>)
      %scan3A_98 = arith.constant 0 : i32
      %scan3A_99 = arith.constant 128 : i32
      %scan3A_100 = arith.addi %scan3A_98, %scan3A_99 : i32
      %scan3A_101 = arith.constant 1 : i32
      scf.for %scan3A_120 = %scan3A_98 to %scan3A_100 step %scan3A_101  : i32 {
        %mul3A_121 = arith.constant 1 : i32
        %mul3A_122 = arith.muli %scan3A_120, %mul3A_121 : i32
        %add3A_123 = arith.constant 0 : i32
        %add3A_124 = arith.addi %add3A_123, %mul3A_122 : i32
        %get3A = arith.index_cast %add3A_124 : i32 to index
        %get3A_125 = arith.constant 0 : index
        %get3A_126 = tpu.vector_load %arg11[%get3A, %get3A_125] {strides = array<i32>} : memref<128x16xf32, #tpu.memory_space<vmem>>, vector<1x16xf32>,
        %get3A_127 = vector.shape_cast %get3A_126 : vector<1x16xf32> to vector<16xf32>
        %get3A_128 = arith.index_cast %add3A_124 : i32 to index
        %get3A_129 = arith.constant 0 : index
        %get3A_130 = tpu.vector_load %arg12[%get3A_128, %get3A_129] {strides = array<i32>} : memref<128x16xf32, #tpu.memory_space<vmem>>, vector<1x16xf32>,
        %get3A_131 = vector.shape_cast %get3A_130 : vector<1x16xf32> to vector<16xf32>
        %select_n3A_132 = arith.select %lt3A_31, %get3A_127, %get3A_131 : vector<16xi1>, vector<16xf32>
        %gather3A = vector.shape_cast %broadcast_in_dim3A_34 : vector<16x1xi32> to vector<16xi32>
        %gather3A_133 = tpu.dynamic_gather %select_n3A_132[%gather3A] in [0] : vector<16xf32>, vector<16xi32> -> vector<16xf32>
        %add3A_134 = arith.addf %select_n3A_132, %gather3A_133 : vector<16xf32>
        %mul3A_135 = arith.constant 2.000000e-01 : f32
        %mul3A_136 = vector.broadcast %mul3A_135 : f32 to vector<16xf32>
        %mul3A_137 = arith.mulf %add3A_134, %mul3A_136 : vector<16xf32>
        %max3A = arith.maximumf %add3A_134, %mul3A_137 : vector<16xf32>
        %exp3A = math.exp %max3A : vector<16xf32>
        %swap3A = arith.index_cast %add3A_124 : i32 to index
        %swap3A_138 = arith.constant 0 : index
        %swap3A_139 = tpu.vector_load %arg13[%swap3A, %swap3A_138] {strides = array<i32>} : memref<128x16xf32, #tpu.memory_space<vmem>>, vector<1x16xf32>,
        %swap3A_140 = vector.shape_cast %swap3A_139 : vector<1x16xf32> to vector<16xf32>
        %swap3A_141 = vector.shape_cast %exp3A : vector<16xf32> to vector<1x16xf32>
        tpu.vector_store %arg13[%swap3A, %swap3A_138], %swap3A_141 {strides = array<i32>} : memref<128x16xf32, #tpu.memory_space<vmem>>, vector<1x16xf32>,
        %jit3A_142 = arith.constant 8 : i32
        %div3A_143 = arith.divsi %add3A_124, %jit3A_142 : i32
        %sign3A_144 = arith.constant 0 : i32
        %sign3A_145 = arith.cmpi sgt, %add3A_124, %sign3A_144 : i32
        %sign3A_146 = arith.extui %sign3A_145 : i1 to i32
        %sign3A_147 = arith.constant 0 : i32
        %sign3A_148 = arith.cmpi slt, %add3A_124, %sign3A_147 : i32
        %sign3A_149 = arith.extui %sign3A_148 : i1 to i32
        %sign3A_150 = arith.subi %sign3A_146, %sign3A_149 : i32
        %sign3A_151 = arith.constant 0 : i32
        %sign3A_152 = arith.cmpi sgt, %jit3A_142, %sign3A_151 : i32
        %sign3A_153 = arith.extui %sign3A_152 : i1 to i32
        %sign3A_154 = arith.constant 0 : i32
        %sign3A_155 = arith.cmpi slt, %jit3A_142, %sign3A_154 : i32
        %sign3A_156 = arith.extui %sign3A_155 : i1 to i32
        %sign3A_157 = arith.subi %sign3A_153, %sign3A_156 : i32
        %ne3A_158 = arith.cmpi ne, %sign3A_150, %sign3A_157 : i32
        %rem3A_159 = arith.remsi %add3A_124, %jit3A_142 : i32
        %ne3A_160 = arith.constant 0 : i32
        %ne3A_161 = arith.cmpi ne, %rem3A_159, %ne3A_160 : i32
        %and3A_162 = arith.andi %ne3A_158, %ne3A_161 : i1
        %sub3A_163 = arith.constant 1 : i32
        %sub3A_164 = arith.subi %div3A_143, %sub3A_163 : i32
        %select_n3A_165 = arith.select %and3A_162, %sub3A_164, %div3A_143 : i32
        %jit3A_166 = arith.constant 8 : i32
        %eq3A_167 = arith.constant 0 : i32
        %eq3A_168 = arith.cmpi eq, %jit3A_166, %eq3A_167 : i32
        %jit3A_169 = arith.constant 1 : i32
        %select_n3A_170 = arith.select %eq3A_168, %jit3A_169, %jit3A_166 : i32
        %rem3A_171 = arith.remsi %add3A_124, %select_n3A_170 : i32
        %ne3A_172 = arith.constant 0 : i32
        %ne3A_173 = arith.cmpi ne, %rem3A_171, %ne3A_172 : i32
        %lt3A_174 = arith.constant 0 : i32
        %lt3A_175 = arith.cmpi slt, %rem3A_171, %lt3A_174 : i32
        %lt3A_176 = arith.constant 0 : i32
        %lt3A_177 = arith.cmpi slt, %select_n3A_170, %lt3A_176 : i32
        %ne3A_178 = arith.xori %lt3A_175, %lt3A_177 : i1
        %and3A_179 = arith.andi %ne3A_178, %ne3A_173 : i1
        %add3A_180 = arith.addi %rem3A_171, %select_n3A_170 : i32
        %select_n3A_181 = arith.select %and3A_179, %add3A_180, %rem3A_171 : i32
        %mul3A_182 = arith.constant 16 : i32
        %mul3A_183 = arith.muli %select_n3A_181, %mul3A_182 : i32
        %swap3A_184 = arith.index_cast %select_n3A_165 : i32 to index
        %swap3A_185 = arith.index_cast %mul3A_183 : i32 to index
        %swap3A_186 = tpu.vector_load %arg14[%swap3A_184, %swap3A_185] {strides = array<i32>} : memref<16x128xf32, #tpu.memory_space<vmem>>, vector<1x16xf32>,
        %swap3A_187 = vector.shape_cast %swap3A_186 : vector<1x16xf32> to vector<16xf32>
        %swap3A_188 = vector.shape_cast %exp3A : vector<16xf32> to vector<1x16xf32>
        tpu.vector_store %arg14[%swap3A_184, %swap3A_185], %swap3A_188 {strides = array<i32>} : memref<16x128xf32, #tpu.memory_space<vmem>>, vector<1x16xf32>,
      }
      %scan3A_102 = arith.constant 128 : i32
      %run_scoped3A_103 = arith.constant 0 : i32
      "tpu.region"() ({
        %run_scoped3A_120 = tpu.sem_alloc : memref<!tpu.dma_semaphore, #tpu.memory_space<semaphore_mem>>
        %dma_start3A_121 = arith.constant 0 : i32
        %dma_start3A_122 = tpu.memref_slice %arg10[%run_scoped3A_103, %dma_start3A_121] : memref<1x128xi32, #tpu.memory_space<vmem>> -> memref<1x128xi32, #tpu.memory_space<vmem>>
        %dma_start3A_123 = tpu.memref_squeeze %dma_start3A_122 : memref<1x128xi32, #tpu.memory_space<vmem>> -> memref<128xi32, #tpu.memory_space<vmem>>
        %dma_start3A_124 = arith.constant 0 : i32
        %dma_start3A_125 = arith.constant 0 : i32
        %dma_start3A_126 = tpu.memref_slice %arg7[%dma_start3A_124, %dma_start3A_125] : memref<10112x16xf32, #tpu.memory_space<vmem_shared>> -> memref<10112x16xf32, #tpu.memory_space<vmem_shared>>
        tpu.enqueue_indirect_dma source(%arg13 : memref<128x16xf32, #tpu.memory_space<vmem>>) target(%dma_start3A_126 : memref<10112x16xf32, #tpu.memory_space<vmem_shared>>) offsets(%dma_start3A_123 : memref<128xi32, #tpu.memory_space<vmem>>) semaphore(%run_scoped3A_120 : memref<!tpu.dma_semaphore, #tpu.memory_space<semaphore_mem>>) {add = true}
        %dma_wait3A_127 = arith.constant 0 : i32
        %dma_wait3A_128 = tpu.memref_slice %arg10[%run_scoped3A_103, %dma_wait3A_127] : memref<1x128xi32, #tpu.memory_space<vmem>> -> memref<1x128xi32, #tpu.memory_space<vmem>>
        %dma_wait3A_129 = tpu.memref_squeeze %dma_wait3A_128 : memref<1x128xi32, #tpu.memory_space<vmem>> -> memref<128xi32, #tpu.memory_space<vmem>>
        %dma_wait3A_130 = arith.constant 0 : i32
        %dma_wait3A_131 = arith.constant 0 : i32
        %dma_wait3A_132 = tpu.memref_slice %arg7[%dma_wait3A_130, %dma_wait3A_131] : memref<10112x16xf32, #tpu.memory_space<vmem_shared>> -> memref<10112x16xf32, #tpu.memory_space<vmem_shared>>
        tpu.wait_indirect_dma semaphore(%run_scoped3A_120 : memref<!tpu.dma_semaphore, #tpu.memory_space<semaphore_mem>>) src(%arg13 : memref<128x16xf32, #tpu.memory_space<vmem>>) dst(%dma_wait3A_132 : memref<10112x16xf32, #tpu.memory_space<vmem_shared>>)
        tpu.yield
      }) : () -> ()
      %jit3A = arith.constant 8 : i32
      %div3A = arith.divsi %add3A_70, %jit3A : i32
      %sign3A = arith.constant 0 : i32
      %sign3A_104 = arith.cmpi sgt, %add3A_70, %sign3A : i32
      %sign3A_105 = arith.extui %sign3A_104 : i1 to i32
      %sign3A_106 = arith.constant 0 : i32
      %sign3A_107 = arith.cmpi slt, %add3A_70, %sign3A_106 : i32
      %sign3A_108 = arith.extui %sign3A_107 : i1 to i32
      %sign3A_109 = arith.subi %sign3A_105, %sign3A_108 : i32
      %sign3A_110 = arith.constant 0 : i32
      %sign3A_111 = arith.cmpi sgt, %jit3A, %sign3A_110 : i32
      %sign3A_112 = arith.extui %sign3A_111 : i1 to i32
      %sign3A_113 = arith.constant 0 : i32
      %sign3A_114 = arith.cmpi slt, %jit3A, %sign3A_113 : i32
      %sign3A_115 = arith.extui %sign3A_114 : i1 to i32
      %sign3A_116 = arith.subi %sign3A_112, %sign3A_115 : i32
      %ne3A = arith.cmpi ne, %sign3A_109, %sign3A_116 : i32
      %rem3A = arith.remsi %add3A_70, %jit3A : i32
      %ne3A_117 = arith.constant 0 : i32
      %ne3A_118 = arith.cmpi ne, %rem3A, %ne3A_117 : i32
      %and3A = arith.andi %ne3A, %ne3A_118 : i1
      %sub3A = arith.constant 1 : i32
      %sub3A_119 = arith.subi %div3A, %sub3A : i32
      %select_n3A = arith.select %and3A, %sub3A_119, %div3A : i32
      %multiple_of3A = tpu.assume_multiple %select_n3A, 8 : i32
      "tpu.region"() ({
        %run_scoped3A_120 = tpu.sem_alloc : memref<!tpu.dma_semaphore, #tpu.memory_space<semaphore_mem>>
        %dma_start3A_121 = arith.constant 0 : i32
        %dma_start3A_122 = tpu.memref_slice %arg6[%multiple_of3A, %dma_start3A_121] : memref<40448x128xf32, #tpu.memory_space<hbm>> -> memref<16x128xf32, #tpu.memory_space<hbm>>
        %dma_start3A_123 = arith.constant 0 : i32
        %dma_start3A_124 = tpu.memref_slice %arg6[%multiple_of3A, %dma_start3A_123] : memref<40448x128xf32, #tpu.memory_space<hbm>> -> memref<16x128xf32, #tpu.memory_space<hbm>>
        tpu.enqueue_dma source(%arg14 : memref<16x128xf32, #tpu.memory_space<vmem>>) target(%dma_start3A_124 : memref<16x128xf32, #tpu.memory_space<hbm>>) target_semaphore(%run_scoped3A_120 : memref<!tpu.dma_semaphore, #tpu.memory_space<semaphore_mem>>)
        %dma_wait3A_125 = arith.constant 0 : i32
        %dma_wait3A_126 = tpu.memref_slice %arg6[%multiple_of3A, %dma_wait3A_125] : memref<40448x128xf32, #tpu.memory_space<hbm>> -> memref<16x128xf32, #tpu.memory_space<hbm>>
        %dma_wait3A_127 = arith.constant 0 : i32
        %dma_wait3A_128 = tpu.memref_slice %arg6[%multiple_of3A, %dma_wait3A_127] : memref<40448x128xf32, #tpu.memory_space<hbm>> -> memref<16x128xf32, #tpu.memory_space<hbm>>
        tpu.wait_dma2 semaphore(%run_scoped3A_120 : memref<!tpu.dma_semaphore, #tpu.memory_space<semaphore_mem>>) src(%arg14 : memref<16x128xf32, #tpu.memory_space<vmem>>) dst(%dma_wait3A_128 : memref<16x128xf32, #tpu.memory_space<hbm>>)
        tpu.yield
      }) : () -> ()
    }
    %scan3A_41 = arith.constant 79 : i32
    %barrier3A_42 = arith.constant 0 : index
    tpu.barrier barrier_id(%barrier3A_42)
    %add3A_43 = arith.constant 0 : i32
    %add3A_44 = arith.addi %mul3A_18, %add3A_43 : i32
    %add3A_45 = arith.constant 0 : i32
    %add3A_46 = arith.addi %mul3A_18, %add3A_45 : i32
    "tpu.region"() ({
      %run_scoped3A = tpu.sem_alloc : memref<!tpu.dma_semaphore, #tpu.memory_space<semaphore_mem>>
      %dma_start3A = arith.constant 0 : i32
      %dma_start3A_63 = tpu.memref_slice %arg5[%arg0, %add3A_46, %dma_start3A] : memref<2x10112x16xf32, #tpu.memory_space<hbm>> -> memref<1x128x16xf32, #tpu.memory_space<hbm>>
      %dma_start3A_64 = tpu.memref_squeeze %dma_start3A_63 : memref<1x128x16xf32, #tpu.memory_space<hbm>> -> memref<128x16xf32, #tpu.memory_space<hbm>>
      %dma_start3A_65 = arith.constant 0 : i32
      %dma_start3A_66 = tpu.memref_slice %arg7[%add3A_44, %dma_start3A_65] : memref<10112x16xf32, #tpu.memory_space<vmem_shared>> -> memref<128x16xf32, #tpu.memory_space<vmem_shared>>
      tpu.enqueue_dma source(%dma_start3A_66 : memref<128x16xf32, #tpu.memory_space<vmem_shared>>) target(%dma_start3A_64 : memref<128x16xf32, #tpu.memory_space<hbm>>) target_semaphore(%run_scoped3A : memref<!tpu.dma_semaphore, #tpu.memory_space<semaphore_mem>>)
      %dma_wait3A = arith.constant 0 : i32
      %dma_wait3A_67 = tpu.memref_slice %arg5[%arg0, %add3A_46, %dma_wait3A] : memref<2x10112x16xf32, #tpu.memory_space<hbm>> -> memref<1x128x16xf32, #tpu.memory_space<hbm>>
      %dma_wait3A_68 = tpu.memref_squeeze %dma_wait3A_67 : memref<1x128x16xf32, #tpu.memory_space<hbm>> -> memref<128x16xf32, #tpu.memory_space<hbm>>
      %dma_wait3A_69 = arith.constant 0 : i32
      %dma_wait3A_70 = tpu.memref_slice %arg7[%add3A_44, %dma_wait3A_69] : memref<10112x16xf32, #tpu.memory_space<vmem_shared>> -> memref<128x16xf32, #tpu.memory_space<vmem_shared>>
      tpu.wait_dma2 semaphore(%run_scoped3A : memref<!tpu.dma_semaphore, #tpu.memory_space<semaphore_mem>>) src(%dma_wait3A_70 : memref<128x16xf32, #tpu.memory_space<vmem_shared>>) dst(%dma_wait3A_68 : memref<128x16xf32, #tpu.memory_space<hbm>>)
      tpu.yield
    }) : () -> ()
    %add3A_47 = arith.constant 128 : i32
    %add3A_48 = arith.addi %mul3A_18, %add3A_47 : i32
    %add3A_49 = arith.constant 128 : i32
    %add3A_50 = arith.addi %mul3A_18, %add3A_49 : i32
    "tpu.region"() ({
      %run_scoped3A = tpu.sem_alloc : memref<!tpu.dma_semaphore, #tpu.memory_space<semaphore_mem>>
      %dma_start3A = arith.constant 0 : i32
      %dma_start3A_63 = tpu.memref_slice %arg5[%arg0, %add3A_50, %dma_start3A] : memref<2x10112x16xf32, #tpu.memory_space<hbm>> -> memref<1x128x16xf32, #tpu.memory_space<hbm>>
      %dma_start3A_64 = tpu.memref_squeeze %dma_start3A_63 : memref<1x128x16xf32, #tpu.memory_space<hbm>> -> memref<128x16xf32, #tpu.memory_space<hbm>>
      %dma_start3A_65 = arith.constant 0 : i32
      %dma_start3A_66 = tpu.memref_slice %arg7[%add3A_48, %dma_start3A_65] : memref<10112x16xf32, #tpu.memory_space<vmem_shared>> -> memref<128x16xf32, #tpu.memory_space<vmem_shared>>
      tpu.enqueue_dma source(%dma_start3A_66 : memref<128x16xf32, #tpu.memory_space<vmem_shared>>) target(%dma_start3A_64 : memref<128x16xf32, #tpu.memory_space<hbm>>) target_semaphore(%run_scoped3A : memref<!tpu.dma_semaphore, #tpu.memory_space<semaphore_mem>>)
      %dma_wait3A = arith.constant 0 : i32
      %dma_wait3A_67 = tpu.memref_slice %arg5[%arg0, %add3A_50, %dma_wait3A] : memref<2x10112x16xf32, #tpu.memory_space<hbm>> -> memref<1x128x16xf32, #tpu.memory_space<hbm>>
      %dma_wait3A_68 = tpu.memref_squeeze %dma_wait3A_67 : memref<1x128x16xf32, #tpu.memory_space<hbm>> -> memref<128x16xf32, #tpu.memory_space<hbm>>
      %dma_wait3A_69 = arith.constant 0 : i32
      %dma_wait3A_70 = tpu.memref_slice %arg7[%add3A_48, %dma_wait3A_69] : memref<10112x16xf32, #tpu.memory_space<vmem_shared>> -> memref<128x16xf32, #tpu.memory_space<vmem_shared>>
      tpu.wait_dma2 semaphore(%run_scoped3A : memref<!tpu.dma_semaphore, #tpu.memory_space<semaphore_mem>>) src(%dma_wait3A_70 : memref<128x16xf32, #tpu.memory_space<vmem_shared>>) dst(%dma_wait3A_68 : memref<128x16xf32, #tpu.memory_space<hbm>>)
      tpu.yield
    }) : () -> ()
    %add3A_51 = arith.constant 256 : i32
    %add3A_52 = arith.addi %mul3A_18, %add3A_51 : i32
    %add3A_53 = arith.constant 256 : i32
    %add3A_54 = arith.addi %mul3A_18, %add3A_53 : i32
    "tpu.region"() ({
      %run_scoped3A = tpu.sem_alloc : memref<!tpu.dma_semaphore, #tpu.memory_space<semaphore_mem>>
      %dma_start3A = arith.constant 0 : i32
      %dma_start3A_63 = tpu.memref_slice %arg5[%arg0, %add3A_54, %dma_start3A] : memref<2x10112x16xf32, #tpu.memory_space<hbm>> -> memref<1x128x16xf32, #tpu.memory_space<hbm>>
      %dma_start3A_64 = tpu.memref_squeeze %dma_start3A_63 : memref<1x128x16xf32, #tpu.memory_space<hbm>> -> memref<128x16xf32, #tpu.memory_space<hbm>>
      %dma_start3A_65 = arith.constant 0 : i32
      %dma_start3A_66 = tpu.memref_slice %arg7[%add3A_52, %dma_start3A_65] : memref<10112x16xf32, #tpu.memory_space<vmem_shared>> -> memref<128x16xf32, #tpu.memory_space<vmem_shared>>
      tpu.enqueue_dma source(%dma_start3A_66 : memref<128x16xf32, #tpu.memory_space<vmem_shared>>) target(%dma_start3A_64 : memref<128x16xf32, #tpu.memory_space<hbm>>) target_semaphore(%run_scoped3A : memref<!tpu.dma_semaphore, #tpu.memory_space<semaphore_mem>>)
      %dma_wait3A = arith.constant 0 : i32
      %dma_wait3A_67 = tpu.memref_slice %arg5[%arg0, %add3A_54, %dma_wait3A] : memref<2x10112x16xf32, #tpu.memory_space<hbm>> -> memref<1x128x16xf32, #tpu.memory_space<hbm>>
      %dma_wait3A_68 = tpu.memref_squeeze %dma_wait3A_67 : memref<1x128x16xf32, #tpu.memory_space<hbm>> -> memref<128x16xf32, #tpu.memory_space<hbm>>
      %dma_wait3A_69 = arith.constant 0 : i32
      %dma_wait3A_70 = tpu.memref_slice %arg7[%add3A_52, %dma_wait3A_69] : memref<10112x16xf32, #tpu.memory_space<vmem_shared>> -> memref<128x16xf32, #tpu.memory_space<vmem_shared>>
      tpu.wait_dma2 semaphore(%run_scoped3A : memref<!tpu.dma_semaphore, #tpu.memory_space<semaphore_mem>>) src(%dma_wait3A_70 : memref<128x16xf32, #tpu.memory_space<vmem_shared>>) dst(%dma_wait3A_68 : memref<128x16xf32, #tpu.memory_space<hbm>>)
      tpu.yield
    }) : () -> ()
    %add3A_55 = arith.constant 384 : i32
    %add3A_56 = arith.addi %mul3A_18, %add3A_55 : i32
    %add3A_57 = arith.constant 384 : i32
    %add3A_58 = arith.addi %mul3A_18, %add3A_57 : i32
    "tpu.region"() ({
      %run_scoped3A = tpu.sem_alloc : memref<!tpu.dma_semaphore, #tpu.memory_space<semaphore_mem>>
      %dma_start3A = arith.constant 0 : i32
      %dma_start3A_63 = tpu.memref_slice %arg5[%arg0, %add3A_58, %dma_start3A] : memref<2x10112x16xf32, #tpu.memory_space<hbm>> -> memref<1x128x16xf32, #tpu.memory_space<hbm>>
      %dma_start3A_64 = tpu.memref_squeeze %dma_start3A_63 : memref<1x128x16xf32, #tpu.memory_space<hbm>> -> memref<128x16xf32, #tpu.memory_space<hbm>>
      %dma_start3A_65 = arith.constant 0 : i32
      %dma_start3A_66 = tpu.memref_slice %arg7[%add3A_56, %dma_start3A_65] : memref<10112x16xf32, #tpu.memory_space<vmem_shared>> -> memref<128x16xf32, #tpu.memory_space<vmem_shared>>
      tpu.enqueue_dma source(%dma_start3A_66 : memref<128x16xf32, #tpu.memory_space<vmem_shared>>) target(%dma_start3A_64 : memref<128x16xf32, #tpu.memory_space<hbm>>) target_semaphore(%run_scoped3A : memref<!tpu.dma_semaphore, #tpu.memory_space<semaphore_mem>>)
      %dma_wait3A = arith.constant 0 : i32
      %dma_wait3A_67 = tpu.memref_slice %arg5[%arg0, %add3A_58, %dma_wait3A] : memref<2x10112x16xf32, #tpu.memory_space<hbm>> -> memref<1x128x16xf32, #tpu.memory_space<hbm>>
      %dma_wait3A_68 = tpu.memref_squeeze %dma_wait3A_67 : memref<1x128x16xf32, #tpu.memory_space<hbm>> -> memref<128x16xf32, #tpu.memory_space<hbm>>
      %dma_wait3A_69 = arith.constant 0 : i32
      %dma_wait3A_70 = tpu.memref_slice %arg7[%add3A_56, %dma_wait3A_69] : memref<10112x16xf32, #tpu.memory_space<vmem_shared>> -> memref<128x16xf32, #tpu.memory_space<vmem_shared>>
      tpu.wait_dma2 semaphore(%run_scoped3A : memref<!tpu.dma_semaphore, #tpu.memory_space<semaphore_mem>>) src(%dma_wait3A_70 : memref<128x16xf32, #tpu.memory_space<vmem_shared>>) dst(%dma_wait3A_68 : memref<128x16xf32, #tpu.memory_space<hbm>>)
      tpu.yield
    }) : () -> ()
    %add3A_59 = arith.constant 512 : i32
    %add3A_60 = arith.addi %mul3A_18, %add3A_59 : i32
    %add3A_61 = arith.constant 512 : i32
    %add3A_62 = arith.addi %mul3A_18, %add3A_61 : i32
    "tpu.region"() ({
      %run_scoped3A = tpu.sem_alloc : memref<!tpu.dma_semaphore, #tpu.memory_space<semaphore_mem>>
      %dma_start3A = arith.constant 0 : i32
      %dma_start3A_63 = tpu.memref_slice %arg5[%arg0, %add3A_62, %dma_start3A] : memref<2x10112x16xf32, #tpu.memory_space<hbm>> -> memref<1x120x16xf32, #tpu.memory_space<hbm>>
      %dma_start3A_64 = tpu.memref_squeeze %dma_start3A_63 : memref<1x120x16xf32, #tpu.memory_space<hbm>> -> memref<120x16xf32, #tpu.memory_space<hbm>>
      %dma_start3A_65 = arith.constant 0 : i32
      %dma_start3A_66 = tpu.memref_slice %arg7[%add3A_60, %dma_start3A_65] : memref<10112x16xf32, #tpu.memory_space<vmem_shared>> -> memref<120x16xf32, #tpu.memory_space<vmem_shared>>
      tpu.enqueue_dma source(%dma_start3A_66 : memref<120x16xf32, #tpu.memory_space<vmem_shared>>) target(%dma_start3A_64 : memref<120x16xf32, #tpu.memory_space<hbm>>) target_semaphore(%run_scoped3A : memref<!tpu.dma_semaphore, #tpu.memory_space<semaphore_mem>>)
      %dma_wait3A = arith.constant 0 : i32
      %dma_wait3A_67 = tpu.memref_slice %arg5[%arg0, %add3A_62, %dma_wait3A] : memref<2x10112x16xf32, #tpu.memory_space<hbm>> -> memref<1x120x16xf32, #tpu.memory_space<hbm>>
      %dma_wait3A_68 = tpu.memref_squeeze %dma_wait3A_67 : memref<1x120x16xf32, #tpu.memory_space<hbm>> -> memref<120x16xf32, #tpu.memory_space<hbm>>
      %dma_wait3A_69 = arith.constant 0 : i32
      %dma_wait3A_70 = tpu.memref_slice %arg7[%add3A_60, %dma_wait3A_69] : memref<10112x16xf32, #tpu.memory_space<vmem_shared>> -> memref<120x16xf32, #tpu.memory_space<vmem_shared>>
      tpu.wait_dma2 semaphore(%run_scoped3A : memref<!tpu.dma_semaphore, #tpu.memory_space<semaphore_mem>>) src(%dma_wait3A_70 : memref<120x16xf32, #tpu.memory_space<vmem_shared>>) dst(%dma_wait3A_68 : memref<120x16xf32, #tpu.memory_space<hbm>>)
      tpu.yield
    }) : () -> ()
    return
  }
}

module attributes {stable_mosaic.version = 14 : i64} {
  func.func @_tc_pre_body(%arg0: i32, %arg1: memref<1000x128xf32, #tpu.memory_space<vmem>>, %arg2: memref<128x128xf32, #tpu.memory_space<vmem>>, %arg3: memref<128x16xf32, #tpu.memory_space<vmem>>, %arg4: memref<1000x128xf32, #tpu.memory_space<vmem>>, %arg5: memref<1000x16xf32, #tpu.memory_space<vmem>>) attributes {dimension_semantics = [#tpu.dimension_semantics<arbitrary>], iteration_bounds = array<i64: 10>, scalar_prefetch = 0 : i64, scratch_operands = 0 : i64, tpu.core_type = #tpu.core_type<tc>, window_params = [{transform_indices = @transform_0, window_bounds = array<i64: 1000, 128>}, {pipeline_mode = #tpu.pipeline_mode<synchronous>, transform_indices = @transform_1, window_bounds = array<i64: 128, 128>}, {pipeline_mode = #tpu.pipeline_mode<synchronous>, transform_indices = @transform_2, window_bounds = array<i64: 128, 16>}, {transform_indices = @transform_3, window_bounds = array<i64: 1000, 128>}, {transform_indices = @transform_4, window_bounds = array<i64: 1000, 16>}]} {
    %get3A = arith.constant 0 : index
    %get3A_0 = arith.constant 0 : index
    %get3A_1 = vector.load %arg1[%get3A, %get3A_0] : memref<1000x128xf32, #tpu.memory_space<vmem>>, vector<1000x128xf32>
    %get3A_2 = arith.constant 0 : index
    %get3A_3 = arith.constant 0 : index
    %get3A_4 = vector.load %arg2[%get3A_2, %get3A_3] : memref<128x128xf32, #tpu.memory_space<vmem>>, vector<128x128xf32>
    %dot_general3A = arith.constant dense<0.000000e+00> : vector<1000x128xf32>
    %dot_general3A_5 = tpu.matmul %get3A_1, %get3A_4, %dot_general3A {dimension_numbers = #tpu.dot_dimension_numbers<[1], [0], [0], [1], [0, 0, 1, 1], [], []>, precision = #tpu.contract_precision<fp32>, transpose_lhs_hint = false} : vector<1000x128xf32>, vector<128x128xf32>, vector<1000x128xf32> -> vector<1000x128xf32>
    %swap3A = arith.constant 0 : index
    %swap3A_6 = arith.constant 0 : index
    %swap3A_7 = vector.load %arg4[%swap3A, %swap3A_6] : memref<1000x128xf32, #tpu.memory_space<vmem>>, vector<1000x128xf32>
    tpu.vector_store %arg4[%swap3A, %swap3A_6], %dot_general3A_5 {strides = array<i32>} : memref<1000x128xf32, #tpu.memory_space<vmem>>, vector<1000x128xf32>,
    %get3A_8 = arith.constant 0 : index
    %get3A_9 = arith.constant 0 : index
    %get3A_10 = vector.load %arg3[%get3A_8, %get3A_9] : memref<128x16xf32, #tpu.memory_space<vmem>>, vector<128x16xf32>
    %dot_general3A_11 = arith.constant dense<0.000000e+00> : vector<1000x16xf32>
    %dot_general3A_12 = tpu.matmul %dot_general3A_5, %get3A_10, %dot_general3A_11 {dimension_numbers = #tpu.dot_dimension_numbers<[1], [0], [0], [1], [0, 0, 1, 1], [], []>, precision = #tpu.contract_precision<fp32>, transpose_lhs_hint = false} : vector<1000x128xf32>, vector<128x16xf32>, vector<1000x16xf32> -> vector<1000x16xf32>
    %swap3A_13 = arith.constant 0 : index
    %swap3A_14 = arith.constant 0 : index
    %swap3A_15 = vector.load %arg5[%swap3A_13, %swap3A_14] : memref<1000x16xf32, #tpu.memory_space<vmem>>, vector<1000x16xf32>
    tpu.vector_store %arg5[%swap3A_13, %swap3A_14], %dot_general3A_12 {strides = array<i32>} : memref<1000x16xf32, #tpu.memory_space<vmem>>, vector<1000x16xf32>,
    return
  }
  func.func @transform_0(%arg0: i32) -> (i32, i32) {
    %c0_i32 = arith.constant 0 : i32
    %c0_i32_0 = arith.constant 0 : i32
    return %arg0, %c0_i32 : i32, i32
  }
  func.func @transform_1(%arg0: i32) -> (i32, i32) {
    %c0_i32 = arith.constant 0 : i32
    %c0_i32_0 = arith.constant 0 : i32
    %c0_i32_1 = arith.constant 0 : i32
    return %c0_i32, %c0_i32_0 : i32, i32
  }
  func.func @transform_2(%arg0: i32) -> (i32, i32) {
    %c0_i32 = arith.constant 0 : i32
    %c0_i32_0 = arith.constant 0 : i32
    %c0_i32_1 = arith.constant 0 : i32
    return %c0_i32, %c0_i32_0 : i32, i32
  }
  func.func @transform_3(%arg0: i32) -> (i32, i32) {
    %c0_i32 = arith.constant 0 : i32
    %c0_i32_0 = arith.constant 0 : i32
    return %arg0, %c0_i32 : i32, i32
  }
  func.func @transform_4(%arg0: i32) -> (i32, i32) {
    %c0_i32 = arith.constant 0 : i32
    %c0_i32_0 = arith.constant 0 : i32
    return %arg0, %c0_i32 : i32, i32
  }
}

module attributes {stable_mosaic.version = 14 : i64} {
  func.func @_tc_mid_body(%arg0: i32, %arg1: memref<2x1000x128xf32, #tpu.memory_space<vmem>>, %arg2: memref<2x1000x16xf32, #tpu.memory_space<vmem>>, %arg3: memref<1x128xf32, #tpu.memory_space<vmem>>, %arg4: memref<128x128xf32, #tpu.memory_space<vmem>>, %arg5: memref<128x16xf32, #tpu.memory_space<vmem>>, %arg6: memref<1000x128xf32, #tpu.memory_space<vmem>>, %arg7: memref<1000x16xf32, #tpu.memory_space<vmem>>) attributes {dimension_semantics = [#tpu.dimension_semantics<arbitrary>], iteration_bounds = array<i64: 10>, scalar_prefetch = 0 : i64, scratch_operands = 0 : i64, tpu.core_type = #tpu.core_type<tc>, window_params = [{transform_indices = @transform_0, window_bounds = array<i64: 2, 1000, 128>}, {transform_indices = @transform_1, window_bounds = array<i64: 2, 1000, 16>}, {pipeline_mode = #tpu.pipeline_mode<synchronous>, transform_indices = @transform_2, window_bounds = array<i64: 1, 128>}, {pipeline_mode = #tpu.pipeline_mode<synchronous>, transform_indices = @transform_3, window_bounds = array<i64: 128, 128>}, {pipeline_mode = #tpu.pipeline_mode<synchronous>, transform_indices = @transform_4, window_bounds = array<i64: 128, 16>}, {transform_indices = @transform_5, window_bounds = array<i64: 1000, 128>}, {transform_indices = @transform_6, window_bounds = array<i64: 1000, 16>}]} {
    %get3A = arith.constant 0 : index
    %get3A_0 = arith.constant 0 : index
    %get3A_1 = arith.constant 0 : index
    %get3A_2 = vector.load %arg1[%get3A, %get3A_0, %get3A_1] : memref<2x1000x128xf32, #tpu.memory_space<vmem>>, vector<1x1000x128xf32>
    %get3A_3 = vector.shape_cast %get3A_2 : vector<1x1000x128xf32> to vector<1000x128xf32>
    %get3A_4 = arith.constant 1 : index
    %get3A_5 = arith.constant 0 : index
    %get3A_6 = arith.constant 0 : index
    %get3A_7 = vector.load %arg1[%get3A_4, %get3A_5, %get3A_6] : memref<2x1000x128xf32, #tpu.memory_space<vmem>>, vector<1x1000x128xf32>
    %get3A_8 = vector.shape_cast %get3A_7 : vector<1x1000x128xf32> to vector<1000x128xf32>
    %add3A = arith.addf %get3A_3, %get3A_8 : vector<1000x128xf32>
    %get3A_9 = arith.constant 0 : index
    %get3A_10 = arith.constant 0 : index
    %get3A_11 = arith.constant 0 : index
    %get3A_12 = vector.load %arg2[%get3A_9, %get3A_10, %get3A_11] : memref<2x1000x16xf32, #tpu.memory_space<vmem>>, vector<1x1000x16xf32>
    %get3A_13 = vector.shape_cast %get3A_12 : vector<1x1000x16xf32> to vector<1000x16xf32>
    %get3A_14 = arith.constant 1 : index
    %get3A_15 = arith.constant 0 : index
    %get3A_16 = arith.constant 0 : index
    %get3A_17 = vector.load %arg2[%get3A_14, %get3A_15, %get3A_16] : memref<2x1000x16xf32, #tpu.memory_space<vmem>>, vector<1x1000x16xf32>
    %get3A_18 = vector.shape_cast %get3A_17 : vector<1x1000x16xf32> to vector<1000x16xf32>
    %add3A_19 = arith.addf %get3A_13, %get3A_18 : vector<1000x16xf32>
    %concatenate3A = tpu.concatenate %add3A_19, %add3A_19, %add3A_19, %add3A_19, %add3A_19, %add3A_19, %add3A_19, %add3A_19 in 1 : vector<1000x16xf32>, vector<1000x16xf32>, vector<1000x16xf32>, vector<1000x16xf32>, vector<1000x16xf32>, vector<1000x16xf32>, vector<1000x16xf32>, vector<1000x16xf32> -> vector<1000x128xf32>
    %add3A_20 = arith.constant 9.99999971E-10 : f32
    %add3A_21 = vector.broadcast %add3A_20 : f32 to vector<1000x128xf32>
    %add3A_22 = arith.addf %concatenate3A, %add3A_21 : vector<1000x128xf32>
    %div3A = arith.divf %add3A, %add3A_22 : vector<1000x128xf32>
    %get3A_23 = arith.constant 0 : index
    %get3A_24 = arith.constant 0 : index
    %get3A_25 = vector.load %arg3[%get3A_23, %get3A_24] : memref<1x128xf32, #tpu.memory_space<vmem>>, vector<1x128xf32>
    %add3A_26 = vector.broadcast %get3A_25 : vector<1x128xf32> to vector<1000x128xf32>
    %add3A_27 = arith.addf %div3A, %add3A_26 : vector<1000x128xf32>
    %max3A = arith.constant 0.000000e+00 : f32
    %max3A_28 = vector.broadcast %max3A : f32 to vector<1000x128xf32>
    %max3A_29 = arith.maximumf %add3A_27, %max3A_28 : vector<1000x128xf32>
    %get3A_30 = arith.constant 0 : index
    %get3A_31 = arith.constant 0 : index
    %get3A_32 = vector.load %arg4[%get3A_30, %get3A_31] : memref<128x128xf32, #tpu.memory_space<vmem>>, vector<128x128xf32>
    %dot_general3A = arith.constant dense<0.000000e+00> : vector<1000x128xf32>
    %dot_general3A_33 = tpu.matmul %max3A_29, %get3A_32, %dot_general3A {dimension_numbers = #tpu.dot_dimension_numbers<[1], [0], [0], [1], [0, 0, 1, 1], [], []>, precision = #tpu.contract_precision<fp32>, transpose_lhs_hint = false} : vector<1000x128xf32>, vector<128x128xf32>, vector<1000x128xf32> -> vector<1000x128xf32>
    %swap3A = arith.constant 0 : index
    %swap3A_34 = arith.constant 0 : index
    %swap3A_35 = vector.load %arg6[%swap3A, %swap3A_34] : memref<1000x128xf32, #tpu.memory_space<vmem>>, vector<1000x128xf32>
    tpu.vector_store %arg6[%swap3A, %swap3A_34], %dot_general3A_33 {strides = array<i32>} : memref<1000x128xf32, #tpu.memory_space<vmem>>, vector<1000x128xf32>,
    %get3A_36 = arith.constant 0 : index
    %get3A_37 = arith.constant 0 : index
    %get3A_38 = vector.load %arg5[%get3A_36, %get3A_37] : memref<128x16xf32, #tpu.memory_space<vmem>>, vector<128x16xf32>
    %dot_general3A_39 = arith.constant dense<0.000000e+00> : vector<1000x16xf32>
    %dot_general3A_40 = tpu.matmul %dot_general3A_33, %get3A_38, %dot_general3A_39 {dimension_numbers = #tpu.dot_dimension_numbers<[1], [0], [0], [1], [0, 0, 1, 1], [], []>, precision = #tpu.contract_precision<fp32>, transpose_lhs_hint = false} : vector<1000x128xf32>, vector<128x16xf32>, vector<1000x16xf32> -> vector<1000x16xf32>
    %swap3A_41 = arith.constant 0 : index
    %swap3A_42 = arith.constant 0 : index
    %swap3A_43 = vector.load %arg7[%swap3A_41, %swap3A_42] : memref<1000x16xf32, #tpu.memory_space<vmem>>, vector<1000x16xf32>
    tpu.vector_store %arg7[%swap3A_41, %swap3A_42], %dot_general3A_40 {strides = array<i32>} : memref<1000x16xf32, #tpu.memory_space<vmem>>, vector<1000x16xf32>,
    return
  }
  func.func @transform_0(%arg0: i32) -> (i32, i32, i32) {
    %c0_i32 = arith.constant 0 : i32
    %c0_i32_0 = arith.constant 0 : i32
    %c0_i32_1 = arith.constant 0 : i32
    return %c0_i32, %arg0, %c0_i32_0 : i32, i32, i32
  }
  func.func @transform_1(%arg0: i32) -> (i32, i32, i32) {
    %c0_i32 = arith.constant 0 : i32
    %c0_i32_0 = arith.constant 0 : i32
    %c0_i32_1 = arith.constant 0 : i32
    return %c0_i32, %arg0, %c0_i32_0 : i32, i32, i32
  }
  func.func @transform_2(%arg0: i32) -> (i32, i32) {
    %c0_i32 = arith.constant 0 : i32
    %c0_i32_0 = arith.constant 0 : i32
    %c0_i32_1 = arith.constant 0 : i32
    return %c0_i32, %c0_i32_0 : i32, i32
  }
  func.func @transform_3(%arg0: i32) -> (i32, i32) {
    %c0_i32 = arith.constant 0 : i32
    %c0_i32_0 = arith.constant 0 : i32
    %c0_i32_1 = arith.constant 0 : i32
    return %c0_i32, %c0_i32_0 : i32, i32
  }
  func.func @transform_4(%arg0: i32) -> (i32, i32) {
    %c0_i32 = arith.constant 0 : i32
    %c0_i32_0 = arith.constant 0 : i32
    %c0_i32_1 = arith.constant 0 : i32
    return %c0_i32, %c0_i32_0 : i32, i32
  }
  func.func @transform_5(%arg0: i32) -> (i32, i32) {
    %c0_i32 = arith.constant 0 : i32
    %c0_i32_0 = arith.constant 0 : i32
    return %arg0, %c0_i32 : i32, i32
  }
  func.func @transform_6(%arg0: i32) -> (i32, i32) {
    %c0_i32 = arith.constant 0 : i32
    %c0_i32_0 = arith.constant 0 : i32
    return %arg0, %c0_i32 : i32, i32
  }
}

module attributes {stable_mosaic.version = 14 : i64} {
  func.func @_tc_epi_body(%arg0: i32, %arg1: memref<2x1000x128xf32, #tpu.memory_space<vmem>>, %arg2: memref<2x1000x16xf32, #tpu.memory_space<vmem>>, %arg3: memref<1x128xf32, #tpu.memory_space<vmem>>, %arg4: memref<128x128xf32, #tpu.memory_space<vmem>>, %arg5: memref<1000x128xf32, #tpu.memory_space<vmem>>) attributes {dimension_semantics = [#tpu.dimension_semantics<arbitrary>], iteration_bounds = array<i64: 10>, scalar_prefetch = 0 : i64, scratch_operands = 0 : i64, tpu.core_type = #tpu.core_type<tc>, window_params = [{transform_indices = @transform_0, window_bounds = array<i64: 2, 1000, 128>}, {transform_indices = @transform_1, window_bounds = array<i64: 2, 1000, 16>}, {pipeline_mode = #tpu.pipeline_mode<synchronous>, transform_indices = @transform_2, window_bounds = array<i64: 1, 128>}, {pipeline_mode = #tpu.pipeline_mode<synchronous>, transform_indices = @transform_3, window_bounds = array<i64: 128, 128>}, {transform_indices = @transform_4, window_bounds = array<i64: 1000, 128>}]} {
    %get3A = arith.constant 0 : index
    %get3A_0 = arith.constant 0 : index
    %get3A_1 = arith.constant 0 : index
    %get3A_2 = vector.load %arg1[%get3A, %get3A_0, %get3A_1] : memref<2x1000x128xf32, #tpu.memory_space<vmem>>, vector<1x1000x128xf32>
    %get3A_3 = vector.shape_cast %get3A_2 : vector<1x1000x128xf32> to vector<1000x128xf32>
    %get3A_4 = arith.constant 1 : index
    %get3A_5 = arith.constant 0 : index
    %get3A_6 = arith.constant 0 : index
    %get3A_7 = vector.load %arg1[%get3A_4, %get3A_5, %get3A_6] : memref<2x1000x128xf32, #tpu.memory_space<vmem>>, vector<1x1000x128xf32>
    %get3A_8 = vector.shape_cast %get3A_7 : vector<1x1000x128xf32> to vector<1000x128xf32>
    %add3A = arith.addf %get3A_3, %get3A_8 : vector<1000x128xf32>
    %get3A_9 = arith.constant 0 : index
    %get3A_10 = arith.constant 0 : index
    %get3A_11 = arith.constant 0 : index
    %get3A_12 = vector.load %arg2[%get3A_9, %get3A_10, %get3A_11] : memref<2x1000x16xf32, #tpu.memory_space<vmem>>, vector<1x1000x16xf32>
    %get3A_13 = vector.shape_cast %get3A_12 : vector<1x1000x16xf32> to vector<1000x16xf32>
    %get3A_14 = arith.constant 1 : index
    %get3A_15 = arith.constant 0 : index
    %get3A_16 = arith.constant 0 : index
    %get3A_17 = vector.load %arg2[%get3A_14, %get3A_15, %get3A_16] : memref<2x1000x16xf32, #tpu.memory_space<vmem>>, vector<1x1000x16xf32>
    %get3A_18 = vector.shape_cast %get3A_17 : vector<1x1000x16xf32> to vector<1000x16xf32>
    %add3A_19 = arith.addf %get3A_13, %get3A_18 : vector<1000x16xf32>
    %concatenate3A = tpu.concatenate %add3A_19, %add3A_19, %add3A_19, %add3A_19, %add3A_19, %add3A_19, %add3A_19, %add3A_19 in 1 : vector<1000x16xf32>, vector<1000x16xf32>, vector<1000x16xf32>, vector<1000x16xf32>, vector<1000x16xf32>, vector<1000x16xf32>, vector<1000x16xf32>, vector<1000x16xf32> -> vector<1000x128xf32>
    %add3A_20 = arith.constant 9.99999971E-10 : f32
    %add3A_21 = vector.broadcast %add3A_20 : f32 to vector<1000x128xf32>
    %add3A_22 = arith.addf %concatenate3A, %add3A_21 : vector<1000x128xf32>
    %div3A = arith.divf %add3A, %add3A_22 : vector<1000x128xf32>
    %get3A_23 = arith.constant 0 : index
    %get3A_24 = arith.constant 0 : index
    %get3A_25 = vector.load %arg3[%get3A_23, %get3A_24] : memref<1x128xf32, #tpu.memory_space<vmem>>, vector<1x128xf32>
    %add3A_26 = vector.broadcast %get3A_25 : vector<1x128xf32> to vector<1000x128xf32>
    %add3A_27 = arith.addf %div3A, %add3A_26 : vector<1000x128xf32>
    %max3A = arith.constant 0.000000e+00 : f32
    %max3A_28 = vector.broadcast %max3A : f32 to vector<1000x128xf32>
    %max3A_29 = arith.maximumf %add3A_27, %max3A_28 : vector<1000x128xf32>
    %get3A_30 = arith.constant 0 : index
    %get3A_31 = arith.constant 0 : index
    %get3A_32 = vector.load %arg4[%get3A_30, %get3A_31] : memref<128x128xf32, #tpu.memory_space<vmem>>, vector<128x128xf32>
    %dot_general3A = arith.constant dense<0.000000e+00> : vector<1000x128xf32>
    %dot_general3A_33 = tpu.matmul %max3A_29, %get3A_32, %dot_general3A {dimension_numbers = #tpu.dot_dimension_numbers<[1], [0], [0], [1], [0, 0, 1, 1], [], []>, precision = #tpu.contract_precision<fp32>, transpose_lhs_hint = false} : vector<1000x128xf32>, vector<128x128xf32>, vector<1000x128xf32> -> vector<1000x128xf32>
    %swap3A = arith.constant 0 : index
    %swap3A_34 = arith.constant 0 : index
    %swap3A_35 = vector.load %arg5[%swap3A, %swap3A_34] : memref<1000x128xf32, #tpu.memory_space<vmem>>, vector<1000x128xf32>
    tpu.vector_store %arg5[%swap3A, %swap3A_34], %dot_general3A_33 {strides = array<i32>} : memref<1000x128xf32, #tpu.memory_space<vmem>>, vector<1000x128xf32>,
    return
  }
  func.func @transform_0(%arg0: i32) -> (i32, i32, i32) {
    %c0_i32 = arith.constant 0 : i32
    %c0_i32_0 = arith.constant 0 : i32
    %c0_i32_1 = arith.constant 0 : i32
    return %c0_i32, %arg0, %c0_i32_0 : i32, i32, i32
  }
  func.func @transform_1(%arg0: i32) -> (i32, i32, i32) {
    %c0_i32 = arith.constant 0 : i32
    %c0_i32_0 = arith.constant 0 : i32
    %c0_i32_1 = arith.constant 0 : i32
    return %c0_i32, %arg0, %c0_i32_0 : i32, i32, i32
  }
  func.func @transform_2(%arg0: i32) -> (i32, i32) {
    %c0_i32 = arith.constant 0 : i32
    %c0_i32_0 = arith.constant 0 : i32
    %c0_i32_1 = arith.constant 0 : i32
    return %c0_i32, %c0_i32_0 : i32, i32
  }
  func.func @transform_3(%arg0: i32) -> (i32, i32) {
    %c0_i32 = arith.constant 0 : i32
    %c0_i32_0 = arith.constant 0 : i32
    %c0_i32_1 = arith.constant 0 : i32
    return %c0_i32, %c0_i32_0 : i32, i32
  }
  func.func @transform_4(%arg0: i32) -> (i32, i32) {
    %c0_i32 = arith.constant 0 : i32
    %c0_i32_0 = arith.constant 0 : i32
    return %arg0, %c0_i32 : i32, i32
  }
}

</mosaic_0001>

<sc_bundles>
// kernel: kernel.12.cloned.1.call-start
scs
__scs_entry_jumppad:
0x0: {  	(pc) =	sbr.rel $0x88, $3  }
0x1: {  	(tag) =	ssettag $0x0;
	lr =	simm.s32 $0x1  }
0x2: {  	[smem:$0x3F97] =	sst lr;
	_ =	strace $0xD0000000  }
0x3: {  	_ = 	snop  }
0x4: {  	_ = 	snop  }
0x5: {  	_ = 	snop  }
0x6: {  	_ = 	snop  }
0x7: {  	_ = 	snop  }
__scs_overlays_trampoline_lowered:
0x8: {  	[smem:$0x3FA6] =	sst s0  }
0x9: {  	[smem:$0x3FA7] =	sst s1  }
0xa: {  	[smem:$0x3FA8] =	sst s2  }
0xb: {  	[smem:$0x3FA9] =	sst s3  }
0xc: {  	[smem:$0x3FAA] =	sst s4  }
0xd: {  	[smem:$0x3FAB] =	sst s5  }
0xe: {  	[smem:$0x3FAC] =	sst s6  }
0xf: {  	[smem:$0x3FAD] =	sst s7  }
0x10: {  	[smem:$0x3FAE] =	sst s8  }
0x11: {  	[smem:$0x3FAF] =	sst s9;
	s0 =	simm.s32 @!p0 $0x0  }
0x12: {  	s1 =	sld [smem:$0x3F95];
	s0 =	simm.s32 @p0 $0x1  }
0x13: {  	[smem:$0x3FB0] =	sst s0;
	s0 =	simm.s32 @!p1 $0x0  }
0x14: {  	s2 =	sld [smem:$0x3F94];
	s0 =	simm.s32 @p1 $0x1  }
0x15: {  	[smem:$0x3FB1] =	sst s0;
	s0 =	simm.s32 @!p2 $0x0  }
0x16: {  	s3 =	sld [smem:$0x3FDB];
	s0 =	simm.s32 @p2 $0x1  }
0x17: {  	s4 =	simm.s32 $0x1BF5;
	[smem:$0x3FB3] =	sst s0  }
0x18: {  	s0 =	sld [smem:$0x3F96];
	_ =	swait.ge [sflag:s4], $0x0  }
0x19: {  	s7 =	sld [smem:$0x3F97]  }
0x1a: {  	s8 =	sadd.s32 $0xFFFFE003, lr  }
0x1b: {  	s9 =	sadd.s32 $0xFFFFFEF7, lr;
	s5 =	simm.s32 $0xFFFFFFFF;
	p2 =	slt.u32 s8, $0xFFFFF086  }
0x1c: {  	p1 =	slt.u32 s9, $0xF7A;
	s5 =	simm.s32 @!p2 $0x0  }
0x1d: {  	s5 =	simm.s32 @p1 $0x1;
	p0 =	seq.s32 s7, s2  }
0x1e: {  	s7 =	smul.u32 @!p0 $0xF7A, s2;
	p2 =	seq.s32 @!p0 s5, $0x0  }
0x1f: {  	s9 =	smul.u32 $0xF7A, s1;
	s8 =	simm.s32 @!p0 $0x1BF5;
	p2 =	por !p2, p0  }
0x20: {  	[sflag:s8] =	ssyncset.s32 @!p0 $0xFFFFF086;
	s6 =	sadd.s32 @!p0 s3, s7;
	s7 =	simm.s32 @!p0 $0x108  }
0x21: {  	s3 =	sadd.s32 s3, s9;
	s6 =	sadd.s32 @!p0 $0x88, s6;
	s7 =	simm.s32 @p2 $0x1082  }
0x22: {  	[simem:s7], [sflag:s8] =	dma.local @!p0 [hbm:s6], $0xF7A  }
0x23: {  	s9 =	sor.u32 $0xD0000000, s2;
	s6 =	simm.s32 $0x108;
	_ =	swait.ge @!p0 [sflag:s8], $0x0  }
0x24: {  	s3 =	sadd.s32 $0x88, s3;
	s6 =	simm.s32 @!p1 $0x1082;
	[sflag:s4] =	ssyncset.s32 $0xFFFFF086  }
0x25: {  	[simem:s6], [sflag:s4] =	dma.local [hbm:s3], $0xF7A  }
0x26: {  	[smem:$0x3F97] =	sst s1;
	(tag) =	ssettag s2;
	_ =	strace s9  }
0x27: {  	s1 =	sld [smem:$0x3FA7]  }
0x28: {  	s2 =	sld [smem:$0x3FA8]  }
0x29: {  	s4 =	sld [smem:$0x3FAA]  }
0x2a: {  	p0 =	seq.s32 s5, $0x0;
	s5 =	sld [smem:$0x3FAB]  }
0x2b: {  	s6 =	sld [smem:$0x3FAC]  }
0x2c: {  	s7 =	sld [smem:$0x3FAD]  }
0x2d: {  	s3 =	simm.s32 $0x108;
	s8 =	sld [smem:$0x3FAE]  }
0x2e: {  	s3 =	simm.s32 @!p0 $0x1082;
	s9 =	sld [smem:$0x3FAF]  }
0x2f: {  	lr =	sadd.s32 s0, s3;
	s0 =	sld [smem:$0x3FA6]  }
0x30: {  	s3 =	sld [smem:$0x3FA9]  }
0x31: {  	[smem:$0x3FB2] =	sst s10  }
0x32: {  	s10 =	sld [smem:$0x3FB0];
	_ =	sdelay $0x3  }
0x33: {  	p0 =	seq.s32 s10, $0x1;
	s10 =	sld [smem:$0x3FB2];
	_ =	sdelay $0x3  }
0x34: {  	[smem:$0x3FB2] =	sst s10  }
0x35: {  	s10 =	sld [smem:$0x3FB1];
	_ =	sdelay $0x3  }
0x36: {  	p1 =	seq.s32 s10, $0x1;
	s10 =	sld [smem:$0x3FB2];
	_ =	sdelay $0x3  }
0x37: {  	[smem:$0x3FB2] =	sst s10  }
0x38: {  	s10 =	sld [smem:$0x3FB3]  }
0x39: {  	_ = 	snop;
	(pc) =	sbr.ind lr, $3  }
0x3a: {  	_ = 	snop  }
0x3b: {  	_ = 	snop  }
0x3c: {  	p2 =	seq.s32 s10, $0x1;
	s10 =	sld [smem:$0x3FB2]  }
0x3d: {  	_ =	shalt  }
0x3e: {  	_ =	shalt  }
0x3f: {  	_ =	shalt  }
0x40: {  	_ =	shalt  }
0x41: {  	_ =	shalt  }
0x42: {  	_ =	shalt  }
0x43: {  	_ =	shalt  }
0x44: {  	_ =	shalt  }
0x45: {  	_ =	shalt  }
0x46: {  	_ =	shalt  }
0x47: {  	_ =	shalt  }
0x48: {  	_ =	shalt  }
0x49: {  	_ =	shalt  }
0x4a: {  	_ =	shalt  }
0x4b: {  	_ =	shalt  }
0x4c: {  	_ =	shalt  }
0x4d: {  	_ =	shalt  }
0x4e: {  	_ =	shalt  }
0x4f: {  	_ =	shalt  }
0x50: {  	_ =	shalt  }
0x51: {  	_ =	shalt  }
0x52: {  	_ =	shalt  }
0x53: {  	_ =	shalt  }
0x54: {  	_ =	shalt  }
0x55: {  	_ =	shalt  }
0x56: {  	_ =	shalt  }
0x57: {  	_ =	shalt  }
0x58: {  	_ =	shalt  }
0x59: {  	_ =	shalt  }
0x5a: {  	_ =	shalt  }
0x5b: {  	_ =	shalt  }
0x5c: {  	_ =	shalt  }
0x5d: {  	_ =	shalt  }
0x5e: {  	_ =	shalt  }
0x5f: {  	_ =	shalt  }
0x60: {  	_ =	shalt  }
0x61: {  	_ =	shalt  }
0x62: {  	_ =	shalt  }
0x63: {  	_ =	shalt  }
0x64: {  	_ =	shalt  }
0x65: {  	_ =	shalt  }
0x66: {  	_ =	shalt  }
0x67: {  	_ =	shalt  }
0x68: {  	_ =	shalt  }
0x69: {  	_ =	shalt  }
0x6a: {  	_ =	shalt  }
0x6b: {  	_ =	shalt  }
0x6c: {  	_ =	shalt  }
0x6d: {  	_ =	shalt  }
0x6e: {  	_ =	shalt  }
0x6f: {  	_ =	shalt  }
0x70: {  	_ =	shalt  }
0x71: {  	_ =	shalt  }
0x72: {  	_ =	shalt  }
0x73: {  	_ =	shalt  }
0x74: {  	_ =	shalt  }
0x75: {  	_ =	shalt  }
0x76: {  	_ =	shalt  }
0x77: {  	_ =	shalt  }
0x78: {  	_ =	shalt  }
0x79: {  	_ =	shalt  }
0x7a: {  	_ =	shalt  }
0x7b: {  	_ =	shalt  }
0x7c: {  	_ =	shalt  }
0x7d: {  	_ =	shalt  }
0x7e: {  	_ =	shalt  }
0x7f: {  	_ =	shalt  }
0x80: {  	_ =	shalt  }
0x81: {  	_ =	shalt  }
0x82: {  	_ =	shalt  }
0x83: {  	_ =	shalt  }
0x84: {  	_ =	shalt  }
0x85: {  	_ =	shalt  }
0x86: {  	_ =	shalt  }
0x87: {  	_ =	shalt  }
.Lfunc_end0:
.L_simem_size_0:
called_computation.1_lowered:
.L_overlay_start_0:
0x88: {  	s2 =	sld [smem:$0x3FD9]  }
0x89: {  	s3 =	sld [smem:$0x3FFE];
	_ =	sdelay $0x1  }
0x8a: {  	s1 =	srdreg.scid  }
0x8b: {  	s0 =	sand.u32 $0x1, s1  }
0x8c: {  	s17 =	sshll.u32 s0, $0xA;
	s2 =	sadd.s32 s3, s2  }
0x8d: {  	s2 =	sadd.s32 s2, s17  }
0x8e: {  	[smem:$0x3FBE] =	sst s2  }
0x8f: {  	_ = 	snop  }
0x90: {  	s2 =	sld [smem:$0x3FD0];
	(tm) =	ssettm $0x1  }
0x91: {  	s18 =	sld [smem:$0x3FFB];
	_ =	sdelay $0x3  }
0x92: {  	_ =	strace s18  }
0x93: {  	s3 =	sld [smem:$0x3FFC];
	_ =	sdelay $0x3  }
0x94: {  	_ =	strace s3  }
0x95: {  	s3 =	sld [smem:$0x3FFD];
	_ =	sdelay $0x3  }
0x96: {  	_ =	strace s3  }
0x97: {  	_ =	strace $0x8FFFFFFF  }
0x98: {  	s19 =	sld [smem:$0x3FDB];
	_ =	sdelay $0x1  }
0x99: {  	s4 =	simm.s32 $_scs_section_size  }
0x9a: {  	s5 =	simm.s32 $_size__tile_overlayer_lowered;
	s6 =	simm.s32 $_tile_overlayer_lowered  }
0x9b: {  	s22 =	simm.s32 $0x1BFF;
	s21 =	sshll.u32 s6, $0x1;
	s3 =	sadd.s32 s4, s19  }
0x9c: {  	s7 =	simm.s32 $0x0;
	s20 =	sshll.u32 s5, $0x1;
	s5 =	sadd.s32 s21, s3  }
0x9d: {  	[timem:s7], [sflag:s22] =	dma.local [hbm:s5], s20  }
0x9e: {  	_ =	swait.ge [sflag:s22], s20  }
0x9f: {  	s4 =	ssub.s32 $0x0, s20;
	[sflag:s22] =	ssyncset.done $0x0  }
0xa0: {  	[sflag:s22] =	ssyncadd.s32 s4;
	_ =	sdelay $0x1  }
0xa1: {  	s23 =	simm.s32 $0x1B8B  }
0xa2: {  	_ =	swait.ge [sflag:s23], $0x1  }
0xa3: {  	[sflag:s23] =	ssyncset.done $0x0  }
0xa4: {  	s25 =	simm.s32 $0x1B8E;
	s24 =	sld [smem:$0x3FFE];
	[sflag:s23] =	ssyncadd.s32 $0xFFFFFFFF  }
0xa5: {  	s26 =	simm.s32 $execute0_lowered;
	[smem:$0x3FD2] =	sst s25  }
0xa6: {  	s5 =	sshll.u32 s26, $0x1;
	_ =	strace $0x80000049;
	[dreg:$0x1] =	wrdreg $0xFFFFFFFF  }
0xa7: {  	s28 =	simm.s32 $_size_execute0_lowered;
	s3 =	sadd.s32 s3, s5;
	[dreg:$0x0] =	wrdreg $0x0  }
0xa8: {  	s5 =	sshll.u32 s28, $0x1;
	[dreg:$0x2] =	wrdreg s3  }
0xa9: {  	[dreg:$0x3] =	wrdreg s5  }
0xaa: {  	[dreg:$0x4] =	wrdreg $0xC0  }
0xab: {  	_ =	task [dreg:s7], $0x5FFFF  }
0xac: {  	[dreg:$0x1] =	wrdreg $0xFFFFFFFF  }
0xad: {  	[dreg:$0x0] =	wrdreg $0x60  }
0xae: {  	[dreg:$0x2] =	wrdreg s24  }
0xaf: {  	[dreg:$0x3] =	wrdreg s2  }
0xb0: {  	[dreg:$0x4] =	wrdreg $0x0  }
0xb1: {  	[dreg:$0x5] =	wrdreg $0x9  }
0xb2: {  	_ =	task.clear_ibuf [dreg:s7], $0x6FFFF;
	_ =	strace $0x90000049  }
0xb3: {  	s29 =	simm.s32 $0x9;
	_ =	strace $0x8000004B  }
0xb4: {  	_ =	swait.ge [sflag:s29], $0x1  }
0xb5: {  	[sflag:s29] =	ssyncadd.s32 $0xFFFFFFFF  }
0xb6: {  	_ =	strace $0x9000004B  }
0xb7: {  	_ =	sfence  }
0xb8: {  	s30 =	sld [smem:$0x0];
	_ =	sdelay $0x2  }
0xb9: {  	s31 =	sshll.u32 s1, $0xD;
	s1 =	sshrl.u32 s1, $0x2  }
0xba: {  	s3 =	sand.u32 $0x4000, s31;
	s1 =	sadd.s32 s1, s30  }
0xbb: {  	s0 =	sor.u32 s3, s0;
	s1 =	sshll.u32 s1, $0x11  }
0xbc: {  	s0 =	sor.u32 s1, s0  }
0xbd: {  	s0 =	sadd.s32 $0x8F2B, s0  }
0xbe: {  	[sflag:s0] =	ssyncadd.remote.s32 $0x1  }
0xbf: {  	_ =	sfence.sel $0xFFFF  }
0xc0: {  	[dreg:$0x0] =	wrdreg $0xFFFFFFFF;
	(pc) =	sbr.abs _section_cstart, $3  }
0xc1: {  	[dreg:$0x1] =	wrdreg $0xFFFFFFFF  }
0xc2: {  	_ =	task.clear_ibuf [dreg:s7], $0x2FFFF;
	_ =	strace $0x9FFFFFFF  }
0xc3: {  	(tm) =	ssettm $0x7FFFFFFF  }
tec
execute0_lowered:
.L_overlay_start_1:
0x0: {  	(tag) =	ssettag $0x1  }
0x1: {  	s0 =	rddreg [dreg:$0x0]  }
0x2: {  	s1 =	rddreg [dreg:$0x1]  }
0x3: {  	s2 =	rddreg [dreg:$0x2];
	s4 =	simm.s32 $0x0;
	s3 =	srdreg.scid  }
0x4: {  	s11 =	stileid.u32;
	s21 =	simm.s32 $0x3;
	s22 =	simm.s32 $0x13C00  }
0x5: {  	s28 =	simm.s32 $0x1;
	s29 =	simm.s32 $0x2;
	s30 =	simm.s32 $0x0  }
0x6: {  	[smem:$0x7FF] =	sst s4;
	s3 =	sand.u32 $0x1, s3;
	s9 =	smul.u32 $0x4F000, s11  }
0x7: {  	s5 =	sadd.s32 $0x4200, s0;
	s6 =	sadd.s32 $0xE000, s0;
	s13 =	smul.u32 $0x13C00, s11  }
0x8: {  	s7 =	sadd.s32 $0x3F000, s0;
	s0 =	sadd.s32 $0x12C000, s0;
	_ =	strace $0x8000004A  }
0x9: {  	s8 =	ssub.s32 $0x2, s3;
	s23 =	sshll.u32 s3, $0x4;
	s3 =	smul.u32 $0x13C000, s3  }
0xa: {  	s10 =	sshrl.u32 s8, $0x1;
	s9 =	sshrl.u32 s9, $0x2;
	s15 =	sadd.s32 $0x4000, s13  }
0xb: {  	s16 =	sor.u32 s11, s23;
	s17 =	sadd.s32 $0x8000, s13;
	s18 =	sadd.s32 $0xC000, s13  }
0xc: {  	s19 =	sadd.s32 $0x10000, s13;
	s23 =	simm.s32 $0x13C80;
	s14 =	ssub.s32 s8, s10  }
0xd: {  	s8 =	sadd.s32 s9, s2;
	s9 =	sadd.s32 s15, s2;
	s10 =	sadd.s32 s17, s2  }
0xe: {  	s11 =	sadd.s32 s18, s2;
	s12 =	sadd.s32 s19, s2;
	s20 =	sadd.s32 s13, s3  }
0xf: {  	s15 =	sadd.s32 s3, s15;
	s13 =	smul.u32 $0x2780, s16;
	s25 =	sadd.s32 s3, s17  }
0x10: {  	s26 =	sadd.s32 s3, s18;
	s3 =	sadd.s32 s3, s19;
	s24 =	sshrl.u32 s20, $0x3  }
0x11: {  	s15 =	sshrl.u32 s15, $0x3;
	s31 =	sshrl.u32 s26, $0x3;
	s3 =	sshrl.u32 s3, $0x3  }
0x12: {  	s19 =	smax.u32 s14, $0x1;
	s20 =	simm.s32 $0x18500;
	s15 =	sadd.s32 s0, s15  }
0x13: {  	s16 =	sadd.s32 s0, s24;
	[dreg:$0x5] =	wrdreg s15;
	s15 =	sshrl.u32 s25, $0x3  }
0x14: {  	s26 =	simm.s32 $0x13D00;
	[dreg:$0x4] =	wrdreg s16;
	s15 =	sadd.s32 s0, s15  }
0x15: {  	s18 =	sadd.s32 s0, s3;
	[dreg:$0x6] =	wrdreg s15;
	s15 =	sadd.s32 s0, s31  }
0x16: {  	v0 =	vimm.f32 $0.0e+00;
	s24 =	simm.s32 $0x17D00;
	s25 =	simm.s32 $0x80;
	[dreg:$0x7] =	wrdreg s15  }
.LBB2_1:
0x17: {  	s0 =	simm.s32 $0x0;
	s3 =	simm.s32 $0x200  }
.LBB2_2:
0x18: {  	p0 =	sne.s32 s3, $0xFE00;
	[tilespmem:s0+$0x18570] =	vst v0  }
0x19: {  	[tilespmem:s0+$0x18500] =	vst v0  }
0x1a: {  	[tilespmem:s0+$0x18510] =	vst v0  }
.Ltmp0:
0x1b: {  	[tilespmem:s0+$0x18520] =	vst v0;
	(pc) =	sbr.rel @p0 .LBB2_2-.Ltmp0, $4  }
0x1c: {  	[tilespmem:s0+$0x18530] =	vst v0  }
0x1d: {  	[tilespmem:s0+$0x18540] =	vst v0  }
0x1e: {  	[tilespmem:s0+$0x18550] =	vst v0  }
0x1f: {  	[tilespmem:s0+$0x18560] =	vst v0;
	s0 =	sshra.s32 s3, $0x2;
	s3 =	sadd.s32 $0x200, s3  }
0x20: {  	[tilespmem:s0+$0x18570] =	vst v0  }
0x21: {  	[tilespmem:s0+$0x18500] =	vst v0  }
0x22: {  	[tilespmem:s0+$0x18510] =	vst v0  }
0x23: {  	[tilespmem:s0+$0x18520] =	vst v0  }
0x24: {  	[tilespmem:s0+$0x18530] =	vst v0  }
0x25: {  	[tilespmem:s0+$0x18540] =	vst v0  }
0x26: {  	[tilespmem:s0+$0x18550] =	vst v0  }
0x27: {  	[tilespmem:s0+$0x18560] =	vst v0  }
0x28: {  	[spmem:s8] =	stream.linear.scatter [tilespmem:s20], [sflag:$0x3], $0x4000, $0x38;
	[tilespmem:$0x1C500] =	vst v63  }
0x29: {  	_ =	swait.ge [sflag:s21], $0x4000  }
0x2a: {  	[sflag:s21] =	ssyncset.done $0x0  }
0x2b: {  	[sflag:s21] =	ssyncadd.s32 $0xFFFFC000  }
0x2c: {  	[spmem:s9] =	stream.linear.scatter [tilespmem:s20], [sflag:$0x3], $0x4000, $0x38;
	[tilespmem:$0x1C500] =	vst v63  }
0x2d: {  	_ =	swait.ge [sflag:s21], $0x4000  }
0x2e: {  	[sflag:s21] =	ssyncset.done $0x0  }
0x2f: {  	[sflag:s21] =	ssyncadd.s32 $0xFFFFC000  }
0x30: {  	[spmem:s10] =	stream.linear.scatter [tilespmem:s20], [sflag:$0x3], $0x4000, $0x38;
	[tilespmem:$0x1C500] =	vst v63  }
0x31: {  	_ =	swait.ge [sflag:s21], $0x4000  }
0x32: {  	[sflag:s21] =	ssyncset.done $0x0  }
0x33: {  	[sflag:s21] =	ssyncadd.s32 $0xFFFFC000  }
0x34: {  	[spmem:s11] =	stream.linear.scatter [tilespmem:s20], [sflag:$0x3], $0x4000, $0x38;
	[tilespmem:$0x1C500] =	vst v63  }
0x35: {  	_ =	swait.ge [sflag:s21], $0x4000  }
0x36: {  	[sflag:s21] =	ssyncset.done $0x0  }
0x37: {  	[sflag:s21] =	ssyncadd.s32 $0xFFFFC000  }
0x38: {  	[spmem:s12] =	stream.linear.scatter [tilespmem:s20], [sflag:$0x3], $0x3C00, $0x38;
	[tilespmem:$0x1C500] =	vst v63  }
0x39: {  	_ =	swait.ge [sflag:s21], $0x3C00  }
0x3a: {  	[sflag:s21] =	ssyncset.done $0x0  }
0x3b: {  	[sflag:s21] =	ssyncadd.s32 $0xFFFFC400  }
0x3c: {  	s31 =	simm.s32 $0x0;
	[bflag:$0x0] =	sbarrier.arrive $0xFFFF  }
.LBB2_4:
0x3d: {  	s0 =	sshll.u32 s31, $0x7  }
0x3e: {  	s0 =	sadd.s32 s13, s0  }
0x3f: {  	s3 =	sshrl.u32 s0, $0x3  }
0x40: {  	s14 =	sadd.s32 s5, s3  }
0x41: {  	[tilespmem:s22], [sflag:$0x3] =	stream.linear.gather [hbm4b:s14+s30], $0x80, $0x38;
	[tilespmem:$0x1C500] =	vst v63  }
0x42: {  	_ =	swait.ge [sflag:s21], $0x80  }
0x43: {  	[sflag:s21] =	ssyncset.done $0x0  }
0x44: {  	s3 =	sadd.s32 s6, s3;
	[sflag:s21] =	ssyncadd.s32 $0xFFFFFF80  }
0x45: {  	[tilespmem:s23], [sflag:$0x3] =	stream.linear.gather [hbm4b:s3+s30], $0x80, $0x38;
	[tilespmem:$0x1C500] =	vst v63  }
0x46: {  	_ =	swait.ge [sflag:s21], $0x80  }
0x47: {  	s0 =	sshll.u32 s0, $0x1;
	[sflag:s21] =	ssyncset.done $0x0  }
0x48: {  	s0 =	sadd.s32 s7, s0;
	[sflag:s21] =	ssyncadd.s32 $0xFFFFFF80  }
0x49: {  	[tilespmem:s24], [sflag:$0x1] =	stream.linear.gather [hbm4b:s0+s30], $0x800, $0x38;
	[tilespmem:$0x1C500] =	vst v63  }
0x4a: {  	_ = 	snop  }
0x4b: {  	[tilespmem:s26], [sflag:$0x2] =	stream.indirect.gather [hbm4b:s1+s25], $0x80, s22, s25, $0xb8;
	[tilespmem:$0x1C500] =	vst v63  }
0x4c: {  	_ =	swait.ge [sflag:s28], $0x800  }
0x4d: {  	[sflag:s28] =	ssyncset.done $0x0  }
0x4e: {  	[sflag:s28] =	ssyncadd.s32 $0xFFFFF800  }
0x4f: {  	s15 =	sand.u32 $0x1E00, s30;
	_ =	swait.ge [sflag:s29], $0x4000  }
0x50: {  	s16 =	sand.u32 $0x70, s30;
	s0 =	sshrl.u32 s15, $0x2;
	[sflag:s29] =	ssyncset.done $0x0  }
0x51: {  	s3 =	sor.u32 s16, s0;
	[sflag:s29] =	ssyncadd.s32 $0xFFFFC000  }
0x52: {  	s0 =	simm.s32 $0x13D40;
	v1 =	vld [tilespmem:s3+$0x17D00]  }
0x53: {  	v2 =	vld [tilespmem:s0+$0xFFFFFFC0];
	_ =	sdelay $0x4  }
0x54: {  	v2 =	vmul.f32 v2, v1  }
0x55: {  	s3 =	simm.s32 $0x18540  }
0x56: {  	[tilespmem:s3+$0xFFFFFFC0] =	vst v2  }
0x57: {  	v2 =	vld [tilespmem:s0+$0xFFFFFFD0];
	_ =	sdelay $0x4  }
0x58: {  	v2 =	vmul.f32 v2, v1;
	_ =	sdelay $0x1  }
0x59: {  	[tilespmem:s3+$0xFFFFFFD0] =	vst v2  }
0x5a: {  	v2 =	vld [tilespmem:s0+$0xFFFFFFE0];
	_ =	sdelay $0x4  }
0x5b: {  	v2 =	vmul.f32 v2, v1;
	_ =	sdelay $0x1  }
0x5c: {  	[tilespmem:s3+$0xFFFFFFE0] =	vst v2  }
0x5d: {  	v2 =	vld [tilespmem:s0+$0xFFFFFFF0];
	_ =	sdelay $0x4  }
0x5e: {  	v2 =	vmul.f32 v2, v1;
	_ =	sdelay $0x1  }
0x5f: {  	[tilespmem:s3+$0xFFFFFFF0] =	vst v2  }
0x60: {  	v2 =	vld [tilespmem:s0+$0x0];
	_ =	sdelay $0x4  }
0x61: {  	v2 =	vmul.f32 v2, v1;
	_ =	sdelay $0x1  }
0x62: {  	[tilespmem:s3+$0x0] =	vst v2  }
0x63: {  	v2 =	vld [tilespmem:s0+$0x10];
	_ =	sdelay $0x4  }
0x64: {  	v2 =	vmul.f32 v2, v1;
	_ =	sdelay $0x1  }
0x65: {  	[tilespmem:s3+$0x10] =	vst v2  }
0x66: {  	v2 =	vld [tilespmem:s0+$0x20];
	_ =	sdelay $0x4  }
0x67: {  	v2 =	vmul.f32 v2, v1;
	_ =	sdelay $0x1  }
0x68: {  	[tilespmem:s3+$0x20] =	vst v2  }
0x69: {  	v2 =	vld [tilespmem:s0+$0x30];
	_ =	sdelay $0x3  }
0x6a: {  	s17 =	simm.s32 $0x40  }
0x6b: {  	s14 =	simm.s32 $0x10;
	s15 =	sand.u32 $0x1E00, s17;
	v1 =	vmul.f32 v2, v1  }
0x6c: {  	s16 =	sand.u32 $0x70, s14;
	s17 =	sshrl.u32 s15, $0x2;
	s15 =	simm.s32 $0x80  }
.LBB2_5:
0x6d: {  	p0 =	sne.s32 s15, $0x1FC0;
	s16 =	sor.u32 s16, s17;
	[tilespmem:s3+$0x30] =	vst v1  }
0x6e: {  	s0 =	sadd.s32 $0x80, s0;
	v1 =	vld [tilespmem:s16+$0x17D00]  }
0x6f: {  	v2 =	vld [tilespmem:s0+$0xFFFFFFC0];
	_ =	sdelay $0x4  }
0x70: {  	v2 =	vmul.f32 v2, v1  }
0x71: {  	s3 =	sadd.s32 $0x80, s3  }
0x72: {  	[tilespmem:s3+$0xFFFFFFC0] =	vst v2  }
0x73: {  	v2 =	vld [tilespmem:s0+$0xFFFFFFD0];
	_ =	sdelay $0x4  }
0x74: {  	v2 =	vmul.f32 v2, v1;
	_ =	sdelay $0x1  }
0x75: {  	[tilespmem:s3+$0xFFFFFFD0] =	vst v2  }
0x76: {  	v2 =	vld [tilespmem:s0+$0xFFFFFFE0];
	_ =	sdelay $0x4  }
0x77: {  	v2 =	vmul.f32 v2, v1;
	_ =	sdelay $0x1  }
0x78: {  	[tilespmem:s3+$0xFFFFFFE0] =	vst v2  }
0x79: {  	v2 =	vld [tilespmem:s0+$0xFFFFFFF0];
	_ =	sdelay $0x4  }
0x7a: {  	v2 =	vmul.f32 v2, v1;
	_ =	sdelay $0x1  }
0x7b: {  	[tilespmem:s3+$0xFFFFFFF0] =	vst v2  }
0x7c: {  	v2 =	vld [tilespmem:s0+$0x0];
	_ =	sdelay $0x4  }
0x7d: {  	v2 =	vmul.f32 v2, v1;
	_ =	sdelay $0x1  }
0x7e: {  	[tilespmem:s3+$0x0] =	vst v2  }
0x7f: {  	v2 =	vld [tilespmem:s0+$0x10];
	_ =	sdelay $0x4  }
0x80: {  	v2 =	vmul.f32 v2, v1;
	_ =	sdelay $0x1  }
0x81: {  	[tilespmem:s3+$0x10] =	vst v2  }
0x82: {  	v2 =	vld [tilespmem:s0+$0x20];
	_ =	sdelay $0x4  }
0x83: {  	v2 =	vmul.f32 v2, v1;
	_ =	sdelay $0x1  }
0x84: {  	[tilespmem:s3+$0x20] =	vst v2  }
0x85: {  	v2 =	vld [tilespmem:s0+$0x30];
	_ =	sdelay $0x1  }
.Ltmp1:
0x86: {  	(pc) =	sbr.rel @p0 .LBB2_5-.Ltmp1, $3  }
0x87: {  	_ =	sdelay $0x1  }
0x88: {  	s17 =	sand.u32 $0x1E00, s15;
	s14 =	sadd.s32 $0x10, s14;
	v1 =	vmul.f32 v2, v1  }
0x89: {  	s15 =	sadd.s32 $0x40, s15;
	s16 =	sand.u32 $0x70, s14;
	s17 =	sshrl.u32 s17, $0x2  }
0x8a: {  	s14 =	sor.u32 s16, s17;
	[tilespmem:s3+$0x30] =	vst v1  }
0x8b: {  	s0 =	sadd.s32 $0x80, s0;
	v1 =	vld [tilespmem:s14+$0x17D00]  }
0x8c: {  	v2 =	vld [tilespmem:s0+$0xFFFFFFC0];
	_ =	sdelay $0x4  }
0x8d: {  	v2 =	vmul.f32 v2, v1  }
0x8e: {  	s17 =	sadd.s32 $0x80, s3  }
0x8f: {  	[tilespmem:s17+$0xFFFFFFC0] =	vst v2  }
0x90: {  	v2 =	vld [tilespmem:s0+$0xFFFFFFD0];
	_ =	sdelay $0x4  }
0x91: {  	v2 =	vmul.f32 v2, v1;
	_ =	sdelay $0x1  }
0x92: {  	[tilespmem:s17+$0xFFFFFFD0] =	vst v2  }
0x93: {  	v2 =	vld [tilespmem:s0+$0xFFFFFFE0];
	_ =	sdelay $0x4  }
0x94: {  	v2 =	vmul.f32 v2, v1;
	_ =	sdelay $0x1  }
0x95: {  	[tilespmem:s17+$0xFFFFFFE0] =	vst v2  }
0x96: {  	v2 =	vld [tilespmem:s0+$0xFFFFFFF0];
	_ =	sdelay $0x4  }
0x97: {  	v2 =	vmul.f32 v2, v1;
	_ =	sdelay $0x1  }
0x98: {  	[tilespmem:s17+$0xFFFFFFF0] =	vst v2  }
0x99: {  	v2 =	vld [tilespmem:s0+$0x0];
	_ =	sdelay $0x4  }
0x9a: {  	v2 =	vmul.f32 v2, v1;
	_ =	sdelay $0x1  }
0x9b: {  	[tilespmem:s17+$0x0] =	vst v2  }
0x9c: {  	v2 =	vld [tilespmem:s0+$0x10];
	_ =	sdelay $0x4  }
0x9d: {  	v2 =	vmul.f32 v2, v1;
	_ =	sdelay $0x1  }
0x9e: {  	[tilespmem:s17+$0x10] =	vst v2  }
0x9f: {  	v2 =	vld [tilespmem:s0+$0x20];
	_ =	sdelay $0x4  }
0xa0: {  	v2 =	vmul.f32 v2, v1;
	_ =	sdelay $0x1  }
0xa1: {  	[tilespmem:s17+$0x20] =	vst v2  }
0xa2: {  	v2 =	vld [tilespmem:s0+$0x30];
	_ =	sdelay $0x4  }
0xa3: {  	s31 =	sadd.s32 $0x1, s31;
	v1 =	vmul.f32 v2, v1  }
0xa4: {  	p0 =	sne.s32 s31, $0x4F  }
.Ltmp2:
0xa5: {  	[tilespmem:s17+$0x30] =	vst v1;
	(pc) =	sbr.rel @p0 .LBB2_4-.Ltmp2, $4  }
0xa6: {  	[spmem:s2] =	stream.indirect.scatter.add.f32 [tilespmem:s20], [sflag:$0x3], $0x80, s23, s25, $0xb8;
	[tilespmem:$0x1C500] =	vst v63  }
0xa7: {  	_ =	swait.ge [sflag:s21], $0x4000  }
0xa8: {  	[sflag:s21] =	ssyncset.done $0x0  }
0xa9: {  	[sflag:s21] =	ssyncadd.s32 $0xFFFFC000  }
0xaa: {  	s0 =	stileid.u32  }
0xab: {  	[bflag:$0x0] =	sbarrier.arrive $0xFFFF;
	s0 =	sshll.u32 s0, $0x6  }
0xac: {  	s3 =	sshrl.u32 s8, $0x3;
	s14 =	rddreg [dreg:$0x4];
	s0 =	sor.u32 $0x1C03, s0  }
0xad: {  	[hbm:s14], [sflag:s0] =	dma.local [spmem:s3], $0x800  }
0xae: {  	_ =	swait.ge [sflag:s21], $0x800  }
0xaf: {  	[sflag:s21] =	ssyncset.done $0x0  }
0xb0: {  	s17 =	sshrl.u32 s9, $0x3;
	s31 =	rddreg [dreg:$0x5];
	[sflag:s21] =	ssyncadd.s32 $0xFFFFF800  }
0xb1: {  	[hbm:s31], [sflag:s0] =	dma.local [spmem:s17], $0x800  }
0xb2: {  	_ =	swait.ge [sflag:s21], $0x800  }
0xb3: {  	[sflag:s21] =	ssyncset.done $0x0  }
0xb4: {  	s14 =	sshrl.u32 s10, $0x3;
	s15 =	rddreg [dreg:$0x6];
	[sflag:s21] =	ssyncadd.s32 $0xFFFFF800  }
0xb5: {  	[hbm:s15], [sflag:s0] =	dma.local [spmem:s14], $0x800  }
0xb6: {  	_ =	swait.ge [sflag:s21], $0x800  }
0xb7: {  	[sflag:s21] =	ssyncset.done $0x0  }
0xb8: {  	s16 =	sshrl.u32 s11, $0x3;
	s17 =	rddreg [dreg:$0x7];
	[sflag:s21] =	ssyncadd.s32 $0xFFFFF800  }
0xb9: {  	[hbm:s17], [sflag:s0] =	dma.local [spmem:s16], $0x800  }
0xba: {  	s4 =	sadd.s32 $0x1, s4;
	_ =	swait.ge [sflag:s21], $0x800  }
0xbb: {  	p0 =	sne.s32 s4, s19;
	[sflag:s21] =	ssyncset.done $0x0  }
.Ltmp3:
0xbc: {  	s31 =	sshrl.u32 s12, $0x3;
	[sflag:s21] =	ssyncadd.s32 $0xFFFFF800;
	(pc) =	sbr.rel @p0 .LBB2_1-.Ltmp3, $4  }
0xbd: {  	[hbm:s18], [sflag:s0] =	dma.local [spmem:s31], $0x780  }
0xbe: {  	_ =	swait.ge [sflag:s21], $0x780  }
0xbf: {  	[sflag:s21] =	ssyncset.done $0x0  }
0xc0: {  	[sflag:s21] =	ssyncadd.s32 $0xFFFFF880  }
0xc1: {  	_ =	sfence.sel $0x180000  }
0xc2: {  	[bflag:$0x0] =	sbarrier.arrive $0xFFFF  }
0xc3: {  	_ =	strace $0x9000004A  }
0xc4: {  	s0 =	stileid.u32;
	[bflag:$0x2] =	sbarrier.arrive $0xFFFF  }
0xc5: {  	p0 =	sne.s32 s0, $0x0;
	s0 =	rddreg [dreg:$0x3]  }
0xc6: {  	s0 =	sadd.s32 @!p0 $0x100000, s0  }
0xc7: {  	[sflag:s0] =	ssyncadd.tile.s32 @!p0 $0x1;
	_ =	shalt  }
.Lfunc_end2:
_tile_overlayer_lowered:
.L_overlay_start_2:
0xc8: {  	(tag) =	ssettag $0x2  }
0xc9: {  	s0 =	rddreg [dreg:$0x0];
	s2 =	stileid.u32  }
0xca: {  	s1 =	rddreg [dreg:$0x1];
	p0 =	sne.s32 s2, $0x0  }
0xcb: {  	s3 =	rddreg [dreg:$0x2];
	[bflag:$0x3] =	sbarrier.arrive $0xFFFF;
	s2 =	simm.s32 @!p0 $0x1C03  }
0xcc: {  	[timem:s3], [sflag:s2] =	dma.local @!p0 [hbm:s0], s1  }
0xcd: {  	s0 =	simm.s32 @!p0 $0x3  }
0xce: {  	_ =	swait.ge @!p0 [sflag:s0], s1  }
0xcf: {  	s1 =	ssub.s32 @!p0 $0x0, s1;
	[sflag:s0] =	ssyncset.done @!p0 $0x0  }
0xd0: {  	[sflag:s0] =	ssyncadd.s32 @!p0 s1  }
0xd1: {  	[bflag:$0x3] =	sbarrier.arrive $0xFFFF  }
0xd2: {  	_ =	shalt  }

// kernel: kernel.15.cloned.1.call-start
scs
__scs_entry_jumppad:
0x0: {  	(pc) =	sbr.rel $0x88, $3  }
0x1: {  	(tag) =	ssettag $0x0;
	lr =	simm.s32 $0x1  }
0x2: {  	[smem:$0x3F97] =	sst lr;
	_ =	strace $0xD0000000  }
0x3: {  	_ = 	snop  }
0x4: {  	_ = 	snop  }
0x5: {  	_ = 	snop  }
0x6: {  	_ = 	snop  }
0x7: {  	_ = 	snop  }
__scs_overlays_trampoline_lowered:
0x8: {  	[smem:$0x3FA6] =	sst s0  }
0x9: {  	[smem:$0x3FA7] =	sst s1  }
0xa: {  	[smem:$0x3FA8] =	sst s2  }
0xb: {  	[smem:$0x3FA9] =	sst s3  }
0xc: {  	[smem:$0x3FAA] =	sst s4  }
0xd: {  	[smem:$0x3FAB] =	sst s5  }
0xe: {  	[smem:$0x3FAC] =	sst s6  }
0xf: {  	[smem:$0x3FAD] =	sst s7  }
0x10: {  	[smem:$0x3FAE] =	sst s8  }
0x11: {  	[smem:$0x3FAF] =	sst s9;
	s0 =	simm.s32 @!p0 $0x0  }
0x12: {  	s1 =	sld [smem:$0x3F95];
	s0 =	simm.s32 @p0 $0x1  }
0x13: {  	[smem:$0x3FB0] =	sst s0;
	s0 =	simm.s32 @!p1 $0x0  }
0x14: {  	s2 =	sld [smem:$0x3F94];
	s0 =	simm.s32 @p1 $0x1  }
0x15: {  	[smem:$0x3FB1] =	sst s0;
	s0 =	simm.s32 @!p2 $0x0  }
0x16: {  	s3 =	sld [smem:$0x3FDB];
	s0 =	simm.s32 @p2 $0x1  }
0x17: {  	s4 =	simm.s32 $0x1BF5;
	[smem:$0x3FB3] =	sst s0  }
0x18: {  	s0 =	sld [smem:$0x3F96];
	_ =	swait.ge [sflag:s4], $0x0  }
0x19: {  	s7 =	sld [smem:$0x3F97]  }
0x1a: {  	s8 =	sadd.s32 $0xFFFFE003, lr  }
0x1b: {  	s9 =	sadd.s32 $0xFFFFFEF7, lr;
	s5 =	simm.s32 $0xFFFFFFFF;
	p2 =	slt.u32 s8, $0xFFFFF086  }
0x1c: {  	p1 =	slt.u32 s9, $0xF7A;
	s5 =	simm.s32 @!p2 $0x0  }
0x1d: {  	s5 =	simm.s32 @p1 $0x1;
	p0 =	seq.s32 s7, s2  }
0x1e: {  	s7 =	smul.u32 @!p0 $0xF7A, s2;
	p2 =	seq.s32 @!p0 s5, $0x0  }
0x1f: {  	s9 =	smul.u32 $0xF7A, s1;
	s8 =	simm.s32 @!p0 $0x1BF5;
	p2 =	por !p2, p0  }
0x20: {  	[sflag:s8] =	ssyncset.s32 @!p0 $0xFFFFF086;
	s6 =	sadd.s32 @!p0 s3, s7;
	s7 =	simm.s32 @!p0 $0x108  }
0x21: {  	s3 =	sadd.s32 s3, s9;
	s6 =	sadd.s32 @!p0 $0x88, s6;
	s7 =	simm.s32 @p2 $0x1082  }
0x22: {  	[simem:s7], [sflag:s8] =	dma.local @!p0 [hbm:s6], $0xF7A  }
0x23: {  	s9 =	sor.u32 $0xD0000000, s2;
	s6 =	simm.s32 $0x108;
	_ =	swait.ge @!p0 [sflag:s8], $0x0  }
0x24: {  	s3 =	sadd.s32 $0x88, s3;
	s6 =	simm.s32 @!p1 $0x1082;
	[sflag:s4] =	ssyncset.s32 $0xFFFFF086  }
0x25: {  	[simem:s6], [sflag:s4] =	dma.local [hbm:s3], $0xF7A  }
0x26: {  	[smem:$0x3F97] =	sst s1;
	(tag) =	ssettag s2;
	_ =	strace s9  }
0x27: {  	s1 =	sld [smem:$0x3FA7]  }
0x28: {  	s2 =	sld [smem:$0x3FA8]  }
0x29: {  	s4 =	sld [smem:$0x3FAA]  }
0x2a: {  	p0 =	seq.s32 s5, $0x0;
	s5 =	sld [smem:$0x3FAB]  }
0x2b: {  	s6 =	sld [smem:$0x3FAC]  }
0x2c: {  	s7 =	sld [smem:$0x3FAD]  }
0x2d: {  	s3 =	simm.s32 $0x108;
	s8 =	sld [smem:$0x3FAE]  }
0x2e: {  	s3 =	simm.s32 @!p0 $0x1082;
	s9 =	sld [smem:$0x3FAF]  }
0x2f: {  	lr =	sadd.s32 s0, s3;
	s0 =	sld [smem:$0x3FA6]  }
0x30: {  	s3 =	sld [smem:$0x3FA9]  }
0x31: {  	[smem:$0x3FB2] =	sst s10  }
0x32: {  	s10 =	sld [smem:$0x3FB0];
	_ =	sdelay $0x3  }
0x33: {  	p0 =	seq.s32 s10, $0x1;
	s10 =	sld [smem:$0x3FB2];
	_ =	sdelay $0x3  }
0x34: {  	[smem:$0x3FB2] =	sst s10  }
0x35: {  	s10 =	sld [smem:$0x3FB1];
	_ =	sdelay $0x3  }
0x36: {  	p1 =	seq.s32 s10, $0x1;
	s10 =	sld [smem:$0x3FB2];
	_ =	sdelay $0x3  }
0x37: {  	[smem:$0x3FB2] =	sst s10  }
0x38: {  	s10 =	sld [smem:$0x3FB3]  }
0x39: {  	_ = 	snop;
	(pc) =	sbr.ind lr, $3  }
0x3a: {  	_ = 	snop  }
0x3b: {  	_ = 	snop  }
0x3c: {  	p2 =	seq.s32 s10, $0x1;
	s10 =	sld [smem:$0x3FB2]  }
0x3d: {  	_ =	shalt  }
0x3e: {  	_ =	shalt  }
0x3f: {  	_ =	shalt  }
0x40: {  	_ =	shalt  }
0x41: {  	_ =	shalt  }
0x42: {  	_ =	shalt  }
0x43: {  	_ =	shalt  }
0x44: {  	_ =	shalt  }
0x45: {  	_ =	shalt  }
0x46: {  	_ =	shalt  }
0x47: {  	_ =	shalt  }
0x48: {  	_ =	shalt  }
0x49: {  	_ =	shalt  }
0x4a: {  	_ =	shalt  }
0x4b: {  	_ =	shalt  }
0x4c: {  	_ =	shalt  }
0x4d: {  	_ =	shalt  }
0x4e: {  	_ =	shalt  }
0x4f: {  	_ =	shalt  }
0x50: {  	_ =	shalt  }
0x51: {  	_ =	shalt  }
0x52: {  	_ =	shalt  }
0x53: {  	_ =	shalt  }
0x54: {  	_ =	shalt  }
0x55: {  	_ =	shalt  }
0x56: {  	_ =	shalt  }
0x57: {  	_ =	shalt  }
0x58: {  	_ =	shalt  }
0x59: {  	_ =	shalt  }
0x5a: {  	_ =	shalt  }
0x5b: {  	_ =	shalt  }
0x5c: {  	_ =	shalt  }
0x5d: {  	_ =	shalt  }
0x5e: {  	_ =	shalt  }
0x5f: {  	_ =	shalt  }
0x60: {  	_ =	shalt  }
0x61: {  	_ =	shalt  }
0x62: {  	_ =	shalt  }
0x63: {  	_ =	shalt  }
0x64: {  	_ =	shalt  }
0x65: {  	_ =	shalt  }
0x66: {  	_ =	shalt  }
0x67: {  	_ =	shalt  }
0x68: {  	_ =	shalt  }
0x69: {  	_ =	shalt  }
0x6a: {  	_ =	shalt  }
0x6b: {  	_ =	shalt  }
0x6c: {  	_ =	shalt  }
0x6d: {  	_ =	shalt  }
0x6e: {  	_ =	shalt  }
0x6f: {  	_ =	shalt  }
0x70: {  	_ =	shalt  }
0x71: {  	_ =	shalt  }
0x72: {  	_ =	shalt  }
0x73: {  	_ =	shalt  }
0x74: {  	_ =	shalt  }
0x75: {  	_ =	shalt  }
0x76: {  	_ =	shalt  }
0x77: {  	_ =	shalt  }
0x78: {  	_ =	shalt  }
0x79: {  	_ =	shalt  }
0x7a: {  	_ =	shalt  }
0x7b: {  	_ =	shalt  }
0x7c: {  	_ =	shalt  }
0x7d: {  	_ =	shalt  }
0x7e: {  	_ =	shalt  }
0x7f: {  	_ =	shalt  }
0x80: {  	_ =	shalt  }
0x81: {  	_ =	shalt  }
0x82: {  	_ =	shalt  }
0x83: {  	_ =	shalt  }
0x84: {  	_ =	shalt  }
0x85: {  	_ =	shalt  }
0x86: {  	_ =	shalt  }
0x87: {  	_ =	shalt  }
.Lfunc_end0:
.L_simem_size_0:
called_computation.2_lowered:
.L_overlay_start_0:
0x88: {  	s2 =	sld [smem:$0x3FD9]  }
0x89: {  	s3 =	sld [smem:$0x3FFE];
	_ =	sdelay $0x1  }
0x8a: {  	s1 =	srdreg.scid  }
0x8b: {  	s0 =	sand.u32 $0x1, s1  }
0x8c: {  	s16 =	sshll.u32 s0, $0xA;
	s2 =	sadd.s32 s3, s2  }
0x8d: {  	s2 =	sadd.s32 s2, s16  }
0x8e: {  	[smem:$0x3FBE] =	sst s2  }
0x8f: {  	_ = 	snop  }
0x90: {  	(tm) =	ssettm $0x1  }
0x91: {  	s17 =	sld [smem:$0x3FFB];
	_ =	sdelay $0x3  }
0x92: {  	_ =	strace s17  }
0x93: {  	s2 =	sld [smem:$0x3FFC];
	_ =	sdelay $0x3  }
0x94: {  	_ =	strace s2  }
0x95: {  	s2 =	sld [smem:$0x3FFD];
	_ =	sdelay $0x3  }
0x96: {  	_ =	strace s2  }
0x97: {  	_ =	strace $0x8FFFFFFF  }
0x98: {  	s18 =	sld [smem:$0x3FDB];
	_ =	sdelay $0x1  }
0x99: {  	s19 =	simm.s32 $_scs_section_size  }
0x9a: {  	s4 =	simm.s32 $_size__tile_overlayer_lowered;
	s5 =	simm.s32 $_tile_overlayer_lowered  }
0x9b: {  	s22 =	simm.s32 $0x1BFF;
	s21 =	sshll.u32 s5, $0x1;
	s2 =	sadd.s32 s19, s18  }
0x9c: {  	s6 =	simm.s32 $0x0;
	s20 =	sshll.u32 s4, $0x1;
	s4 =	sadd.s32 s21, s2  }
0x9d: {  	[timem:s6], [sflag:s22] =	dma.local [hbm:s4], s20  }
0x9e: {  	_ =	swait.ge [sflag:s22], s20  }
0x9f: {  	s3 =	ssub.s32 $0x0, s20;
	[sflag:s22] =	ssyncset.done $0x0  }
0xa0: {  	[sflag:s22] =	ssyncadd.s32 s3;
	_ =	sdelay $0x1  }
0xa1: {  	s23 =	simm.s32 $0x1B8B  }
0xa2: {  	_ =	swait.ge [sflag:s23], $0x1  }
0xa3: {  	[sflag:s23] =	ssyncset.done $0x0  }
0xa4: {  	s25 =	simm.s32 $0x1B8E;
	s24 =	sld [smem:$0x3FFE];
	[sflag:s23] =	ssyncadd.s32 $0xFFFFFFFF  }
0xa5: {  	s26 =	simm.s32 $execute0_lowered;
	[smem:$0x3FD2] =	sst s25  }
0xa6: {  	s4 =	sshll.u32 s26, $0x1;
	_ =	strace $0x8000004C;
	[dreg:$0x1] =	wrdreg $0xFFFFFFFF  }
0xa7: {  	s28 =	simm.s32 $_size_execute0_lowered;
	s2 =	sadd.s32 s2, s4;
	[dreg:$0x0] =	wrdreg $0x0  }
0xa8: {  	s4 =	sshll.u32 s28, $0x1;
	[dreg:$0x2] =	wrdreg s2  }
0xa9: {  	[dreg:$0x3] =	wrdreg s4  }
0xaa: {  	[dreg:$0x4] =	wrdreg $0xC0  }
0xab: {  	_ =	task [dreg:s6], $0x5FFFF  }
0xac: {  	[dreg:$0x1] =	wrdreg $0xFFFFFFFF  }
0xad: {  	[dreg:$0x0] =	wrdreg $0x60  }
0xae: {  	[dreg:$0x2] =	wrdreg s24  }
0xaf: {  	[dreg:$0x3] =	wrdreg $0x0  }
0xb0: {  	[dreg:$0x4] =	wrdreg $0x27800  }
0xb1: {  	[dreg:$0x5] =	wrdreg $0x9  }
0xb2: {  	_ =	task.clear_ibuf [dreg:s6], $0x6FFFF;
	_ =	strace $0x9000004C  }
0xb3: {  	s29 =	simm.s32 $0x9;
	_ =	strace $0x8000004E  }
0xb4: {  	_ =	swait.ge [sflag:s29], $0x1  }
0xb5: {  	[sflag:s29] =	ssyncadd.s32 $0xFFFFFFFF  }
0xb6: {  	_ =	strace $0x9000004E  }
0xb7: {  	_ =	sfence  }
0xb8: {  	s30 =	sld [smem:$0x0];
	_ =	sdelay $0x2  }
0xb9: {  	s31 =	sshll.u32 s1, $0xD;
	s1 =	sshrl.u32 s1, $0x2  }
0xba: {  	s3 =	sand.u32 $0x4000, s31;
	s1 =	sadd.s32 s1, s30  }
0xbb: {  	s0 =	sor.u32 s3, s0;
	s1 =	sshll.u32 s1, $0x11  }
0xbc: {  	s0 =	sor.u32 s1, s0  }
0xbd: {  	s0 =	sadd.s32 $0x8F2B, s0  }
0xbe: {  	[sflag:s0] =	ssyncadd.remote.s32 $0x1  }
0xbf: {  	_ =	sfence.sel $0xFFFF  }
0xc0: {  	[dreg:$0x0] =	wrdreg $0xFFFFFFFF;
	(pc) =	sbr.abs _section_cstart, $3  }
0xc1: {  	[dreg:$0x1] =	wrdreg $0xFFFFFFFF  }
0xc2: {  	_ =	task.clear_ibuf [dreg:s6], $0x2FFFF;
	_ =	strace $0x9FFFFFFF  }
0xc3: {  	(tm) =	ssettm $0x7FFFFFFF  }
tec
execute0_lowered:
.L_overlay_start_1:
0x0: {  	(tag) =	ssettag $0x1  }
0x1: {  	s0 =	rddreg [dreg:$0x0]  }
0x2: {  	s1 =	rddreg [dreg:$0x1]  }
0x3: {  	s2 =	rddreg [dreg:$0x2];
	s4 =	simm.s32 $0x0;
	s22 =	stileid.u32  }
0x4: {  	s6 =	srdreg.scid;
	s28 =	simm.s32 $0x4F00;
	s29 =	simm.s32 $0x4F80  }
0x5: {  	s30 =	simm.s32 $0x80;
	s31 =	simm.s32 $0x1;
	[smem:$0x7FF] =	sst s4  }
0x6: {  	s3 =	smul.u32 $0x2700, s22;
	s5 =	sadd.s32 $0x4200, s0;
	s8 =	sand.u32 $0x1, s6  }
0x7: {  	s6 =	sadd.s32 $0xE000, s0;
	s10 =	sadd.s32 $0xDD000, s0;
	s12 =	smul.u32 $0x4E000, s22  }
0x8: {  	s7 =	sadd.s32 $0x3F000, s0;
	s20 =	smul.u32 $0x4F000, s22;
	s24 =	sadd.s32 $0x138800, s2  }
0x9: {  	s21 =	smul.u32 $0x13C00, s22;
	p0 =	seq.s32 s22, $0xF;
	_ =	strace $0x8000004D  }
0xa: {  	s9 =	ssub.s32 $0x2, s8;
	s18 =	sshll.u32 s8, $0x4;
	[dreg:$0x5] =	wrdreg s24  }
0xb: {  	s8 =	smul.u32 $0x13C000, s8;
	p1 =	seq.s32 @!p0 s22, $0x0;
	s3 =	sadd.s32 s3, s0  }
0xc: {  	s11 =	sshrl.u32 s9, $0x1;
	s16 =	sor.u32 s22, s18;
	s19 =	sshrl.u32 s12, $0x2  }
0xd: {  	s18 =	sadd.s32 $0x124800, s2;
	s25 =	sshrl.u32 s20, $0x2;
	s0 =	sadd.s32 $0x3C700, s0  }
0xe: {  	s26 =	sadd.s32 $0x4000, s21;
	s15 =	sadd.s32 $0x8000, s21;
	s20 =	sadd.s32 $0x10000, s21  }
0xf: {  	p1 =	por !p1, p0;
	s9 =	ssub.s32 s9, s11;
	s17 =	sadd.s32 s19, s2  }
0x10: {  	s3 =	sadd.s32 $0x17E00, s3;
	[dreg:$0x6] =	wrdreg s0;
	s11 =	sadd.s32 s25, s1  }
0x11: {  	s19 =	sadd.s32 $0xC000, s21;
	s23 =	sadd.s32 s26, s1;
	s24 =	sadd.s32 s15, s1  }
0x12: {  	s0 =	sadd.s32 s8, s26;
	s16 =	smul.u32 $0x2780, s16;
	[dreg:$0x4] =	wrdreg s3  }
0x13: {  	s13 =	sadd.s32 s19, s1;
	s3 =	sadd.s32 s21, s8;
	s21 =	sadd.s32 s8, s15  }
0x14: {  	s19 =	sadd.s32 s8, s19;
	s8 =	sadd.s32 s8, s20;
	s15 =	sadd.s32 s20, s1  }
0x15: {  	s0 =	sshrl.u32 s0, $0x3;
	s26 =	smax.u32 s9, $0x1;
	[dreg:$0x7] =	wrdreg s13  }
0x16: {  	s3 =	sshrl.u32 s3, $0x3;
	s0 =	sadd.s32 s10, s0;
	[dreg:$0xd] =	wrdreg s26  }
0x17: {  	v0 =	vimm.s32 $0xFEDCBA98;
	s14 =	sshrl.u32 s21, $0x3;
	s3 =	sadd.s32 s10, s3;
	[dreg:$0x9] =	wrdreg s0  }
0x18: {  	v1 =	vimm.s32 $0x76543210;
	v0 =	vunpack.c.l.s4.s8 v0;
	s21 =	sshrl.u32 s19, $0x3;
	s20 =	sadd.s32 s10, s14;
	[dreg:$0x8] =	wrdreg s3  }
0x19: {  	v1 =	vunpack.c.l.s4.s8 v1;
	s25 =	sshrl.u32 s8, $0x3;
	s0 =	sadd.s32 s10, s21;
	[dreg:$0xa] =	wrdreg s20  }
0x1a: {  	v0 =	vunpack.c.0.s8.s32 v0;
	s9 =	simm.s32 $0x0;
	[dreg:$0xb] =	wrdreg s0;
	s0 =	sadd.s32 s10, s25  }
0x1b: {  	v1 =	vunpack.c.0.s8.s32 v1;
	s26 =	simm.s32 $0x3;
	[dreg:$0xc] =	wrdreg s0;
	s0 =	sshrl.u32 @p0 s18, $0x3  }
0x1c: {  	v2 =	vand.u32 $0xF, v0;
	s8 =	simm.s32 $0x11000;
	[dreg:$0xe] =	wrdreg s0;
	s0 =	sshrl.u32 @!p0 s17, $0x3  }
0x1d: {  	vm0 =	vmmov $0xff;
	v0 =	vimm.f32 $0.0e+00;
	v1 =	vcombine.low v2, v1;
	s25 =	simm.s32 $0xD000;
	[dreg:$0xf] =	wrdreg s0;
	s0 =	simm.s32 $0x2  }
.LBB2_1:
0x1e: {  	s3 =	simm.s32 $0x200;
	s10 =	simm.s32 $0x0  }
.LBB2_2:
0x1f: {  	p2 =	sne.s32 s3, $0xFE00;
	[tilespmem:s10+$0xD000] =	vst v0;
	s10 =	smov.u32 s3;
	s3 =	sadd.s32 $0x200, s3  }
.Ltmp0:
0x20: {  	(pc) =	sbr.rel @p2 .LBB2_2-.Ltmp0, $2  }
0x21: {  	_ =	sdelay $0x2  }
0x22: {  	s10 =	sshra.s32 s10, $0x2  }
0x23: {  	[tilespmem:s10+$0xD000] =	vst v0;
	s10 =	rddreg [dreg:$0x6]  }
0x24: {  	s3 =	simm.s32 @p0 $0x1FC3;
	s12 =	rddreg [dreg:$0xe]  }
0x25: {  	[spmem:s12], [sflag:s3] =	dma.local @p0 [hbm:s10], $0x2800  }
0x26: {  	s3 =	simm.s32 @p0 $0x3  }
0x27: {  	_ =	swait.ge @p0 [sflag:s3], $0x2800  }
0x28: {  	s10 =	sshll.u32 @!p0 s22, $0x6;
	[sflag:s3] =	ssyncset.done @p0 $0x0;
	s12 =	rddreg [dreg:$0xf]  }
0x29: {  	[sflag:s3] =	ssyncadd.s32 @p0 $0xFFFFD800;
	s3 =	sor.u32 @!p0 $0x1C03, s10;
	s10 =	rddreg [dreg:$0x4]  }
0x2a: {  	[spmem:s12], [sflag:s3] =	dma.local @!p0 [hbm:s10], $0x2700  }
0x2b: {  	s3 =	simm.s32 @!p0 $0x3  }
0x2c: {  	_ =	swait.ge @!p0 [sflag:s3], $0x2700  }
0x2d: {  	[sflag:s3] =	ssyncset.done @!p0 $0x0  }
0x2e: {  	s10 =	rddreg [dreg:$0x5];
	[sflag:s3] =	ssyncadd.s32 @!p0 $0xFFFFD900;
	s3 =	simm.s32 @!p1 $0xD000  }
0x2f: {  	[spmem:s10] =	stream.linear.scatter @!p1 [tilespmem:s3], [sflag:$0x3], $0x3800, $0x38;
	[tilespmem:$0x11800] =	vst v63  }
0x30: {  	s3 =	simm.s32 @!p1 $0x3  }
0x31: {  	_ =	swait.ge @!p1 [sflag:s3], $0x3800  }
0x32: {  	[sflag:s3] =	ssyncset.done @!p1 $0x0  }
0x33: {  	[sflag:s3] =	ssyncadd.s32 @!p1 $0xFFFFC800  }
0x34: {  	[spmem:s11] =	stream.linear.scatter [tilespmem:s25], [sflag:$0x3], $0x4000, $0x38;
	[tilespmem:$0x11800] =	vst v63  }
0x35: {  	_ =	swait.ge [sflag:s26], $0x4000  }
0x36: {  	[sflag:s26] =	ssyncset.done $0x0  }
0x37: {  	[sflag:s26] =	ssyncadd.s32 $0xFFFFC000  }
0x38: {  	[spmem:s23] =	stream.linear.scatter [tilespmem:s25], [sflag:$0x3], $0x4000, $0x38;
	[tilespmem:$0x11800] =	vst v63  }
0x39: {  	_ =	swait.ge [sflag:s26], $0x4000  }
0x3a: {  	[sflag:s26] =	ssyncset.done $0x0  }
0x3b: {  	[sflag:s26] =	ssyncadd.s32 $0xFFFFC000  }
0x3c: {  	[spmem:s24] =	stream.linear.scatter [tilespmem:s25], [sflag:$0x3], $0x4000, $0x38;
	[tilespmem:$0x11800] =	vst v63  }
0x3d: {  	_ =	swait.ge [sflag:s26], $0x4000  }
0x3e: {  	[sflag:s26] =	ssyncset.done $0x0  }
0x3f: {  	s14 =	smov.u32 s24;
	s24 =	rddreg [dreg:$0x7];
	[sflag:s26] =	ssyncadd.s32 $0xFFFFC000  }
0x40: {  	[spmem:s24] =	stream.linear.scatter [tilespmem:s25], [sflag:$0x3], $0x4000, $0x38;
	[tilespmem:$0x11800] =	vst v63  }
0x41: {  	_ =	swait.ge [sflag:s26], $0x4000  }
0x42: {  	[sflag:s26] =	ssyncset.done $0x0  }
0x43: {  	[sflag:s26] =	ssyncadd.s32 $0xFFFFC000  }
0x44: {  	[spmem:s15] =	stream.linear.scatter [tilespmem:s25], [sflag:$0x3], $0x3C00, $0x38;
	[tilespmem:$0x11800] =	vst v63  }
0x45: {  	_ =	swait.ge [sflag:s26], $0x3C00  }
0x46: {  	[sflag:s26] =	ssyncset.done $0x0  }
0x47: {  	s13 =	smov.u32 s23;
	s12 =	smov.u32 s11;
	[sflag:s26] =	ssyncadd.s32 $0xFFFFC400  }
0x48: {  	s10 =	simm.s32 $0x0;
	s3 =	simm.s32 $0x0;
	[bflag:$0x0] =	sbarrier.arrive $0xFFFF  }
.LBB2_4:
0x49: {  	s17 =	sshll.u32 s3, $0x7  }
0x4a: {  	s17 =	sadd.s32 s16, s17  }
0x4b: {  	s18 =	sshrl.u32 s17, $0x3  }
0x4c: {  	s19 =	sadd.s32 s5, s18  }
0x4d: {  	[tilespmem:s28], [sflag:$0x3] =	stream.linear.gather [hbm4b:s19+s10], $0x80, $0x38;
	[tilespmem:$0x11800] =	vst v63  }
0x4e: {  	_ =	swait.ge [sflag:s26], $0x80  }
0x4f: {  	[sflag:s26] =	ssyncset.done $0x0  }
0x50: {  	s18 =	sadd.s32 s6, s18;
	[sflag:s26] =	ssyncadd.s32 $0xFFFFFF80  }
0x51: {  	[tilespmem:s29], [sflag:$0x3] =	stream.linear.gather [hbm4b:s18+s10], $0x80, $0x38;
	[tilespmem:$0x11800] =	vst v63  }
0x52: {  	_ =	swait.ge [sflag:s26], $0x80  }
0x53: {  	[sflag:s26] =	ssyncset.done $0x0  }
0x54: {  	s22 =	simm.s32 $0x5000;
	[sflag:s26] =	ssyncadd.s32 $0xFFFFFF80  }
0x55: {  	[tilespmem:s22], [sflag:$0x1] =	stream.indirect.gather [spmem:s2], $0x10, s28, s30, $0xb8;
	[tilespmem:$0x11800] =	vst v63  }
0x56: {  	s23 =	simm.s32 $0x9000  }
0x57: {  	[tilespmem:s23], [sflag:$0x2] =	stream.indirect.gather [spmem:s2], $0x10, s29, s30, $0xb8;
	[tilespmem:$0x11800] =	vst v63  }
0x58: {  	_ =	swait.ge [sflag:s31], $0x800  }
0x59: {  	[sflag:s31] =	ssyncset.done $0x0  }
0x5a: {  	[sflag:s31] =	ssyncadd.s32 $0xFFFFF800  }
0x5b: {  	_ =	swait.ge [sflag:s0], $0x800  }
0x5c: {  	[sflag:s0] =	ssyncset.done $0x0  }
0x5d: {  	[sflag:s0] =	ssyncadd.s32 $0xFFFFF800  }
0x5e: {  	v2 =	vld [tilespmem:s23+$0x0]  }
0x5f: {  	v3 =	vld [tilespmem:s22+$0x0];
	_ =	sdelay $0x4  }
0x60: {  	v2 =	vsel vm0, v3, v2  }
0x61: {  	v3 =	vperm.xlane v2, v1;
	_ =	sdelay $0x1  }
0x62: {  	v2 =	vadd.f32 v3, v2;
	_ =	sdelay $0x1  }
0x63: {  	v3 =	vmul.f32 $2.000000030e-01, v2;
	_ =	sdelay $0x1  }
0x64: {  	v2 =	vmax.f32 v2, v3  }
0x65: {  	v2 =	vmul.f32 $1.442695020e+00, v2;
	_ =	sdelay $0x1  }
0x66: {  	(erf) = vpow2.f32 v2;
	_ =	sdelay $0x7  }
0x67: {  	s24 =	sand.u32 $0x1E00, s10  }
0x68: {  	s20 =	sand.u32 $0x70, s10;
	s19 =	sshrl.u32 s24, $0x2;
	s18 =	simm.s32 $0xD000;
	v2 =	vpop (erf)  }
0x69: {  	s19 =	sor.u32 s20, s19;
	[tilespmem:s18+$0x0] =	vst v2  }
0x6a: {  	s21 =	simm.s32 $0x9080;
	[tilespmem:s19+$0x11000] =	vst v2  }
0x6b: {  	s22 =	simm.s32 $0x5080;
	v2 =	vld [tilespmem:s21+$0x0]  }
0x6c: {  	v3 =	vld [tilespmem:s22+$0x0]  }
0x6d: {  	s20 =	simm.s32 $0x0;
	s23 =	simm.s32 $0x80;
	s19 =	simm.s32 $0x40  }
.LBB2_5:
0x6e: {  	p2 =	sne.s32 s23, $0x1FC0;
	_ =	sdelay $0x2  }
0x6f: {  	v2 =	vsel vm0, v3, v2  }
0x70: {  	v3 =	vperm.xlane v2, v1;
	_ =	sdelay $0x1  }
0x71: {  	v2 =	vadd.f32 v3, v2;
	_ =	sdelay $0x1  }
0x72: {  	v3 =	vmul.f32 $2.000000030e-01, v2;
	_ =	sdelay $0x1  }
0x73: {  	v2 =	vmax.f32 v2, v3  }
0x74: {  	v2 =	vmul.f32 $1.442695020e+00, v2;
	_ =	sdelay $0x1  }
0x75: {  	(erf) = vpow2.f32 v2;
	_ =	sdelay $0x7  }
0x76: {  	s24 =	sand.u32 $0x1E00, s19;
	s20 =	sadd.s32 $0x10, s20;
	s19 =	smov.u32 s23  }
0x77: {  	s18 =	sadd.s32 $0x80, s18;
	s11 =	sand.u32 $0x70, s20;
	s24 =	sshrl.u32 s24, $0x2;
	v2 =	vpop (erf)  }
.Ltmp1:
0x78: {  	s11 =	sor.u32 s11, s24;
	[tilespmem:s18+$0x0] =	vst v2;
	(pc) =	sbr.rel @p2 .LBB2_5-.Ltmp1, $4  }
0x79: {  	s21 =	sadd.s32 $0x80, s21;
	[tilespmem:s11+$0x11000] =	vst v2  }
0x7a: {  	s22 =	sadd.s32 $0x80, s22;
	v2 =	vld [tilespmem:s21+$0x0]  }
0x7b: {  	v3 =	vld [tilespmem:s22+$0x0]  }
0x7c: {  	s23 =	sadd.s32 $0x40, s23  }
0x7d: {  	_ =	sdelay $0x2  }
0x7e: {  	v2 =	vsel vm0, v3, v2  }
0x7f: {  	v3 =	vperm.xlane v2, v1;
	_ =	sdelay $0x1  }
0x80: {  	v2 =	vadd.f32 v3, v2;
	_ =	sdelay $0x1  }
0x81: {  	v3 =	vmul.f32 $2.000000030e-01, v2;
	_ =	sdelay $0x1  }
0x82: {  	v2 =	vmax.f32 v2, v3  }
0x83: {  	v2 =	vmul.f32 $1.442695020e+00, v2;
	_ =	sdelay $0x1  }
0x84: {  	(erf) = vpow2.f32 v2;
	_ =	sdelay $0x7  }
0x85: {  	s11 =	sand.u32 $0x1E00, s19;
	s23 =	sadd.s32 $0x10, s20  }
0x86: {  	s18 =	sadd.s32 $0x80, s18;
	s19 =	sand.u32 $0x70, s23;
	s11 =	sshrl.u32 s11, $0x2;
	v2 =	vpop (erf)  }
0x87: {  	s11 =	sor.u32 s19, s11;
	[tilespmem:s18+$0x0] =	vst v2  }
0x88: {  	[tilespmem:s11+$0x11000] =	vst v2  }
0x89: {  	[spmem:s1] =	stream.indirect.scatter.add.f32 [tilespmem:s25], [sflag:$0x3], $0x10, s29, s30, $0xb8;
	[tilespmem:$0x11800] =	vst v63  }
0x8a: {  	s3 =	sadd.s32 $0x1, s3;
	_ =	swait.ge [sflag:s26], $0x800  }
0x8b: {  	s24 =	sshll.u32 s17, $0x1;
	p2 =	sne.s32 s3, $0x4F;
	[sflag:s26] =	ssyncset.done $0x0  }
.Ltmp2:
0x8c: {  	s11 =	sadd.s32 s7, s24;
	[sflag:s26] =	ssyncadd.s32 $0xFFFFF800;
	(pc) =	sbr.rel @p2 .LBB2_4-.Ltmp2, $4  }
0x8d: {  	[hbm4b:s11+s4] =	stream.linear.scatter [tilespmem:s8], [sflag:$0x3], $0x800, $0x38;
	[tilespmem:$0x11800] =	vst v63  }
0x8e: {  	_ =	swait.ge [sflag:s26], $0x800  }
0x8f: {  	[sflag:s26] =	ssyncset.done $0x0  }
0x90: {  	[sflag:s26] =	ssyncadd.s32 $0xFFFFF800  }
0x91: {  	s22 =	stileid.u32  }
0x92: {  	[bflag:$0x0] =	sbarrier.arrive $0xFFFF;
	s3 =	sshll.u32 s22, $0x6  }
0x93: {  	s10 =	sshrl.u32 s12, $0x3;
	s20 =	rddreg [dreg:$0x8];
	s3 =	sor.u32 $0x1C03, s3  }
0x94: {  	[hbm:s20], [sflag:s3] =	dma.local [spmem:s10], $0x800  }
0x95: {  	_ =	swait.ge [sflag:s26], $0x800  }
0x96: {  	[sflag:s26] =	ssyncset.done $0x0  }
0x97: {  	s21 =	sshrl.u32 s13, $0x3;
	s24 =	rddreg [dreg:$0x9];
	[sflag:s26] =	ssyncadd.s32 $0xFFFFF800  }
0x98: {  	[hbm:s24], [sflag:s3] =	dma.local [spmem:s21], $0x800  }
0x99: {  	_ =	swait.ge [sflag:s26], $0x800  }
0x9a: {  	s23 =	smov.u32 s13;
	s13 =	sshrl.u32 s14, $0x3;
	[sflag:s26] =	ssyncset.done $0x0  }
0x9b: {  	s24 =	smov.u32 s14;
	s14 =	rddreg [dreg:$0xa];
	[sflag:s26] =	ssyncadd.s32 $0xFFFFF800  }
0x9c: {  	[hbm:s14], [sflag:s3] =	dma.local [spmem:s13], $0x800  }
0x9d: {  	_ =	swait.ge [sflag:s26], $0x800  }
0x9e: {  	[sflag:s26] =	ssyncset.done $0x0;
	s17 =	rddreg [dreg:$0x7]  }
0x9f: {  	s18 =	rddreg [dreg:$0xb];
	[sflag:s26] =	ssyncadd.s32 $0xFFFFF800;
	s10 =	sshrl.u32 s17, $0x3  }
0xa0: {  	[hbm:s18], [sflag:s3] =	dma.local [spmem:s10], $0x800  }
0xa1: {  	_ =	swait.ge [sflag:s26], $0x800  }
0xa2: {  	[sflag:s26] =	ssyncset.done $0x0  }
0xa3: {  	s19 =	sshrl.u32 s15, $0x3;
	s20 =	rddreg [dreg:$0xc];
	[sflag:s26] =	ssyncadd.s32 $0xFFFFF800  }
0xa4: {  	[hbm:s20], [sflag:s3] =	dma.local [spmem:s19], $0x780  }
0xa5: {  	_ =	swait.ge [sflag:s26], $0x780  }
0xa6: {  	s9 =	sadd.s32 $0x1, s9;
	s21 =	rddreg [dreg:$0xd]  }
0xa7: {  	p2 =	sne.s32 s9, s21  }
.Ltmp3:
0xa8: {  	_ = 	snop;
	(pc) =	sbr.rel @p2 .LBB2_1-.Ltmp3, $3  }
0xa9: {  	_ =	sdelay $0x1  }
0xaa: {  	[sflag:s26] =	ssyncset.done $0x0  }
0xab: {  	s11 =	smov.u32 s12;
	[sflag:s26] =	ssyncadd.s32 $0xFFFFF880  }
0xac: {  	_ =	sfence.sel $0x180000  }
0xad: {  	[bflag:$0x0] =	sbarrier.arrive $0xFFFF  }
0xae: {  	_ =	strace $0x9000004D  }
0xaf: {  	[bflag:$0x2] =	sbarrier.arrive $0xFFFF  }
0xb0: {  	p0 =	sne.s32 s22, $0x0;
	s0 =	rddreg [dreg:$0x3]  }
0xb1: {  	s0 =	sadd.s32 @!p0 $0x100000, s0  }
0xb2: {  	[sflag:s0] =	ssyncadd.tile.s32 @!p0 $0x1;
	_ =	shalt  }
.Lfunc_end2:
_tile_overlayer_lowered:
.L_overlay_start_2:
0xb3: {  	(tag) =	ssettag $0x2  }
0xb4: {  	s0 =	rddreg [dreg:$0x0];
	s2 =	stileid.u32  }
0xb5: {  	s1 =	rddreg [dreg:$0x1];
	p0 =	sne.s32 s2, $0x0  }
0xb6: {  	s3 =	rddreg [dreg:$0x2];
	[bflag:$0x3] =	sbarrier.arrive $0xFFFF;
	s2 =	simm.s32 @!p0 $0x1C03  }
0xb7: {  	[timem:s3], [sflag:s2] =	dma.local @!p0 [hbm:s0], s1  }
0xb8: {  	s0 =	simm.s32 @!p0 $0x3  }
0xb9: {  	_ =	swait.ge @!p0 [sflag:s0], s1  }
0xba: {  	s1 =	ssub.s32 @!p0 $0x0, s1;
	[sflag:s0] =	ssyncset.done @!p0 $0x0  }
0xbb: {  	[sflag:s0] =	ssyncadd.s32 @!p0 s1  }
0xbc: {  	[bflag:$0x3] =	sbarrier.arrive $0xFFFF  }
0xbd: {  	_ =	shalt  }

// kernel: kernel.18.cloned.1.call-start
scs
__scs_entry_jumppad:
0x0: {  	(pc) =	sbr.rel $0x88, $3  }
0x1: {  	(tag) =	ssettag $0x0;
	lr =	simm.s32 $0x1  }
0x2: {  	[smem:$0x3F97] =	sst lr;
	_ =	strace $0xD0000000  }
0x3: {  	_ = 	snop  }
0x4: {  	_ = 	snop  }
0x5: {  	_ = 	snop  }
0x6: {  	_ = 	snop  }
0x7: {  	_ = 	snop  }
__scs_overlays_trampoline_lowered:
0x8: {  	[smem:$0x3FA6] =	sst s0  }
0x9: {  	[smem:$0x3FA7] =	sst s1  }
0xa: {  	[smem:$0x3FA8] =	sst s2  }
0xb: {  	[smem:$0x3FA9] =	sst s3  }
0xc: {  	[smem:$0x3FAA] =	sst s4  }
0xd: {  	[smem:$0x3FAB] =	sst s5  }
0xe: {  	[smem:$0x3FAC] =	sst s6  }
0xf: {  	[smem:$0x3FAD] =	sst s7  }
0x10: {  	[smem:$0x3FAE] =	sst s8  }
0x11: {  	[smem:$0x3FAF] =	sst s9;
	s0 =	simm.s32 @!p0 $0x0  }
0x12: {  	s1 =	sld [smem:$0x3F95];
	s0 =	simm.s32 @p0 $0x1  }
0x13: {  	[smem:$0x3FB0] =	sst s0;
	s0 =	simm.s32 @!p1 $0x0  }
0x14: {  	s2 =	sld [smem:$0x3F94];
	s0 =	simm.s32 @p1 $0x1  }
0x15: {  	[smem:$0x3FB1] =	sst s0;
	s0 =	simm.s32 @!p2 $0x0  }
0x16: {  	s3 =	sld [smem:$0x3FDB];
	s0 =	simm.s32 @p2 $0x1  }
0x17: {  	s4 =	simm.s32 $0x1BF5;
	[smem:$0x3FB3] =	sst s0  }
0x18: {  	s0 =	sld [smem:$0x3F96];
	_ =	swait.ge [sflag:s4], $0x0  }
0x19: {  	s7 =	sld [smem:$0x3F97]  }
0x1a: {  	s8 =	sadd.s32 $0xFFFFE003, lr  }
0x1b: {  	s9 =	sadd.s32 $0xFFFFFEF7, lr;
	s5 =	simm.s32 $0xFFFFFFFF;
	p2 =	slt.u32 s8, $0xFFFFF086  }
0x1c: {  	p1 =	slt.u32 s9, $0xF7A;
	s5 =	simm.s32 @!p2 $0x0  }
0x1d: {  	s5 =	simm.s32 @p1 $0x1;
	p0 =	seq.s32 s7, s2  }
0x1e: {  	s7 =	smul.u32 @!p0 $0xF7A, s2;
	p2 =	seq.s32 @!p0 s5, $0x0  }
0x1f: {  	s9 =	smul.u32 $0xF7A, s1;
	s8 =	simm.s32 @!p0 $0x1BF5;
	p2 =	por !p2, p0  }
0x20: {  	[sflag:s8] =	ssyncset.s32 @!p0 $0xFFFFF086;
	s6 =	sadd.s32 @!p0 s3, s7;
	s7 =	simm.s32 @!p0 $0x108  }
0x21: {  	s3 =	sadd.s32 s3, s9;
	s6 =	sadd.s32 @!p0 $0x88, s6;
	s7 =	simm.s32 @p2 $0x1082  }
0x22: {  	[simem:s7], [sflag:s8] =	dma.local @!p0 [hbm:s6], $0xF7A  }
0x23: {  	s9 =	sor.u32 $0xD0000000, s2;
	s6 =	simm.s32 $0x108;
	_ =	swait.ge @!p0 [sflag:s8], $0x0  }
0x24: {  	s3 =	sadd.s32 $0x88, s3;
	s6 =	simm.s32 @!p1 $0x1082;
	[sflag:s4] =	ssyncset.s32 $0xFFFFF086  }
0x25: {  	[simem:s6], [sflag:s4] =	dma.local [hbm:s3], $0xF7A  }
0x26: {  	[smem:$0x3F97] =	sst s1;
	(tag) =	ssettag s2;
	_ =	strace s9  }
0x27: {  	s1 =	sld [smem:$0x3FA7]  }
0x28: {  	s2 =	sld [smem:$0x3FA8]  }
0x29: {  	s4 =	sld [smem:$0x3FAA]  }
0x2a: {  	p0 =	seq.s32 s5, $0x0;
	s5 =	sld [smem:$0x3FAB]  }
0x2b: {  	s6 =	sld [smem:$0x3FAC]  }
0x2c: {  	s7 =	sld [smem:$0x3FAD]  }
0x2d: {  	s3 =	simm.s32 $0x108;
	s8 =	sld [smem:$0x3FAE]  }
0x2e: {  	s3 =	simm.s32 @!p0 $0x1082;
	s9 =	sld [smem:$0x3FAF]  }
0x2f: {  	lr =	sadd.s32 s0, s3;
	s0 =	sld [smem:$0x3FA6]  }
0x30: {  	s3 =	sld [smem:$0x3FA9]  }
0x31: {  	[smem:$0x3FB2] =	sst s10  }
0x32: {  	s10 =	sld [smem:$0x3FB0];
	_ =	sdelay $0x3  }
0x33: {  	p0 =	seq.s32 s10, $0x1;
	s10 =	sld [smem:$0x3FB2];
	_ =	sdelay $0x3  }
0x34: {  	[smem:$0x3FB2] =	sst s10  }
0x35: {  	s10 =	sld [smem:$0x3FB1];
	_ =	sdelay $0x3  }
0x36: {  	p1 =	seq.s32 s10, $0x1;
	s10 =	sld [smem:$0x3FB2];
	_ =	sdelay $0x3  }
0x37: {  	[smem:$0x3FB2] =	sst s10  }
0x38: {  	s10 =	sld [smem:$0x3FB3]  }
0x39: {  	_ = 	snop;
	(pc) =	sbr.ind lr, $3  }
0x3a: {  	_ = 	snop  }
0x3b: {  	_ = 	snop  }
0x3c: {  	p2 =	seq.s32 s10, $0x1;
	s10 =	sld [smem:$0x3FB2]  }
0x3d: {  	_ =	shalt  }
0x3e: {  	_ =	shalt  }
0x3f: {  	_ =	shalt  }
0x40: {  	_ =	shalt  }
0x41: {  	_ =	shalt  }
0x42: {  	_ =	shalt  }
0x43: {  	_ =	shalt  }
0x44: {  	_ =	shalt  }
0x45: {  	_ =	shalt  }
0x46: {  	_ =	shalt  }
0x47: {  	_ =	shalt  }
0x48: {  	_ =	shalt  }
0x49: {  	_ =	shalt  }
0x4a: {  	_ =	shalt  }
0x4b: {  	_ =	shalt  }
0x4c: {  	_ =	shalt  }
0x4d: {  	_ =	shalt  }
0x4e: {  	_ =	shalt  }
0x4f: {  	_ =	shalt  }
0x50: {  	_ =	shalt  }
0x51: {  	_ =	shalt  }
0x52: {  	_ =	shalt  }
0x53: {  	_ =	shalt  }
0x54: {  	_ =	shalt  }
0x55: {  	_ =	shalt  }
0x56: {  	_ =	shalt  }
0x57: {  	_ =	shalt  }
0x58: {  	_ =	shalt  }
0x59: {  	_ =	shalt  }
0x5a: {  	_ =	shalt  }
0x5b: {  	_ =	shalt  }
0x5c: {  	_ =	shalt  }
0x5d: {  	_ =	shalt  }
0x5e: {  	_ =	shalt  }
0x5f: {  	_ =	shalt  }
0x60: {  	_ =	shalt  }
0x61: {  	_ =	shalt  }
0x62: {  	_ =	shalt  }
0x63: {  	_ =	shalt  }
0x64: {  	_ =	shalt  }
0x65: {  	_ =	shalt  }
0x66: {  	_ =	shalt  }
0x67: {  	_ =	shalt  }
0x68: {  	_ =	shalt  }
0x69: {  	_ =	shalt  }
0x6a: {  	_ =	shalt  }
0x6b: {  	_ =	shalt  }
0x6c: {  	_ =	shalt  }
0x6d: {  	_ =	shalt  }
0x6e: {  	_ =	shalt  }
0x6f: {  	_ =	shalt  }
0x70: {  	_ =	shalt  }
0x71: {  	_ =	shalt  }
0x72: {  	_ =	shalt  }
0x73: {  	_ =	shalt  }
0x74: {  	_ =	shalt  }
0x75: {  	_ =	shalt  }
0x76: {  	_ =	shalt  }
0x77: {  	_ =	shalt  }
0x78: {  	_ =	shalt  }
0x79: {  	_ =	shalt  }
0x7a: {  	_ =	shalt  }
0x7b: {  	_ =	shalt  }
0x7c: {  	_ =	shalt  }
0x7d: {  	_ =	shalt  }
0x7e: {  	_ =	shalt  }
0x7f: {  	_ =	shalt  }
0x80: {  	_ =	shalt  }
0x81: {  	_ =	shalt  }
0x82: {  	_ =	shalt  }
0x83: {  	_ =	shalt  }
0x84: {  	_ =	shalt  }
0x85: {  	_ =	shalt  }
0x86: {  	_ =	shalt  }
0x87: {  	_ =	shalt  }
.Lfunc_end0:
.L_simem_size_0:
called_computation.3_lowered:
.L_overlay_start_0:
0x88: {  	s2 =	sld [smem:$0x3FD9]  }
0x89: {  	s3 =	sld [smem:$0x3FFE];
	_ =	sdelay $0x1  }
0x8a: {  	s1 =	srdreg.scid  }
0x8b: {  	s0 =	sand.u32 $0x1, s1  }
0x8c: {  	s17 =	sshll.u32 s0, $0xA;
	s2 =	sadd.s32 s3, s2  }
0x8d: {  	s2 =	sadd.s32 s2, s17  }
0x8e: {  	[smem:$0x3FBE] =	sst s2  }
0x8f: {  	_ = 	snop  }
0x90: {  	s2 =	sld [smem:$0x3FD0];
	(tm) =	ssettm $0x1  }
0x91: {  	s18 =	sld [smem:$0x3FFB];
	_ =	sdelay $0x3  }
0x92: {  	_ =	strace s18  }
0x93: {  	s3 =	sld [smem:$0x3FFC];
	_ =	sdelay $0x3  }
0x94: {  	_ =	strace s3  }
0x95: {  	s3 =	sld [smem:$0x3FFD];
	_ =	sdelay $0x3  }
0x96: {  	_ =	strace s3  }
0x97: {  	_ =	strace $0x8FFFFFFF  }
0x98: {  	s19 =	sld [smem:$0x3FDB];
	_ =	sdelay $0x1  }
0x99: {  	s4 =	simm.s32 $_scs_section_size  }
0x9a: {  	s5 =	simm.s32 $_size__tile_overlayer_lowered;
	s6 =	simm.s32 $_tile_overlayer_lowered  }
0x9b: {  	s22 =	simm.s32 $0x1BFF;
	s21 =	sshll.u32 s6, $0x1;
	s3 =	sadd.s32 s4, s19  }
0x9c: {  	s7 =	simm.s32 $0x0;
	s20 =	sshll.u32 s5, $0x1;
	s5 =	sadd.s32 s21, s3  }
0x9d: {  	[timem:s7], [sflag:s22] =	dma.local [hbm:s5], s20  }
0x9e: {  	_ =	swait.ge [sflag:s22], s20  }
0x9f: {  	s4 =	ssub.s32 $0x0, s20;
	[sflag:s22] =	ssyncset.done $0x0  }
0xa0: {  	[sflag:s22] =	ssyncadd.s32 s4;
	_ =	sdelay $0x1  }
0xa1: {  	s23 =	simm.s32 $0x1B8B  }
0xa2: {  	_ =	swait.ge [sflag:s23], $0x1  }
0xa3: {  	[sflag:s23] =	ssyncset.done $0x0  }
0xa4: {  	s25 =	simm.s32 $0x1B8E;
	s24 =	sld [smem:$0x3FFE];
	[sflag:s23] =	ssyncadd.s32 $0xFFFFFFFF  }
0xa5: {  	s26 =	simm.s32 $execute0_lowered;
	[smem:$0x3FD2] =	sst s25  }
0xa6: {  	s5 =	sshll.u32 s26, $0x1;
	_ =	strace $0x8000004F;
	[dreg:$0x1] =	wrdreg $0xFFFFFFFF  }
0xa7: {  	s28 =	simm.s32 $_size_execute0_lowered;
	s3 =	sadd.s32 s3, s5;
	[dreg:$0x0] =	wrdreg $0x0  }
0xa8: {  	s5 =	sshll.u32 s28, $0x1;
	[dreg:$0x2] =	wrdreg s3  }
0xa9: {  	[dreg:$0x3] =	wrdreg s5  }
0xaa: {  	[dreg:$0x4] =	wrdreg $0xC0  }
0xab: {  	_ =	task [dreg:s7], $0x5FFFF  }
0xac: {  	[dreg:$0x1] =	wrdreg $0xFFFFFFFF  }
0xad: {  	[dreg:$0x0] =	wrdreg $0x60  }
0xae: {  	[dreg:$0x2] =	wrdreg s24  }
0xaf: {  	[dreg:$0x3] =	wrdreg s2  }
0xb0: {  	[dreg:$0x4] =	wrdreg $0x0  }
0xb1: {  	[dreg:$0x5] =	wrdreg $0x9  }
0xb2: {  	_ =	task.clear_ibuf [dreg:s7], $0x6FFFF;
	_ =	strace $0x9000004F  }
0xb3: {  	s29 =	simm.s32 $0x9;
	_ =	strace $0x80000051  }
0xb4: {  	_ =	swait.ge [sflag:s29], $0x1  }
0xb5: {  	[sflag:s29] =	ssyncadd.s32 $0xFFFFFFFF  }
0xb6: {  	_ =	strace $0x90000051  }
0xb7: {  	_ =	sfence  }
0xb8: {  	s30 =	sld [smem:$0x0];
	_ =	sdelay $0x2  }
0xb9: {  	s31 =	sshll.u32 s1, $0xD;
	s1 =	sshrl.u32 s1, $0x2  }
0xba: {  	s3 =	sand.u32 $0x4000, s31;
	s1 =	sadd.s32 s1, s30  }
0xbb: {  	s0 =	sor.u32 s3, s0;
	s1 =	sshll.u32 s1, $0x11  }
0xbc: {  	s0 =	sor.u32 s1, s0  }
0xbd: {  	s0 =	sadd.s32 $0x8F2B, s0  }
0xbe: {  	[sflag:s0] =	ssyncadd.remote.s32 $0x1  }
0xbf: {  	_ =	sfence.sel $0xFFFF  }
0xc0: {  	[dreg:$0x0] =	wrdreg $0xFFFFFFFF;
	(pc) =	sbr.abs _section_cstart, $3  }
0xc1: {  	[dreg:$0x1] =	wrdreg $0xFFFFFFFF  }
0xc2: {  	_ =	task.clear_ibuf [dreg:s7], $0x2FFFF;
	_ =	strace $0x9FFFFFFF  }
0xc3: {  	(tm) =	ssettm $0x7FFFFFFF  }
tec
execute0_lowered:
.L_overlay_start_1:
0x0: {  	(tag) =	ssettag $0x1  }
0x1: {  	s0 =	rddreg [dreg:$0x0]  }
0x2: {  	s1 =	rddreg [dreg:$0x1]  }
0x3: {  	s2 =	rddreg [dreg:$0x2];
	s4 =	simm.s32 $0x0;
	s3 =	srdreg.scid  }
0x4: {  	s11 =	stileid.u32;
	s21 =	simm.s32 $0x3;
	s22 =	simm.s32 $0x13C00  }
0x5: {  	s28 =	simm.s32 $0x1;
	s29 =	simm.s32 $0x2;
	s30 =	simm.s32 $0x0  }
0x6: {  	[smem:$0x7FF] =	sst s4;
	s3 =	sand.u32 $0x1, s3;
	s9 =	smul.u32 $0x4F000, s11  }
0x7: {  	s5 =	sadd.s32 $0x4200, s0;
	s6 =	sadd.s32 $0xE000, s0;
	s13 =	smul.u32 $0x13C00, s11  }
0x8: {  	s7 =	sadd.s32 $0x3F000, s0;
	s0 =	sadd.s32 $0x12C000, s0;
	_ =	strace $0x80000050  }
0x9: {  	s8 =	ssub.s32 $0x2, s3;
	s23 =	sshll.u32 s3, $0x4;
	s3 =	smul.u32 $0x13C000, s3  }
0xa: {  	s10 =	sshrl.u32 s8, $0x1;
	s9 =	sshrl.u32 s9, $0x2;
	s15 =	sadd.s32 $0x4000, s13  }
0xb: {  	s16 =	sor.u32 s11, s23;
	s17 =	sadd.s32 $0x8000, s13;
	s18 =	sadd.s32 $0xC000, s13  }
0xc: {  	s19 =	sadd.s32 $0x10000, s13;
	s23 =	simm.s32 $0x13C80;
	s14 =	ssub.s32 s8, s10  }
0xd: {  	s8 =	sadd.s32 s9, s2;
	s9 =	sadd.s32 s15, s2;
	s10 =	sadd.s32 s17, s2  }
0xe: {  	s11 =	sadd.s32 s18, s2;
	s12 =	sadd.s32 s19, s2;
	s20 =	sadd.s32 s13, s3  }
0xf: {  	s15 =	sadd.s32 s3, s15;
	s13 =	smul.u32 $0x2780, s16;
	s25 =	sadd.s32 s3, s17  }
0x10: {  	s26 =	sadd.s32 s3, s18;
	s3 =	sadd.s32 s3, s19;
	s24 =	sshrl.u32 s20, $0x3  }
0x11: {  	s15 =	sshrl.u32 s15, $0x3;
	s31 =	sshrl.u32 s26, $0x3;
	s3 =	sshrl.u32 s3, $0x3  }
0x12: {  	s19 =	smax.u32 s14, $0x1;
	s20 =	simm.s32 $0x18500;
	s15 =	sadd.s32 s0, s15  }
0x13: {  	s16 =	sadd.s32 s0, s24;
	[dreg:$0x5] =	wrdreg s15;
	s15 =	sshrl.u32 s25, $0x3  }
0x14: {  	s26 =	simm.s32 $0x13D00;
	[dreg:$0x4] =	wrdreg s16;
	s15 =	sadd.s32 s0, s15  }
0x15: {  	s18 =	sadd.s32 s0, s3;
	[dreg:$0x6] =	wrdreg s15;
	s15 =	sadd.s32 s0, s31  }
0x16: {  	v0 =	vimm.f32 $0.0e+00;
	s24 =	simm.s32 $0x17D00;
	s25 =	simm.s32 $0x80;
	[dreg:$0x7] =	wrdreg s15  }
.LBB2_1:
0x17: {  	s0 =	simm.s32 $0x0;
	s3 =	simm.s32 $0x200  }
.LBB2_2:
0x18: {  	p0 =	sne.s32 s3, $0xFE00;
	[tilespmem:s0+$0x18570] =	vst v0  }
0x19: {  	[tilespmem:s0+$0x18500] =	vst v0  }
0x1a: {  	[tilespmem:s0+$0x18510] =	vst v0  }
.Ltmp0:
0x1b: {  	[tilespmem:s0+$0x18520] =	vst v0;
	(pc) =	sbr.rel @p0 .LBB2_2-.Ltmp0, $4  }
0x1c: {  	[tilespmem:s0+$0x18530] =	vst v0  }
0x1d: {  	[tilespmem:s0+$0x18540] =	vst v0  }
0x1e: {  	[tilespmem:s0+$0x18550] =	vst v0  }
0x1f: {  	[tilespmem:s0+$0x18560] =	vst v0;
	s0 =	sshra.s32 s3, $0x2;
	s3 =	sadd.s32 $0x200, s3  }
0x20: {  	[tilespmem:s0+$0x18570] =	vst v0  }
0x21: {  	[tilespmem:s0+$0x18500] =	vst v0  }
0x22: {  	[tilespmem:s0+$0x18510] =	vst v0  }
0x23: {  	[tilespmem:s0+$0x18520] =	vst v0  }
0x24: {  	[tilespmem:s0+$0x18530] =	vst v0  }
0x25: {  	[tilespmem:s0+$0x18540] =	vst v0  }
0x26: {  	[tilespmem:s0+$0x18550] =	vst v0  }
0x27: {  	[tilespmem:s0+$0x18560] =	vst v0  }
0x28: {  	[spmem:s8] =	stream.linear.scatter [tilespmem:s20], [sflag:$0x3], $0x4000, $0x38;
	[tilespmem:$0x1C500] =	vst v63  }
0x29: {  	_ =	swait.ge [sflag:s21], $0x4000  }
0x2a: {  	[sflag:s21] =	ssyncset.done $0x0  }
0x2b: {  	[sflag:s21] =	ssyncadd.s32 $0xFFFFC000  }
0x2c: {  	[spmem:s9] =	stream.linear.scatter [tilespmem:s20], [sflag:$0x3], $0x4000, $0x38;
	[tilespmem:$0x1C500] =	vst v63  }
0x2d: {  	_ =	swait.ge [sflag:s21], $0x4000  }
0x2e: {  	[sflag:s21] =	ssyncset.done $0x0  }
0x2f: {  	[sflag:s21] =	ssyncadd.s32 $0xFFFFC000  }
0x30: {  	[spmem:s10] =	stream.linear.scatter [tilespmem:s20], [sflag:$0x3], $0x4000, $0x38;
	[tilespmem:$0x1C500] =	vst v63  }
0x31: {  	_ =	swait.ge [sflag:s21], $0x4000  }
0x32: {  	[sflag:s21] =	ssyncset.done $0x0  }
0x33: {  	[sflag:s21] =	ssyncadd.s32 $0xFFFFC000  }
0x34: {  	[spmem:s11] =	stream.linear.scatter [tilespmem:s20], [sflag:$0x3], $0x4000, $0x38;
	[tilespmem:$0x1C500] =	vst v63  }
0x35: {  	_ =	swait.ge [sflag:s21], $0x4000  }
0x36: {  	[sflag:s21] =	ssyncset.done $0x0  }
0x37: {  	[sflag:s21] =	ssyncadd.s32 $0xFFFFC000  }
0x38: {  	[spmem:s12] =	stream.linear.scatter [tilespmem:s20], [sflag:$0x3], $0x3C00, $0x38;
	[tilespmem:$0x1C500] =	vst v63  }
0x39: {  	_ =	swait.ge [sflag:s21], $0x3C00  }
0x3a: {  	[sflag:s21] =	ssyncset.done $0x0  }
0x3b: {  	[sflag:s21] =	ssyncadd.s32 $0xFFFFC400  }
0x3c: {  	s31 =	simm.s32 $0x0;
	[bflag:$0x0] =	sbarrier.arrive $0xFFFF  }
.LBB2_4:
0x3d: {  	s0 =	sshll.u32 s31, $0x7  }
0x3e: {  	s0 =	sadd.s32 s13, s0  }
0x3f: {  	s3 =	sshrl.u32 s0, $0x3  }
0x40: {  	s14 =	sadd.s32 s5, s3  }
0x41: {  	[tilespmem:s22], [sflag:$0x3] =	stream.linear.gather [hbm4b:s14+s30], $0x80, $0x38;
	[tilespmem:$0x1C500] =	vst v63  }
0x42: {  	_ =	swait.ge [sflag:s21], $0x80  }
0x43: {  	[sflag:s21] =	ssyncset.done $0x0  }
0x44: {  	s3 =	sadd.s32 s6, s3;
	[sflag:s21] =	ssyncadd.s32 $0xFFFFFF80  }
0x45: {  	[tilespmem:s23], [sflag:$0x3] =	stream.linear.gather [hbm4b:s3+s30], $0x80, $0x38;
	[tilespmem:$0x1C500] =	vst v63  }
0x46: {  	_ =	swait.ge [sflag:s21], $0x80  }
0x47: {  	s0 =	sshll.u32 s0, $0x1;
	[sflag:s21] =	ssyncset.done $0x0  }
0x48: {  	s0 =	sadd.s32 s7, s0;
	[sflag:s21] =	ssyncadd.s32 $0xFFFFFF80  }
0x49: {  	[tilespmem:s24], [sflag:$0x1] =	stream.linear.gather [hbm4b:s0+s30], $0x800, $0x38;
	[tilespmem:$0x1C500] =	vst v63  }
0x4a: {  	_ = 	snop  }
0x4b: {  	[tilespmem:s26], [sflag:$0x2] =	stream.indirect.gather [hbm4b:s1+s25], $0x80, s22, s25, $0xb8;
	[tilespmem:$0x1C500] =	vst v63  }
0x4c: {  	_ =	swait.ge [sflag:s28], $0x800  }
0x4d: {  	[sflag:s28] =	ssyncset.done $0x0  }
0x4e: {  	[sflag:s28] =	ssyncadd.s32 $0xFFFFF800  }
0x4f: {  	s15 =	sand.u32 $0x1E00, s30;
	_ =	swait.ge [sflag:s29], $0x4000  }
0x50: {  	s16 =	sand.u32 $0x70, s30;
	s0 =	sshrl.u32 s15, $0x2;
	[sflag:s29] =	ssyncset.done $0x0  }
0x51: {  	s3 =	sor.u32 s16, s0;
	[sflag:s29] =	ssyncadd.s32 $0xFFFFC000  }
0x52: {  	s0 =	simm.s32 $0x13D40;
	v1 =	vld [tilespmem:s3+$0x17D00]  }
0x53: {  	v2 =	vld [tilespmem:s0+$0xFFFFFFC0];
	_ =	sdelay $0x4  }
0x54: {  	v2 =	vmul.f32 v2, v1  }
0x55: {  	s3 =	simm.s32 $0x18540  }
0x56: {  	[tilespmem:s3+$0xFFFFFFC0] =	vst v2  }
0x57: {  	v2 =	vld [tilespmem:s0+$0xFFFFFFD0];
	_ =	sdelay $0x4  }
0x58: {  	v2 =	vmul.f32 v2, v1;
	_ =	sdelay $0x1  }
0x59: {  	[tilespmem:s3+$0xFFFFFFD0] =	vst v2  }
0x5a: {  	v2 =	vld [tilespmem:s0+$0xFFFFFFE0];
	_ =	sdelay $0x4  }
0x5b: {  	v2 =	vmul.f32 v2, v1;
	_ =	sdelay $0x1  }
0x5c: {  	[tilespmem:s3+$0xFFFFFFE0] =	vst v2  }
0x5d: {  	v2 =	vld [tilespmem:s0+$0xFFFFFFF0];
	_ =	sdelay $0x4  }
0x5e: {  	v2 =	vmul.f32 v2, v1;
	_ =	sdelay $0x1  }
0x5f: {  	[tilespmem:s3+$0xFFFFFFF0] =	vst v2  }
0x60: {  	v2 =	vld [tilespmem:s0+$0x0];
	_ =	sdelay $0x4  }
0x61: {  	v2 =	vmul.f32 v2, v1;
	_ =	sdelay $0x1  }
0x62: {  	[tilespmem:s3+$0x0] =	vst v2  }
0x63: {  	v2 =	vld [tilespmem:s0+$0x10];
	_ =	sdelay $0x4  }
0x64: {  	v2 =	vmul.f32 v2, v1;
	_ =	sdelay $0x1  }
0x65: {  	[tilespmem:s3+$0x10] =	vst v2  }
0x66: {  	v2 =	vld [tilespmem:s0+$0x20];
	_ =	sdelay $0x4  }
0x67: {  	v2 =	vmul.f32 v2, v1;
	_ =	sdelay $0x1  }
0x68: {  	[tilespmem:s3+$0x20] =	vst v2  }
0x69: {  	v2 =	vld [tilespmem:s0+$0x30];
	_ =	sdelay $0x3  }
0x6a: {  	s17 =	simm.s32 $0x40  }
0x6b: {  	s14 =	simm.s32 $0x10;
	s15 =	sand.u32 $0x1E00, s17;
	v1 =	vmul.f32 v2, v1  }
0x6c: {  	s16 =	sand.u32 $0x70, s14;
	s17 =	sshrl.u32 s15, $0x2;
	s15 =	simm.s32 $0x80  }
.LBB2_5:
0x6d: {  	p0 =	sne.s32 s15, $0x1FC0;
	s16 =	sor.u32 s16, s17;
	[tilespmem:s3+$0x30] =	vst v1  }
0x6e: {  	s0 =	sadd.s32 $0x80, s0;
	v1 =	vld [tilespmem:s16+$0x17D00]  }
0x6f: {  	v2 =	vld [tilespmem:s0+$0xFFFFFFC0];
	_ =	sdelay $0x4  }
0x70: {  	v2 =	vmul.f32 v2, v1  }
0x71: {  	s3 =	sadd.s32 $0x80, s3  }
0x72: {  	[tilespmem:s3+$0xFFFFFFC0] =	vst v2  }
0x73: {  	v2 =	vld [tilespmem:s0+$0xFFFFFFD0];
	_ =	sdelay $0x4  }
0x74: {  	v2 =	vmul.f32 v2, v1;
	_ =	sdelay $0x1  }
0x75: {  	[tilespmem:s3+$0xFFFFFFD0] =	vst v2  }
0x76: {  	v2 =	vld [tilespmem:s0+$0xFFFFFFE0];
	_ =	sdelay $0x4  }
0x77: {  	v2 =	vmul.f32 v2, v1;
	_ =	sdelay $0x1  }
0x78: {  	[tilespmem:s3+$0xFFFFFFE0] =	vst v2  }
0x79: {  	v2 =	vld [tilespmem:s0+$0xFFFFFFF0];
	_ =	sdelay $0x4  }
0x7a: {  	v2 =	vmul.f32 v2, v1;
	_ =	sdelay $0x1  }
0x7b: {  	[tilespmem:s3+$0xFFFFFFF0] =	vst v2  }
0x7c: {  	v2 =	vld [tilespmem:s0+$0x0];
	_ =	sdelay $0x4  }
0x7d: {  	v2 =	vmul.f32 v2, v1;
	_ =	sdelay $0x1  }
0x7e: {  	[tilespmem:s3+$0x0] =	vst v2  }
0x7f: {  	v2 =	vld [tilespmem:s0+$0x10];
	_ =	sdelay $0x4  }
0x80: {  	v2 =	vmul.f32 v2, v1;
	_ =	sdelay $0x1  }
0x81: {  	[tilespmem:s3+$0x10] =	vst v2  }
0x82: {  	v2 =	vld [tilespmem:s0+$0x20];
	_ =	sdelay $0x4  }
0x83: {  	v2 =	vmul.f32 v2, v1;
	_ =	sdelay $0x1  }
0x84: {  	[tilespmem:s3+$0x20] =	vst v2  }
0x85: {  	v2 =	vld [tilespmem:s0+$0x30];
	_ =	sdelay $0x1  }
.Ltmp1:
0x86: {  	(pc) =	sbr.rel @p0 .LBB2_5-.Ltmp1, $3  }
0x87: {  	_ =	sdelay $0x1  }
0x88: {  	s17 =	sand.u32 $0x1E00, s15;
	s14 =	sadd.s32 $0x10, s14;
	v1 =	vmul.f32 v2, v1  }
0x89: {  	s15 =	sadd.s32 $0x40, s15;
	s16 =	sand.u32 $0x70, s14;
	s17 =	sshrl.u32 s17, $0x2  }
0x8a: {  	s14 =	sor.u32 s16, s17;
	[tilespmem:s3+$0x30] =	vst v1  }
0x8b: {  	s0 =	sadd.s32 $0x80, s0;
	v1 =	vld [tilespmem:s14+$0x17D00]  }
0x8c: {  	v2 =	vld [tilespmem:s0+$0xFFFFFFC0];
	_ =	sdelay $0x4  }
0x8d: {  	v2 =	vmul.f32 v2, v1  }
0x8e: {  	s17 =	sadd.s32 $0x80, s3  }
0x8f: {  	[tilespmem:s17+$0xFFFFFFC0] =	vst v2  }
0x90: {  	v2 =	vld [tilespmem:s0+$0xFFFFFFD0];
	_ =	sdelay $0x4  }
0x91: {  	v2 =	vmul.f32 v2, v1;
	_ =	sdelay $0x1  }
0x92: {  	[tilespmem:s17+$0xFFFFFFD0] =	vst v2  }
0x93: {  	v2 =	vld [tilespmem:s0+$0xFFFFFFE0];
	_ =	sdelay $0x4  }
0x94: {  	v2 =	vmul.f32 v2, v1;
	_ =	sdelay $0x1  }
0x95: {  	[tilespmem:s17+$0xFFFFFFE0] =	vst v2  }
0x96: {  	v2 =	vld [tilespmem:s0+$0xFFFFFFF0];
	_ =	sdelay $0x4  }
0x97: {  	v2 =	vmul.f32 v2, v1;
	_ =	sdelay $0x1  }
0x98: {  	[tilespmem:s17+$0xFFFFFFF0] =	vst v2  }
0x99: {  	v2 =	vld [tilespmem:s0+$0x0];
	_ =	sdelay $0x4  }
0x9a: {  	v2 =	vmul.f32 v2, v1;
	_ =	sdelay $0x1  }
0x9b: {  	[tilespmem:s17+$0x0] =	vst v2  }
0x9c: {  	v2 =	vld [tilespmem:s0+$0x10];
	_ =	sdelay $0x4  }
0x9d: {  	v2 =	vmul.f32 v2, v1;
	_ =	sdelay $0x1  }
0x9e: {  	[tilespmem:s17+$0x10] =	vst v2  }
0x9f: {  	v2 =	vld [tilespmem:s0+$0x20];
	_ =	sdelay $0x4  }
0xa0: {  	v2 =	vmul.f32 v2, v1;
	_ =	sdelay $0x1  }
0xa1: {  	[tilespmem:s17+$0x20] =	vst v2  }
0xa2: {  	v2 =	vld [tilespmem:s0+$0x30];
	_ =	sdelay $0x4  }
0xa3: {  	s31 =	sadd.s32 $0x1, s31;
	v1 =	vmul.f32 v2, v1  }
0xa4: {  	p0 =	sne.s32 s31, $0x4F  }
.Ltmp2:
0xa5: {  	[tilespmem:s17+$0x30] =	vst v1;
	(pc) =	sbr.rel @p0 .LBB2_4-.Ltmp2, $4  }
0xa6: {  	[spmem:s2] =	stream.indirect.scatter.add.f32 [tilespmem:s20], [sflag:$0x3], $0x80, s23, s25, $0xb8;
	[tilespmem:$0x1C500] =	vst v63  }
0xa7: {  	_ =	swait.ge [sflag:s21], $0x4000  }
0xa8: {  	[sflag:s21] =	ssyncset.done $0x0  }
0xa9: {  	[sflag:s21] =	ssyncadd.s32 $0xFFFFC000  }
0xaa: {  	s0 =	stileid.u32  }
0xab: {  	[bflag:$0x0] =	sbarrier.arrive $0xFFFF;
	s0 =	sshll.u32 s0, $0x6  }
0xac: {  	s3 =	sshrl.u32 s8, $0x3;
	s14 =	rddreg [dreg:$0x4];
	s0 =	sor.u32 $0x1C03, s0  }
0xad: {  	[hbm:s14], [sflag:s0] =	dma.local [spmem:s3], $0x800  }
0xae: {  	_ =	swait.ge [sflag:s21], $0x800  }
0xaf: {  	[sflag:s21] =	ssyncset.done $0x0  }
0xb0: {  	s17 =	sshrl.u32 s9, $0x3;
	s31 =	rddreg [dreg:$0x5];
	[sflag:s21] =	ssyncadd.s32 $0xFFFFF800  }
0xb1: {  	[hbm:s31], [sflag:s0] =	dma.local [spmem:s17], $0x800  }
0xb2: {  	_ =	swait.ge [sflag:s21], $0x800  }
0xb3: {  	[sflag:s21] =	ssyncset.done $0x0  }
0xb4: {  	s14 =	sshrl.u32 s10, $0x3;
	s15 =	rddreg [dreg:$0x6];
	[sflag:s21] =	ssyncadd.s32 $0xFFFFF800  }
0xb5: {  	[hbm:s15], [sflag:s0] =	dma.local [spmem:s14], $0x800  }
0xb6: {  	_ =	swait.ge [sflag:s21], $0x800  }
0xb7: {  	[sflag:s21] =	ssyncset.done $0x0  }
0xb8: {  	s16 =	sshrl.u32 s11, $0x3;
	s17 =	rddreg [dreg:$0x7];
	[sflag:s21] =	ssyncadd.s32 $0xFFFFF800  }
0xb9: {  	[hbm:s17], [sflag:s0] =	dma.local [spmem:s16], $0x800  }
0xba: {  	s4 =	sadd.s32 $0x1, s4;
	_ =	swait.ge [sflag:s21], $0x800  }
0xbb: {  	p0 =	sne.s32 s4, s19;
	[sflag:s21] =	ssyncset.done $0x0  }
.Ltmp3:
0xbc: {  	s31 =	sshrl.u32 s12, $0x3;
	[sflag:s21] =	ssyncadd.s32 $0xFFFFF800;
	(pc) =	sbr.rel @p0 .LBB2_1-.Ltmp3, $4  }
0xbd: {  	[hbm:s18], [sflag:s0] =	dma.local [spmem:s31], $0x780  }
0xbe: {  	_ =	swait.ge [sflag:s21], $0x780  }
0xbf: {  	[sflag:s21] =	ssyncset.done $0x0  }
0xc0: {  	[sflag:s21] =	ssyncadd.s32 $0xFFFFF880  }
0xc1: {  	_ =	sfence.sel $0x180000  }
0xc2: {  	[bflag:$0x0] =	sbarrier.arrive $0xFFFF  }
0xc3: {  	_ =	strace $0x90000050  }
0xc4: {  	s0 =	stileid.u32;
	[bflag:$0x2] =	sbarrier.arrive $0xFFFF  }
0xc5: {  	p0 =	sne.s32 s0, $0x0;
	s0 =	rddreg [dreg:$0x3]  }
0xc6: {  	s0 =	sadd.s32 @!p0 $0x100000, s0  }
0xc7: {  	[sflag:s0] =	ssyncadd.tile.s32 @!p0 $0x1;
	_ =	shalt  }
.Lfunc_end2:
_tile_overlayer_lowered:
.L_overlay_start_2:
0xc8: {  	(tag) =	ssettag $0x2  }
0xc9: {  	s0 =	rddreg [dreg:$0x0];
	s2 =	stileid.u32  }
0xca: {  	s1 =	rddreg [dreg:$0x1];
	p0 =	sne.s32 s2, $0x0  }
0xcb: {  	s3 =	rddreg [dreg:$0x2];
	[bflag:$0x3] =	sbarrier.arrive $0xFFFF;
	s2 =	simm.s32 @!p0 $0x1C03  }
0xcc: {  	[timem:s3], [sflag:s2] =	dma.local @!p0 [hbm:s0], s1  }
0xcd: {  	s0 =	simm.s32 @!p0 $0x3  }
0xce: {  	_ =	swait.ge @!p0 [sflag:s0], s1  }
0xcf: {  	s1 =	ssub.s32 @!p0 $0x0, s1;
	[sflag:s0] =	ssyncset.done @!p0 $0x0  }
0xd0: {  	[sflag:s0] =	ssyncadd.s32 @!p0 s1  }
0xd1: {  	[bflag:$0x3] =	sbarrier.arrive $0xFFFF  }
0xd2: {  	_ =	shalt  }

// kernel: kernel.9.cloned.1.call-start
scs
__scs_entry_jumppad:
0x0: {  	(pc) =	sbr.rel $0x88, $3  }
0x1: {  	(tag) =	ssettag $0x0;
	lr =	simm.s32 $0x1  }
0x2: {  	[smem:$0x3F97] =	sst lr;
	_ =	strace $0xD0000000  }
0x3: {  	_ = 	snop  }
0x4: {  	_ = 	snop  }
0x5: {  	_ = 	snop  }
0x6: {  	_ = 	snop  }
0x7: {  	_ = 	snop  }
__scs_overlays_trampoline_lowered:
0x8: {  	[smem:$0x3FA6] =	sst s0  }
0x9: {  	[smem:$0x3FA7] =	sst s1  }
0xa: {  	[smem:$0x3FA8] =	sst s2  }
0xb: {  	[smem:$0x3FA9] =	sst s3  }
0xc: {  	[smem:$0x3FAA] =	sst s4  }
0xd: {  	[smem:$0x3FAB] =	sst s5  }
0xe: {  	[smem:$0x3FAC] =	sst s6  }
0xf: {  	[smem:$0x3FAD] =	sst s7  }
0x10: {  	[smem:$0x3FAE] =	sst s8  }
0x11: {  	[smem:$0x3FAF] =	sst s9;
	s0 =	simm.s32 @!p0 $0x0  }
0x12: {  	s1 =	sld [smem:$0x3F95];
	s0 =	simm.s32 @p0 $0x1  }
0x13: {  	[smem:$0x3FB0] =	sst s0;
	s0 =	simm.s32 @!p1 $0x0  }
0x14: {  	s2 =	sld [smem:$0x3F94];
	s0 =	simm.s32 @p1 $0x1  }
0x15: {  	[smem:$0x3FB1] =	sst s0;
	s0 =	simm.s32 @!p2 $0x0  }
0x16: {  	s3 =	sld [smem:$0x3FDB];
	s0 =	simm.s32 @p2 $0x1  }
0x17: {  	s4 =	simm.s32 $0x1BF5;
	[smem:$0x3FB3] =	sst s0  }
0x18: {  	s0 =	sld [smem:$0x3F96];
	_ =	swait.ge [sflag:s4], $0x0  }
0x19: {  	s7 =	sld [smem:$0x3F97]  }
0x1a: {  	s8 =	sadd.s32 $0xFFFFE003, lr  }
0x1b: {  	s9 =	sadd.s32 $0xFFFFFEF7, lr;
	s5 =	simm.s32 $0xFFFFFFFF;
	p2 =	slt.u32 s8, $0xFFFFF086  }
0x1c: {  	p1 =	slt.u32 s9, $0xF7A;
	s5 =	simm.s32 @!p2 $0x0  }
0x1d: {  	s5 =	simm.s32 @p1 $0x1;
	p0 =	seq.s32 s7, s2  }
0x1e: {  	s7 =	smul.u32 @!p0 $0xF7A, s2;
	p2 =	seq.s32 @!p0 s5, $0x0  }
0x1f: {  	s9 =	smul.u32 $0xF7A, s1;
	s8 =	simm.s32 @!p0 $0x1BF5;
	p2 =	por !p2, p0  }
0x20: {  	[sflag:s8] =	ssyncset.s32 @!p0 $0xFFFFF086;
	s6 =	sadd.s32 @!p0 s3, s7;
	s7 =	simm.s32 @!p0 $0x108  }
0x21: {  	s3 =	sadd.s32 s3, s9;
	s6 =	sadd.s32 @!p0 $0x88, s6;
	s7 =	simm.s32 @p2 $0x1082  }
0x22: {  	[simem:s7], [sflag:s8] =	dma.local @!p0 [hbm:s6], $0xF7A  }
0x23: {  	s9 =	sor.u32 $0xD0000000, s2;
	s6 =	simm.s32 $0x108;
	_ =	swait.ge @!p0 [sflag:s8], $0x0  }
0x24: {  	s3 =	sadd.s32 $0x88, s3;
	s6 =	simm.s32 @!p1 $0x1082;
	[sflag:s4] =	ssyncset.s32 $0xFFFFF086  }
0x25: {  	[simem:s6], [sflag:s4] =	dma.local [hbm:s3], $0xF7A  }
0x26: {  	[smem:$0x3F97] =	sst s1;
	(tag) =	ssettag s2;
	_ =	strace s9  }
0x27: {  	s1 =	sld [smem:$0x3FA7]  }
0x28: {  	s2 =	sld [smem:$0x3FA8]  }
0x29: {  	s4 =	sld [smem:$0x3FAA]  }
0x2a: {  	p0 =	seq.s32 s5, $0x0;
	s5 =	sld [smem:$0x3FAB]  }
0x2b: {  	s6 =	sld [smem:$0x3FAC]  }
0x2c: {  	s7 =	sld [smem:$0x3FAD]  }
0x2d: {  	s3 =	simm.s32 $0x108;
	s8 =	sld [smem:$0x3FAE]  }
0x2e: {  	s3 =	simm.s32 @!p0 $0x1082;
	s9 =	sld [smem:$0x3FAF]  }
0x2f: {  	lr =	sadd.s32 s0, s3;
	s0 =	sld [smem:$0x3FA6]  }
0x30: {  	s3 =	sld [smem:$0x3FA9]  }
0x31: {  	[smem:$0x3FB2] =	sst s10  }
0x32: {  	s10 =	sld [smem:$0x3FB0];
	_ =	sdelay $0x3  }
0x33: {  	p0 =	seq.s32 s10, $0x1;
	s10 =	sld [smem:$0x3FB2];
	_ =	sdelay $0x3  }
0x34: {  	[smem:$0x3FB2] =	sst s10  }
0x35: {  	s10 =	sld [smem:$0x3FB1];
	_ =	sdelay $0x3  }
0x36: {  	p1 =	seq.s32 s10, $0x1;
	s10 =	sld [smem:$0x3FB2];
	_ =	sdelay $0x3  }
0x37: {  	[smem:$0x3FB2] =	sst s10  }
0x38: {  	s10 =	sld [smem:$0x3FB3]  }
0x39: {  	_ = 	snop;
	(pc) =	sbr.ind lr, $3  }
0x3a: {  	_ = 	snop  }
0x3b: {  	_ = 	snop  }
0x3c: {  	p2 =	seq.s32 s10, $0x1;
	s10 =	sld [smem:$0x3FB2]  }
0x3d: {  	_ =	shalt  }
0x3e: {  	_ =	shalt  }
0x3f: {  	_ =	shalt  }
0x40: {  	_ =	shalt  }
0x41: {  	_ =	shalt  }
0x42: {  	_ =	shalt  }
0x43: {  	_ =	shalt  }
0x44: {  	_ =	shalt  }
0x45: {  	_ =	shalt  }
0x46: {  	_ =	shalt  }
0x47: {  	_ =	shalt  }
0x48: {  	_ =	shalt  }
0x49: {  	_ =	shalt  }
0x4a: {  	_ =	shalt  }
0x4b: {  	_ =	shalt  }
0x4c: {  	_ =	shalt  }
0x4d: {  	_ =	shalt  }
0x4e: {  	_ =	shalt  }
0x4f: {  	_ =	shalt  }
0x50: {  	_ =	shalt  }
0x51: {  	_ =	shalt  }
0x52: {  	_ =	shalt  }
0x53: {  	_ =	shalt  }
0x54: {  	_ =	shalt  }
0x55: {  	_ =	shalt  }
0x56: {  	_ =	shalt  }
0x57: {  	_ =	shalt  }
0x58: {  	_ =	shalt  }
0x59: {  	_ =	shalt  }
0x5a: {  	_ =	shalt  }
0x5b: {  	_ =	shalt  }
0x5c: {  	_ =	shalt  }
0x5d: {  	_ =	shalt  }
0x5e: {  	_ =	shalt  }
0x5f: {  	_ =	shalt  }
0x60: {  	_ =	shalt  }
0x61: {  	_ =	shalt  }
0x62: {  	_ =	shalt  }
0x63: {  	_ =	shalt  }
0x64: {  	_ =	shalt  }
0x65: {  	_ =	shalt  }
0x66: {  	_ =	shalt  }
0x67: {  	_ =	shalt  }
0x68: {  	_ =	shalt  }
0x69: {  	_ =	shalt  }
0x6a: {  	_ =	shalt  }
0x6b: {  	_ =	shalt  }
0x6c: {  	_ =	shalt  }
0x6d: {  	_ =	shalt  }
0x6e: {  	_ =	shalt  }
0x6f: {  	_ =	shalt  }
0x70: {  	_ =	shalt  }
0x71: {  	_ =	shalt  }
0x72: {  	_ =	shalt  }
0x73: {  	_ =	shalt  }
0x74: {  	_ =	shalt  }
0x75: {  	_ =	shalt  }
0x76: {  	_ =	shalt  }
0x77: {  	_ =	shalt  }
0x78: {  	_ =	shalt  }
0x79: {  	_ =	shalt  }
0x7a: {  	_ =	shalt  }
0x7b: {  	_ =	shalt  }
0x7c: {  	_ =	shalt  }
0x7d: {  	_ =	shalt  }
0x7e: {  	_ =	shalt  }
0x7f: {  	_ =	shalt  }
0x80: {  	_ =	shalt  }
0x81: {  	_ =	shalt  }
0x82: {  	_ =	shalt  }
0x83: {  	_ =	shalt  }
0x84: {  	_ =	shalt  }
0x85: {  	_ =	shalt  }
0x86: {  	_ =	shalt  }
0x87: {  	_ =	shalt  }
.Lfunc_end0:
.L_simem_size_0:
called_computation_lowered:
.L_overlay_start_0:
0x88: {  	s2 =	sld [smem:$0x3FD9]  }
0x89: {  	s3 =	sld [smem:$0x3FFE];
	_ =	sdelay $0x1  }
0x8a: {  	s1 =	srdreg.scid  }
0x8b: {  	s0 =	sand.u32 $0x1, s1  }
0x8c: {  	s16 =	sshll.u32 s0, $0xA;
	s2 =	sadd.s32 s3, s2  }
0x8d: {  	s2 =	sadd.s32 s2, s16  }
0x8e: {  	[smem:$0x3FBE] =	sst s2  }
0x8f: {  	_ = 	snop  }
0x90: {  	(tm) =	ssettm $0x1  }
0x91: {  	s17 =	sld [smem:$0x3FFB];
	_ =	sdelay $0x3  }
0x92: {  	_ =	strace s17  }
0x93: {  	s2 =	sld [smem:$0x3FFC];
	_ =	sdelay $0x3  }
0x94: {  	_ =	strace s2  }
0x95: {  	s2 =	sld [smem:$0x3FFD];
	_ =	sdelay $0x3  }
0x96: {  	_ =	strace s2  }
0x97: {  	_ =	strace $0x8FFFFFFF  }
0x98: {  	s18 =	sld [smem:$0x3FDB];
	_ =	sdelay $0x1  }
0x99: {  	s19 =	simm.s32 $_scs_section_size  }
0x9a: {  	s4 =	simm.s32 $_size__tile_overlayer_lowered;
	s5 =	simm.s32 $_tile_overlayer_lowered  }
0x9b: {  	s22 =	simm.s32 $0x1BFF;
	s21 =	sshll.u32 s5, $0x1;
	s2 =	sadd.s32 s19, s18  }
0x9c: {  	s6 =	simm.s32 $0x0;
	s20 =	sshll.u32 s4, $0x1;
	s4 =	sadd.s32 s21, s2  }
0x9d: {  	[timem:s6], [sflag:s22] =	dma.local [hbm:s4], s20  }
0x9e: {  	_ =	swait.ge [sflag:s22], s20  }
0x9f: {  	s3 =	ssub.s32 $0x0, s20;
	[sflag:s22] =	ssyncset.done $0x0  }
0xa0: {  	[sflag:s22] =	ssyncadd.s32 s3;
	_ =	sdelay $0x1  }
0xa1: {  	s23 =	simm.s32 $0x1B8B  }
0xa2: {  	_ =	swait.ge [sflag:s23], $0x1  }
0xa3: {  	[sflag:s23] =	ssyncset.done $0x0  }
0xa4: {  	s25 =	simm.s32 $0x1B8E;
	s24 =	sld [smem:$0x3FFE];
	[sflag:s23] =	ssyncadd.s32 $0xFFFFFFFF  }
0xa5: {  	s26 =	simm.s32 $execute0_lowered;
	[smem:$0x3FD2] =	sst s25  }
0xa6: {  	s4 =	sshll.u32 s26, $0x1;
	_ =	strace $0x80000046;
	[dreg:$0x1] =	wrdreg $0xFFFFFFFF  }
0xa7: {  	s28 =	simm.s32 $_size_execute0_lowered;
	s2 =	sadd.s32 s2, s4;
	[dreg:$0x0] =	wrdreg $0x0  }
0xa8: {  	s4 =	sshll.u32 s28, $0x1;
	[dreg:$0x2] =	wrdreg s2  }
0xa9: {  	[dreg:$0x3] =	wrdreg s4  }
0xaa: {  	[dreg:$0x4] =	wrdreg $0xC0  }
0xab: {  	_ =	task [dreg:s6], $0x5FFFF  }
0xac: {  	[dreg:$0x1] =	wrdreg $0xFFFFFFFF  }
0xad: {  	[dreg:$0x0] =	wrdreg $0x60  }
0xae: {  	[dreg:$0x2] =	wrdreg s24  }
0xaf: {  	[dreg:$0x3] =	wrdreg $0x0  }
0xb0: {  	[dreg:$0x4] =	wrdreg $0x27800  }
0xb1: {  	[dreg:$0x5] =	wrdreg $0x9  }
0xb2: {  	_ =	task.clear_ibuf [dreg:s6], $0x6FFFF;
	_ =	strace $0x90000046  }
0xb3: {  	s29 =	simm.s32 $0x9;
	_ =	strace $0x80000048  }
0xb4: {  	_ =	swait.ge [sflag:s29], $0x1  }
0xb5: {  	[sflag:s29] =	ssyncadd.s32 $0xFFFFFFFF  }
0xb6: {  	_ =	strace $0x90000048  }
0xb7: {  	_ =	sfence  }
0xb8: {  	s30 =	sld [smem:$0x0];
	_ =	sdelay $0x2  }
0xb9: {  	s31 =	sshll.u32 s1, $0xD;
	s1 =	sshrl.u32 s1, $0x2  }
0xba: {  	s3 =	sand.u32 $0x4000, s31;
	s1 =	sadd.s32 s1, s30  }
0xbb: {  	s0 =	sor.u32 s3, s0;
	s1 =	sshll.u32 s1, $0x11  }
0xbc: {  	s0 =	sor.u32 s1, s0  }
0xbd: {  	s0 =	sadd.s32 $0x8F2B, s0  }
0xbe: {  	[sflag:s0] =	ssyncadd.remote.s32 $0x1  }
0xbf: {  	_ =	sfence.sel $0xFFFF  }
0xc0: {  	[dreg:$0x0] =	wrdreg $0xFFFFFFFF;
	(pc) =	sbr.abs _section_cstart, $3  }
0xc1: {  	[dreg:$0x1] =	wrdreg $0xFFFFFFFF  }
0xc2: {  	_ =	task.clear_ibuf [dreg:s6], $0x2FFFF;
	_ =	strace $0x9FFFFFFF  }
0xc3: {  	(tm) =	ssettm $0x7FFFFFFF  }
tec
execute0_lowered:
.L_overlay_start_1:
0x0: {  	(tag) =	ssettag $0x1  }
0x1: {  	s0 =	rddreg [dreg:$0x0]  }
0x2: {  	s1 =	rddreg [dreg:$0x1]  }
0x3: {  	s2 =	rddreg [dreg:$0x2];
	s4 =	simm.s32 $0x0;
	s22 =	stileid.u32  }
0x4: {  	s6 =	srdreg.scid;
	s28 =	simm.s32 $0x4F00;
	s29 =	simm.s32 $0x4F80  }
0x5: {  	s30 =	simm.s32 $0x80;
	s31 =	simm.s32 $0x1;
	[smem:$0x7FF] =	sst s4  }
0x6: {  	s3 =	smul.u32 $0x2700, s22;
	s5 =	sadd.s32 $0x4200, s0;
	s8 =	sand.u32 $0x1, s6  }
0x7: {  	s6 =	sadd.s32 $0xE000, s0;
	s10 =	sadd.s32 $0xDD000, s0;
	s12 =	smul.u32 $0x4E000, s22  }
0x8: {  	s7 =	sadd.s32 $0x3F000, s0;
	s20 =	smul.u32 $0x4F000, s22;
	s24 =	sadd.s32 $0x138800, s2  }
0x9: {  	s21 =	smul.u32 $0x13C00, s22;
	p0 =	seq.s32 s22, $0xF;
	_ =	strace $0x80000047  }
0xa: {  	s9 =	ssub.s32 $0x2, s8;
	s18 =	sshll.u32 s8, $0x4;
	[dreg:$0x5] =	wrdreg s24  }
0xb: {  	s8 =	smul.u32 $0x13C000, s8;
	p1 =	seq.s32 @!p0 s22, $0x0;
	s3 =	sadd.s32 s3, s0  }
0xc: {  	s11 =	sshrl.u32 s9, $0x1;
	s16 =	sor.u32 s22, s18;
	s19 =	sshrl.u32 s12, $0x2  }
0xd: {  	s18 =	sadd.s32 $0x124800, s2;
	s25 =	sshrl.u32 s20, $0x2;
	s0 =	sadd.s32 $0x3C700, s0  }
0xe: {  	s26 =	sadd.s32 $0x4000, s21;
	s15 =	sadd.s32 $0x8000, s21;
	s20 =	sadd.s32 $0x10000, s21  }
0xf: {  	p1 =	por !p1, p0;
	s9 =	ssub.s32 s9, s11;
	s17 =	sadd.s32 s19, s2  }
0x10: {  	s3 =	sadd.s32 $0x17E00, s3;
	[dreg:$0x6] =	wrdreg s0;
	s11 =	sadd.s32 s25, s1  }
0x11: {  	s19 =	sadd.s32 $0xC000, s21;
	s23 =	sadd.s32 s26, s1;
	s24 =	sadd.s32 s15, s1  }
0x12: {  	s0 =	sadd.s32 s8, s26;
	s16 =	smul.u32 $0x2780, s16;
	[dreg:$0x4] =	wrdreg s3  }
0x13: {  	s13 =	sadd.s32 s19, s1;
	s3 =	sadd.s32 s21, s8;
	s21 =	sadd.s32 s8, s15  }
0x14: {  	s19 =	sadd.s32 s8, s19;
	s8 =	sadd.s32 s8, s20;
	s15 =	sadd.s32 s20, s1  }
0x15: {  	s0 =	sshrl.u32 s0, $0x3;
	s26 =	smax.u32 s9, $0x1;
	[dreg:$0x7] =	wrdreg s13  }
0x16: {  	s3 =	sshrl.u32 s3, $0x3;
	s0 =	sadd.s32 s10, s0;
	[dreg:$0xd] =	wrdreg s26  }
0x17: {  	v0 =	vimm.s32 $0xFEDCBA98;
	s14 =	sshrl.u32 s21, $0x3;
	s3 =	sadd.s32 s10, s3;
	[dreg:$0x9] =	wrdreg s0  }
0x18: {  	v1 =	vimm.s32 $0x76543210;
	v0 =	vunpack.c.l.s4.s8 v0;
	s21 =	sshrl.u32 s19, $0x3;
	s20 =	sadd.s32 s10, s14;
	[dreg:$0x8] =	wrdreg s3  }
0x19: {  	v1 =	vunpack.c.l.s4.s8 v1;
	s25 =	sshrl.u32 s8, $0x3;
	s0 =	sadd.s32 s10, s21;
	[dreg:$0xa] =	wrdreg s20  }
0x1a: {  	v0 =	vunpack.c.0.s8.s32 v0;
	s9 =	simm.s32 $0x0;
	[dreg:$0xb] =	wrdreg s0;
	s0 =	sadd.s32 s10, s25  }
0x1b: {  	v1 =	vunpack.c.0.s8.s32 v1;
	s26 =	simm.s32 $0x3;
	[dreg:$0xc] =	wrdreg s0;
	s0 =	sshrl.u32 @p0 s18, $0x3  }
0x1c: {  	v2 =	vand.u32 $0xF, v0;
	s8 =	simm.s32 $0x11000;
	[dreg:$0xe] =	wrdreg s0;
	s0 =	sshrl.u32 @!p0 s17, $0x3  }
0x1d: {  	vm0 =	vmmov $0xff;
	v0 =	vimm.f32 $0.0e+00;
	v1 =	vcombine.low v2, v1;
	s25 =	simm.s32 $0xD000;
	[dreg:$0xf] =	wrdreg s0;
	s0 =	simm.s32 $0x2  }
.LBB2_1:
0x1e: {  	s3 =	simm.s32 $0x200;
	s10 =	simm.s32 $0x0  }
.LBB2_2:
0x1f: {  	p2 =	sne.s32 s3, $0xFE00;
	[tilespmem:s10+$0xD000] =	vst v0;
	s10 =	smov.u32 s3;
	s3 =	sadd.s32 $0x200, s3  }
.Ltmp0:
0x20: {  	(pc) =	sbr.rel @p2 .LBB2_2-.Ltmp0, $2  }
0x21: {  	_ =	sdelay $0x2  }
0x22: {  	s10 =	sshra.s32 s10, $0x2  }
0x23: {  	[tilespmem:s10+$0xD000] =	vst v0;
	s10 =	rddreg [dreg:$0x6]  }
0x24: {  	s3 =	simm.s32 @p0 $0x1FC3;
	s12 =	rddreg [dreg:$0xe]  }
0x25: {  	[spmem:s12], [sflag:s3] =	dma.local @p0 [hbm:s10], $0x2800  }
0x26: {  	s3 =	simm.s32 @p0 $0x3  }
0x27: {  	_ =	swait.ge @p0 [sflag:s3], $0x2800  }
0x28: {  	s10 =	sshll.u32 @!p0 s22, $0x6;
	[sflag:s3] =	ssyncset.done @p0 $0x0;
	s12 =	rddreg [dreg:$0xf]  }
0x29: {  	[sflag:s3] =	ssyncadd.s32 @p0 $0xFFFFD800;
	s3 =	sor.u32 @!p0 $0x1C03, s10;
	s10 =	rddreg [dreg:$0x4]  }
0x2a: {  	[spmem:s12], [sflag:s3] =	dma.local @!p0 [hbm:s10], $0x2700  }
0x2b: {  	s3 =	simm.s32 @!p0 $0x3  }
0x2c: {  	_ =	swait.ge @!p0 [sflag:s3], $0x2700  }
0x2d: {  	[sflag:s3] =	ssyncset.done @!p0 $0x0  }
0x2e: {  	s10 =	rddreg [dreg:$0x5];
	[sflag:s3] =	ssyncadd.s32 @!p0 $0xFFFFD900;
	s3 =	simm.s32 @!p1 $0xD000  }
0x2f: {  	[spmem:s10] =	stream.linear.scatter @!p1 [tilespmem:s3], [sflag:$0x3], $0x3800, $0x38;
	[tilespmem:$0x11800] =	vst v63  }
0x30: {  	s3 =	simm.s32 @!p1 $0x3  }
0x31: {  	_ =	swait.ge @!p1 [sflag:s3], $0x3800  }
0x32: {  	[sflag:s3] =	ssyncset.done @!p1 $0x0  }
0x33: {  	[sflag:s3] =	ssyncadd.s32 @!p1 $0xFFFFC800  }
0x34: {  	[spmem:s11] =	stream.linear.scatter [tilespmem:s25], [sflag:$0x3], $0x4000, $0x38;
	[tilespmem:$0x11800] =	vst v63  }
0x35: {  	_ =	swait.ge [sflag:s26], $0x4000  }
0x36: {  	[sflag:s26] =	ssyncset.done $0x0  }
0x37: {  	[sflag:s26] =	ssyncadd.s32 $0xFFFFC000  }
0x38: {  	[spmem:s23] =	stream.linear.scatter [tilespmem:s25], [sflag:$0x3], $0x4000, $0x38;
	[tilespmem:$0x11800] =	vst v63  }
0x39: {  	_ =	swait.ge [sflag:s26], $0x4000  }
0x3a: {  	[sflag:s26] =	ssyncset.done $0x0  }
0x3b: {  	[sflag:s26] =	ssyncadd.s32 $0xFFFFC000  }
0x3c: {  	[spmem:s24] =	stream.linear.scatter [tilespmem:s25], [sflag:$0x3], $0x4000, $0x38;
	[tilespmem:$0x11800] =	vst v63  }
0x3d: {  	_ =	swait.ge [sflag:s26], $0x4000  }
0x3e: {  	[sflag:s26] =	ssyncset.done $0x0  }
0x3f: {  	s14 =	smov.u32 s24;
	s24 =	rddreg [dreg:$0x7];
	[sflag:s26] =	ssyncadd.s32 $0xFFFFC000  }
0x40: {  	[spmem:s24] =	stream.linear.scatter [tilespmem:s25], [sflag:$0x3], $0x4000, $0x38;
	[tilespmem:$0x11800] =	vst v63  }
0x41: {  	_ =	swait.ge [sflag:s26], $0x4000  }
0x42: {  	[sflag:s26] =	ssyncset.done $0x0  }
0x43: {  	[sflag:s26] =	ssyncadd.s32 $0xFFFFC000  }
0x44: {  	[spmem:s15] =	stream.linear.scatter [tilespmem:s25], [sflag:$0x3], $0x3C00, $0x38;
	[tilespmem:$0x11800] =	vst v63  }
0x45: {  	_ =	swait.ge [sflag:s26], $0x3C00  }
0x46: {  	[sflag:s26] =	ssyncset.done $0x0  }
0x47: {  	s13 =	smov.u32 s23;
	s12 =	smov.u32 s11;
	[sflag:s26] =	ssyncadd.s32 $0xFFFFC400  }
0x48: {  	s10 =	simm.s32 $0x0;
	s3 =	simm.s32 $0x0;
	[bflag:$0x0] =	sbarrier.arrive $0xFFFF  }
.LBB2_4:
0x49: {  	s17 =	sshll.u32 s3, $0x7  }
0x4a: {  	s17 =	sadd.s32 s16, s17  }
0x4b: {  	s18 =	sshrl.u32 s17, $0x3  }
0x4c: {  	s19 =	sadd.s32 s5, s18  }
0x4d: {  	[tilespmem:s28], [sflag:$0x3] =	stream.linear.gather [hbm4b:s19+s10], $0x80, $0x38;
	[tilespmem:$0x11800] =	vst v63  }
0x4e: {  	_ =	swait.ge [sflag:s26], $0x80  }
0x4f: {  	[sflag:s26] =	ssyncset.done $0x0  }
0x50: {  	s18 =	sadd.s32 s6, s18;
	[sflag:s26] =	ssyncadd.s32 $0xFFFFFF80  }
0x51: {  	[tilespmem:s29], [sflag:$0x3] =	stream.linear.gather [hbm4b:s18+s10], $0x80, $0x38;
	[tilespmem:$0x11800] =	vst v63  }
0x52: {  	_ =	swait.ge [sflag:s26], $0x80  }
0x53: {  	[sflag:s26] =	ssyncset.done $0x0  }
0x54: {  	s22 =	simm.s32 $0x5000;
	[sflag:s26] =	ssyncadd.s32 $0xFFFFFF80  }
0x55: {  	[tilespmem:s22], [sflag:$0x1] =	stream.indirect.gather [spmem:s2], $0x10, s28, s30, $0xb8;
	[tilespmem:$0x11800] =	vst v63  }
0x56: {  	s23 =	simm.s32 $0x9000  }
0x57: {  	[tilespmem:s23], [sflag:$0x2] =	stream.indirect.gather [spmem:s2], $0x10, s29, s30, $0xb8;
	[tilespmem:$0x11800] =	vst v63  }
0x58: {  	_ =	swait.ge [sflag:s31], $0x800  }
0x59: {  	[sflag:s31] =	ssyncset.done $0x0  }
0x5a: {  	[sflag:s31] =	ssyncadd.s32 $0xFFFFF800  }
0x5b: {  	_ =	swait.ge [sflag:s0], $0x800  }
0x5c: {  	[sflag:s0] =	ssyncset.done $0x0  }
0x5d: {  	[sflag:s0] =	ssyncadd.s32 $0xFFFFF800  }
0x5e: {  	v2 =	vld [tilespmem:s23+$0x0]  }
0x5f: {  	v3 =	vld [tilespmem:s22+$0x0];
	_ =	sdelay $0x4  }
0x60: {  	v2 =	vsel vm0, v3, v2  }
0x61: {  	v3 =	vperm.xlane v2, v1;
	_ =	sdelay $0x1  }
0x62: {  	v2 =	vadd.f32 v3, v2;
	_ =	sdelay $0x1  }
0x63: {  	v3 =	vmul.f32 $2.000000030e-01, v2;
	_ =	sdelay $0x1  }
0x64: {  	v2 =	vmax.f32 v2, v3  }
0x65: {  	v2 =	vmul.f32 $1.442695020e+00, v2;
	_ =	sdelay $0x1  }
0x66: {  	(erf) = vpow2.f32 v2;
	_ =	sdelay $0x7  }
0x67: {  	s24 =	sand.u32 $0x1E00, s10  }
0x68: {  	s20 =	sand.u32 $0x70, s10;
	s19 =	sshrl.u32 s24, $0x2;
	s18 =	simm.s32 $0xD000;
	v2 =	vpop (erf)  }
0x69: {  	s19 =	sor.u32 s20, s19;
	[tilespmem:s18+$0x0] =	vst v2  }
0x6a: {  	s21 =	simm.s32 $0x9080;
	[tilespmem:s19+$0x11000] =	vst v2  }
0x6b: {  	s22 =	simm.s32 $0x5080;
	v2 =	vld [tilespmem:s21+$0x0]  }
0x6c: {  	v3 =	vld [tilespmem:s22+$0x0]  }
0x6d: {  	s20 =	simm.s32 $0x0;
	s23 =	simm.s32 $0x80;
	s19 =	simm.s32 $0x40  }
.LBB2_5:
0x6e: {  	p2 =	sne.s32 s23, $0x1FC0;
	_ =	sdelay $0x2  }
0x6f: {  	v2 =	vsel vm0, v3, v2  }
0x70: {  	v3 =	vperm.xlane v2, v1;
	_ =	sdelay $0x1  }
0x71: {  	v2 =	vadd.f32 v3, v2;
	_ =	sdelay $0x1  }
0x72: {  	v3 =	vmul.f32 $2.000000030e-01, v2;
	_ =	sdelay $0x1  }
0x73: {  	v2 =	vmax.f32 v2, v3  }
0x74: {  	v2 =	vmul.f32 $1.442695020e+00, v2;
	_ =	sdelay $0x1  }
0x75: {  	(erf) = vpow2.f32 v2;
	_ =	sdelay $0x7  }
0x76: {  	s24 =	sand.u32 $0x1E00, s19;
	s20 =	sadd.s32 $0x10, s20;
	s19 =	smov.u32 s23  }
0x77: {  	s18 =	sadd.s32 $0x80, s18;
	s11 =	sand.u32 $0x70, s20;
	s24 =	sshrl.u32 s24, $0x2;
	v2 =	vpop (erf)  }
.Ltmp1:
0x78: {  	s11 =	sor.u32 s11, s24;
	[tilespmem:s18+$0x0] =	vst v2;
	(pc) =	sbr.rel @p2 .LBB2_5-.Ltmp1, $4  }
0x79: {  	s21 =	sadd.s32 $0x80, s21;
	[tilespmem:s11+$0x11000] =	vst v2  }
0x7a: {  	s22 =	sadd.s32 $0x80, s22;
	v2 =	vld [tilespmem:s21+$0x0]  }
0x7b: {  	v3 =	vld [tilespmem:s22+$0x0]  }
0x7c: {  	s23 =	sadd.s32 $0x40, s23  }
0x7d: {  	_ =	sdelay $0x2  }
0x7e: {  	v2 =	vsel vm0, v3, v2  }
0x7f: {  	v3 =	vperm.xlane v2, v1;
	_ =	sdelay $0x1  }
0x80: {  	v2 =	vadd.f32 v3, v2;
	_ =	sdelay $0x1  }
0x81: {  	v3 =	vmul.f32 $2.000000030e-01, v2;
	_ =	sdelay $0x1  }
0x82: {  	v2 =	vmax.f32 v2, v3  }
0x83: {  	v2 =	vmul.f32 $1.442695020e+00, v2;
	_ =	sdelay $0x1  }
0x84: {  	(erf) = vpow2.f32 v2;
	_ =	sdelay $0x7  }
0x85: {  	s11 =	sand.u32 $0x1E00, s19;
	s23 =	sadd.s32 $0x10, s20  }
0x86: {  	s18 =	sadd.s32 $0x80, s18;
	s19 =	sand.u32 $0x70, s23;
	s11 =	sshrl.u32 s11, $0x2;
	v2 =	vpop (erf)  }
0x87: {  	s11 =	sor.u32 s19, s11;
	[tilespmem:s18+$0x0] =	vst v2  }
0x88: {  	[tilespmem:s11+$0x11000] =	vst v2  }
0x89: {  	[spmem:s1] =	stream.indirect.scatter.add.f32 [tilespmem:s25], [sflag:$0x3], $0x10, s29, s30, $0xb8;
	[tilespmem:$0x11800] =	vst v63  }
0x8a: {  	s3 =	sadd.s32 $0x1, s3;
	_ =	swait.ge [sflag:s26], $0x800  }
0x8b: {  	s24 =	sshll.u32 s17, $0x1;
	p2 =	sne.s32 s3, $0x4F;
	[sflag:s26] =	ssyncset.done $0x0  }
.Ltmp2:
0x8c: {  	s11 =	sadd.s32 s7, s24;
	[sflag:s26] =	ssyncadd.s32 $0xFFFFF800;
	(pc) =	sbr.rel @p2 .LBB2_4-.Ltmp2, $4  }
0x8d: {  	[hbm4b:s11+s4] =	stream.linear.scatter [tilespmem:s8], [sflag:$0x3], $0x800, $0x38;
	[tilespmem:$0x11800] =	vst v63  }
0x8e: {  	_ =	swait.ge [sflag:s26], $0x800  }
0x8f: {  	[sflag:s26] =	ssyncset.done $0x0  }
0x90: {  	[sflag:s26] =	ssyncadd.s32 $0xFFFFF800  }
0x91: {  	s22 =	stileid.u32  }
0x92: {  	[bflag:$0x0] =	sbarrier.arrive $0xFFFF;
	s3 =	sshll.u32 s22, $0x6  }
0x93: {  	s10 =	sshrl.u32 s12, $0x3;
	s20 =	rddreg [dreg:$0x8];
	s3 =	sor.u32 $0x1C03, s3  }
0x94: {  	[hbm:s20], [sflag:s3] =	dma.local [spmem:s10], $0x800  }
0x95: {  	_ =	swait.ge [sflag:s26], $0x800  }
0x96: {  	[sflag:s26] =	ssyncset.done $0x0  }
0x97: {  	s21 =	sshrl.u32 s13, $0x3;
	s24 =	rddreg [dreg:$0x9];
	[sflag:s26] =	ssyncadd.s32 $0xFFFFF800  }
0x98: {  	[hbm:s24], [sflag:s3] =	dma.local [spmem:s21], $0x800  }
0x99: {  	_ =	swait.ge [sflag:s26], $0x800  }
0x9a: {  	s23 =	smov.u32 s13;
	s13 =	sshrl.u32 s14, $0x3;
	[sflag:s26] =	ssyncset.done $0x0  }
0x9b: {  	s24 =	smov.u32 s14;
	s14 =	rddreg [dreg:$0xa];
	[sflag:s26] =	ssyncadd.s32 $0xFFFFF800  }
0x9c: {  	[hbm:s14], [sflag:s3] =	dma.local [spmem:s13], $0x800  }
0x9d: {  	_ =	swait.ge [sflag:s26], $0x800  }
0x9e: {  	[sflag:s26] =	ssyncset.done $0x0;
	s17 =	rddreg [dreg:$0x7]  }
0x9f: {  	s18 =	rddreg [dreg:$0xb];
	[sflag:s26] =	ssyncadd.s32 $0xFFFFF800;
	s10 =	sshrl.u32 s17, $0x3  }
0xa0: {  	[hbm:s18], [sflag:s3] =	dma.local [spmem:s10], $0x800  }
0xa1: {  	_ =	swait.ge [sflag:s26], $0x800  }
0xa2: {  	[sflag:s26] =	ssyncset.done $0x0  }
0xa3: {  	s19 =	sshrl.u32 s15, $0x3;
	s20 =	rddreg [dreg:$0xc];
	[sflag:s26] =	ssyncadd.s32 $0xFFFFF800  }
0xa4: {  	[hbm:s20], [sflag:s3] =	dma.local [spmem:s19], $0x780  }
0xa5: {  	_ =	swait.ge [sflag:s26], $0x780  }
0xa6: {  	s9 =	sadd.s32 $0x1, s9;
	s21 =	rddreg [dreg:$0xd]  }
0xa7: {  	p2 =	sne.s32 s9, s21  }
.Ltmp3:
0xa8: {  	_ = 	snop;
	(pc) =	sbr.rel @p2 .LBB2_1-.Ltmp3, $3  }
0xa9: {  	_ =	sdelay $0x1  }
0xaa: {  	[sflag:s26] =	ssyncset.done $0x0  }
0xab: {  	s11 =	smov.u32 s12;
	[sflag:s26] =	ssyncadd.s32 $0xFFFFF880  }
0xac: {  	_ =	sfence.sel $0x180000  }
0xad: {  	[bflag:$0x0] =	sbarrier.arrive $0xFFFF  }
0xae: {  	_ =	strace $0x90000047  }
0xaf: {  	[bflag:$0x2] =	sbarrier.arrive $0xFFFF  }
0xb0: {  	p0 =	sne.s32 s22, $0x0;
	s0 =	rddreg [dreg:$0x3]  }
0xb1: {  	s0 =	sadd.s32 @!p0 $0x100000, s0  }
0xb2: {  	[sflag:s0] =	ssyncadd.tile.s32 @!p0 $0x1;
	_ =	shalt  }
.Lfunc_end2:
_tile_overlayer_lowered:
.L_overlay_start_2:
0xb3: {  	(tag) =	ssettag $0x2  }
0xb4: {  	s0 =	rddreg [dreg:$0x0];
	s2 =	stileid.u32  }
0xb5: {  	s1 =	rddreg [dreg:$0x1];
	p0 =	sne.s32 s2, $0x0  }
0xb6: {  	s3 =	rddreg [dreg:$0x2];
	[bflag:$0x3] =	sbarrier.arrive $0xFFFF;
	s2 =	simm.s32 @!p0 $0x1C03  }
0xb7: {  	[timem:s3], [sflag:s2] =	dma.local @!p0 [hbm:s0], s1  }
0xb8: {  	s0 =	simm.s32 @!p0 $0x3  }
0xb9: {  	_ =	swait.ge @!p0 [sflag:s0], s1  }
0xba: {  	s1 =	ssub.s32 @!p0 $0x0, s1;
	[sflag:s0] =	ssyncset.done @!p0 $0x0  }
0xbb: {  	[sflag:s0] =	ssyncadd.s32 @!p0 s1  }
0xbc: {  	[bflag:$0x3] =	sbarrier.arrive $0xFFFF  }
0xbd: {  	_ =	shalt  }

</sc_bundles>
